<compile_context>
chip_gen: v7x
topology: tpu7x:2x2x1
jax: 0.10.2.dev20260603
libtpu: 0.0.44.dev20260713+nightly
codegen_flags: <defaults>
</compile_context>

<pallas_src>
import functools

import jax
import jax.numpy as jnp
from jax import lax
from jax.experimental import pallas as pl
from jax.experimental.pallas import tpu as pltpu
from jax.experimental.pallas import tpu_sc as plsc

N = 10000
D = 128
E = 320000

NC = 2
NS = 16
CHUNK = 80
RING = 2
EPT = E // NS
NCH = EPT // CHUNK
ZROWS = 640

RB = 1000
NB = N // RB

_mesh = plsc.VectorSubcoreMesh(
    core_axis_name="c", subcore_axis_name="s", num_cores=NC, num_subcores=NS
)



@functools.partial(
    pl.kernel,
    out_type=jax.ShapeDtypeStruct((2 * N,), jnp.float32),
    mesh=_mesh,
    scratch_types=(
        [pltpu.VMEM((CHUNK,), jnp.int32)] * RING
        + [pltpu.VMEM((CHUNK,), jnp.float32),
           pltpu.VMEM((ZROWS,), jnp.float32),
           pltpu.VMEM_SHARED((N,), jnp.float32)]
        + [pltpu.SemaphoreType.DMA] * RING
    ),
)
def _deg_kernel(ei_ref, out_ref, *scr):
    ibufs = scr[:RING]
    ones_v, zbuf_v, acc_sh = scr[RING:RING + 3]
    isems = scr[RING + 3:]
    c = lax.axis_index("c")
    s = lax.axis_index("s")

    for j in range(CHUNK // 16):
        ones_v[pl.ds(16 * j, 16)] = jnp.ones((16,), jnp.float32)
    for j in range(ZROWS // 16):
        zbuf_v[pl.ds(16 * j, 16)] = jnp.zeros((16,), jnp.float32)

    @pl.when(s < NS - 1)
    def _():
        pltpu.sync_copy(zbuf_v, acc_sh.at[pl.ds(s * ZROWS, ZROWS)])

    @pl.when(s == NS - 1)
    def _():
        pltpu.sync_copy(zbuf_v.at[pl.ds(0, 400)], acc_sh.at[pl.ds(9600, 400)])

    plsc.subcore_barrier()

    base0 = c * E + s * EPT

    def istart(k, buf, sem):
        pltpu.async_copy(ei_ref.at[pl.ds(base0 + k * CHUNK, CHUNK)], buf, sem)

    def iwait(buf, sem):
        pltpu.make_async_copy(ei_ref.at[pl.ds(0, CHUNK)], buf, sem).wait()

    for b in range(RING):
        istart(b, ibufs[b], isems[b])

    def body(kk, carry):
        for b in range(RING):
            k = kk * RING + b
            iwait(ibufs[b], isems[b])
            pltpu.sync_copy(ones_v, acc_sh.at[ibufs[b]], add=True)

            @pl.when(k + RING < NCH)
            def _(b=b, k=k):
                istart(k + RING, ibufs[b], isems[b])

        return carry

    lax.fori_loop(0, NCH // RING, body, 0)
    for k in range((NCH // RING) * RING, NCH):
        b = k % RING
        iwait(ibufs[b], isems[b])
        pltpu.sync_copy(ones_v, acc_sh.at[ibufs[b]], add=True)
    plsc.subcore_barrier()

    @pl.when(s < NS - 1)
    def _():
        pltpu.sync_copy(acc_sh.at[pl.ds(s * ZROWS, ZROWS)], zbuf_v)
        pltpu.sync_copy(zbuf_v, out_ref.at[pl.ds(c * N + s * ZROWS, ZROWS)])

    @pl.when(s == NS - 1)
    def _():
        pltpu.sync_copy(acc_sh.at[pl.ds(9600, 400)], zbuf_v.at[pl.ds(0, 400)])
        pltpu.sync_copy(zbuf_v.at[pl.ds(0, 400)], out_ref.at[pl.ds(c * N + 9600, 400)])



def _make_agg(swap):

    @functools.partial(
        pl.kernel,
        out_type=jax.ShapeDtypeStruct((2 * N, D), jnp.float32),
        mesh=_mesh,
        scratch_types=(
            [pltpu.VMEM((EPT // 2,), jnp.int32)]
            + [pltpu.VMEM((CHUNK,), jnp.int32)] * RING
            + [pltpu.VMEM((CHUNK, D), jnp.float32)] * RING
            + [pltpu.VMEM_SHARED((N, D), jnp.float32)]
            + [pltpu.SemaphoreType.DMA] * (2 * RING)
        ),
    )
    def _agg(ei_ref, h_ref, out_ref, *scr):
        gidx_flat = scr[0]
        sbufs = scr[1:1 + RING]
        rbufs = scr[1 + RING:1 + 2 * RING]
        acc_sh = scr[1 + 2 * RING]
        gsems = scr[2 + 2 * RING:2 + 3 * RING]
        isems = scr[2 + 3 * RING:]
        rows0 = rbufs[0]
        c = lax.axis_index("c")
        s = lax.axis_index("s")
        coff = c * N
        grow = (1 - c) if swap else c

        def load_gidx(ph):
            pltpu.sync_copy(
                ei_ref.at[pl.ds(grow * E + s * EPT + ph * (EPT // 2),
                                EPT // 2)],
                gidx_flat,
            )

            def adj(i, carry):
                gidx_flat[pl.ds(i * 16, 16)] = (
                    gidx_flat[pl.ds(i * 16, 16)] + coff
                )
                return carry

            lax.fori_loop(0, EPT // 32, adj, 0)

        def zb(r, carry):
            for j in range(D // 16):
                rows0[r, pl.ds(16 * j, 16)] = jnp.zeros((16,), jnp.float32)
            return carry

        lax.fori_loop(0, CHUNK, zb, 0)

        for j in range(ZROWS // CHUNK):
            r0 = s * ZROWS + j * CHUNK

            def cp(r0=r0):
                pltpu.sync_copy(rows0, acc_sh.at[pl.ds(r0, CHUNK)])

            if j < 400 // CHUNK:
                cp()
            else:
                pl.when(s < NS - 1)(cp)

        plsc.subcore_barrier()

        sbase = (1 - grow) * E + s * EPT

        def istart(k, buf, sem):
            pltpu.async_copy(ei_ref.at[pl.ds(sbase + k * CHUNK, CHUNK)], buf,
                             sem)

        def iwait(buf, sem):
            pltpu.make_async_copy(ei_ref.at[pl.ds(0, CHUNK)], buf, sem).wait()

        def gstart(lk, buf, sem):
            pltpu.async_copy(
                h_ref.at[gidx_flat.at[pl.ds(lk * CHUNK, CHUNK)]], buf, sem)

        def gwait(buf, sem):
            pltpu.make_async_copy(h_ref.at[pl.ds(0, CHUNK)], buf, sem).wait()

        PH = NCH // 2
        NFULL = (PH // RING) * RING

        def run_phase(ph):
            load_gidx(ph)
            for b in range(RING):
                istart(ph * PH + b, sbufs[b], isems[b])
                gstart(b, rbufs[b], gsems[b])

            def step(lk, b):
                gwait(rbufs[b], gsems[b])
                iwait(sbufs[b], isems[b])
                pltpu.sync_copy(rbufs[b], acc_sh.at[sbufs[b]], add=True)

            def body(kk, carry):
                for b in range(RING):
                    lk = kk * RING + b
                    step(lk, b)

                    @pl.when(lk + RING < PH)
                    def _(b=b, lk=lk):
                        istart(ph * PH + lk + RING, sbufs[b], isems[b])
                        gstart(lk + RING, rbufs[b], gsems[b])

                return carry

            lax.fori_loop(0, PH // RING, body, 0)
            for lk in range(NFULL, PH):
                step(lk, lk % RING)

        run_phase(0)
        run_phase(1)
        plsc.subcore_barrier()

        for j in range(ZROWS // CHUNK):
            r0 = s * ZROWS + j * CHUNK

            def wb(r0=r0):
                pltpu.sync_copy(acc_sh.at[pl.ds(r0, CHUNK)], rows0)
                pltpu.sync_copy(rows0, out_ref.at[pl.ds(coff + r0, CHUNK)])

            if j < 400 // CHUNK:
                wb()
            else:
                pl.when(s < NS - 1)(wb)

    return _agg


_agg_a = _make_agg(False)
_agg_b = _make_agg(True)



def _rscales(deg_blk):
    r_out = lax.rsqrt(deg_blk[:, 0:1] + 1.0)
    r_in = lax.rsqrt(deg_blk[:, 1:2] + 1.0)
    return r_out, r_in


def _mm(x, w_ref, b_ref):
    w = w_ref[0]
    b = b_ref[0]
    return (
        lax.dot_general(x, w, (((1,), (1,)), ((), ())),
                        preferred_element_type=jnp.float32)
        + b
    )


def _tc1a_body(x_ref, w_ref, b_ref, h_ref):
    h_ref[...] = _mm(x_ref[...], w_ref, b_ref)


def _tc1b_body(deg_ref, h_ref, hsc_ref, diag_ref):
    chain = pl.program_id(0)
    r_out, r_in = _rscales(deg_ref[...])
    h = h_ref[...]
    f = jnp.where(chain == 0, r_out, r_in)
    hsc_ref[...] = h * f
    diag_ref[...] = h * (r_in * r_out)


def _tc2_body(deg_ref, raw_ref, diag_ref, w_ref, b_ref, zsc_ref, diag2_ref):
    chain = pl.program_id(0)
    r_out, r_in = _rscales(deg_ref[...])
    f1 = jnp.where(chain == 0, r_in, r_out)
    a = jnp.maximum(raw_ref[...] * f1 + diag_ref[...], 0.0)
    z = _mm(a, w_ref, b_ref)
    zsc_ref[...] = z * f1
    diag2_ref[...] = z * (r_in * r_out)


def _tc3_body(deg_ref, raw_ref, diag2_ref, mu_ref):
    chain = pl.program_id(0)
    r_out, r_in = _rscales(deg_ref[...])
    f2 = jnp.where(chain == 0, r_out, r_in)
    mu_ref[...] = raw_ref[...] * f2 + diag2_ref[...]


def _row_spec():
    return pl.BlockSpec((RB, D), lambda c, i: (c * NB + i, 0))


def _deg_spec():
    return pl.BlockSpec((RB, 2), lambda c, i: (i, 0))


def _w_spec():
    return pl.BlockSpec((1, D, D), lambda c, i: (c, 0, 0))


def _b_spec():
    return pl.BlockSpec((1, 1, D), lambda c, i: (c, 0, 0))


def _tc1a(xs, w1, b1):
    return pl.pallas_call(
        _tc1a_body,
        grid=(2, NB),
        in_specs=[_row_spec(), _w_spec(), _b_spec()],
        out_specs=_row_spec(),
        out_shape=jax.ShapeDtypeStruct((2 * N, D), jnp.float32),
    )(xs, w1, b1)


def _tc1b(degT, h):
    return pl.pallas_call(
        _tc1b_body,
        grid=(2, NB),
        in_specs=[_deg_spec(), _row_spec()],
        out_specs=[_row_spec(), _row_spec()],
        out_shape=[jax.ShapeDtypeStruct((2 * N, D), jnp.float32)] * 2,
    )(degT, h)


def _tc2(degT, raw, diag, w4, b4):
    return pl.pallas_call(
        _tc2_body,
        grid=(2, NB),
        in_specs=[_deg_spec(), _row_spec(), _row_spec(), _w_spec(), _b_spec()],
        out_specs=[_row_spec(), _row_spec()],
        out_shape=[jax.ShapeDtypeStruct((2 * N, D), jnp.float32)] * 2,
    )(degT, raw, diag, w4, b4)


def _tc3(degT, raw, diag2):
    return pl.pallas_call(
        _tc3_body,
        grid=(2, NB),
        in_specs=[_deg_spec(), _row_spec(), _row_spec()],
        out_specs=_row_spec(),
        out_shape=jax.ShapeDtypeStruct((2 * N, D), jnp.float32),
    )(degT, raw, diag2)



def kernel(s, t, edge_index, W_sm1, b_sm1, W_sm4, b_sm4, W_sl1, b_sl1,
           W_sl4, b_sl4, W_tm1, b_tm1, W_tm4, b_tm4, W_tl1, b_tl1,
           W_tl4, b_tl4):
    ei_flat = edge_index.reshape(2 * E)
    deg = _deg_kernel(ei_flat)
    degT = deg.reshape(2, N).T

    xs = jnp.concatenate([s, t], axis=0)
    w1 = jnp.stack([W_sm1, W_tm1])
    b1 = jnp.stack([b_sm1, b_tm1])[:, None, :]
    w4 = jnp.stack([W_sm4, W_tm4])
    b4 = jnp.stack([b_sm4, b_tm4])[:, None, :]

    h1 = _tc1a(xs, w1, b1)
    hsc, diag1 = _tc1b(degT, h1)
    raw_a = _agg_a(ei_flat, hsc)
    zsc, diag2 = _tc2(degT, raw_a, diag1, w4, b4)
    raw_b = _agg_b(ei_flat, zsc)
    mu = _tc3(degT, raw_b, diag2)
    return mu[:N], mu[N:]

# --- scband reference (transcript-rebuilt; emitter-appended) ---
"""Pipeline reference for scband-directed-edge-encoder-43722767073861 (READ-ONLY COPY).

The authoritative reference and input builder live on the scoring server;
editing this copy changes nothing except your own understanding.
"""

import jax, jax.numpy as jnp
import numpy as np

N_NODES = 10000
D_FEAT = 128
N_EDGES = 320000
ALPHA = 0.5
BETA = 0.5


def gcn_conv(x, edge_index, W, b):
    N = x.shape[0]
    loop = jnp.arange(N, dtype=edge_index.dtype)
    row = jnp.concatenate([edge_index[0], loop])
    col = jnp.concatenate([edge_index[1], loop])
    h = x @ W.T + b
    in_deg = jnp.zeros((N,), dtype=h.dtype).at[col].add(1.0)
    out_deg = jnp.zeros((N,), dtype=h.dtype).at[row].add(1.0)
    norm = jnp.power(in_deg, -ALPHA)[col] * jnp.power(out_deg, -BETA)[row]
    msg = norm[:, None] * h[row]
    return jnp.zeros_like(h).at[col].add(msg)


def source_enc(x, ei, W1, b1, W4, b4):
    h = jax.nn.relu(gcn_conv(x, ei, W1, b1))
    return gcn_conv(h, ei[::-1], W4, b4)


def target_enc(x, ei, W1, b1, W4, b4):
    h = jax.nn.relu(gcn_conv(x, ei[::-1], W1, b1))
    return gcn_conv(h, ei, W4, b4)


def _lin(k, out_c, in_c):
    k1, k2 = jax.random.split(k)
    lim = 1.0 / np.sqrt(in_c)
    W = jax.random.uniform(k1, (out_c, in_c), minval=-lim, maxval=lim, dtype=jnp.float32)
    b = jax.random.uniform(k2, (out_c,), minval=-lim, maxval=lim, dtype=jnp.float32)
    return W, b


def setup_inputs(seed: int = 0):
    key = jax.random.key(seed)
    ks = jax.random.split(key, 12)
    inp = {}
    inp['s'] = jax.random.normal(ks[0], (N_NODES, D_FEAT), dtype=jnp.float32)
    inp['t'] = jax.random.normal(ks[1], (N_NODES, D_FEAT), dtype=jnp.float32)
    inp['edge_index'] = jax.random.randint(ks[2], (2, N_EDGES), 0, N_NODES, dtype=jnp.int32)
    names = ['sm', 'sl', 'tm', 'tl']
    for i, nm in enumerate(names):
        W1, b1 = _lin(ks[3 + 2 * i], D_FEAT, D_FEAT)
        W4, b4 = _lin(ks[4 + 2 * i], D_FEAT, D_FEAT)
        inp['W_' + nm + '1'] = W1
        inp['b_' + nm + '1'] = b1
        inp['W_' + nm + '4'] = W4
        inp['b_' + nm + '4'] = b4
    return inp


def reference(s, t, edge_index, W_sm1, b_sm1, W_sm4, b_sm4, W_sl1, b_sl1, W_sl4, b_sl4, W_tm1, b_tm1, W_tm4, b_tm4, W_tl1, b_tl1, W_tl4, b_tl4):
    # eval-mode behavior: reparametrize_edges returns mu
    s_mu = source_enc(s, edge_index, W_sm1, b_sm1, W_sm4, b_sm4)
    s_logstd = source_enc(s, edge_index, W_sl1, b_sl1, W_sl4, b_sl4)
    t_mu = target_enc(t, edge_index, W_tm1, b_tm1, W_tm4, b_tm4)
    t_logstd = target_enc(t, edge_index, W_tl1, b_tl1, W_tl4, b_tl4)
    return (s_mu, t_mu)

if __name__ == "__main__":
    import jax
    _d = setup_inputs()
    print(jax.jit(kernel)(*tuple(_d.values())))

</pallas_src>

<mosaic_0001>
#map = affine_map<(d0, d1) -> (0)>
module attributes {stable_mosaic.version = 14 : i64} {
  func.func @_deg_kernel(%arg0: i32, %arg1: i32, %arg2: memref<640000xi32, #tpu.memory_space<hbm>>, %arg3: memref<20000xf32, #tpu.memory_space<hbm>>, %arg4: memref<80xi32, #tpu.memory_space<vmem>>, %arg5: memref<80xi32, #tpu.memory_space<vmem>>, %arg6: memref<80xf32, #tpu.memory_space<vmem>>, %arg7: memref<640xf32, #tpu.memory_space<vmem>>, %arg8: memref<10000xf32, #tpu.memory_space<vmem_shared>>, %arg9: memref<!tpu.dma_semaphore, #tpu.memory_space<semaphore_mem>>, %arg10: memref<!tpu.dma_semaphore, #tpu.memory_space<semaphore_mem>>) attributes {dimension_semantics = [#tpu.dimension_semantics<core_parallel>, #tpu.dimension_semantics<subcore_parallel>], iteration_bounds = array<i64: 2, 16>, scalar_prefetch = 0 : i64, scratch_operands = 7 : i64, tpu.core_type = #tpu.core_type<sc_vector_subcore>, window_params = [{transform_indices = #map}, {transform_indices = #map}]} {
    %broadcast_in_dim3A = arith.constant 1.000000e+00 : f32
    %broadcast_in_dim3A_0 = vector.broadcast %broadcast_in_dim3A : f32 to vector<16xf32>
    %swap3A = arith.constant 0 : index
    %swap3A_1 = tpu.vector_load %arg6[%swap3A] {strides = array<i32>} : memref<80xf32, #tpu.memory_space<vmem>>, vector<16xf32>,
    %swap3A_2 = vector.shape_cast %swap3A_1 : vector<16xf32> to vector<16xf32>
    %swap3A_3 = vector.shape_cast %broadcast_in_dim3A_0 : vector<16xf32> to vector<16xf32>
    tpu.vector_store %arg6[%swap3A], %swap3A_3 {strides = array<i32>} : memref<80xf32, #tpu.memory_space<vmem>>, vector<16xf32>,
    %broadcast_in_dim3A_4 = arith.constant 1.000000e+00 : f32
    %broadcast_in_dim3A_5 = vector.broadcast %broadcast_in_dim3A_4 : f32 to vector<16xf32>
    %swap3A_6 = arith.constant 16 : index
    %swap3A_7 = tpu.vector_load %arg6[%swap3A_6] {strides = array<i32>} : memref<80xf32, #tpu.memory_space<vmem>>, vector<16xf32>,
    %swap3A_8 = vector.shape_cast %swap3A_7 : vector<16xf32> to vector<16xf32>
    %swap3A_9 = vector.shape_cast %broadcast_in_dim3A_5 : vector<16xf32> to vector<16xf32>
    tpu.vector_store %arg6[%swap3A_6], %swap3A_9 {strides = array<i32>} : memref<80xf32, #tpu.memory_space<vmem>>, vector<16xf32>,
    %broadcast_in_dim3A_10 = arith.constant 1.000000e+00 : f32
    %broadcast_in_dim3A_11 = vector.broadcast %broadcast_in_dim3A_10 : f32 to vector<16xf32>
    %swap3A_12 = arith.constant 32 : index
    %swap3A_13 = tpu.vector_load %arg6[%swap3A_12] {strides = array<i32>} : memref<80xf32, #tpu.memory_space<vmem>>, vector<16xf32>,
    %swap3A_14 = vector.shape_cast %swap3A_13 : vector<16xf32> to vector<16xf32>
    %swap3A_15 = vector.shape_cast %broadcast_in_dim3A_11 : vector<16xf32> to vector<16xf32>
    tpu.vector_store %arg6[%swap3A_12], %swap3A_15 {strides = array<i32>} : memref<80xf32, #tpu.memory_space<vmem>>, vector<16xf32>,
    %broadcast_in_dim3A_16 = arith.constant 1.000000e+00 : f32
    %broadcast_in_dim3A_17 = vector.broadcast %broadcast_in_dim3A_16 : f32 to vector<16xf32>
    %swap3A_18 = arith.constant 48 : index
    %swap3A_19 = tpu.vector_load %arg6[%swap3A_18] {strides = array<i32>} : memref<80xf32, #tpu.memory_space<vmem>>, vector<16xf32>,
    %swap3A_20 = vector.shape_cast %swap3A_19 : vector<16xf32> to vector<16xf32>
    %swap3A_21 = vector.shape_cast %broadcast_in_dim3A_17 : vector<16xf32> to vector<16xf32>
    tpu.vector_store %arg6[%swap3A_18], %swap3A_21 {strides = array<i32>} : memref<80xf32, #tpu.memory_space<vmem>>, vector<16xf32>,
    %broadcast_in_dim3A_22 = arith.constant 1.000000e+00 : f32
    %broadcast_in_dim3A_23 = vector.broadcast %broadcast_in_dim3A_22 : f32 to vector<16xf32>
    %swap3A_24 = arith.constant 64 : index
    %swap3A_25 = tpu.vector_load %arg6[%swap3A_24] {strides = array<i32>} : memref<80xf32, #tpu.memory_space<vmem>>, vector<16xf32>,
    %swap3A_26 = vector.shape_cast %swap3A_25 : vector<16xf32> to vector<16xf32>
    %swap3A_27 = vector.shape_cast %broadcast_in_dim3A_23 : vector<16xf32> to vector<16xf32>
    tpu.vector_store %arg6[%swap3A_24], %swap3A_27 {strides = array<i32>} : memref<80xf32, #tpu.memory_space<vmem>>, vector<16xf32>,
    %broadcast_in_dim3A_28 = arith.constant 0.000000e+00 : f32
    %broadcast_in_dim3A_29 = vector.broadcast %broadcast_in_dim3A_28 : f32 to vector<16xf32>
    %swap3A_30 = arith.constant 0 : index
    %swap3A_31 = tpu.vector_load %arg7[%swap3A_30] {strides = array<i32>} : memref<640xf32, #tpu.memory_space<vmem>>, vector<16xf32>,
    %swap3A_32 = vector.shape_cast %swap3A_31 : vector<16xf32> to vector<16xf32>
    %swap3A_33 = vector.shape_cast %broadcast_in_dim3A_29 : vector<16xf32> to vector<16xf32>
    tpu.vector_store %arg7[%swap3A_30], %swap3A_33 {strides = array<i32>} : memref<640xf32, #tpu.memory_space<vmem>>, vector<16xf32>,
    %broadcast_in_dim3A_34 = arith.constant 0.000000e+00 : f32
    %broadcast_in_dim3A_35 = vector.broadcast %broadcast_in_dim3A_34 : f32 to vector<16xf32>
    %swap3A_36 = arith.constant 16 : index
    %swap3A_37 = tpu.vector_load %arg7[%swap3A_36] {strides = array<i32>} : memref<640xf32, #tpu.memory_space<vmem>>, vector<16xf32>,
    %swap3A_38 = vector.shape_cast %swap3A_37 : vector<16xf32> to vector<16xf32>
    %swap3A_39 = vector.shape_cast %broadcast_in_dim3A_35 : vector<16xf32> to vector<16xf32>
    tpu.vector_store %arg7[%swap3A_36], %swap3A_39 {strides = array<i32>} : memref<640xf32, #tpu.memory_space<vmem>>, vector<16xf32>,
    %broadcast_in_dim3A_40 = arith.constant 0.000000e+00 : f32
    %broadcast_in_dim3A_41 = vector.broadcast %broadcast_in_dim3A_40 : f32 to vector<16xf32>
    %swap3A_42 = arith.constant 32 : index
    %swap3A_43 = tpu.vector_load %arg7[%swap3A_42] {strides = array<i32>} : memref<640xf32, #tpu.memory_space<vmem>>, vector<16xf32>,
    %swap3A_44 = vector.shape_cast %swap3A_43 : vector<16xf32> to vector<16xf32>
    %swap3A_45 = vector.shape_cast %broadcast_in_dim3A_41 : vector<16xf32> to vector<16xf32>
    tpu.vector_store %arg7[%swap3A_42], %swap3A_45 {strides = array<i32>} : memref<640xf32, #tpu.memory_space<vmem>>, vector<16xf32>,
    %broadcast_in_dim3A_46 = arith.constant 0.000000e+00 : f32
    %broadcast_in_dim3A_47 = vector.broadcast %broadcast_in_dim3A_46 : f32 to vector<16xf32>
    %swap3A_48 = arith.constant 48 : index
    %swap3A_49 = tpu.vector_load %arg7[%swap3A_48] {strides = array<i32>} : memref<640xf32, #tpu.memory_space<vmem>>, vector<16xf32>,
    %swap3A_50 = vector.shape_cast %swap3A_49 : vector<16xf32> to vector<16xf32>
    %swap3A_51 = vector.shape_cast %broadcast_in_dim3A_47 : vector<16xf32> to vector<16xf32>
    tpu.vector_store %arg7[%swap3A_48], %swap3A_51 {strides = array<i32>} : memref<640xf32, #tpu.memory_space<vmem>>, vector<16xf32>,
    %broadcast_in_dim3A_52 = arith.constant 0.000000e+00 : f32
    %broadcast_in_dim3A_53 = vector.broadcast %broadcast_in_dim3A_52 : f32 to vector<16xf32>
    %swap3A_54 = arith.constant 64 : index
    %swap3A_55 = tpu.vector_load %arg7[%swap3A_54] {strides = array<i32>} : memref<640xf32, #tpu.memory_space<vmem>>, vector<16xf32>,
    %swap3A_56 = vector.shape_cast %swap3A_55 : vector<16xf32> to vector<16xf32>
    %swap3A_57 = vector.shape_cast %broadcast_in_dim3A_53 : vector<16xf32> to vector<16xf32>
    tpu.vector_store %arg7[%swap3A_54], %swap3A_57 {strides = array<i32>} : memref<640xf32, #tpu.memory_space<vmem>>, vector<16xf32>,
    %broadcast_in_dim3A_58 = arith.constant 0.000000e+00 : f32
    %broadcast_in_dim3A_59 = vector.broadcast %broadcast_in_dim3A_58 : f32 to vector<16xf32>
    %swap3A_60 = arith.constant 80 : index
    %swap3A_61 = tpu.vector_load %arg7[%swap3A_60] {strides = array<i32>} : memref<640xf32, #tpu.memory_space<vmem>>, vector<16xf32>,
    %swap3A_62 = vector.shape_cast %swap3A_61 : vector<16xf32> to vector<16xf32>
    %swap3A_63 = vector.shape_cast %broadcast_in_dim3A_59 : vector<16xf32> to vector<16xf32>
    tpu.vector_store %arg7[%swap3A_60], %swap3A_63 {strides = array<i32>} : memref<640xf32, #tpu.memory_space<vmem>>, vector<16xf32>,
    %broadcast_in_dim3A_64 = arith.constant 0.000000e+00 : f32
    %broadcast_in_dim3A_65 = vector.broadcast %broadcast_in_dim3A_64 : f32 to vector<16xf32>
    %swap3A_66 = arith.constant 96 : index
    %swap3A_67 = tpu.vector_load %arg7[%swap3A_66] {strides = array<i32>} : memref<640xf32, #tpu.memory_space<vmem>>, vector<16xf32>,
    %swap3A_68 = vector.shape_cast %swap3A_67 : vector<16xf32> to vector<16xf32>
    %swap3A_69 = vector.shape_cast %broadcast_in_dim3A_65 : vector<16xf32> to vector<16xf32>
    tpu.vector_store %arg7[%swap3A_66], %swap3A_69 {strides = array<i32>} : memref<640xf32, #tpu.memory_space<vmem>>, vector<16xf32>,
    %broadcast_in_dim3A_70 = arith.constant 0.000000e+00 : f32
    %broadcast_in_dim3A_71 = vector.broadcast %broadcast_in_dim3A_70 : f32 to vector<16xf32>
    %swap3A_72 = arith.constant 112 : index
    %swap3A_73 = tpu.vector_load %arg7[%swap3A_72] {strides = array<i32>} : memref<640xf32, #tpu.memory_space<vmem>>, vector<16xf32>,
    %swap3A_74 = vector.shape_cast %swap3A_73 : vector<16xf32> to vector<16xf32>
    %swap3A_75 = vector.shape_cast %broadcast_in_dim3A_71 : vector<16xf32> to vector<16xf32>
    tpu.vector_store %arg7[%swap3A_72], %swap3A_75 {strides = array<i32>} : memref<640xf32, #tpu.memory_space<vmem>>, vector<16xf32>,
    %broadcast_in_dim3A_76 = arith.constant 0.000000e+00 : f32
    %broadcast_in_dim3A_77 = vector.broadcast %broadcast_in_dim3A_76 : f32 to vector<16xf32>
    %swap3A_78 = arith.constant 128 : index
    %swap3A_79 = tpu.vector_load %arg7[%swap3A_78] {strides = array<i32>} : memref<640xf32, #tpu.memory_space<vmem>>, vector<16xf32>,
    %swap3A_80 = vector.shape_cast %swap3A_79 : vector<16xf32> to vector<16xf32>
    %swap3A_81 = vector.shape_cast %broadcast_in_dim3A_77 : vector<16xf32> to vector<16xf32>
    tpu.vector_store %arg7[%swap3A_78], %swap3A_81 {strides = array<i32>} : memref<640xf32, #tpu.memory_space<vmem>>, vector<16xf32>,
    %broadcast_in_dim3A_82 = arith.constant 0.000000e+00 : f32
    %broadcast_in_dim3A_83 = vector.broadcast %broadcast_in_dim3A_82 : f32 to vector<16xf32>
    %swap3A_84 = arith.constant 144 : index
    %swap3A_85 = tpu.vector_load %arg7[%swap3A_84] {strides = array<i32>} : memref<640xf32, #tpu.memory_space<vmem>>, vector<16xf32>,
    %swap3A_86 = vector.shape_cast %swap3A_85 : vector<16xf32> to vector<16xf32>
    %swap3A_87 = vector.shape_cast %broadcast_in_dim3A_83 : vector<16xf32> to vector<16xf32>
    tpu.vector_store %arg7[%swap3A_84], %swap3A_87 {strides = array<i32>} : memref<640xf32, #tpu.memory_space<vmem>>, vector<16xf32>,
    %broadcast_in_dim3A_88 = arith.constant 0.000000e+00 : f32
    %broadcast_in_dim3A_89 = vector.broadcast %broadcast_in_dim3A_88 : f32 to vector<16xf32>
    %swap3A_90 = arith.constant 160 : index
    %swap3A_91 = tpu.vector_load %arg7[%swap3A_90] {strides = array<i32>} : memref<640xf32, #tpu.memory_space<vmem>>, vector<16xf32>,
    %swap3A_92 = vector.shape_cast %swap3A_91 : vector<16xf32> to vector<16xf32>
    %swap3A_93 = vector.shape_cast %broadcast_in_dim3A_89 : vector<16xf32> to vector<16xf32>
    tpu.vector_store %arg7[%swap3A_90], %swap3A_93 {strides = array<i32>} : memref<640xf32, #tpu.memory_space<vmem>>, vector<16xf32>,
    %broadcast_in_dim3A_94 = arith.constant 0.000000e+00 : f32
    %broadcast_in_dim3A_95 = vector.broadcast %broadcast_in_dim3A_94 : f32 to vector<16xf32>
    %swap3A_96 = arith.constant 176 : index
    %swap3A_97 = tpu.vector_load %arg7[%swap3A_96] {strides = array<i32>} : memref<640xf32, #tpu.memory_space<vmem>>, vector<16xf32>,
    %swap3A_98 = vector.shape_cast %swap3A_97 : vector<16xf32> to vector<16xf32>
    %swap3A_99 = vector.shape_cast %broadcast_in_dim3A_95 : vector<16xf32> to vector<16xf32>
    tpu.vector_store %arg7[%swap3A_96], %swap3A_99 {strides = array<i32>} : memref<640xf32, #tpu.memory_space<vmem>>, vector<16xf32>,
    %broadcast_in_dim3A_100 = arith.constant 0.000000e+00 : f32
    %broadcast_in_dim3A_101 = vector.broadcast %broadcast_in_dim3A_100 : f32 to vector<16xf32>
    %swap3A_102 = arith.constant 192 : index
    %swap3A_103 = tpu.vector_load %arg7[%swap3A_102] {strides = array<i32>} : memref<640xf32, #tpu.memory_space<vmem>>, vector<16xf32>,
    %swap3A_104 = vector.shape_cast %swap3A_103 : vector<16xf32> to vector<16xf32>
    %swap3A_105 = vector.shape_cast %broadcast_in_dim3A_101 : vector<16xf32> to vector<16xf32>
    tpu.vector_store %arg7[%swap3A_102], %swap3A_105 {strides = array<i32>} : memref<640xf32, #tpu.memory_space<vmem>>, vector<16xf32>,
    %broadcast_in_dim3A_106 = arith.constant 0.000000e+00 : f32
    %broadcast_in_dim3A_107 = vector.broadcast %broadcast_in_dim3A_106 : f32 to vector<16xf32>
    %swap3A_108 = arith.constant 208 : index
    %swap3A_109 = tpu.vector_load %arg7[%swap3A_108] {strides = array<i32>} : memref<640xf32, #tpu.memory_space<vmem>>, vector<16xf32>,
    %swap3A_110 = vector.shape_cast %swap3A_109 : vector<16xf32> to vector<16xf32>
    %swap3A_111 = vector.shape_cast %broadcast_in_dim3A_107 : vector<16xf32> to vector<16xf32>
    tpu.vector_store %arg7[%swap3A_108], %swap3A_111 {strides = array<i32>} : memref<640xf32, #tpu.memory_space<vmem>>, vector<16xf32>,
    %broadcast_in_dim3A_112 = arith.constant 0.000000e+00 : f32
    %broadcast_in_dim3A_113 = vector.broadcast %broadcast_in_dim3A_112 : f32 to vector<16xf32>
    %swap3A_114 = arith.constant 224 : index
    %swap3A_115 = tpu.vector_load %arg7[%swap3A_114] {strides = array<i32>} : memref<640xf32, #tpu.memory_space<vmem>>, vector<16xf32>,
    %swap3A_116 = vector.shape_cast %swap3A_115 : vector<16xf32> to vector<16xf32>
    %swap3A_117 = vector.shape_cast %broadcast_in_dim3A_113 : vector<16xf32> to vector<16xf32>
    tpu.vector_store %arg7[%swap3A_114], %swap3A_117 {strides = array<i32>} : memref<640xf32, #tpu.memory_space<vmem>>, vector<16xf32>,
    %broadcast_in_dim3A_118 = arith.constant 0.000000e+00 : f32
    %broadcast_in_dim3A_119 = vector.broadcast %broadcast_in_dim3A_118 : f32 to vector<16xf32>
    %swap3A_120 = arith.constant 240 : index
    %swap3A_121 = tpu.vector_load %arg7[%swap3A_120] {strides = array<i32>} : memref<640xf32, #tpu.memory_space<vmem>>, vector<16xf32>,
    %swap3A_122 = vector.shape_cast %swap3A_121 : vector<16xf32> to vector<16xf32>
    %swap3A_123 = vector.shape_cast %broadcast_in_dim3A_119 : vector<16xf32> to vector<16xf32>
    tpu.vector_store %arg7[%swap3A_120], %swap3A_123 {strides = array<i32>} : memref<640xf32, #tpu.memory_space<vmem>>, vector<16xf32>,
    %broadcast_in_dim3A_124 = arith.constant 0.000000e+00 : f32
    %broadcast_in_dim3A_125 = vector.broadcast %broadcast_in_dim3A_124 : f32 to vector<16xf32>
    %swap3A_126 = arith.constant 256 : index
    %swap3A_127 = tpu.vector_load %arg7[%swap3A_126] {strides = array<i32>} : memref<640xf32, #tpu.memory_space<vmem>>, vector<16xf32>,
    %swap3A_128 = vector.shape_cast %swap3A_127 : vector<16xf32> to vector<16xf32>
    %swap3A_129 = vector.shape_cast %broadcast_in_dim3A_125 : vector<16xf32> to vector<16xf32>
    tpu.vector_store %arg7[%swap3A_126], %swap3A_129 {strides = array<i32>} : memref<640xf32, #tpu.memory_space<vmem>>, vector<16xf32>,
    %broadcast_in_dim3A_130 = arith.constant 0.000000e+00 : f32
    %broadcast_in_dim3A_131 = vector.broadcast %broadcast_in_dim3A_130 : f32 to vector<16xf32>
    %swap3A_132 = arith.constant 272 : index
    %swap3A_133 = tpu.vector_load %arg7[%swap3A_132] {strides = array<i32>} : memref<640xf32, #tpu.memory_space<vmem>>, vector<16xf32>,
    %swap3A_134 = vector.shape_cast %swap3A_133 : vector<16xf32> to vector<16xf32>
    %swap3A_135 = vector.shape_cast %broadcast_in_dim3A_131 : vector<16xf32> to vector<16xf32>
    tpu.vector_store %arg7[%swap3A_132], %swap3A_135 {strides = array<i32>} : memref<640xf32, #tpu.memory_space<vmem>>, vector<16xf32>,
    %broadcast_in_dim3A_136 = arith.constant 0.000000e+00 : f32
    %broadcast_in_dim3A_137 = vector.broadcast %broadcast_in_dim3A_136 : f32 to vector<16xf32>
    %swap3A_138 = arith.constant 288 : index
    %swap3A_139 = tpu.vector_load %arg7[%swap3A_138] {strides = array<i32>} : memref<640xf32, #tpu.memory_space<vmem>>, vector<16xf32>,
    %swap3A_140 = vector.shape_cast %swap3A_139 : vector<16xf32> to vector<16xf32>
    %swap3A_141 = vector.shape_cast %broadcast_in_dim3A_137 : vector<16xf32> to vector<16xf32>
    tpu.vector_store %arg7[%swap3A_138], %swap3A_141 {strides = array<i32>} : memref<640xf32, #tpu.memory_space<vmem>>, vector<16xf32>,
    %broadcast_in_dim3A_142 = arith.constant 0.000000e+00 : f32
    %broadcast_in_dim3A_143 = vector.broadcast %broadcast_in_dim3A_142 : f32 to vector<16xf32>
    %swap3A_144 = arith.constant 304 : index
    %swap3A_145 = tpu.vector_load %arg7[%swap3A_144] {strides = array<i32>} : memref<640xf32, #tpu.memory_space<vmem>>, vector<16xf32>,
    %swap3A_146 = vector.shape_cast %swap3A_145 : vector<16xf32> to vector<16xf32>
    %swap3A_147 = vector.shape_cast %broadcast_in_dim3A_143 : vector<16xf32> to vector<16xf32>
    tpu.vector_store %arg7[%swap3A_144], %swap3A_147 {strides = array<i32>} : memref<640xf32, #tpu.memory_space<vmem>>, vector<16xf32>,
    %broadcast_in_dim3A_148 = arith.constant 0.000000e+00 : f32
    %broadcast_in_dim3A_149 = vector.broadcast %broadcast_in_dim3A_148 : f32 to vector<16xf32>
    %swap3A_150 = arith.constant 320 : index
    %swap3A_151 = tpu.vector_load %arg7[%swap3A_150] {strides = array<i32>} : memref<640xf32, #tpu.memory_space<vmem>>, vector<16xf32>,
    %swap3A_152 = vector.shape_cast %swap3A_151 : vector<16xf32> to vector<16xf32>
    %swap3A_153 = vector.shape_cast %broadcast_in_dim3A_149 : vector<16xf32> to vector<16xf32>
    tpu.vector_store %arg7[%swap3A_150], %swap3A_153 {strides = array<i32>} : memref<640xf32, #tpu.memory_space<vmem>>, vector<16xf32>,
    %broadcast_in_dim3A_154 = arith.constant 0.000000e+00 : f32
    %broadcast_in_dim3A_155 = vector.broadcast %broadcast_in_dim3A_154 : f32 to vector<16xf32>
    %swap3A_156 = arith.constant 336 : index
    %swap3A_157 = tpu.vector_load %arg7[%swap3A_156] {strides = array<i32>} : memref<640xf32, #tpu.memory_space<vmem>>, vector<16xf32>,
    %swap3A_158 = vector.shape_cast %swap3A_157 : vector<16xf32> to vector<16xf32>
    %swap3A_159 = vector.shape_cast %broadcast_in_dim3A_155 : vector<16xf32> to vector<16xf32>
    tpu.vector_store %arg7[%swap3A_156], %swap3A_159 {strides = array<i32>} : memref<640xf32, #tpu.memory_space<vmem>>, vector<16xf32>,
    %broadcast_in_dim3A_160 = arith.constant 0.000000e+00 : f32
    %broadcast_in_dim3A_161 = vector.broadcast %broadcast_in_dim3A_160 : f32 to vector<16xf32>
    %swap3A_162 = arith.constant 352 : index
    %swap3A_163 = tpu.vector_load %arg7[%swap3A_162] {strides = array<i32>} : memref<640xf32, #tpu.memory_space<vmem>>, vector<16xf32>,
    %swap3A_164 = vector.shape_cast %swap3A_163 : vector<16xf32> to vector<16xf32>
    %swap3A_165 = vector.shape_cast %broadcast_in_dim3A_161 : vector<16xf32> to vector<16xf32>
    tpu.vector_store %arg7[%swap3A_162], %swap3A_165 {strides = array<i32>} : memref<640xf32, #tpu.memory_space<vmem>>, vector<16xf32>,
    %broadcast_in_dim3A_166 = arith.constant 0.000000e+00 : f32
    %broadcast_in_dim3A_167 = vector.broadcast %broadcast_in_dim3A_166 : f32 to vector<16xf32>
    %swap3A_168 = arith.constant 368 : index
    %swap3A_169 = tpu.vector_load %arg7[%swap3A_168] {strides = array<i32>} : memref<640xf32, #tpu.memory_space<vmem>>, vector<16xf32>,
    %swap3A_170 = vector.shape_cast %swap3A_169 : vector<16xf32> to vector<16xf32>
    %swap3A_171 = vector.shape_cast %broadcast_in_dim3A_167 : vector<16xf32> to vector<16xf32>
    tpu.vector_store %arg7[%swap3A_168], %swap3A_171 {strides = array<i32>} : memref<640xf32, #tpu.memory_space<vmem>>, vector<16xf32>,
    %broadcast_in_dim3A_172 = arith.constant 0.000000e+00 : f32
    %broadcast_in_dim3A_173 = vector.broadcast %broadcast_in_dim3A_172 : f32 to vector<16xf32>
    %swap3A_174 = arith.constant 384 : index
    %swap3A_175 = tpu.vector_load %arg7[%swap3A_174] {strides = array<i32>} : memref<640xf32, #tpu.memory_space<vmem>>, vector<16xf32>,
    %swap3A_176 = vector.shape_cast %swap3A_175 : vector<16xf32> to vector<16xf32>
    %swap3A_177 = vector.shape_cast %broadcast_in_dim3A_173 : vector<16xf32> to vector<16xf32>
    tpu.vector_store %arg7[%swap3A_174], %swap3A_177 {strides = array<i32>} : memref<640xf32, #tpu.memory_space<vmem>>, vector<16xf32>,
    %broadcast_in_dim3A_178 = arith.constant 0.000000e+00 : f32
    %broadcast_in_dim3A_179 = vector.broadcast %broadcast_in_dim3A_178 : f32 to vector<16xf32>
    %swap3A_180 = arith.constant 400 : index
    %swap3A_181 = tpu.vector_load %arg7[%swap3A_180] {strides = array<i32>} : memref<640xf32, #tpu.memory_space<vmem>>, vector<16xf32>,
    %swap3A_182 = vector.shape_cast %swap3A_181 : vector<16xf32> to vector<16xf32>
    %swap3A_183 = vector.shape_cast %broadcast_in_dim3A_179 : vector<16xf32> to vector<16xf32>
    tpu.vector_store %arg7[%swap3A_180], %swap3A_183 {strides = array<i32>} : memref<640xf32, #tpu.memory_space<vmem>>, vector<16xf32>,
    %broadcast_in_dim3A_184 = arith.constant 0.000000e+00 : f32
    %broadcast_in_dim3A_185 = vector.broadcast %broadcast_in_dim3A_184 : f32 to vector<16xf32>
    %swap3A_186 = arith.constant 416 : index
    %swap3A_187 = tpu.vector_load %arg7[%swap3A_186] {strides = array<i32>} : memref<640xf32, #tpu.memory_space<vmem>>, vector<16xf32>,
    %swap3A_188 = vector.shape_cast %swap3A_187 : vector<16xf32> to vector<16xf32>
    %swap3A_189 = vector.shape_cast %broadcast_in_dim3A_185 : vector<16xf32> to vector<16xf32>
    tpu.vector_store %arg7[%swap3A_186], %swap3A_189 {strides = array<i32>} : memref<640xf32, #tpu.memory_space<vmem>>, vector<16xf32>,
    %broadcast_in_dim3A_190 = arith.constant 0.000000e+00 : f32
    %broadcast_in_dim3A_191 = vector.broadcast %broadcast_in_dim3A_190 : f32 to vector<16xf32>
    %swap3A_192 = arith.constant 432 : index
    %swap3A_193 = tpu.vector_load %arg7[%swap3A_192] {strides = array<i32>} : memref<640xf32, #tpu.memory_space<vmem>>, vector<16xf32>,
    %swap3A_194 = vector.shape_cast %swap3A_193 : vector<16xf32> to vector<16xf32>
    %swap3A_195 = vector.shape_cast %broadcast_in_dim3A_191 : vector<16xf32> to vector<16xf32>
    tpu.vector_store %arg7[%swap3A_192], %swap3A_195 {strides = array<i32>} : memref<640xf32, #tpu.memory_space<vmem>>, vector<16xf32>,
    %broadcast_in_dim3A_196 = arith.constant 0.000000e+00 : f32
    %broadcast_in_dim3A_197 = vector.broadcast %broadcast_in_dim3A_196 : f32 to vector<16xf32>
    %swap3A_198 = arith.constant 448 : index
    %swap3A_199 = tpu.vector_load %arg7[%swap3A_198] {strides = array<i32>} : memref<640xf32, #tpu.memory_space<vmem>>, vector<16xf32>,
    %swap3A_200 = vector.shape_cast %swap3A_199 : vector<16xf32> to vector<16xf32>
    %swap3A_201 = vector.shape_cast %broadcast_in_dim3A_197 : vector<16xf32> to vector<16xf32>
    tpu.vector_store %arg7[%swap3A_198], %swap3A_201 {strides = array<i32>} : memref<640xf32, #tpu.memory_space<vmem>>, vector<16xf32>,
    %broadcast_in_dim3A_202 = arith.constant 0.000000e+00 : f32
    %broadcast_in_dim3A_203 = vector.broadcast %broadcast_in_dim3A_202 : f32 to vector<16xf32>
    %swap3A_204 = arith.constant 464 : index
    %swap3A_205 = tpu.vector_load %arg7[%swap3A_204] {strides = array<i32>} : memref<640xf32, #tpu.memory_space<vmem>>, vector<16xf32>,
    %swap3A_206 = vector.shape_cast %swap3A_205 : vector<16xf32> to vector<16xf32>
    %swap3A_207 = vector.shape_cast %broadcast_in_dim3A_203 : vector<16xf32> to vector<16xf32>
    tpu.vector_store %arg7[%swap3A_204], %swap3A_207 {strides = array<i32>} : memref<640xf32, #tpu.memory_space<vmem>>, vector<16xf32>,
    %broadcast_in_dim3A_208 = arith.constant 0.000000e+00 : f32
    %broadcast_in_dim3A_209 = vector.broadcast %broadcast_in_dim3A_208 : f32 to vector<16xf32>
    %swap3A_210 = arith.constant 480 : index
    %swap3A_211 = tpu.vector_load %arg7[%swap3A_210] {strides = array<i32>} : memref<640xf32, #tpu.memory_space<vmem>>, vector<16xf32>,
    %swap3A_212 = vector.shape_cast %swap3A_211 : vector<16xf32> to vector<16xf32>
    %swap3A_213 = vector.shape_cast %broadcast_in_dim3A_209 : vector<16xf32> to vector<16xf32>
    tpu.vector_store %arg7[%swap3A_210], %swap3A_213 {strides = array<i32>} : memref<640xf32, #tpu.memory_space<vmem>>, vector<16xf32>,
    %broadcast_in_dim3A_214 = arith.constant 0.000000e+00 : f32
    %broadcast_in_dim3A_215 = vector.broadcast %broadcast_in_dim3A_214 : f32 to vector<16xf32>
    %swap3A_216 = arith.constant 496 : index
    %swap3A_217 = tpu.vector_load %arg7[%swap3A_216] {strides = array<i32>} : memref<640xf32, #tpu.memory_space<vmem>>, vector<16xf32>,
    %swap3A_218 = vector.shape_cast %swap3A_217 : vector<16xf32> to vector<16xf32>
    %swap3A_219 = vector.shape_cast %broadcast_in_dim3A_215 : vector<16xf32> to vector<16xf32>
    tpu.vector_store %arg7[%swap3A_216], %swap3A_219 {strides = array<i32>} : memref<640xf32, #tpu.memory_space<vmem>>, vector<16xf32>,
    %broadcast_in_dim3A_220 = arith.constant 0.000000e+00 : f32
    %broadcast_in_dim3A_221 = vector.broadcast %broadcast_in_dim3A_220 : f32 to vector<16xf32>
    %swap3A_222 = arith.constant 512 : index
    %swap3A_223 = tpu.vector_load %arg7[%swap3A_222] {strides = array<i32>} : memref<640xf32, #tpu.memory_space<vmem>>, vector<16xf32>,
    %swap3A_224 = vector.shape_cast %swap3A_223 : vector<16xf32> to vector<16xf32>
    %swap3A_225 = vector.shape_cast %broadcast_in_dim3A_221 : vector<16xf32> to vector<16xf32>
    tpu.vector_store %arg7[%swap3A_222], %swap3A_225 {strides = array<i32>} : memref<640xf32, #tpu.memory_space<vmem>>, vector<16xf32>,
    %broadcast_in_dim3A_226 = arith.constant 0.000000e+00 : f32
    %broadcast_in_dim3A_227 = vector.broadcast %broadcast_in_dim3A_226 : f32 to vector<16xf32>
    %swap3A_228 = arith.constant 528 : index
    %swap3A_229 = tpu.vector_load %arg7[%swap3A_228] {strides = array<i32>} : memref<640xf32, #tpu.memory_space<vmem>>, vector<16xf32>,
    %swap3A_230 = vector.shape_cast %swap3A_229 : vector<16xf32> to vector<16xf32>
    %swap3A_231 = vector.shape_cast %broadcast_in_dim3A_227 : vector<16xf32> to vector<16xf32>
    tpu.vector_store %arg7[%swap3A_228], %swap3A_231 {strides = array<i32>} : memref<640xf32, #tpu.memory_space<vmem>>, vector<16xf32>,
    %broadcast_in_dim3A_232 = arith.constant 0.000000e+00 : f32
    %broadcast_in_dim3A_233 = vector.broadcast %broadcast_in_dim3A_232 : f32 to vector<16xf32>
    %swap3A_234 = arith.constant 544 : index
    %swap3A_235 = tpu.vector_load %arg7[%swap3A_234] {strides = array<i32>} : memref<640xf32, #tpu.memory_space<vmem>>, vector<16xf32>,
    %swap3A_236 = vector.shape_cast %swap3A_235 : vector<16xf32> to vector<16xf32>
    %swap3A_237 = vector.shape_cast %broadcast_in_dim3A_233 : vector<16xf32> to vector<16xf32>
    tpu.vector_store %arg7[%swap3A_234], %swap3A_237 {strides = array<i32>} : memref<640xf32, #tpu.memory_space<vmem>>, vector<16xf32>,
    %broadcast_in_dim3A_238 = arith.constant 0.000000e+00 : f32
    %broadcast_in_dim3A_239 = vector.broadcast %broadcast_in_dim3A_238 : f32 to vector<16xf32>
    %swap3A_240 = arith.constant 560 : index
    %swap3A_241 = tpu.vector_load %arg7[%swap3A_240] {strides = array<i32>} : memref<640xf32, #tpu.memory_space<vmem>>, vector<16xf32>,
    %swap3A_242 = vector.shape_cast %swap3A_241 : vector<16xf32> to vector<16xf32>
    %swap3A_243 = vector.shape_cast %broadcast_in_dim3A_239 : vector<16xf32> to vector<16xf32>
    tpu.vector_store %arg7[%swap3A_240], %swap3A_243 {strides = array<i32>} : memref<640xf32, #tpu.memory_space<vmem>>, vector<16xf32>,
    %broadcast_in_dim3A_244 = arith.constant 0.000000e+00 : f32
    %broadcast_in_dim3A_245 = vector.broadcast %broadcast_in_dim3A_244 : f32 to vector<16xf32>
    %swap3A_246 = arith.constant 576 : index
    %swap3A_247 = tpu.vector_load %arg7[%swap3A_246] {strides = array<i32>} : memref<640xf32, #tpu.memory_space<vmem>>, vector<16xf32>,
    %swap3A_248 = vector.shape_cast %swap3A_247 : vector<16xf32> to vector<16xf32>
    %swap3A_249 = vector.shape_cast %broadcast_in_dim3A_245 : vector<16xf32> to vector<16xf32>
    tpu.vector_store %arg7[%swap3A_246], %swap3A_249 {strides = array<i32>} : memref<640xf32, #tpu.memory_space<vmem>>, vector<16xf32>,
    %broadcast_in_dim3A_250 = arith.constant 0.000000e+00 : f32
    %broadcast_in_dim3A_251 = vector.broadcast %broadcast_in_dim3A_250 : f32 to vector<16xf32>
    %swap3A_252 = arith.constant 592 : index
    %swap3A_253 = tpu.vector_load %arg7[%swap3A_252] {strides = array<i32>} : memref<640xf32, #tpu.memory_space<vmem>>, vector<16xf32>,
    %swap3A_254 = vector.shape_cast %swap3A_253 : vector<16xf32> to vector<16xf32>
    %swap3A_255 = vector.shape_cast %broadcast_in_dim3A_251 : vector<16xf32> to vector<16xf32>
    tpu.vector_store %arg7[%swap3A_252], %swap3A_255 {strides = array<i32>} : memref<640xf32, #tpu.memory_space<vmem>>, vector<16xf32>,
    %broadcast_in_dim3A_256 = arith.constant 0.000000e+00 : f32
    %broadcast_in_dim3A_257 = vector.broadcast %broadcast_in_dim3A_256 : f32 to vector<16xf32>
    %swap3A_258 = arith.constant 608 : index
    %swap3A_259 = tpu.vector_load %arg7[%swap3A_258] {strides = array<i32>} : memref<640xf32, #tpu.memory_space<vmem>>, vector<16xf32>,
    %swap3A_260 = vector.shape_cast %swap3A_259 : vector<16xf32> to vector<16xf32>
    %swap3A_261 = vector.shape_cast %broadcast_in_dim3A_257 : vector<16xf32> to vector<16xf32>
    tpu.vector_store %arg7[%swap3A_258], %swap3A_261 {strides = array<i32>} : memref<640xf32, #tpu.memory_space<vmem>>, vector<16xf32>,
    %broadcast_in_dim3A_262 = arith.constant 0.000000e+00 : f32
    %broadcast_in_dim3A_263 = vector.broadcast %broadcast_in_dim3A_262 : f32 to vector<16xf32>
    %swap3A_264 = arith.constant 624 : index
    %swap3A_265 = tpu.vector_load %arg7[%swap3A_264] {strides = array<i32>} : memref<640xf32, #tpu.memory_space<vmem>>, vector<16xf32>,
    %swap3A_266 = vector.shape_cast %swap3A_265 : vector<16xf32> to vector<16xf32>
    %swap3A_267 = vector.shape_cast %broadcast_in_dim3A_263 : vector<16xf32> to vector<16xf32>
    tpu.vector_store %arg7[%swap3A_264], %swap3A_267 {strides = array<i32>} : memref<640xf32, #tpu.memory_space<vmem>>, vector<16xf32>,
    %lt3A = arith.constant 15 : i32
    %lt3A_268 = arith.cmpi slt, %arg1, %lt3A : i32
    %convert_element_type3A = arith.extui %lt3A_268 : i1 to i32
    %cond3A = arith.constant 0 : i32
    %cond3A_269 = arith.cmpi ne, %convert_element_type3A, %cond3A : i32
    scf.if %cond3A_269 {
      %mul3A_300 = arith.constant 640 : i32
      %mul3A_301 = arith.muli %arg1, %mul3A_300 : i32
      "tpu.region"() ({
        %run_scoped3A = tpu.sem_alloc : memref<!tpu.dma_semaphore, #tpu.memory_space<semaphore_mem>>
        %dma_start3A_302 = tpu.memref_slice %arg8[%mul3A_301] : memref<10000xf32, #tpu.memory_space<vmem_shared>> -> memref<640xf32, #tpu.memory_space<vmem_shared>>
        %dma_start3A_303 = tpu.memref_slice %arg8[%mul3A_301] : memref<10000xf32, #tpu.memory_space<vmem_shared>> -> memref<640xf32, #tpu.memory_space<vmem_shared>>
        tpu.enqueue_dma source(%arg7 : memref<640xf32, #tpu.memory_space<vmem>>) target(%dma_start3A_303 : memref<640xf32, #tpu.memory_space<vmem_shared>>) target_semaphore(%run_scoped3A : memref<!tpu.dma_semaphore, #tpu.memory_space<semaphore_mem>>)
        %dma_wait3A = tpu.memref_slice %arg8[%mul3A_301] : memref<10000xf32, #tpu.memory_space<vmem_shared>> -> memref<640xf32, #tpu.memory_space<vmem_shared>>
        %dma_wait3A_304 = tpu.memref_slice %arg8[%mul3A_301] : memref<10000xf32, #tpu.memory_space<vmem_shared>> -> memref<640xf32, #tpu.memory_space<vmem_shared>>
        tpu.wait_dma2 semaphore(%run_scoped3A : memref<!tpu.dma_semaphore, #tpu.memory_space<semaphore_mem>>) src(%arg7 : memref<640xf32, #tpu.memory_space<vmem>>) dst(%dma_wait3A_304 : memref<640xf32, #tpu.memory_space<vmem_shared>>)
        tpu.yield
      }) : () -> ()
    } else {
    }
    %eq3A = arith.constant 15 : i32
    %eq3A_270 = arith.cmpi eq, %arg1, %eq3A : i32
    %convert_element_type3A_271 = arith.extui %eq3A_270 : i1 to i32
    %cond3A_272 = arith.constant 0 : i32
    %cond3A_273 = arith.cmpi ne, %convert_element_type3A_271, %cond3A_272 : i32
    scf.if %cond3A_273 {
      "tpu.region"() ({
        %run_scoped3A = tpu.sem_alloc : memref<!tpu.dma_semaphore, #tpu.memory_space<semaphore_mem>>
        %dma_start3A_300 = arith.constant 0 : i32
        %dma_start3A_301 = tpu.memref_slice %arg7[%dma_start3A_300] : memref<640xf32, #tpu.memory_space<vmem>> -> memref<400xf32, #tpu.memory_space<vmem>>
        %dma_start3A_302 = arith.constant 9600 : i32
        %dma_start3A_303 = tpu.memref_slice %arg8[%dma_start3A_302] : memref<10000xf32, #tpu.memory_space<vmem_shared>> -> memref<400xf32, #tpu.memory_space<vmem_shared>>
        %dma_start3A_304 = arith.constant 9600 : i32
        %dma_start3A_305 = tpu.memref_slice %arg8[%dma_start3A_304] : memref<10000xf32, #tpu.memory_space<vmem_shared>> -> memref<400xf32, #tpu.memory_space<vmem_shared>>
        %dma_start3A_306 = arith.constant 0 : i32
        %dma_start3A_307 = tpu.memref_slice %arg7[%dma_start3A_306] : memref<640xf32, #tpu.memory_space<vmem>> -> memref<400xf32, #tpu.memory_space<vmem>>
        tpu.enqueue_dma source(%dma_start3A_307 : memref<400xf32, #tpu.memory_space<vmem>>) target(%dma_start3A_305 : memref<400xf32, #tpu.memory_space<vmem_shared>>) target_semaphore(%run_scoped3A : memref<!tpu.dma_semaphore, #tpu.memory_space<semaphore_mem>>)
        %dma_wait3A = arith.constant 0 : i32
        %dma_wait3A_308 = tpu.memref_slice %arg7[%dma_wait3A] : memref<640xf32, #tpu.memory_space<vmem>> -> memref<400xf32, #tpu.memory_space<vmem>>
        %dma_wait3A_309 = arith.constant 9600 : i32
        %dma_wait3A_310 = tpu.memref_slice %arg8[%dma_wait3A_309] : memref<10000xf32, #tpu.memory_space<vmem_shared>> -> memref<400xf32, #tpu.memory_space<vmem_shared>>
        %dma_wait3A_311 = arith.constant 9600 : i32
        %dma_wait3A_312 = tpu.memref_slice %arg8[%dma_wait3A_311] : memref<10000xf32, #tpu.memory_space<vmem_shared>> -> memref<400xf32, #tpu.memory_space<vmem_shared>>
        %dma_wait3A_313 = arith.constant 0 : i32
        %dma_wait3A_314 = tpu.memref_slice %arg7[%dma_wait3A_313] : memref<640xf32, #tpu.memory_space<vmem>> -> memref<400xf32, #tpu.memory_space<vmem>>
        tpu.wait_dma2 semaphore(%run_scoped3A : memref<!tpu.dma_semaphore, #tpu.memory_space<semaphore_mem>>) src(%dma_wait3A_314 : memref<400xf32, #tpu.memory_space<vmem>>) dst(%dma_wait3A_312 : memref<400xf32, #tpu.memory_space<vmem_shared>>)
        tpu.yield
      }) : () -> ()
    } else {
    }
    %barrier3A = arith.constant 0 : index
    tpu.barrier barrier_id(%barrier3A)
    %mul3A = arith.constant 320000 : i32
    %mul3A_274 = arith.muli %arg0, %mul3A : i32
    %mul3A_275 = arith.constant 20000 : i32
    %mul3A_276 = arith.muli %arg1, %mul3A_275 : i32
    %add3A = arith.addi %mul3A_274, %mul3A_276 : i32
    %add3A_277 = arith.constant 0 : i32
    %add3A_278 = arith.addi %add3A, %add3A_277 : i32
    %dma_start3A = tpu.memref_slice %arg2[%add3A_278] : memref<640000xi32, #tpu.memory_space<hbm>> -> memref<80xi32, #tpu.memory_space<hbm>>
    %dma_start3A_279 = tpu.memref_slice %arg2[%add3A_278] : memref<640000xi32, #tpu.memory_space<hbm>> -> memref<80xi32, #tpu.memory_space<hbm>>
    tpu.enqueue_dma source(%dma_start3A_279 : memref<80xi32, #tpu.memory_space<hbm>>) target(%arg4 : memref<80xi32, #tpu.memory_space<vmem>>) target_semaphore(%arg9 : memref<!tpu.dma_semaphore, #tpu.memory_space<semaphore_mem>>)
    %add3A_280 = arith.constant 80 : i32
    %add3A_281 = arith.addi %add3A, %add3A_280 : i32
    %dma_start3A_282 = tpu.memref_slice %arg2[%add3A_281] : memref<640000xi32, #tpu.memory_space<hbm>> -> memref<80xi32, #tpu.memory_space<hbm>>
    %dma_start3A_283 = tpu.memref_slice %arg2[%add3A_281] : memref<640000xi32, #tpu.memory_space<hbm>> -> memref<80xi32, #tpu.memory_space<hbm>>
    tpu.enqueue_dma source(%dma_start3A_283 : memref<80xi32, #tpu.memory_space<hbm>>) target(%arg5 : memref<80xi32, #tpu.memory_space<vmem>>) target_semaphore(%arg10 : memref<!tpu.dma_semaphore, #tpu.memory_space<semaphore_mem>>)
    %scan3A = arith.constant 0 : i32
    %scan3A_284 = arith.constant 0 : i32
    %scan3A_285 = arith.constant 125 : i32
    %scan3A_286 = arith.addi %scan3A_284, %scan3A_285 : i32
    %scan3A_287 = arith.constant 1 : i32
    scf.for %scan3A_300 = %scan3A_284 to %scan3A_286 step %scan3A_287  : i32 {
      %mul3A_301 = arith.constant 2 : i32
      %mul3A_302 = arith.muli %scan3A_300, %mul3A_301 : i32
      %add3A_303 = arith.constant 0 : i32
      %add3A_304 = arith.addi %mul3A_302, %add3A_303 : i32
      %dma_wait3A = arith.constant 0 : i32
      %dma_wait3A_305 = tpu.memref_slice %arg2[%dma_wait3A] : memref<640000xi32, #tpu.memory_space<hbm>> -> memref<80xi32, #tpu.memory_space<hbm>>
      %dma_wait3A_306 = arith.constant 0 : i32
      %dma_wait3A_307 = tpu.memref_slice %arg2[%dma_wait3A_306] : memref<640000xi32, #tpu.memory_space<hbm>> -> memref<80xi32, #tpu.memory_space<hbm>>
      tpu.wait_dma2 semaphore(%arg9 : memref<!tpu.dma_semaphore, #tpu.memory_space<semaphore_mem>>) src(%dma_wait3A_307 : memref<80xi32, #tpu.memory_space<hbm>>) dst(%arg4 : memref<80xi32, #tpu.memory_space<vmem>>)
      "tpu.region"() ({
        %run_scoped3A = tpu.sem_alloc : memref<!tpu.dma_semaphore, #tpu.memory_space<semaphore_mem>>
        %dma_start3A_330 = arith.constant 0 : i32
        %dma_start3A_331 = tpu.memref_slice %arg8[%dma_start3A_330] : memref<10000xf32, #tpu.memory_space<vmem_shared>> -> memref<10000xf32, #tpu.memory_space<vmem_shared>>
        tpu.enqueue_indirect_dma source(%arg6 : memref<80xf32, #tpu.memory_space<vmem>>) target(%dma_start3A_331 : memref<10000xf32, #tpu.memory_space<vmem_shared>>) offsets(%arg4 : memref<80xi32, #tpu.memory_space<vmem>>) semaphore(%run_scoped3A : memref<!tpu.dma_semaphore, #tpu.memory_space<semaphore_mem>>) {add = true}
        %dma_wait3A_332 = arith.constant 0 : i32
        %dma_wait3A_333 = tpu.memref_slice %arg8[%dma_wait3A_332] : memref<10000xf32, #tpu.memory_space<vmem_shared>> -> memref<10000xf32, #tpu.memory_space<vmem_shared>>
        tpu.wait_indirect_dma semaphore(%run_scoped3A : memref<!tpu.dma_semaphore, #tpu.memory_space<semaphore_mem>>) src(%arg6 : memref<80xf32, #tpu.memory_space<vmem>>) dst(%dma_wait3A_333 : memref<10000xf32, #tpu.memory_space<vmem_shared>>)
        tpu.yield
      }) : () -> ()
      %add3A_308 = arith.constant 2 : i32
      %add3A_309 = arith.addi %add3A_304, %add3A_308 : i32
      %lt3A_310 = arith.constant 250 : i32
      %lt3A_311 = arith.cmpi slt, %add3A_309, %lt3A_310 : i32
      %convert_element_type3A_312 = arith.extui %lt3A_311 : i1 to i32
      %cond3A_313 = arith.constant 0 : i32
      %cond3A_314 = arith.cmpi ne, %convert_element_type3A_312, %cond3A_313 : i32
      scf.if %cond3A_314 {
        %add3A_330 = arith.constant 2 : i32
        %add3A_331 = arith.addi %add3A_304, %add3A_330 : i32
        %mul3A_332 = arith.constant 80 : i32
        %mul3A_333 = arith.muli %add3A_331, %mul3A_332 : i32
        %add3A_334 = arith.addi %add3A, %mul3A_333 : i32
        %dma_start3A_335 = tpu.memref_slice %arg2[%add3A_334] : memref<640000xi32, #tpu.memory_space<hbm>> -> memref<80xi32, #tpu.memory_space<hbm>>
        %dma_start3A_336 = tpu.memref_slice %arg2[%add3A_334] : memref<640000xi32, #tpu.memory_space<hbm>> -> memref<80xi32, #tpu.memory_space<hbm>>
        tpu.enqueue_dma source(%dma_start3A_336 : memref<80xi32, #tpu.memory_space<hbm>>) target(%arg4 : memref<80xi32, #tpu.memory_space<vmem>>) target_semaphore(%arg9 : memref<!tpu.dma_semaphore, #tpu.memory_space<semaphore_mem>>)
      } else {
      }
      %mul3A_315 = arith.constant 2 : i32
      %mul3A_316 = arith.muli %scan3A_300, %mul3A_315 : i32
      %add3A_317 = arith.constant 1 : i32
      %add3A_318 = arith.addi %mul3A_316, %add3A_317 : i32
      %dma_wait3A_319 = arith.constant 0 : i32
      %dma_wait3A_320 = tpu.memref_slice %arg2[%dma_wait3A_319] : memref<640000xi32, #tpu.memory_space<hbm>> -> memref<80xi32, #tpu.memory_space<hbm>>
      %dma_wait3A_321 = arith.constant 0 : i32
      %dma_wait3A_322 = tpu.memref_slice %arg2[%dma_wait3A_321] : memref<640000xi32, #tpu.memory_space<hbm>> -> memref<80xi32, #tpu.memory_space<hbm>>
      tpu.wait_dma2 semaphore(%arg10 : memref<!tpu.dma_semaphore, #tpu.memory_space<semaphore_mem>>) src(%dma_wait3A_322 : memref<80xi32, #tpu.memory_space<hbm>>) dst(%arg5 : memref<80xi32, #tpu.memory_space<vmem>>)
      "tpu.region"() ({
        %run_scoped3A = tpu.sem_alloc : memref<!tpu.dma_semaphore, #tpu.memory_space<semaphore_mem>>
        %dma_start3A_330 = arith.constant 0 : i32
        %dma_start3A_331 = tpu.memref_slice %arg8[%dma_start3A_330] : memref<10000xf32, #tpu.memory_space<vmem_shared>> -> memref<10000xf32, #tpu.memory_space<vmem_shared>>
        tpu.enqueue_indirect_dma source(%arg6 : memref<80xf32, #tpu.memory_space<vmem>>) target(%dma_start3A_331 : memref<10000xf32, #tpu.memory_space<vmem_shared>>) offsets(%arg5 : memref<80xi32, #tpu.memory_space<vmem>>) semaphore(%run_scoped3A : memref<!tpu.dma_semaphore, #tpu.memory_space<semaphore_mem>>) {add = true}
        %dma_wait3A_332 = arith.constant 0 : i32
        %dma_wait3A_333 = tpu.memref_slice %arg8[%dma_wait3A_332] : memref<10000xf32, #tpu.memory_space<vmem_shared>> -> memref<10000xf32, #tpu.memory_space<vmem_shared>>
        tpu.wait_indirect_dma semaphore(%run_scoped3A : memref<!tpu.dma_semaphore, #tpu.memory_space<semaphore_mem>>) src(%arg6 : memref<80xf32, #tpu.memory_space<vmem>>) dst(%dma_wait3A_333 : memref<10000xf32, #tpu.memory_space<vmem_shared>>)
        tpu.yield
      }) : () -> ()
      %add3A_323 = arith.constant 2 : i32
      %add3A_324 = arith.addi %add3A_318, %add3A_323 : i32
      %lt3A_325 = arith.constant 250 : i32
      %lt3A_326 = arith.cmpi slt, %add3A_324, %lt3A_325 : i32
      %convert_element_type3A_327 = arith.extui %lt3A_326 : i1 to i32
      %cond3A_328 = arith.constant 0 : i32
      %cond3A_329 = arith.cmpi ne, %convert_element_type3A_327, %cond3A_328 : i32
      scf.if %cond3A_329 {
        %add3A_330 = arith.constant 2 : i32
        %add3A_331 = arith.addi %add3A_318, %add3A_330 : i32
        %mul3A_332 = arith.constant 80 : i32
        %mul3A_333 = arith.muli %add3A_331, %mul3A_332 : i32
        %add3A_334 = arith.addi %add3A, %mul3A_333 : i32
        %dma_start3A_335 = tpu.memref_slice %arg2[%add3A_334] : memref<640000xi32, #tpu.memory_space<hbm>> -> memref<80xi32, #tpu.memory_space<hbm>>
        %dma_start3A_336 = tpu.memref_slice %arg2[%add3A_334] : memref<640000xi32, #tpu.memory_space<hbm>> -> memref<80xi32, #tpu.memory_space<hbm>>
        tpu.enqueue_dma source(%dma_start3A_336 : memref<80xi32, #tpu.memory_space<hbm>>) target(%arg5 : memref<80xi32, #tpu.memory_space<vmem>>) target_semaphore(%arg10 : memref<!tpu.dma_semaphore, #tpu.memory_space<semaphore_mem>>)
      } else {
      }
    }
    %scan3A_288 = arith.constant 125 : i32
    %barrier3A_289 = arith.constant 0 : index
    tpu.barrier barrier_id(%barrier3A_289)
    %lt3A_290 = arith.constant 15 : i32
    %lt3A_291 = arith.cmpi slt, %arg1, %lt3A_290 : i32
    %convert_element_type3A_292 = arith.extui %lt3A_291 : i1 to i32
    %cond3A_293 = arith.constant 0 : i32
    %cond3A_294 = arith.cmpi ne, %convert_element_type3A_292, %cond3A_293 : i32
    scf.if %cond3A_294 {
      %mul3A_300 = arith.constant 640 : i32
      %mul3A_301 = arith.muli %arg1, %mul3A_300 : i32
      "tpu.region"() ({
        %run_scoped3A = tpu.sem_alloc : memref<!tpu.dma_semaphore, #tpu.memory_space<semaphore_mem>>
        %dma_start3A_307 = tpu.memref_slice %arg8[%mul3A_301] : memref<10000xf32, #tpu.memory_space<vmem_shared>> -> memref<640xf32, #tpu.memory_space<vmem_shared>>
        %dma_start3A_308 = tpu.memref_slice %arg8[%mul3A_301] : memref<10000xf32, #tpu.memory_space<vmem_shared>> -> memref<640xf32, #tpu.memory_space<vmem_shared>>
        tpu.enqueue_dma source(%dma_start3A_308 : memref<640xf32, #tpu.memory_space<vmem_shared>>) target(%arg7 : memref<640xf32, #tpu.memory_space<vmem>>) target_semaphore(%run_scoped3A : memref<!tpu.dma_semaphore, #tpu.memory_space<semaphore_mem>>)
        %dma_wait3A = tpu.memref_slice %arg8[%mul3A_301] : memref<10000xf32, #tpu.memory_space<vmem_shared>> -> memref<640xf32, #tpu.memory_space<vmem_shared>>
        %dma_wait3A_309 = tpu.memref_slice %arg8[%mul3A_301] : memref<10000xf32, #tpu.memory_space<vmem_shared>> -> memref<640xf32, #tpu.memory_space<vmem_shared>>
        tpu.wait_dma2 semaphore(%run_scoped3A : memref<!tpu.dma_semaphore, #tpu.memory_space<semaphore_mem>>) src(%dma_wait3A_309 : memref<640xf32, #tpu.memory_space<vmem_shared>>) dst(%arg7 : memref<640xf32, #tpu.memory_space<vmem>>)
        tpu.yield
      }) : () -> ()
      %mul3A_302 = arith.constant 10000 : i32
      %mul3A_303 = arith.muli %arg0, %mul3A_302 : i32
      %mul3A_304 = arith.constant 640 : i32
      %mul3A_305 = arith.muli %arg1, %mul3A_304 : i32
      %add3A_306 = arith.addi %mul3A_303, %mul3A_305 : i32
      "tpu.region"() ({
        %run_scoped3A = tpu.sem_alloc : memref<!tpu.dma_semaphore, #tpu.memory_space<semaphore_mem>>
        %dma_start3A_307 = tpu.memref_slice %arg3[%add3A_306] : memref<20000xf32, #tpu.memory_space<hbm>> -> memref<640xf32, #tpu.memory_space<hbm>>
        %dma_start3A_308 = tpu.memref_slice %arg3[%add3A_306] : memref<20000xf32, #tpu.memory_space<hbm>> -> memref<640xf32, #tpu.memory_space<hbm>>
        tpu.enqueue_dma source(%arg7 : memref<640xf32, #tpu.memory_space<vmem>>) target(%dma_start3A_308 : memref<640xf32, #tpu.memory_space<hbm>>) target_semaphore(%run_scoped3A : memref<!tpu.dma_semaphore, #tpu.memory_space<semaphore_mem>>)
        %dma_wait3A = tpu.memref_slice %arg3[%add3A_306] : memref<20000xf32, #tpu.memory_space<hbm>> -> memref<640xf32, #tpu.memory_space<hbm>>
        %dma_wait3A_309 = tpu.memref_slice %arg3[%add3A_306] : memref<20000xf32, #tpu.memory_space<hbm>> -> memref<640xf32, #tpu.memory_space<hbm>>
        tpu.wait_dma2 semaphore(%run_scoped3A : memref<!tpu.dma_semaphore, #tpu.memory_space<semaphore_mem>>) src(%arg7 : memref<640xf32, #tpu.memory_space<vmem>>) dst(%dma_wait3A_309 : memref<640xf32, #tpu.memory_space<hbm>>)
        tpu.yield
      }) : () -> ()
    } else {
    }
    %eq3A_295 = arith.constant 15 : i32
    %eq3A_296 = arith.cmpi eq, %arg1, %eq3A_295 : i32
    %convert_element_type3A_297 = arith.extui %eq3A_296 : i1 to i32
    %cond3A_298 = arith.constant 0 : i32
    %cond3A_299 = arith.cmpi ne, %convert_element_type3A_297, %cond3A_298 : i32
    scf.if %cond3A_299 {
      "tpu.region"() ({
        %run_scoped3A = tpu.sem_alloc : memref<!tpu.dma_semaphore, #tpu.memory_space<semaphore_mem>>
        %dma_start3A_304 = arith.constant 0 : i32
        %dma_start3A_305 = tpu.memref_slice %arg7[%dma_start3A_304] : memref<640xf32, #tpu.memory_space<vmem>> -> memref<400xf32, #tpu.memory_space<vmem>>
        %dma_start3A_306 = arith.constant 9600 : i32
        %dma_start3A_307 = tpu.memref_slice %arg8[%dma_start3A_306] : memref<10000xf32, #tpu.memory_space<vmem_shared>> -> memref<400xf32, #tpu.memory_space<vmem_shared>>
        %dma_start3A_308 = arith.constant 0 : i32
        %dma_start3A_309 = tpu.memref_slice %arg7[%dma_start3A_308] : memref<640xf32, #tpu.memory_space<vmem>> -> memref<400xf32, #tpu.memory_space<vmem>>
        %dma_start3A_310 = arith.constant 9600 : i32
        %dma_start3A_311 = tpu.memref_slice %arg8[%dma_start3A_310] : memref<10000xf32, #tpu.memory_space<vmem_shared>> -> memref<400xf32, #tpu.memory_space<vmem_shared>>
        tpu.enqueue_dma source(%dma_start3A_311 : memref<400xf32, #tpu.memory_space<vmem_shared>>) target(%dma_start3A_309 : memref<400xf32, #tpu.memory_space<vmem>>) target_semaphore(%run_scoped3A : memref<!tpu.dma_semaphore, #tpu.memory_space<semaphore_mem>>)
        %dma_wait3A = arith.constant 0 : i32
        %dma_wait3A_312 = tpu.memref_slice %arg7[%dma_wait3A] : memref<640xf32, #tpu.memory_space<vmem>> -> memref<400xf32, #tpu.memory_space<vmem>>
        %dma_wait3A_313 = arith.constant 9600 : i32
        %dma_wait3A_314 = tpu.memref_slice %arg8[%dma_wait3A_313] : memref<10000xf32, #tpu.memory_space<vmem_shared>> -> memref<400xf32, #tpu.memory_space<vmem_shared>>
        %dma_wait3A_315 = arith.constant 0 : i32
        %dma_wait3A_316 = tpu.memref_slice %arg7[%dma_wait3A_315] : memref<640xf32, #tpu.memory_space<vmem>> -> memref<400xf32, #tpu.memory_space<vmem>>
        %dma_wait3A_317 = arith.constant 9600 : i32
        %dma_wait3A_318 = tpu.memref_slice %arg8[%dma_wait3A_317] : memref<10000xf32, #tpu.memory_space<vmem_shared>> -> memref<400xf32, #tpu.memory_space<vmem_shared>>
        tpu.wait_dma2 semaphore(%run_scoped3A : memref<!tpu.dma_semaphore, #tpu.memory_space<semaphore_mem>>) src(%dma_wait3A_318 : memref<400xf32, #tpu.memory_space<vmem_shared>>) dst(%dma_wait3A_316 : memref<400xf32, #tpu.memory_space<vmem>>)
        tpu.yield
      }) : () -> ()
      %mul3A_300 = arith.constant 10000 : i32
      %mul3A_301 = arith.muli %arg0, %mul3A_300 : i32
      %add3A_302 = arith.constant 9600 : i32
      %add3A_303 = arith.addi %mul3A_301, %add3A_302 : i32
      "tpu.region"() ({
        %run_scoped3A = tpu.sem_alloc : memref<!tpu.dma_semaphore, #tpu.memory_space<semaphore_mem>>
        %dma_start3A_304 = arith.constant 0 : i32
        %dma_start3A_305 = tpu.memref_slice %arg7[%dma_start3A_304] : memref<640xf32, #tpu.memory_space<vmem>> -> memref<400xf32, #tpu.memory_space<vmem>>
        %dma_start3A_306 = tpu.memref_slice %arg3[%add3A_303] : memref<20000xf32, #tpu.memory_space<hbm>> -> memref<400xf32, #tpu.memory_space<hbm>>
        %dma_start3A_307 = tpu.memref_slice %arg3[%add3A_303] : memref<20000xf32, #tpu.memory_space<hbm>> -> memref<400xf32, #tpu.memory_space<hbm>>
        %dma_start3A_308 = arith.constant 0 : i32
        %dma_start3A_309 = tpu.memref_slice %arg7[%dma_start3A_308] : memref<640xf32, #tpu.memory_space<vmem>> -> memref<400xf32, #tpu.memory_space<vmem>>
        tpu.enqueue_dma source(%dma_start3A_309 : memref<400xf32, #tpu.memory_space<vmem>>) target(%dma_start3A_307 : memref<400xf32, #tpu.memory_space<hbm>>) target_semaphore(%run_scoped3A : memref<!tpu.dma_semaphore, #tpu.memory_space<semaphore_mem>>)
        %dma_wait3A = arith.constant 0 : i32
        %dma_wait3A_310 = tpu.memref_slice %arg7[%dma_wait3A] : memref<640xf32, #tpu.memory_space<vmem>> -> memref<400xf32, #tpu.memory_space<vmem>>
        %dma_wait3A_311 = tpu.memref_slice %arg3[%add3A_303] : memref<20000xf32, #tpu.memory_space<hbm>> -> memref<400xf32, #tpu.memory_space<hbm>>
        %dma_wait3A_312 = tpu.memref_slice %arg3[%add3A_303] : memref<20000xf32, #tpu.memory_space<hbm>> -> memref<400xf32, #tpu.memory_space<hbm>>
        %dma_wait3A_313 = arith.constant 0 : i32
        %dma_wait3A_314 = tpu.memref_slice %arg7[%dma_wait3A_313] : memref<640xf32, #tpu.memory_space<vmem>> -> memref<400xf32, #tpu.memory_space<vmem>>
        tpu.wait_dma2 semaphore(%run_scoped3A : memref<!tpu.dma_semaphore, #tpu.memory_space<semaphore_mem>>) src(%dma_wait3A_314 : memref<400xf32, #tpu.memory_space<vmem>>) dst(%dma_wait3A_312 : memref<400xf32, #tpu.memory_space<hbm>>)
        tpu.yield
      }) : () -> ()
    } else {
    }
    return
  }
}

#map = affine_map<(d0, d1) -> (0)>
#map1 = affine_map<(d0, d1) -> (0, 0)>
module attributes {stable_mosaic.version = 14 : i64} {
  func.func @_agg(%arg0: i32, %arg1: i32, %arg2: memref<640000xi32, #tpu.memory_space<hbm>>, %arg3: memref<20000x128xf32, #tpu.memory_space<hbm>>, %arg4: memref<20000x128xf32, #tpu.memory_space<hbm>>, %arg5: memref<10000xi32, #tpu.memory_space<vmem>>, %arg6: memref<80xi32, #tpu.memory_space<vmem>>, %arg7: memref<80xi32, #tpu.memory_space<vmem>>, %arg8: memref<80x128xf32, #tpu.memory_space<vmem>>, %arg9: memref<80x128xf32, #tpu.memory_space<vmem>>, %arg10: memref<10000x128xf32, #tpu.memory_space<vmem_shared>>, %arg11: memref<!tpu.dma_semaphore, #tpu.memory_space<semaphore_mem>>, %arg12: memref<!tpu.dma_semaphore, #tpu.memory_space<semaphore_mem>>, %arg13: memref<!tpu.dma_semaphore, #tpu.memory_space<semaphore_mem>>, %arg14: memref<!tpu.dma_semaphore, #tpu.memory_space<semaphore_mem>>) attributes {dimension_semantics = [#tpu.dimension_semantics<core_parallel>, #tpu.dimension_semantics<subcore_parallel>], iteration_bounds = array<i64: 2, 16>, scalar_prefetch = 0 : i64, scratch_operands = 10 : i64, tpu.core_type = #tpu.core_type<sc_vector_subcore>, window_params = [{transform_indices = #map}, {transform_indices = #map1}, {transform_indices = #map1}]} {
    %mul3A = arith.constant 10000 : i32
    %mul3A_0 = arith.muli %arg0, %mul3A : i32
    %sub3A = arith.constant 1 : i32
    %sub3A_1 = arith.subi %sub3A, %arg0 : i32
    %scan3A = arith.constant 0 : i32
    %scan3A_2 = arith.constant 0 : i32
    %scan3A_3 = arith.constant 80 : i32
    %scan3A_4 = arith.addi %scan3A_2, %scan3A_3 : i32
    %scan3A_5 = arith.constant 1 : i32
    scf.for %scan3A_202 = %scan3A_2 to %scan3A_4 step %scan3A_5  : i32 {
      %broadcast_in_dim3A = arith.constant 0.000000e+00 : f32
      %broadcast_in_dim3A_203 = vector.broadcast %broadcast_in_dim3A : f32 to vector<16xf32>
      %swap3A = arith.index_cast %scan3A_202 : i32 to index
      %swap3A_204 = arith.constant 0 : index
      %swap3A_205 = tpu.vector_load %arg8[%swap3A, %swap3A_204] {strides = array<i32>} : memref<80x128xf32, #tpu.memory_space<vmem>>, vector<1x16xf32>,
      %swap3A_206 = vector.shape_cast %swap3A_205 : vector<1x16xf32> to vector<16xf32>
      %swap3A_207 = vector.shape_cast %broadcast_in_dim3A_203 : vector<16xf32> to vector<1x16xf32>
      tpu.vector_store %arg8[%swap3A, %swap3A_204], %swap3A_207 {strides = array<i32>} : memref<80x128xf32, #tpu.memory_space<vmem>>, vector<1x16xf32>,
      %broadcast_in_dim3A_208 = arith.constant 0.000000e+00 : f32
      %broadcast_in_dim3A_209 = vector.broadcast %broadcast_in_dim3A_208 : f32 to vector<16xf32>
      %swap3A_210 = arith.index_cast %scan3A_202 : i32 to index
      %swap3A_211 = arith.constant 16 : index
      %swap3A_212 = tpu.vector_load %arg8[%swap3A_210, %swap3A_211] {strides = array<i32>} : memref<80x128xf32, #tpu.memory_space<vmem>>, vector<1x16xf32>,
      %swap3A_213 = vector.shape_cast %swap3A_212 : vector<1x16xf32> to vector<16xf32>
      %swap3A_214 = vector.shape_cast %broadcast_in_dim3A_209 : vector<16xf32> to vector<1x16xf32>
      tpu.vector_store %arg8[%swap3A_210, %swap3A_211], %swap3A_214 {strides = array<i32>} : memref<80x128xf32, #tpu.memory_space<vmem>>, vector<1x16xf32>,
      %broadcast_in_dim3A_215 = arith.constant 0.000000e+00 : f32
      %broadcast_in_dim3A_216 = vector.broadcast %broadcast_in_dim3A_215 : f32 to vector<16xf32>
      %swap3A_217 = arith.index_cast %scan3A_202 : i32 to index
      %swap3A_218 = arith.constant 32 : index
      %swap3A_219 = tpu.vector_load %arg8[%swap3A_217, %swap3A_218] {strides = array<i32>} : memref<80x128xf32, #tpu.memory_space<vmem>>, vector<1x16xf32>,
      %swap3A_220 = vector.shape_cast %swap3A_219 : vector<1x16xf32> to vector<16xf32>
      %swap3A_221 = vector.shape_cast %broadcast_in_dim3A_216 : vector<16xf32> to vector<1x16xf32>
      tpu.vector_store %arg8[%swap3A_217, %swap3A_218], %swap3A_221 {strides = array<i32>} : memref<80x128xf32, #tpu.memory_space<vmem>>, vector<1x16xf32>,
      %broadcast_in_dim3A_222 = arith.constant 0.000000e+00 : f32
      %broadcast_in_dim3A_223 = vector.broadcast %broadcast_in_dim3A_222 : f32 to vector<16xf32>
      %swap3A_224 = arith.index_cast %scan3A_202 : i32 to index
      %swap3A_225 = arith.constant 48 : index
      %swap3A_226 = tpu.vector_load %arg8[%swap3A_224, %swap3A_225] {strides = array<i32>} : memref<80x128xf32, #tpu.memory_space<vmem>>, vector<1x16xf32>,
      %swap3A_227 = vector.shape_cast %swap3A_226 : vector<1x16xf32> to vector<16xf32>
      %swap3A_228 = vector.shape_cast %broadcast_in_dim3A_223 : vector<16xf32> to vector<1x16xf32>
      tpu.vector_store %arg8[%swap3A_224, %swap3A_225], %swap3A_228 {strides = array<i32>} : memref<80x128xf32, #tpu.memory_space<vmem>>, vector<1x16xf32>,
      %broadcast_in_dim3A_229 = arith.constant 0.000000e+00 : f32
      %broadcast_in_dim3A_230 = vector.broadcast %broadcast_in_dim3A_229 : f32 to vector<16xf32>
      %swap3A_231 = arith.index_cast %scan3A_202 : i32 to index
      %swap3A_232 = arith.constant 64 : index
      %swap3A_233 = tpu.vector_load %arg8[%swap3A_231, %swap3A_232] {strides = array<i32>} : memref<80x128xf32, #tpu.memory_space<vmem>>, vector<1x16xf32>,
      %swap3A_234 = vector.shape_cast %swap3A_233 : vector<1x16xf32> to vector<16xf32>
      %swap3A_235 = vector.shape_cast %broadcast_in_dim3A_230 : vector<16xf32> to vector<1x16xf32>
      tpu.vector_store %arg8[%swap3A_231, %swap3A_232], %swap3A_235 {strides = array<i32>} : memref<80x128xf32, #tpu.memory_space<vmem>>, vector<1x16xf32>,
      %broadcast_in_dim3A_236 = arith.constant 0.000000e+00 : f32
      %broadcast_in_dim3A_237 = vector.broadcast %broadcast_in_dim3A_236 : f32 to vector<16xf32>
      %swap3A_238 = arith.index_cast %scan3A_202 : i32 to index
      %swap3A_239 = arith.constant 80 : index
      %swap3A_240 = tpu.vector_load %arg8[%swap3A_238, %swap3A_239] {strides = array<i32>} : memref<80x128xf32, #tpu.memory_space<vmem>>, vector<1x16xf32>,
      %swap3A_241 = vector.shape_cast %swap3A_240 : vector<1x16xf32> to vector<16xf32>
      %swap3A_242 = vector.shape_cast %broadcast_in_dim3A_237 : vector<16xf32> to vector<1x16xf32>
      tpu.vector_store %arg8[%swap3A_238, %swap3A_239], %swap3A_242 {strides = array<i32>} : memref<80x128xf32, #tpu.memory_space<vmem>>, vector<1x16xf32>,
      %broadcast_in_dim3A_243 = arith.constant 0.000000e+00 : f32
      %broadcast_in_dim3A_244 = vector.broadcast %broadcast_in_dim3A_243 : f32 to vector<16xf32>
      %swap3A_245 = arith.index_cast %scan3A_202 : i32 to index
      %swap3A_246 = arith.constant 96 : index
      %swap3A_247 = tpu.vector_load %arg8[%swap3A_245, %swap3A_246] {strides = array<i32>} : memref<80x128xf32, #tpu.memory_space<vmem>>, vector<1x16xf32>,
      %swap3A_248 = vector.shape_cast %swap3A_247 : vector<1x16xf32> to vector<16xf32>
      %swap3A_249 = vector.shape_cast %broadcast_in_dim3A_244 : vector<16xf32> to vector<1x16xf32>
      tpu.vector_store %arg8[%swap3A_245, %swap3A_246], %swap3A_249 {strides = array<i32>} : memref<80x128xf32, #tpu.memory_space<vmem>>, vector<1x16xf32>,
      %broadcast_in_dim3A_250 = arith.constant 0.000000e+00 : f32
      %broadcast_in_dim3A_251 = vector.broadcast %broadcast_in_dim3A_250 : f32 to vector<16xf32>
      %swap3A_252 = arith.index_cast %scan3A_202 : i32 to index
      %swap3A_253 = arith.constant 112 : index
      %swap3A_254 = tpu.vector_load %arg8[%swap3A_252, %swap3A_253] {strides = array<i32>} : memref<80x128xf32, #tpu.memory_space<vmem>>, vector<1x16xf32>,
      %swap3A_255 = vector.shape_cast %swap3A_254 : vector<1x16xf32> to vector<16xf32>
      %swap3A_256 = vector.shape_cast %broadcast_in_dim3A_251 : vector<16xf32> to vector<1x16xf32>
      tpu.vector_store %arg8[%swap3A_252, %swap3A_253], %swap3A_256 {strides = array<i32>} : memref<80x128xf32, #tpu.memory_space<vmem>>, vector<1x16xf32>,
    }
    %scan3A_6 = arith.constant 80 : i32
    %mul3A_7 = arith.constant 640 : i32
    %mul3A_8 = arith.muli %arg1, %mul3A_7 : i32
    %add3A = arith.constant 0 : i32
    %add3A_9 = arith.addi %mul3A_8, %add3A : i32
    "tpu.region"() ({
      %run_scoped3A = tpu.sem_alloc : memref<!tpu.dma_semaphore, #tpu.memory_space<semaphore_mem>>
      %dma_start3A_202 = arith.constant 0 : i32
      %dma_start3A_203 = tpu.memref_slice %arg10[%add3A_9, %dma_start3A_202] : memref<10000x128xf32, #tpu.memory_space<vmem_shared>> -> memref<80x128xf32, #tpu.memory_space<vmem_shared>>
      %dma_start3A_204 = arith.constant 0 : i32
      %dma_start3A_205 = tpu.memref_slice %arg10[%add3A_9, %dma_start3A_204] : memref<10000x128xf32, #tpu.memory_space<vmem_shared>> -> memref<80x128xf32, #tpu.memory_space<vmem_shared>>
      tpu.enqueue_dma source(%arg8 : memref<80x128xf32, #tpu.memory_space<vmem>>) target(%dma_start3A_205 : memref<80x128xf32, #tpu.memory_space<vmem_shared>>) target_semaphore(%run_scoped3A : memref<!tpu.dma_semaphore, #tpu.memory_space<semaphore_mem>>)
      %dma_wait3A_206 = arith.constant 0 : i32
      %dma_wait3A_207 = tpu.memref_slice %arg10[%add3A_9, %dma_wait3A_206] : memref<10000x128xf32, #tpu.memory_space<vmem_shared>> -> memref<80x128xf32, #tpu.memory_space<vmem_shared>>
      %dma_wait3A_208 = arith.constant 0 : i32
      %dma_wait3A_209 = tpu.memref_slice %arg10[%add3A_9, %dma_wait3A_208] : memref<10000x128xf32, #tpu.memory_space<vmem_shared>> -> memref<80x128xf32, #tpu.memory_space<vmem_shared>>
      tpu.wait_dma2 semaphore(%run_scoped3A : memref<!tpu.dma_semaphore, #tpu.memory_space<semaphore_mem>>) src(%arg8 : memref<80x128xf32, #tpu.memory_space<vmem>>) dst(%dma_wait3A_209 : memref<80x128xf32, #tpu.memory_space<vmem_shared>>)
      tpu.yield
    }) : () -> ()
    %mul3A_10 = arith.constant 640 : i32
    %mul3A_11 = arith.muli %arg1, %mul3A_10 : i32
    %add3A_12 = arith.constant 80 : i32
    %add3A_13 = arith.addi %mul3A_11, %add3A_12 : i32
    "tpu.region"() ({
      %run_scoped3A = tpu.sem_alloc : memref<!tpu.dma_semaphore, #tpu.memory_space<semaphore_mem>>
      %dma_start3A_202 = arith.constant 0 : i32
      %dma_start3A_203 = tpu.memref_slice %arg10[%add3A_13, %dma_start3A_202] : memref<10000x128xf32, #tpu.memory_space<vmem_shared>> -> memref<80x128xf32, #tpu.memory_space<vmem_shared>>
      %dma_start3A_204 = arith.constant 0 : i32
      %dma_start3A_205 = tpu.memref_slice %arg10[%add3A_13, %dma_start3A_204] : memref<10000x128xf32, #tpu.memory_space<vmem_shared>> -> memref<80x128xf32, #tpu.memory_space<vmem_shared>>
      tpu.enqueue_dma source(%arg8 : memref<80x128xf32, #tpu.memory_space<vmem>>) target(%dma_start3A_205 : memref<80x128xf32, #tpu.memory_space<vmem_shared>>) target_semaphore(%run_scoped3A : memref<!tpu.dma_semaphore, #tpu.memory_space<semaphore_mem>>)
      %dma_wait3A_206 = arith.constant 0 : i32
      %dma_wait3A_207 = tpu.memref_slice %arg10[%add3A_13, %dma_wait3A_206] : memref<10000x128xf32, #tpu.memory_space<vmem_shared>> -> memref<80x128xf32, #tpu.memory_space<vmem_shared>>
      %dma_wait3A_208 = arith.constant 0 : i32
      %dma_wait3A_209 = tpu.memref_slice %arg10[%add3A_13, %dma_wait3A_208] : memref<10000x128xf32, #tpu.memory_space<vmem_shared>> -> memref<80x128xf32, #tpu.memory_space<vmem_shared>>
      tpu.wait_dma2 semaphore(%run_scoped3A : memref<!tpu.dma_semaphore, #tpu.memory_space<semaphore_mem>>) src(%arg8 : memref<80x128xf32, #tpu.memory_space<vmem>>) dst(%dma_wait3A_209 : memref<80x128xf32, #tpu.memory_space<vmem_shared>>)
      tpu.yield
    }) : () -> ()
    %mul3A_14 = arith.constant 640 : i32
    %mul3A_15 = arith.muli %arg1, %mul3A_14 : i32
    %add3A_16 = arith.constant 160 : i32
    %add3A_17 = arith.addi %mul3A_15, %add3A_16 : i32
    "tpu.region"() ({
      %run_scoped3A = tpu.sem_alloc : memref<!tpu.dma_semaphore, #tpu.memory_space<semaphore_mem>>
      %dma_start3A_202 = arith.constant 0 : i32
      %dma_start3A_203 = tpu.memref_slice %arg10[%add3A_17, %dma_start3A_202] : memref<10000x128xf32, #tpu.memory_space<vmem_shared>> -> memref<80x128xf32, #tpu.memory_space<vmem_shared>>
      %dma_start3A_204 = arith.constant 0 : i32
      %dma_start3A_205 = tpu.memref_slice %arg10[%add3A_17, %dma_start3A_204] : memref<10000x128xf32, #tpu.memory_space<vmem_shared>> -> memref<80x128xf32, #tpu.memory_space<vmem_shared>>
      tpu.enqueue_dma source(%arg8 : memref<80x128xf32, #tpu.memory_space<vmem>>) target(%dma_start3A_205 : memref<80x128xf32, #tpu.memory_space<vmem_shared>>) target_semaphore(%run_scoped3A : memref<!tpu.dma_semaphore, #tpu.memory_space<semaphore_mem>>)
      %dma_wait3A_206 = arith.constant 0 : i32
      %dma_wait3A_207 = tpu.memref_slice %arg10[%add3A_17, %dma_wait3A_206] : memref<10000x128xf32, #tpu.memory_space<vmem_shared>> -> memref<80x128xf32, #tpu.memory_space<vmem_shared>>
      %dma_wait3A_208 = arith.constant 0 : i32
      %dma_wait3A_209 = tpu.memref_slice %arg10[%add3A_17, %dma_wait3A_208] : memref<10000x128xf32, #tpu.memory_space<vmem_shared>> -> memref<80x128xf32, #tpu.memory_space<vmem_shared>>
      tpu.wait_dma2 semaphore(%run_scoped3A : memref<!tpu.dma_semaphore, #tpu.memory_space<semaphore_mem>>) src(%arg8 : memref<80x128xf32, #tpu.memory_space<vmem>>) dst(%dma_wait3A_209 : memref<80x128xf32, #tpu.memory_space<vmem_shared>>)
      tpu.yield
    }) : () -> ()
    %mul3A_18 = arith.constant 640 : i32
    %mul3A_19 = arith.muli %arg1, %mul3A_18 : i32
    %add3A_20 = arith.constant 240 : i32
    %add3A_21 = arith.addi %mul3A_19, %add3A_20 : i32
    "tpu.region"() ({
      %run_scoped3A = tpu.sem_alloc : memref<!tpu.dma_semaphore, #tpu.memory_space<semaphore_mem>>
      %dma_start3A_202 = arith.constant 0 : i32
      %dma_start3A_203 = tpu.memref_slice %arg10[%add3A_21, %dma_start3A_202] : memref<10000x128xf32, #tpu.memory_space<vmem_shared>> -> memref<80x128xf32, #tpu.memory_space<vmem_shared>>
      %dma_start3A_204 = arith.constant 0 : i32
      %dma_start3A_205 = tpu.memref_slice %arg10[%add3A_21, %dma_start3A_204] : memref<10000x128xf32, #tpu.memory_space<vmem_shared>> -> memref<80x128xf32, #tpu.memory_space<vmem_shared>>
      tpu.enqueue_dma source(%arg8 : memref<80x128xf32, #tpu.memory_space<vmem>>) target(%dma_start3A_205 : memref<80x128xf32, #tpu.memory_space<vmem_shared>>) target_semaphore(%run_scoped3A : memref<!tpu.dma_semaphore, #tpu.memory_space<semaphore_mem>>)
      %dma_wait3A_206 = arith.constant 0 : i32
      %dma_wait3A_207 = tpu.memref_slice %arg10[%add3A_21, %dma_wait3A_206] : memref<10000x128xf32, #tpu.memory_space<vmem_shared>> -> memref<80x128xf32, #tpu.memory_space<vmem_shared>>
      %dma_wait3A_208 = arith.constant 0 : i32
      %dma_wait3A_209 = tpu.memref_slice %arg10[%add3A_21, %dma_wait3A_208] : memref<10000x128xf32, #tpu.memory_space<vmem_shared>> -> memref<80x128xf32, #tpu.memory_space<vmem_shared>>
      tpu.wait_dma2 semaphore(%run_scoped3A : memref<!tpu.dma_semaphore, #tpu.memory_space<semaphore_mem>>) src(%arg8 : memref<80x128xf32, #tpu.memory_space<vmem>>) dst(%dma_wait3A_209 : memref<80x128xf32, #tpu.memory_space<vmem_shared>>)
      tpu.yield
    }) : () -> ()
    %mul3A_22 = arith.constant 640 : i32
    %mul3A_23 = arith.muli %arg1, %mul3A_22 : i32
    %add3A_24 = arith.constant 320 : i32
    %add3A_25 = arith.addi %mul3A_23, %add3A_24 : i32
    "tpu.region"() ({
      %run_scoped3A = tpu.sem_alloc : memref<!tpu.dma_semaphore, #tpu.memory_space<semaphore_mem>>
      %dma_start3A_202 = arith.constant 0 : i32
      %dma_start3A_203 = tpu.memref_slice %arg10[%add3A_25, %dma_start3A_202] : memref<10000x128xf32, #tpu.memory_space<vmem_shared>> -> memref<80x128xf32, #tpu.memory_space<vmem_shared>>
      %dma_start3A_204 = arith.constant 0 : i32
      %dma_start3A_205 = tpu.memref_slice %arg10[%add3A_25, %dma_start3A_204] : memref<10000x128xf32, #tpu.memory_space<vmem_shared>> -> memref<80x128xf32, #tpu.memory_space<vmem_shared>>
      tpu.enqueue_dma source(%arg8 : memref<80x128xf32, #tpu.memory_space<vmem>>) target(%dma_start3A_205 : memref<80x128xf32, #tpu.memory_space<vmem_shared>>) target_semaphore(%run_scoped3A : memref<!tpu.dma_semaphore, #tpu.memory_space<semaphore_mem>>)
      %dma_wait3A_206 = arith.constant 0 : i32
      %dma_wait3A_207 = tpu.memref_slice %arg10[%add3A_25, %dma_wait3A_206] : memref<10000x128xf32, #tpu.memory_space<vmem_shared>> -> memref<80x128xf32, #tpu.memory_space<vmem_shared>>
      %dma_wait3A_208 = arith.constant 0 : i32
      %dma_wait3A_209 = tpu.memref_slice %arg10[%add3A_25, %dma_wait3A_208] : memref<10000x128xf32, #tpu.memory_space<vmem_shared>> -> memref<80x128xf32, #tpu.memory_space<vmem_shared>>
      tpu.wait_dma2 semaphore(%run_scoped3A : memref<!tpu.dma_semaphore, #tpu.memory_space<semaphore_mem>>) src(%arg8 : memref<80x128xf32, #tpu.memory_space<vmem>>) dst(%dma_wait3A_209 : memref<80x128xf32, #tpu.memory_space<vmem_shared>>)
      tpu.yield
    }) : () -> ()
    %mul3A_26 = arith.constant 640 : i32
    %mul3A_27 = arith.muli %arg1, %mul3A_26 : i32
    %add3A_28 = arith.constant 400 : i32
    %add3A_29 = arith.addi %mul3A_27, %add3A_28 : i32
    %lt3A = arith.constant 15 : i32
    %lt3A_30 = arith.cmpi slt, %arg1, %lt3A : i32
    %convert_element_type3A = arith.extui %lt3A_30 : i1 to i32
    %cond3A = arith.constant 0 : i32
    %cond3A_31 = arith.cmpi ne, %convert_element_type3A, %cond3A : i32
    scf.if %cond3A_31 {
      "tpu.region"() ({
        %run_scoped3A = tpu.sem_alloc : memref<!tpu.dma_semaphore, #tpu.memory_space<semaphore_mem>>
        %dma_start3A_202 = arith.constant 0 : i32
        %dma_start3A_203 = tpu.memref_slice %arg10[%add3A_29, %dma_start3A_202] : memref<10000x128xf32, #tpu.memory_space<vmem_shared>> -> memref<80x128xf32, #tpu.memory_space<vmem_shared>>
        %dma_start3A_204 = arith.constant 0 : i32
        %dma_start3A_205 = tpu.memref_slice %arg10[%add3A_29, %dma_start3A_204] : memref<10000x128xf32, #tpu.memory_space<vmem_shared>> -> memref<80x128xf32, #tpu.memory_space<vmem_shared>>
        tpu.enqueue_dma source(%arg8 : memref<80x128xf32, #tpu.memory_space<vmem>>) target(%dma_start3A_205 : memref<80x128xf32, #tpu.memory_space<vmem_shared>>) target_semaphore(%run_scoped3A : memref<!tpu.dma_semaphore, #tpu.memory_space<semaphore_mem>>)
        %dma_wait3A_206 = arith.constant 0 : i32
        %dma_wait3A_207 = tpu.memref_slice %arg10[%add3A_29, %dma_wait3A_206] : memref<10000x128xf32, #tpu.memory_space<vmem_shared>> -> memref<80x128xf32, #tpu.memory_space<vmem_shared>>
        %dma_wait3A_208 = arith.constant 0 : i32
        %dma_wait3A_209 = tpu.memref_slice %arg10[%add3A_29, %dma_wait3A_208] : memref<10000x128xf32, #tpu.memory_space<vmem_shared>> -> memref<80x128xf32, #tpu.memory_space<vmem_shared>>
        tpu.wait_dma2 semaphore(%run_scoped3A : memref<!tpu.dma_semaphore, #tpu.memory_space<semaphore_mem>>) src(%arg8 : memref<80x128xf32, #tpu.memory_space<vmem>>) dst(%dma_wait3A_209 : memref<80x128xf32, #tpu.memory_space<vmem_shared>>)
        tpu.yield
      }) : () -> ()
    } else {
    }
    %mul3A_32 = arith.constant 640 : i32
    %mul3A_33 = arith.muli %arg1, %mul3A_32 : i32
    %add3A_34 = arith.constant 480 : i32
    %add3A_35 = arith.addi %mul3A_33, %add3A_34 : i32
    %lt3A_36 = arith.constant 15 : i32
    %lt3A_37 = arith.cmpi slt, %arg1, %lt3A_36 : i32
    %convert_element_type3A_38 = arith.extui %lt3A_37 : i1 to i32
    %cond3A_39 = arith.constant 0 : i32
    %cond3A_40 = arith.cmpi ne, %convert_element_type3A_38, %cond3A_39 : i32
    scf.if %cond3A_40 {
      "tpu.region"() ({
        %run_scoped3A = tpu.sem_alloc : memref<!tpu.dma_semaphore, #tpu.memory_space<semaphore_mem>>
        %dma_start3A_202 = arith.constant 0 : i32
        %dma_start3A_203 = tpu.memref_slice %arg10[%add3A_35, %dma_start3A_202] : memref<10000x128xf32, #tpu.memory_space<vmem_shared>> -> memref<80x128xf32, #tpu.memory_space<vmem_shared>>
        %dma_start3A_204 = arith.constant 0 : i32
        %dma_start3A_205 = tpu.memref_slice %arg10[%add3A_35, %dma_start3A_204] : memref<10000x128xf32, #tpu.memory_space<vmem_shared>> -> memref<80x128xf32, #tpu.memory_space<vmem_shared>>
        tpu.enqueue_dma source(%arg8 : memref<80x128xf32, #tpu.memory_space<vmem>>) target(%dma_start3A_205 : memref<80x128xf32, #tpu.memory_space<vmem_shared>>) target_semaphore(%run_scoped3A : memref<!tpu.dma_semaphore, #tpu.memory_space<semaphore_mem>>)
        %dma_wait3A_206 = arith.constant 0 : i32
        %dma_wait3A_207 = tpu.memref_slice %arg10[%add3A_35, %dma_wait3A_206] : memref<10000x128xf32, #tpu.memory_space<vmem_shared>> -> memref<80x128xf32, #tpu.memory_space<vmem_shared>>
        %dma_wait3A_208 = arith.constant 0 : i32
        %dma_wait3A_209 = tpu.memref_slice %arg10[%add3A_35, %dma_wait3A_208] : memref<10000x128xf32, #tpu.memory_space<vmem_shared>> -> memref<80x128xf32, #tpu.memory_space<vmem_shared>>
        tpu.wait_dma2 semaphore(%run_scoped3A : memref<!tpu.dma_semaphore, #tpu.memory_space<semaphore_mem>>) src(%arg8 : memref<80x128xf32, #tpu.memory_space<vmem>>) dst(%dma_wait3A_209 : memref<80x128xf32, #tpu.memory_space<vmem_shared>>)
        tpu.yield
      }) : () -> ()
    } else {
    }
    %mul3A_41 = arith.constant 640 : i32
    %mul3A_42 = arith.muli %arg1, %mul3A_41 : i32
    %add3A_43 = arith.constant 560 : i32
    %add3A_44 = arith.addi %mul3A_42, %add3A_43 : i32
    %lt3A_45 = arith.constant 15 : i32
    %lt3A_46 = arith.cmpi slt, %arg1, %lt3A_45 : i32
    %convert_element_type3A_47 = arith.extui %lt3A_46 : i1 to i32
    %cond3A_48 = arith.constant 0 : i32
    %cond3A_49 = arith.cmpi ne, %convert_element_type3A_47, %cond3A_48 : i32
    scf.if %cond3A_49 {
      "tpu.region"() ({
        %run_scoped3A = tpu.sem_alloc : memref<!tpu.dma_semaphore, #tpu.memory_space<semaphore_mem>>
        %dma_start3A_202 = arith.constant 0 : i32
        %dma_start3A_203 = tpu.memref_slice %arg10[%add3A_44, %dma_start3A_202] : memref<10000x128xf32, #tpu.memory_space<vmem_shared>> -> memref<80x128xf32, #tpu.memory_space<vmem_shared>>
        %dma_start3A_204 = arith.constant 0 : i32
        %dma_start3A_205 = tpu.memref_slice %arg10[%add3A_44, %dma_start3A_204] : memref<10000x128xf32, #tpu.memory_space<vmem_shared>> -> memref<80x128xf32, #tpu.memory_space<vmem_shared>>
        tpu.enqueue_dma source(%arg8 : memref<80x128xf32, #tpu.memory_space<vmem>>) target(%dma_start3A_205 : memref<80x128xf32, #tpu.memory_space<vmem_shared>>) target_semaphore(%run_scoped3A : memref<!tpu.dma_semaphore, #tpu.memory_space<semaphore_mem>>)
        %dma_wait3A_206 = arith.constant 0 : i32
        %dma_wait3A_207 = tpu.memref_slice %arg10[%add3A_44, %dma_wait3A_206] : memref<10000x128xf32, #tpu.memory_space<vmem_shared>> -> memref<80x128xf32, #tpu.memory_space<vmem_shared>>
        %dma_wait3A_208 = arith.constant 0 : i32
        %dma_wait3A_209 = tpu.memref_slice %arg10[%add3A_44, %dma_wait3A_208] : memref<10000x128xf32, #tpu.memory_space<vmem_shared>> -> memref<80x128xf32, #tpu.memory_space<vmem_shared>>
        tpu.wait_dma2 semaphore(%run_scoped3A : memref<!tpu.dma_semaphore, #tpu.memory_space<semaphore_mem>>) src(%arg8 : memref<80x128xf32, #tpu.memory_space<vmem>>) dst(%dma_wait3A_209 : memref<80x128xf32, #tpu.memory_space<vmem_shared>>)
        tpu.yield
      }) : () -> ()
    } else {
    }
    %barrier3A = arith.constant 0 : index
    tpu.barrier barrier_id(%barrier3A)
    %sub3A_50 = arith.constant 1 : i32
    %sub3A_51 = arith.subi %sub3A_50, %sub3A_1 : i32
    %mul3A_52 = arith.constant 320000 : i32
    %mul3A_53 = arith.muli %sub3A_51, %mul3A_52 : i32
    %mul3A_54 = arith.constant 20000 : i32
    %mul3A_55 = arith.muli %arg1, %mul3A_54 : i32
    %add3A_56 = arith.addi %mul3A_53, %mul3A_55 : i32
    %mul3A_57 = arith.constant 320000 : i32
    %mul3A_58 = arith.muli %sub3A_1, %mul3A_57 : i32
    %mul3A_59 = arith.constant 20000 : i32
    %mul3A_60 = arith.muli %arg1, %mul3A_59 : i32
    %add3A_61 = arith.addi %mul3A_58, %mul3A_60 : i32
    %add3A_62 = arith.constant 0 : i32
    %add3A_63 = arith.addi %add3A_61, %add3A_62 : i32
    "tpu.region"() ({
      %run_scoped3A = tpu.sem_alloc : memref<!tpu.dma_semaphore, #tpu.memory_space<semaphore_mem>>
      %dma_start3A_202 = tpu.memref_slice %arg2[%add3A_63] : memref<640000xi32, #tpu.memory_space<hbm>> -> memref<10000xi32, #tpu.memory_space<hbm>>
      %dma_start3A_203 = tpu.memref_slice %arg2[%add3A_63] : memref<640000xi32, #tpu.memory_space<hbm>> -> memref<10000xi32, #tpu.memory_space<hbm>>
      tpu.enqueue_dma source(%dma_start3A_203 : memref<10000xi32, #tpu.memory_space<hbm>>) target(%arg5 : memref<10000xi32, #tpu.memory_space<vmem>>) target_semaphore(%run_scoped3A : memref<!tpu.dma_semaphore, #tpu.memory_space<semaphore_mem>>)
      %dma_wait3A_204 = tpu.memref_slice %arg2[%add3A_63] : memref<640000xi32, #tpu.memory_space<hbm>> -> memref<10000xi32, #tpu.memory_space<hbm>>
      %dma_wait3A_205 = tpu.memref_slice %arg2[%add3A_63] : memref<640000xi32, #tpu.memory_space<hbm>> -> memref<10000xi32, #tpu.memory_space<hbm>>
      tpu.wait_dma2 semaphore(%run_scoped3A : memref<!tpu.dma_semaphore, #tpu.memory_space<semaphore_mem>>) src(%dma_wait3A_205 : memref<10000xi32, #tpu.memory_space<hbm>>) dst(%arg5 : memref<10000xi32, #tpu.memory_space<vmem>>)
      tpu.yield
    }) : () -> ()
    %scan3A_64 = arith.constant 0 : i32
    %scan3A_65 = arith.constant 0 : i32
    %scan3A_66 = arith.constant 625 : i32
    %scan3A_67 = arith.addi %scan3A_65, %scan3A_66 : i32
    %scan3A_68 = arith.constant 1 : i32
    scf.for %scan3A_202 = %scan3A_65 to %scan3A_67 step %scan3A_68  : i32 {
      %mul3A_203 = arith.constant 16 : i32
      %mul3A_204 = arith.muli %scan3A_202, %mul3A_203 : i32
      %get3A = arith.index_cast %mul3A_204 : i32 to index
      %get3A_205 = tpu.vector_load %arg5[%get3A] {strides = array<i32>} : memref<10000xi32, #tpu.memory_space<vmem>>, vector<16xi32>,
      %get3A_206 = vector.shape_cast %get3A_205 : vector<16xi32> to vector<16xi32>
      %add3A_207 = vector.broadcast %mul3A_0 : i32 to vector<16xi32>
      %add3A_208 = arith.addi %get3A_206, %add3A_207 : vector<16xi32>
      %mul3A_209 = arith.constant 16 : i32
      %mul3A_210 = arith.muli %scan3A_202, %mul3A_209 : i32
      %swap3A = arith.index_cast %mul3A_210 : i32 to index
      %swap3A_211 = tpu.vector_load %arg5[%swap3A] {strides = array<i32>} : memref<10000xi32, #tpu.memory_space<vmem>>, vector<16xi32>,
      %swap3A_212 = vector.shape_cast %swap3A_211 : vector<16xi32> to vector<16xi32>
      %swap3A_213 = vector.shape_cast %add3A_208 : vector<16xi32> to vector<16xi32>
      tpu.vector_store %arg5[%swap3A], %swap3A_213 {strides = array<i32>} : memref<10000xi32, #tpu.memory_space<vmem>>, vector<16xi32>,
    }
    %scan3A_69 = arith.constant 625 : i32
    %add3A_70 = arith.constant 0 : i32
    %add3A_71 = arith.addi %add3A_56, %add3A_70 : i32
    %dma_start3A = tpu.memref_slice %arg2[%add3A_71] : memref<640000xi32, #tpu.memory_space<hbm>> -> memref<80xi32, #tpu.memory_space<hbm>>
    %dma_start3A_72 = tpu.memref_slice %arg2[%add3A_71] : memref<640000xi32, #tpu.memory_space<hbm>> -> memref<80xi32, #tpu.memory_space<hbm>>
    tpu.enqueue_dma source(%dma_start3A_72 : memref<80xi32, #tpu.memory_space<hbm>>) target(%arg6 : memref<80xi32, #tpu.memory_space<vmem>>) target_semaphore(%arg13 : memref<!tpu.dma_semaphore, #tpu.memory_space<semaphore_mem>>)
    %dma_start3A_73 = arith.constant 0 : i32
    %dma_start3A_74 = tpu.memref_slice %arg5[%dma_start3A_73] : memref<10000xi32, #tpu.memory_space<vmem>> -> memref<80xi32, #tpu.memory_space<vmem>>
    %dma_start3A_75 = arith.constant 0 : i32
    %dma_start3A_76 = arith.constant 0 : i32
    %dma_start3A_77 = tpu.memref_slice %arg3[%dma_start3A_75, %dma_start3A_76] : memref<20000x128xf32, #tpu.memory_space<hbm>> -> memref<20000x128xf32, #tpu.memory_space<hbm>>
    tpu.enqueue_indirect_dma source(%dma_start3A_77 : memref<20000x128xf32, #tpu.memory_space<hbm>>) target(%arg8 : memref<80x128xf32, #tpu.memory_space<vmem>>) offsets(%dma_start3A_74 : memref<80xi32, #tpu.memory_space<vmem>>) semaphore(%arg11 : memref<!tpu.dma_semaphore, #tpu.memory_space<semaphore_mem>>)
    %add3A_78 = arith.constant 80 : i32
    %add3A_79 = arith.addi %add3A_56, %add3A_78 : i32
    %dma_start3A_80 = tpu.memref_slice %arg2[%add3A_79] : memref<640000xi32, #tpu.memory_space<hbm>> -> memref<80xi32, #tpu.memory_space<hbm>>
    %dma_start3A_81 = tpu.memref_slice %arg2[%add3A_79] : memref<640000xi32, #tpu.memory_space<hbm>> -> memref<80xi32, #tpu.memory_space<hbm>>
    tpu.enqueue_dma source(%dma_start3A_81 : memref<80xi32, #tpu.memory_space<hbm>>) target(%arg7 : memref<80xi32, #tpu.memory_space<vmem>>) target_semaphore(%arg14 : memref<!tpu.dma_semaphore, #tpu.memory_space<semaphore_mem>>)
    %dma_start3A_82 = arith.constant 80 : i32
    %dma_start3A_83 = tpu.memref_slice %arg5[%dma_start3A_82] : memref<10000xi32, #tpu.memory_space<vmem>> -> memref<80xi32, #tpu.memory_space<vmem>>
    %dma_start3A_84 = arith.constant 0 : i32
    %dma_start3A_85 = arith.constant 0 : i32
    %dma_start3A_86 = tpu.memref_slice %arg3[%dma_start3A_84, %dma_start3A_85] : memref<20000x128xf32, #tpu.memory_space<hbm>> -> memref<20000x128xf32, #tpu.memory_space<hbm>>
    tpu.enqueue_indirect_dma source(%dma_start3A_86 : memref<20000x128xf32, #tpu.memory_space<hbm>>) target(%arg9 : memref<80x128xf32, #tpu.memory_space<vmem>>) offsets(%dma_start3A_83 : memref<80xi32, #tpu.memory_space<vmem>>) semaphore(%arg12 : memref<!tpu.dma_semaphore, #tpu.memory_space<semaphore_mem>>)
    %scan3A_87 = arith.constant 0 : i32
    %scan3A_88 = arith.constant 0 : i32
    %scan3A_89 = arith.constant 62 : i32
    %scan3A_90 = arith.addi %scan3A_88, %scan3A_89 : i32
    %scan3A_91 = arith.constant 1 : i32
    scf.for %scan3A_202 = %scan3A_88 to %scan3A_90 step %scan3A_91  : i32 {
      %mul3A_203 = arith.constant 2 : i32
      %mul3A_204 = arith.muli %scan3A_202, %mul3A_203 : i32
      %add3A_205 = arith.constant 0 : i32
      %add3A_206 = arith.addi %mul3A_204, %add3A_205 : i32
      %dma_wait3A_207 = arith.constant 0 : i32
      %dma_wait3A_208 = arith.constant 0 : i32
      %dma_wait3A_209 = tpu.memref_slice %arg3[%dma_wait3A_207, %dma_wait3A_208] : memref<20000x128xf32, #tpu.memory_space<hbm>> -> memref<80x128xf32, #tpu.memory_space<hbm>>
      %dma_wait3A_210 = arith.constant 0 : i32
      %dma_wait3A_211 = arith.constant 0 : i32
      %dma_wait3A_212 = tpu.memref_slice %arg3[%dma_wait3A_210, %dma_wait3A_211] : memref<20000x128xf32, #tpu.memory_space<hbm>> -> memref<80x128xf32, #tpu.memory_space<hbm>>
      tpu.wait_dma2 semaphore(%arg11 : memref<!tpu.dma_semaphore, #tpu.memory_space<semaphore_mem>>) src(%dma_wait3A_212 : memref<80x128xf32, #tpu.memory_space<hbm>>) dst(%arg8 : memref<80x128xf32, #tpu.memory_space<vmem>>)
      %dma_wait3A_213 = arith.constant 0 : i32
      %dma_wait3A_214 = tpu.memref_slice %arg2[%dma_wait3A_213] : memref<640000xi32, #tpu.memory_space<hbm>> -> memref<80xi32, #tpu.memory_space<hbm>>
      %dma_wait3A_215 = arith.constant 0 : i32
      %dma_wait3A_216 = tpu.memref_slice %arg2[%dma_wait3A_215] : memref<640000xi32, #tpu.memory_space<hbm>> -> memref<80xi32, #tpu.memory_space<hbm>>
      tpu.wait_dma2 semaphore(%arg13 : memref<!tpu.dma_semaphore, #tpu.memory_space<semaphore_mem>>) src(%dma_wait3A_216 : memref<80xi32, #tpu.memory_space<hbm>>) dst(%arg6 : memref<80xi32, #tpu.memory_space<vmem>>)
      "tpu.region"() ({
        %run_scoped3A = tpu.sem_alloc : memref<!tpu.dma_semaphore, #tpu.memory_space<semaphore_mem>>
        %dma_start3A_245 = arith.constant 0 : i32
        %dma_start3A_246 = arith.constant 0 : i32
        %dma_start3A_247 = tpu.memref_slice %arg10[%dma_start3A_245, %dma_start3A_246] : memref<10000x128xf32, #tpu.memory_space<vmem_shared>> -> memref<10000x128xf32, #tpu.memory_space<vmem_shared>>
        tpu.enqueue_indirect_dma source(%arg8 : memref<80x128xf32, #tpu.memory_space<vmem>>) target(%dma_start3A_247 : memref<10000x128xf32, #tpu.memory_space<vmem_shared>>) offsets(%arg6 : memref<80xi32, #tpu.memory_space<vmem>>) semaphore(%run_scoped3A : memref<!tpu.dma_semaphore, #tpu.memory_space<semaphore_mem>>) {add = true}
        %dma_wait3A_248 = arith.constant 0 : i32
        %dma_wait3A_249 = arith.constant 0 : i32
        %dma_wait3A_250 = tpu.memref_slice %arg10[%dma_wait3A_248, %dma_wait3A_249] : memref<10000x128xf32, #tpu.memory_space<vmem_shared>> -> memref<10000x128xf32, #tpu.memory_space<vmem_shared>>
        tpu.wait_indirect_dma semaphore(%run_scoped3A : memref<!tpu.dma_semaphore, #tpu.memory_space<semaphore_mem>>) src(%arg8 : memref<80x128xf32, #tpu.memory_space<vmem>>) dst(%dma_wait3A_250 : memref<10000x128xf32, #tpu.memory_space<vmem_shared>>)
        tpu.yield
      }) : () -> ()
      %add3A_217 = arith.constant 2 : i32
      %add3A_218 = arith.addi %add3A_206, %add3A_217 : i32
      %lt3A_219 = arith.constant 125 : i32
      %lt3A_220 = arith.cmpi slt, %add3A_218, %lt3A_219 : i32
      %convert_element_type3A_221 = arith.extui %lt3A_220 : i1 to i32
      %cond3A_222 = arith.constant 0 : i32
      %cond3A_223 = arith.cmpi ne, %convert_element_type3A_221, %cond3A_222 : i32
      scf.if %cond3A_223 {
        %add3A_245 = arith.constant 0 : i32
        %add3A_246 = arith.addi %add3A_245, %add3A_206 : i32
        %add3A_247 = arith.constant 2 : i32
        %add3A_248 = arith.addi %add3A_246, %add3A_247 : i32
        %mul3A_249 = arith.constant 80 : i32
        %mul3A_250 = arith.muli %add3A_248, %mul3A_249 : i32
        %add3A_251 = arith.addi %add3A_56, %mul3A_250 : i32
        %dma_start3A_252 = tpu.memref_slice %arg2[%add3A_251] : memref<640000xi32, #tpu.memory_space<hbm>> -> memref<80xi32, #tpu.memory_space<hbm>>
        %dma_start3A_253 = tpu.memref_slice %arg2[%add3A_251] : memref<640000xi32, #tpu.memory_space<hbm>> -> memref<80xi32, #tpu.memory_space<hbm>>
        tpu.enqueue_dma source(%dma_start3A_253 : memref<80xi32, #tpu.memory_space<hbm>>) target(%arg6 : memref<80xi32, #tpu.memory_space<vmem>>) target_semaphore(%arg13 : memref<!tpu.dma_semaphore, #tpu.memory_space<semaphore_mem>>)
        %add3A_254 = arith.constant 2 : i32
        %add3A_255 = arith.addi %add3A_206, %add3A_254 : i32
        %mul3A_256 = arith.constant 80 : i32
        %mul3A_257 = arith.muli %add3A_255, %mul3A_256 : i32
        %dma_start3A_258 = tpu.memref_slice %arg5[%mul3A_257] : memref<10000xi32, #tpu.memory_space<vmem>> -> memref<80xi32, #tpu.memory_space<vmem>>
        %dma_start3A_259 = arith.constant 0 : i32
        %dma_start3A_260 = arith.constant 0 : i32
        %dma_start3A_261 = tpu.memref_slice %arg3[%dma_start3A_259, %dma_start3A_260] : memref<20000x128xf32, #tpu.memory_space<hbm>> -> memref<20000x128xf32, #tpu.memory_space<hbm>>
        tpu.enqueue_indirect_dma source(%dma_start3A_261 : memref<20000x128xf32, #tpu.memory_space<hbm>>) target(%arg8 : memref<80x128xf32, #tpu.memory_space<vmem>>) offsets(%dma_start3A_258 : memref<80xi32, #tpu.memory_space<vmem>>) semaphore(%arg11 : memref<!tpu.dma_semaphore, #tpu.memory_space<semaphore_mem>>)
      } else {
      }
      %mul3A_224 = arith.constant 2 : i32
      %mul3A_225 = arith.muli %scan3A_202, %mul3A_224 : i32
      %add3A_226 = arith.constant 1 : i32
      %add3A_227 = arith.addi %mul3A_225, %add3A_226 : i32
      %dma_wait3A_228 = arith.constant 0 : i32
      %dma_wait3A_229 = arith.constant 0 : i32
      %dma_wait3A_230 = tpu.memref_slice %arg3[%dma_wait3A_228, %dma_wait3A_229] : memref<20000x128xf32, #tpu.memory_space<hbm>> -> memref<80x128xf32, #tpu.memory_space<hbm>>
      %dma_wait3A_231 = arith.constant 0 : i32
      %dma_wait3A_232 = arith.constant 0 : i32
      %dma_wait3A_233 = tpu.memref_slice %arg3[%dma_wait3A_231, %dma_wait3A_232] : memref<20000x128xf32, #tpu.memory_space<hbm>> -> memref<80x128xf32, #tpu.memory_space<hbm>>
      tpu.wait_dma2 semaphore(%arg12 : memref<!tpu.dma_semaphore, #tpu.memory_space<semaphore_mem>>) src(%dma_wait3A_233 : memref<80x128xf32, #tpu.memory_space<hbm>>) dst(%arg9 : memref<80x128xf32, #tpu.memory_space<vmem>>)
      %dma_wait3A_234 = arith.constant 0 : i32
      %dma_wait3A_235 = tpu.memref_slice %arg2[%dma_wait3A_234] : memref<640000xi32, #tpu.memory_space<hbm>> -> memref<80xi32, #tpu.memory_space<hbm>>
      %dma_wait3A_236 = arith.constant 0 : i32
      %dma_wait3A_237 = tpu.memref_slice %arg2[%dma_wait3A_236] : memref<640000xi32, #tpu.memory_space<hbm>> -> memref<80xi32, #tpu.memory_space<hbm>>
      tpu.wait_dma2 semaphore(%arg14 : memref<!tpu.dma_semaphore, #tpu.memory_space<semaphore_mem>>) src(%dma_wait3A_237 : memref<80xi32, #tpu.memory_space<hbm>>) dst(%arg7 : memref<80xi32, #tpu.memory_space<vmem>>)
      "tpu.region"() ({
        %run_scoped3A = tpu.sem_alloc : memref<!tpu.dma_semaphore, #tpu.memory_space<semaphore_mem>>
        %dma_start3A_245 = arith.constant 0 : i32
        %dma_start3A_246 = arith.constant 0 : i32
        %dma_start3A_247 = tpu.memref_slice %arg10[%dma_start3A_245, %dma_start3A_246] : memref<10000x128xf32, #tpu.memory_space<vmem_shared>> -> memref<10000x128xf32, #tpu.memory_space<vmem_shared>>
        tpu.enqueue_indirect_dma source(%arg9 : memref<80x128xf32, #tpu.memory_space<vmem>>) target(%dma_start3A_247 : memref<10000x128xf32, #tpu.memory_space<vmem_shared>>) offsets(%arg7 : memref<80xi32, #tpu.memory_space<vmem>>) semaphore(%run_scoped3A : memref<!tpu.dma_semaphore, #tpu.memory_space<semaphore_mem>>) {add = true}
        %dma_wait3A_248 = arith.constant 0 : i32
        %dma_wait3A_249 = arith.constant 0 : i32
        %dma_wait3A_250 = tpu.memref_slice %arg10[%dma_wait3A_248, %dma_wait3A_249] : memref<10000x128xf32, #tpu.memory_space<vmem_shared>> -> memref<10000x128xf32, #tpu.memory_space<vmem_shared>>
        tpu.wait_indirect_dma semaphore(%run_scoped3A : memref<!tpu.dma_semaphore, #tpu.memory_space<semaphore_mem>>) src(%arg9 : memref<80x128xf32, #tpu.memory_space<vmem>>) dst(%dma_wait3A_250 : memref<10000x128xf32, #tpu.memory_space<vmem_shared>>)
        tpu.yield
      }) : () -> ()
      %add3A_238 = arith.constant 2 : i32
      %add3A_239 = arith.addi %add3A_227, %add3A_238 : i32
      %lt3A_240 = arith.constant 125 : i32
      %lt3A_241 = arith.cmpi slt, %add3A_239, %lt3A_240 : i32
      %convert_element_type3A_242 = arith.extui %lt3A_241 : i1 to i32
      %cond3A_243 = arith.constant 0 : i32
      %cond3A_244 = arith.cmpi ne, %convert_element_type3A_242, %cond3A_243 : i32
      scf.if %cond3A_244 {
        %add3A_245 = arith.constant 0 : i32
        %add3A_246 = arith.addi %add3A_245, %add3A_227 : i32
        %add3A_247 = arith.constant 2 : i32
        %add3A_248 = arith.addi %add3A_246, %add3A_247 : i32
        %mul3A_249 = arith.constant 80 : i32
        %mul3A_250 = arith.muli %add3A_248, %mul3A_249 : i32
        %add3A_251 = arith.addi %add3A_56, %mul3A_250 : i32
        %dma_start3A_252 = tpu.memref_slice %arg2[%add3A_251] : memref<640000xi32, #tpu.memory_space<hbm>> -> memref<80xi32, #tpu.memory_space<hbm>>
        %dma_start3A_253 = tpu.memref_slice %arg2[%add3A_251] : memref<640000xi32, #tpu.memory_space<hbm>> -> memref<80xi32, #tpu.memory_space<hbm>>
        tpu.enqueue_dma source(%dma_start3A_253 : memref<80xi32, #tpu.memory_space<hbm>>) target(%arg7 : memref<80xi32, #tpu.memory_space<vmem>>) target_semaphore(%arg14 : memref<!tpu.dma_semaphore, #tpu.memory_space<semaphore_mem>>)
        %add3A_254 = arith.constant 2 : i32
        %add3A_255 = arith.addi %add3A_227, %add3A_254 : i32
        %mul3A_256 = arith.constant 80 : i32
        %mul3A_257 = arith.muli %add3A_255, %mul3A_256 : i32
        %dma_start3A_258 = tpu.memref_slice %arg5[%mul3A_257] : memref<10000xi32, #tpu.memory_space<vmem>> -> memref<80xi32, #tpu.memory_space<vmem>>
        %dma_start3A_259 = arith.constant 0 : i32
        %dma_start3A_260 = arith.constant 0 : i32
        %dma_start3A_261 = tpu.memref_slice %arg3[%dma_start3A_259, %dma_start3A_260] : memref<20000x128xf32, #tpu.memory_space<hbm>> -> memref<20000x128xf32, #tpu.memory_space<hbm>>
        tpu.enqueue_indirect_dma source(%dma_start3A_261 : memref<20000x128xf32, #tpu.memory_space<hbm>>) target(%arg9 : memref<80x128xf32, #tpu.memory_space<vmem>>) offsets(%dma_start3A_258 : memref<80xi32, #tpu.memory_space<vmem>>) semaphore(%arg12 : memref<!tpu.dma_semaphore, #tpu.memory_space<semaphore_mem>>)
      } else {
      }
    }
    %scan3A_92 = arith.constant 62 : i32
    %dma_wait3A = arith.constant 0 : i32
    %dma_wait3A_93 = arith.constant 0 : i32
    %dma_wait3A_94 = tpu.memref_slice %arg3[%dma_wait3A, %dma_wait3A_93] : memref<20000x128xf32, #tpu.memory_space<hbm>> -> memref<80x128xf32, #tpu.memory_space<hbm>>
    %dma_wait3A_95 = arith.constant 0 : i32
    %dma_wait3A_96 = arith.constant 0 : i32
    %dma_wait3A_97 = tpu.memref_slice %arg3[%dma_wait3A_95, %dma_wait3A_96] : memref<20000x128xf32, #tpu.memory_space<hbm>> -> memref<80x128xf32, #tpu.memory_space<hbm>>
    tpu.wait_dma2 semaphore(%arg11 : memref<!tpu.dma_semaphore, #tpu.memory_space<semaphore_mem>>) src(%dma_wait3A_97 : memref<80x128xf32, #tpu.memory_space<hbm>>) dst(%arg8 : memref<80x128xf32, #tpu.memory_space<vmem>>)
    %dma_wait3A_98 = arith.constant 0 : i32
    %dma_wait3A_99 = tpu.memref_slice %arg2[%dma_wait3A_98] : memref<640000xi32, #tpu.memory_space<hbm>> -> memref<80xi32, #tpu.memory_space<hbm>>
    %dma_wait3A_100 = arith.constant 0 : i32
    %dma_wait3A_101 = tpu.memref_slice %arg2[%dma_wait3A_100] : memref<640000xi32, #tpu.memory_space<hbm>> -> memref<80xi32, #tpu.memory_space<hbm>>
    tpu.wait_dma2 semaphore(%arg13 : memref<!tpu.dma_semaphore, #tpu.memory_space<semaphore_mem>>) src(%dma_wait3A_101 : memref<80xi32, #tpu.memory_space<hbm>>) dst(%arg6 : memref<80xi32, #tpu.memory_space<vmem>>)
    "tpu.region"() ({
      %run_scoped3A = tpu.sem_alloc : memref<!tpu.dma_semaphore, #tpu.memory_space<semaphore_mem>>
      %dma_start3A_202 = arith.constant 0 : i32
      %dma_start3A_203 = arith.constant 0 : i32
      %dma_start3A_204 = tpu.memref_slice %arg10[%dma_start3A_202, %dma_start3A_203] : memref<10000x128xf32, #tpu.memory_space<vmem_shared>> -> memref<10000x128xf32, #tpu.memory_space<vmem_shared>>
      tpu.enqueue_indirect_dma source(%arg8 : memref<80x128xf32, #tpu.memory_space<vmem>>) target(%dma_start3A_204 : memref<10000x128xf32, #tpu.memory_space<vmem_shared>>) offsets(%arg6 : memref<80xi32, #tpu.memory_space<vmem>>) semaphore(%run_scoped3A : memref<!tpu.dma_semaphore, #tpu.memory_space<semaphore_mem>>) {add = true}
      %dma_wait3A_205 = arith.constant 0 : i32
      %dma_wait3A_206 = arith.constant 0 : i32
      %dma_wait3A_207 = tpu.memref_slice %arg10[%dma_wait3A_205, %dma_wait3A_206] : memref<10000x128xf32, #tpu.memory_space<vmem_shared>> -> memref<10000x128xf32, #tpu.memory_space<vmem_shared>>
      tpu.wait_indirect_dma semaphore(%run_scoped3A : memref<!tpu.dma_semaphore, #tpu.memory_space<semaphore_mem>>) src(%arg8 : memref<80x128xf32, #tpu.memory_space<vmem>>) dst(%dma_wait3A_207 : memref<10000x128xf32, #tpu.memory_space<vmem_shared>>)
      tpu.yield
    }) : () -> ()
    %mul3A_102 = arith.constant 320000 : i32
    %mul3A_103 = arith.muli %sub3A_1, %mul3A_102 : i32
    %mul3A_104 = arith.constant 20000 : i32
    %mul3A_105 = arith.muli %arg1, %mul3A_104 : i32
    %add3A_106 = arith.addi %mul3A_103, %mul3A_105 : i32
    %add3A_107 = arith.constant 10000 : i32
    %add3A_108 = arith.addi %add3A_106, %add3A_107 : i32
    "tpu.region"() ({
      %run_scoped3A = tpu.sem_alloc : memref<!tpu.dma_semaphore, #tpu.memory_space<semaphore_mem>>
      %dma_start3A_202 = tpu.memref_slice %arg2[%add3A_108] : memref<640000xi32, #tpu.memory_space<hbm>> -> memref<10000xi32, #tpu.memory_space<hbm>>
      %dma_start3A_203 = tpu.memref_slice %arg2[%add3A_108] : memref<640000xi32, #tpu.memory_space<hbm>> -> memref<10000xi32, #tpu.memory_space<hbm>>
      tpu.enqueue_dma source(%dma_start3A_203 : memref<10000xi32, #tpu.memory_space<hbm>>) target(%arg5 : memref<10000xi32, #tpu.memory_space<vmem>>) target_semaphore(%run_scoped3A : memref<!tpu.dma_semaphore, #tpu.memory_space<semaphore_mem>>)
      %dma_wait3A_204 = tpu.memref_slice %arg2[%add3A_108] : memref<640000xi32, #tpu.memory_space<hbm>> -> memref<10000xi32, #tpu.memory_space<hbm>>
      %dma_wait3A_205 = tpu.memref_slice %arg2[%add3A_108] : memref<640000xi32, #tpu.memory_space<hbm>> -> memref<10000xi32, #tpu.memory_space<hbm>>
      tpu.wait_dma2 semaphore(%run_scoped3A : memref<!tpu.dma_semaphore, #tpu.memory_space<semaphore_mem>>) src(%dma_wait3A_205 : memref<10000xi32, #tpu.memory_space<hbm>>) dst(%arg5 : memref<10000xi32, #tpu.memory_space<vmem>>)
      tpu.yield
    }) : () -> ()
    %scan3A_109 = arith.constant 0 : i32
    %scan3A_110 = arith.constant 0 : i32
    %scan3A_111 = arith.constant 625 : i32
    %scan3A_112 = arith.addi %scan3A_110, %scan3A_111 : i32
    %scan3A_113 = arith.constant 1 : i32
    scf.for %scan3A_202 = %scan3A_110 to %scan3A_112 step %scan3A_113  : i32 {
      %mul3A_203 = arith.constant 16 : i32
      %mul3A_204 = arith.muli %scan3A_202, %mul3A_203 : i32
      %get3A = arith.index_cast %mul3A_204 : i32 to index
      %get3A_205 = tpu.vector_load %arg5[%get3A] {strides = array<i32>} : memref<10000xi32, #tpu.memory_space<vmem>>, vector<16xi32>,
      %get3A_206 = vector.shape_cast %get3A_205 : vector<16xi32> to vector<16xi32>
      %add3A_207 = vector.broadcast %mul3A_0 : i32 to vector<16xi32>
      %add3A_208 = arith.addi %get3A_206, %add3A_207 : vector<16xi32>
      %mul3A_209 = arith.constant 16 : i32
      %mul3A_210 = arith.muli %scan3A_202, %mul3A_209 : i32
      %swap3A = arith.index_cast %mul3A_210 : i32 to index
      %swap3A_211 = tpu.vector_load %arg5[%swap3A] {strides = array<i32>} : memref<10000xi32, #tpu.memory_space<vmem>>, vector<16xi32>,
      %swap3A_212 = vector.shape_cast %swap3A_211 : vector<16xi32> to vector<16xi32>
      %swap3A_213 = vector.shape_cast %add3A_208 : vector<16xi32> to vector<16xi32>
      tpu.vector_store %arg5[%swap3A], %swap3A_213 {strides = array<i32>} : memref<10000xi32, #tpu.memory_space<vmem>>, vector<16xi32>,
    }
    %scan3A_114 = arith.constant 625 : i32
    %add3A_115 = arith.constant 10000 : i32
    %add3A_116 = arith.addi %add3A_56, %add3A_115 : i32
    %dma_start3A_117 = tpu.memref_slice %arg2[%add3A_116] : memref<640000xi32, #tpu.memory_space<hbm>> -> memref<80xi32, #tpu.memory_space<hbm>>
    %dma_start3A_118 = tpu.memref_slice %arg2[%add3A_116] : memref<640000xi32, #tpu.memory_space<hbm>> -> memref<80xi32, #tpu.memory_space<hbm>>
    tpu.enqueue_dma source(%dma_start3A_118 : memref<80xi32, #tpu.memory_space<hbm>>) target(%arg6 : memref<80xi32, #tpu.memory_space<vmem>>) target_semaphore(%arg13 : memref<!tpu.dma_semaphore, #tpu.memory_space<semaphore_mem>>)
    %dma_start3A_119 = arith.constant 0 : i32
    %dma_start3A_120 = tpu.memref_slice %arg5[%dma_start3A_119] : memref<10000xi32, #tpu.memory_space<vmem>> -> memref<80xi32, #tpu.memory_space<vmem>>
    %dma_start3A_121 = arith.constant 0 : i32
    %dma_start3A_122 = arith.constant 0 : i32
    %dma_start3A_123 = tpu.memref_slice %arg3[%dma_start3A_121, %dma_start3A_122] : memref<20000x128xf32, #tpu.memory_space<hbm>> -> memref<20000x128xf32, #tpu.memory_space<hbm>>
    tpu.enqueue_indirect_dma source(%dma_start3A_123 : memref<20000x128xf32, #tpu.memory_space<hbm>>) target(%arg8 : memref<80x128xf32, #tpu.memory_space<vmem>>) offsets(%dma_start3A_120 : memref<80xi32, #tpu.memory_space<vmem>>) semaphore(%arg11 : memref<!tpu.dma_semaphore, #tpu.memory_space<semaphore_mem>>)
    %add3A_124 = arith.constant 10080 : i32
    %add3A_125 = arith.addi %add3A_56, %add3A_124 : i32
    %dma_start3A_126 = tpu.memref_slice %arg2[%add3A_125] : memref<640000xi32, #tpu.memory_space<hbm>> -> memref<80xi32, #tpu.memory_space<hbm>>
    %dma_start3A_127 = tpu.memref_slice %arg2[%add3A_125] : memref<640000xi32, #tpu.memory_space<hbm>> -> memref<80xi32, #tpu.memory_space<hbm>>
    tpu.enqueue_dma source(%dma_start3A_127 : memref<80xi32, #tpu.memory_space<hbm>>) target(%arg7 : memref<80xi32, #tpu.memory_space<vmem>>) target_semaphore(%arg14 : memref<!tpu.dma_semaphore, #tpu.memory_space<semaphore_mem>>)
    %dma_start3A_128 = arith.constant 80 : i32
    %dma_start3A_129 = tpu.memref_slice %arg5[%dma_start3A_128] : memref<10000xi32, #tpu.memory_space<vmem>> -> memref<80xi32, #tpu.memory_space<vmem>>
    %dma_start3A_130 = arith.constant 0 : i32
    %dma_start3A_131 = arith.constant 0 : i32
    %dma_start3A_132 = tpu.memref_slice %arg3[%dma_start3A_130, %dma_start3A_131] : memref<20000x128xf32, #tpu.memory_space<hbm>> -> memref<20000x128xf32, #tpu.memory_space<hbm>>
    tpu.enqueue_indirect_dma source(%dma_start3A_132 : memref<20000x128xf32, #tpu.memory_space<hbm>>) target(%arg9 : memref<80x128xf32, #tpu.memory_space<vmem>>) offsets(%dma_start3A_129 : memref<80xi32, #tpu.memory_space<vmem>>) semaphore(%arg12 : memref<!tpu.dma_semaphore, #tpu.memory_space<semaphore_mem>>)
    %scan3A_133 = arith.constant 0 : i32
    %scan3A_134 = arith.constant 0 : i32
    %scan3A_135 = arith.constant 62 : i32
    %scan3A_136 = arith.addi %scan3A_134, %scan3A_135 : i32
    %scan3A_137 = arith.constant 1 : i32
    scf.for %scan3A_202 = %scan3A_134 to %scan3A_136 step %scan3A_137  : i32 {
      %mul3A_203 = arith.constant 2 : i32
      %mul3A_204 = arith.muli %scan3A_202, %mul3A_203 : i32
      %add3A_205 = arith.constant 0 : i32
      %add3A_206 = arith.addi %mul3A_204, %add3A_205 : i32
      %dma_wait3A_207 = arith.constant 0 : i32
      %dma_wait3A_208 = arith.constant 0 : i32
      %dma_wait3A_209 = tpu.memref_slice %arg3[%dma_wait3A_207, %dma_wait3A_208] : memref<20000x128xf32, #tpu.memory_space<hbm>> -> memref<80x128xf32, #tpu.memory_space<hbm>>
      %dma_wait3A_210 = arith.constant 0 : i32
      %dma_wait3A_211 = arith.constant 0 : i32
      %dma_wait3A_212 = tpu.memref_slice %arg3[%dma_wait3A_210, %dma_wait3A_211] : memref<20000x128xf32, #tpu.memory_space<hbm>> -> memref<80x128xf32, #tpu.memory_space<hbm>>
      tpu.wait_dma2 semaphore(%arg11 : memref<!tpu.dma_semaphore, #tpu.memory_space<semaphore_mem>>) src(%dma_wait3A_212 : memref<80x128xf32, #tpu.memory_space<hbm>>) dst(%arg8 : memref<80x128xf32, #tpu.memory_space<vmem>>)
      %dma_wait3A_213 = arith.constant 0 : i32
      %dma_wait3A_214 = tpu.memref_slice %arg2[%dma_wait3A_213] : memref<640000xi32, #tpu.memory_space<hbm>> -> memref<80xi32, #tpu.memory_space<hbm>>
      %dma_wait3A_215 = arith.constant 0 : i32
      %dma_wait3A_216 = tpu.memref_slice %arg2[%dma_wait3A_215] : memref<640000xi32, #tpu.memory_space<hbm>> -> memref<80xi32, #tpu.memory_space<hbm>>
      tpu.wait_dma2 semaphore(%arg13 : memref<!tpu.dma_semaphore, #tpu.memory_space<semaphore_mem>>) src(%dma_wait3A_216 : memref<80xi32, #tpu.memory_space<hbm>>) dst(%arg6 : memref<80xi32, #tpu.memory_space<vmem>>)
      "tpu.region"() ({
        %run_scoped3A = tpu.sem_alloc : memref<!tpu.dma_semaphore, #tpu.memory_space<semaphore_mem>>
        %dma_start3A_245 = arith.constant 0 : i32
        %dma_start3A_246 = arith.constant 0 : i32
        %dma_start3A_247 = tpu.memref_slice %arg10[%dma_start3A_245, %dma_start3A_246] : memref<10000x128xf32, #tpu.memory_space<vmem_shared>> -> memref<10000x128xf32, #tpu.memory_space<vmem_shared>>
        tpu.enqueue_indirect_dma source(%arg8 : memref<80x128xf32, #tpu.memory_space<vmem>>) target(%dma_start3A_247 : memref<10000x128xf32, #tpu.memory_space<vmem_shared>>) offsets(%arg6 : memref<80xi32, #tpu.memory_space<vmem>>) semaphore(%run_scoped3A : memref<!tpu.dma_semaphore, #tpu.memory_space<semaphore_mem>>) {add = true}
        %dma_wait3A_248 = arith.constant 0 : i32
        %dma_wait3A_249 = arith.constant 0 : i32
        %dma_wait3A_250 = tpu.memref_slice %arg10[%dma_wait3A_248, %dma_wait3A_249] : memref<10000x128xf32, #tpu.memory_space<vmem_shared>> -> memref<10000x128xf32, #tpu.memory_space<vmem_shared>>
        tpu.wait_indirect_dma semaphore(%run_scoped3A : memref<!tpu.dma_semaphore, #tpu.memory_space<semaphore_mem>>) src(%arg8 : memref<80x128xf32, #tpu.memory_space<vmem>>) dst(%dma_wait3A_250 : memref<10000x128xf32, #tpu.memory_space<vmem_shared>>)
        tpu.yield
      }) : () -> ()
      %add3A_217 = arith.constant 2 : i32
      %add3A_218 = arith.addi %add3A_206, %add3A_217 : i32
      %lt3A_219 = arith.constant 125 : i32
      %lt3A_220 = arith.cmpi slt, %add3A_218, %lt3A_219 : i32
      %convert_element_type3A_221 = arith.extui %lt3A_220 : i1 to i32
      %cond3A_222 = arith.constant 0 : i32
      %cond3A_223 = arith.cmpi ne, %convert_element_type3A_221, %cond3A_222 : i32
      scf.if %cond3A_223 {
        %add3A_245 = arith.constant 125 : i32
        %add3A_246 = arith.addi %add3A_245, %add3A_206 : i32
        %add3A_247 = arith.constant 2 : i32
        %add3A_248 = arith.addi %add3A_246, %add3A_247 : i32
        %mul3A_249 = arith.constant 80 : i32
        %mul3A_250 = arith.muli %add3A_248, %mul3A_249 : i32
        %add3A_251 = arith.addi %add3A_56, %mul3A_250 : i32
        %dma_start3A_252 = tpu.memref_slice %arg2[%add3A_251] : memref<640000xi32, #tpu.memory_space<hbm>> -> memref<80xi32, #tpu.memory_space<hbm>>
        %dma_start3A_253 = tpu.memref_slice %arg2[%add3A_251] : memref<640000xi32, #tpu.memory_space<hbm>> -> memref<80xi32, #tpu.memory_space<hbm>>
        tpu.enqueue_dma source(%dma_start3A_253 : memref<80xi32, #tpu.memory_space<hbm>>) target(%arg6 : memref<80xi32, #tpu.memory_space<vmem>>) target_semaphore(%arg13 : memref<!tpu.dma_semaphore, #tpu.memory_space<semaphore_mem>>)
        %add3A_254 = arith.constant 2 : i32
        %add3A_255 = arith.addi %add3A_206, %add3A_254 : i32
        %mul3A_256 = arith.constant 80 : i32
        %mul3A_257 = arith.muli %add3A_255, %mul3A_256 : i32
        %dma_start3A_258 = tpu.memref_slice %arg5[%mul3A_257] : memref<10000xi32, #tpu.memory_space<vmem>> -> memref<80xi32, #tpu.memory_space<vmem>>
        %dma_start3A_259 = arith.constant 0 : i32
        %dma_start3A_260 = arith.constant 0 : i32
        %dma_start3A_261 = tpu.memref_slice %arg3[%dma_start3A_259, %dma_start3A_260] : memref<20000x128xf32, #tpu.memory_space<hbm>> -> memref<20000x128xf32, #tpu.memory_space<hbm>>
        tpu.enqueue_indirect_dma source(%dma_start3A_261 : memref<20000x128xf32, #tpu.memory_space<hbm>>) target(%arg8 : memref<80x128xf32, #tpu.memory_space<vmem>>) offsets(%dma_start3A_258 : memref<80xi32, #tpu.memory_space<vmem>>) semaphore(%arg11 : memref<!tpu.dma_semaphore, #tpu.memory_space<semaphore_mem>>)
      } else {
      }
      %mul3A_224 = arith.constant 2 : i32
      %mul3A_225 = arith.muli %scan3A_202, %mul3A_224 : i32
      %add3A_226 = arith.constant 1 : i32
      %add3A_227 = arith.addi %mul3A_225, %add3A_226 : i32
      %dma_wait3A_228 = arith.constant 0 : i32
      %dma_wait3A_229 = arith.constant 0 : i32
      %dma_wait3A_230 = tpu.memref_slice %arg3[%dma_wait3A_228, %dma_wait3A_229] : memref<20000x128xf32, #tpu.memory_space<hbm>> -> memref<80x128xf32, #tpu.memory_space<hbm>>
      %dma_wait3A_231 = arith.constant 0 : i32
      %dma_wait3A_232 = arith.constant 0 : i32
      %dma_wait3A_233 = tpu.memref_slice %arg3[%dma_wait3A_231, %dma_wait3A_232] : memref<20000x128xf32, #tpu.memory_space<hbm>> -> memref<80x128xf32, #tpu.memory_space<hbm>>
      tpu.wait_dma2 semaphore(%arg12 : memref<!tpu.dma_semaphore, #tpu.memory_space<semaphore_mem>>) src(%dma_wait3A_233 : memref<80x128xf32, #tpu.memory_space<hbm>>) dst(%arg9 : memref<80x128xf32, #tpu.memory_space<vmem>>)
      %dma_wait3A_234 = arith.constant 0 : i32
      %dma_wait3A_235 = tpu.memref_slice %arg2[%dma_wait3A_234] : memref<640000xi32, #tpu.memory_space<hbm>> -> memref<80xi32, #tpu.memory_space<hbm>>
      %dma_wait3A_236 = arith.constant 0 : i32
      %dma_wait3A_237 = tpu.memref_slice %arg2[%dma_wait3A_236] : memref<640000xi32, #tpu.memory_space<hbm>> -> memref<80xi32, #tpu.memory_space<hbm>>
      tpu.wait_dma2 semaphore(%arg14 : memref<!tpu.dma_semaphore, #tpu.memory_space<semaphore_mem>>) src(%dma_wait3A_237 : memref<80xi32, #tpu.memory_space<hbm>>) dst(%arg7 : memref<80xi32, #tpu.memory_space<vmem>>)
      "tpu.region"() ({
        %run_scoped3A = tpu.sem_alloc : memref<!tpu.dma_semaphore, #tpu.memory_space<semaphore_mem>>
        %dma_start3A_245 = arith.constant 0 : i32
        %dma_start3A_246 = arith.constant 0 : i32
        %dma_start3A_247 = tpu.memref_slice %arg10[%dma_start3A_245, %dma_start3A_246] : memref<10000x128xf32, #tpu.memory_space<vmem_shared>> -> memref<10000x128xf32, #tpu.memory_space<vmem_shared>>
        tpu.enqueue_indirect_dma source(%arg9 : memref<80x128xf32, #tpu.memory_space<vmem>>) target(%dma_start3A_247 : memref<10000x128xf32, #tpu.memory_space<vmem_shared>>) offsets(%arg7 : memref<80xi32, #tpu.memory_space<vmem>>) semaphore(%run_scoped3A : memref<!tpu.dma_semaphore, #tpu.memory_space<semaphore_mem>>) {add = true}
        %dma_wait3A_248 = arith.constant 0 : i32
        %dma_wait3A_249 = arith.constant 0 : i32
        %dma_wait3A_250 = tpu.memref_slice %arg10[%dma_wait3A_248, %dma_wait3A_249] : memref<10000x128xf32, #tpu.memory_space<vmem_shared>> -> memref<10000x128xf32, #tpu.memory_space<vmem_shared>>
        tpu.wait_indirect_dma semaphore(%run_scoped3A : memref<!tpu.dma_semaphore, #tpu.memory_space<semaphore_mem>>) src(%arg9 : memref<80x128xf32, #tpu.memory_space<vmem>>) dst(%dma_wait3A_250 : memref<10000x128xf32, #tpu.memory_space<vmem_shared>>)
        tpu.yield
      }) : () -> ()
      %add3A_238 = arith.constant 2 : i32
      %add3A_239 = arith.addi %add3A_227, %add3A_238 : i32
      %lt3A_240 = arith.constant 125 : i32
      %lt3A_241 = arith.cmpi slt, %add3A_239, %lt3A_240 : i32
      %convert_element_type3A_242 = arith.extui %lt3A_241 : i1 to i32
      %cond3A_243 = arith.constant 0 : i32
      %cond3A_244 = arith.cmpi ne, %convert_element_type3A_242, %cond3A_243 : i32
      scf.if %cond3A_244 {
        %add3A_245 = arith.constant 125 : i32
        %add3A_246 = arith.addi %add3A_245, %add3A_227 : i32
        %add3A_247 = arith.constant 2 : i32
        %add3A_248 = arith.addi %add3A_246, %add3A_247 : i32
        %mul3A_249 = arith.constant 80 : i32
        %mul3A_250 = arith.muli %add3A_248, %mul3A_249 : i32
        %add3A_251 = arith.addi %add3A_56, %mul3A_250 : i32
        %dma_start3A_252 = tpu.memref_slice %arg2[%add3A_251] : memref<640000xi32, #tpu.memory_space<hbm>> -> memref<80xi32, #tpu.memory_space<hbm>>
        %dma_start3A_253 = tpu.memref_slice %arg2[%add3A_251] : memref<640000xi32, #tpu.memory_space<hbm>> -> memref<80xi32, #tpu.memory_space<hbm>>
        tpu.enqueue_dma source(%dma_start3A_253 : memref<80xi32, #tpu.memory_space<hbm>>) target(%arg7 : memref<80xi32, #tpu.memory_space<vmem>>) target_semaphore(%arg14 : memref<!tpu.dma_semaphore, #tpu.memory_space<semaphore_mem>>)
        %add3A_254 = arith.constant 2 : i32
        %add3A_255 = arith.addi %add3A_227, %add3A_254 : i32
        %mul3A_256 = arith.constant 80 : i32
        %mul3A_257 = arith.muli %add3A_255, %mul3A_256 : i32
        %dma_start3A_258 = tpu.memref_slice %arg5[%mul3A_257] : memref<10000xi32, #tpu.memory_space<vmem>> -> memref<80xi32, #tpu.memory_space<vmem>>
        %dma_start3A_259 = arith.constant 0 : i32
        %dma_start3A_260 = arith.constant 0 : i32
        %dma_start3A_261 = tpu.memref_slice %arg3[%dma_start3A_259, %dma_start3A_260] : memref<20000x128xf32, #tpu.memory_space<hbm>> -> memref<20000x128xf32, #tpu.memory_space<hbm>>
        tpu.enqueue_indirect_dma source(%dma_start3A_261 : memref<20000x128xf32, #tpu.memory_space<hbm>>) target(%arg9 : memref<80x128xf32, #tpu.memory_space<vmem>>) offsets(%dma_start3A_258 : memref<80xi32, #tpu.memory_space<vmem>>) semaphore(%arg12 : memref<!tpu.dma_semaphore, #tpu.memory_space<semaphore_mem>>)
      } else {
      }
    }
    %scan3A_138 = arith.constant 62 : i32
    %dma_wait3A_139 = arith.constant 0 : i32
    %dma_wait3A_140 = arith.constant 0 : i32
    %dma_wait3A_141 = tpu.memref_slice %arg3[%dma_wait3A_139, %dma_wait3A_140] : memref<20000x128xf32, #tpu.memory_space<hbm>> -> memref<80x128xf32, #tpu.memory_space<hbm>>
    %dma_wait3A_142 = arith.constant 0 : i32
    %dma_wait3A_143 = arith.constant 0 : i32
    %dma_wait3A_144 = tpu.memref_slice %arg3[%dma_wait3A_142, %dma_wait3A_143] : memref<20000x128xf32, #tpu.memory_space<hbm>> -> memref<80x128xf32, #tpu.memory_space<hbm>>
    tpu.wait_dma2 semaphore(%arg11 : memref<!tpu.dma_semaphore, #tpu.memory_space<semaphore_mem>>) src(%dma_wait3A_144 : memref<80x128xf32, #tpu.memory_space<hbm>>) dst(%arg8 : memref<80x128xf32, #tpu.memory_space<vmem>>)
    %dma_wait3A_145 = arith.constant 0 : i32
    %dma_wait3A_146 = tpu.memref_slice %arg2[%dma_wait3A_145] : memref<640000xi32, #tpu.memory_space<hbm>> -> memref<80xi32, #tpu.memory_space<hbm>>
    %dma_wait3A_147 = arith.constant 0 : i32
    %dma_wait3A_148 = tpu.memref_slice %arg2[%dma_wait3A_147] : memref<640000xi32, #tpu.memory_space<hbm>> -> memref<80xi32, #tpu.memory_space<hbm>>
    tpu.wait_dma2 semaphore(%arg13 : memref<!tpu.dma_semaphore, #tpu.memory_space<semaphore_mem>>) src(%dma_wait3A_148 : memref<80xi32, #tpu.memory_space<hbm>>) dst(%arg6 : memref<80xi32, #tpu.memory_space<vmem>>)
    "tpu.region"() ({
      %run_scoped3A = tpu.sem_alloc : memref<!tpu.dma_semaphore, #tpu.memory_space<semaphore_mem>>
      %dma_start3A_202 = arith.constant 0 : i32
      %dma_start3A_203 = arith.constant 0 : i32
      %dma_start3A_204 = tpu.memref_slice %arg10[%dma_start3A_202, %dma_start3A_203] : memref<10000x128xf32, #tpu.memory_space<vmem_shared>> -> memref<10000x128xf32, #tpu.memory_space<vmem_shared>>
      tpu.enqueue_indirect_dma source(%arg8 : memref<80x128xf32, #tpu.memory_space<vmem>>) target(%dma_start3A_204 : memref<10000x128xf32, #tpu.memory_space<vmem_shared>>) offsets(%arg6 : memref<80xi32, #tpu.memory_space<vmem>>) semaphore(%run_scoped3A : memref<!tpu.dma_semaphore, #tpu.memory_space<semaphore_mem>>) {add = true}
      %dma_wait3A_205 = arith.constant 0 : i32
      %dma_wait3A_206 = arith.constant 0 : i32
      %dma_wait3A_207 = tpu.memref_slice %arg10[%dma_wait3A_205, %dma_wait3A_206] : memref<10000x128xf32, #tpu.memory_space<vmem_shared>> -> memref<10000x128xf32, #tpu.memory_space<vmem_shared>>
      tpu.wait_indirect_dma semaphore(%run_scoped3A : memref<!tpu.dma_semaphore, #tpu.memory_space<semaphore_mem>>) src(%arg8 : memref<80x128xf32, #tpu.memory_space<vmem>>) dst(%dma_wait3A_207 : memref<10000x128xf32, #tpu.memory_space<vmem_shared>>)
      tpu.yield
    }) : () -> ()
    %barrier3A_149 = arith.constant 0 : index
    tpu.barrier barrier_id(%barrier3A_149)
    %mul3A_150 = arith.constant 640 : i32
    %mul3A_151 = arith.muli %arg1, %mul3A_150 : i32
    %add3A_152 = arith.constant 0 : i32
    %add3A_153 = arith.addi %mul3A_151, %add3A_152 : i32
    "tpu.region"() ({
      %run_scoped3A = tpu.sem_alloc : memref<!tpu.dma_semaphore, #tpu.memory_space<semaphore_mem>>
      %dma_start3A_202 = arith.constant 0 : i32
      %dma_start3A_203 = tpu.memref_slice %arg10[%add3A_153, %dma_start3A_202] : memref<10000x128xf32, #tpu.memory_space<vmem_shared>> -> memref<80x128xf32, #tpu.memory_space<vmem_shared>>
      %dma_start3A_204 = arith.constant 0 : i32
      %dma_start3A_205 = tpu.memref_slice %arg10[%add3A_153, %dma_start3A_204] : memref<10000x128xf32, #tpu.memory_space<vmem_shared>> -> memref<80x128xf32, #tpu.memory_space<vmem_shared>>
      tpu.enqueue_dma source(%dma_start3A_205 : memref<80x128xf32, #tpu.memory_space<vmem_shared>>) target(%arg8 : memref<80x128xf32, #tpu.memory_space<vmem>>) target_semaphore(%run_scoped3A : memref<!tpu.dma_semaphore, #tpu.memory_space<semaphore_mem>>)
      %dma_wait3A_206 = arith.constant 0 : i32
      %dma_wait3A_207 = tpu.memref_slice %arg10[%add3A_153, %dma_wait3A_206] : memref<10000x128xf32, #tpu.memory_space<vmem_shared>> -> memref<80x128xf32, #tpu.memory_space<vmem_shared>>
      %dma_wait3A_208 = arith.constant 0 : i32
      %dma_wait3A_209 = tpu.memref_slice %arg10[%add3A_153, %dma_wait3A_208] : memref<10000x128xf32, #tpu.memory_space<vmem_shared>> -> memref<80x128xf32, #tpu.memory_space<vmem_shared>>
      tpu.wait_dma2 semaphore(%run_scoped3A : memref<!tpu.dma_semaphore, #tpu.memory_space<semaphore_mem>>) src(%dma_wait3A_209 : memref<80x128xf32, #tpu.memory_space<vmem_shared>>) dst(%arg8 : memref<80x128xf32, #tpu.memory_space<vmem>>)
      tpu.yield
    }) : () -> ()
    %add3A_154 = arith.addi %mul3A_0, %add3A_153 : i32
    "tpu.region"() ({
      %run_scoped3A = tpu.sem_alloc : memref<!tpu.dma_semaphore, #tpu.memory_space<semaphore_mem>>
      %dma_start3A_202 = arith.constant 0 : i32
      %dma_start3A_203 = tpu.memref_slice %arg4[%add3A_154, %dma_start3A_202] : memref<20000x128xf32, #tpu.memory_space<hbm>> -> memref<80x128xf32, #tpu.memory_space<hbm>>
      %dma_start3A_204 = arith.constant 0 : i32
      %dma_start3A_205 = tpu.memref_slice %arg4[%add3A_154, %dma_start3A_204] : memref<20000x128xf32, #tpu.memory_space<hbm>> -> memref<80x128xf32, #tpu.memory_space<hbm>>
      tpu.enqueue_dma source(%arg8 : memref<80x128xf32, #tpu.memory_space<vmem>>) target(%dma_start3A_205 : memref<80x128xf32, #tpu.memory_space<hbm>>) target_semaphore(%run_scoped3A : memref<!tpu.dma_semaphore, #tpu.memory_space<semaphore_mem>>)
      %dma_wait3A_206 = arith.constant 0 : i32
      %dma_wait3A_207 = tpu.memref_slice %arg4[%add3A_154, %dma_wait3A_206] : memref<20000x128xf32, #tpu.memory_space<hbm>> -> memref<80x128xf32, #tpu.memory_space<hbm>>
      %dma_wait3A_208 = arith.constant 0 : i32
      %dma_wait3A_209 = tpu.memref_slice %arg4[%add3A_154, %dma_wait3A_208] : memref<20000x128xf32, #tpu.memory_space<hbm>> -> memref<80x128xf32, #tpu.memory_space<hbm>>
      tpu.wait_dma2 semaphore(%run_scoped3A : memref<!tpu.dma_semaphore, #tpu.memory_space<semaphore_mem>>) src(%arg8 : memref<80x128xf32, #tpu.memory_space<vmem>>) dst(%dma_wait3A_209 : memref<80x128xf32, #tpu.memory_space<hbm>>)
      tpu.yield
    }) : () -> ()
    %mul3A_155 = arith.constant 640 : i32
    %mul3A_156 = arith.muli %arg1, %mul3A_155 : i32
    %add3A_157 = arith.constant 80 : i32
    %add3A_158 = arith.addi %mul3A_156, %add3A_157 : i32
    "tpu.region"() ({
      %run_scoped3A = tpu.sem_alloc : memref<!tpu.dma_semaphore, #tpu.memory_space<semaphore_mem>>
      %dma_start3A_202 = arith.constant 0 : i32
      %dma_start3A_203 = tpu.memref_slice %arg10[%add3A_158, %dma_start3A_202] : memref<10000x128xf32, #tpu.memory_space<vmem_shared>> -> memref<80x128xf32, #tpu.memory_space<vmem_shared>>
      %dma_start3A_204 = arith.constant 0 : i32
      %dma_start3A_205 = tpu.memref_slice %arg10[%add3A_158, %dma_start3A_204] : memref<10000x128xf32, #tpu.memory_space<vmem_shared>> -> memref<80x128xf32, #tpu.memory_space<vmem_shared>>
      tpu.enqueue_dma source(%dma_start3A_205 : memref<80x128xf32, #tpu.memory_space<vmem_shared>>) target(%arg8 : memref<80x128xf32, #tpu.memory_space<vmem>>) target_semaphore(%run_scoped3A : memref<!tpu.dma_semaphore, #tpu.memory_space<semaphore_mem>>)
      %dma_wait3A_206 = arith.constant 0 : i32
      %dma_wait3A_207 = tpu.memref_slice %arg10[%add3A_158, %dma_wait3A_206] : memref<10000x128xf32, #tpu.memory_space<vmem_shared>> -> memref<80x128xf32, #tpu.memory_space<vmem_shared>>
      %dma_wait3A_208 = arith.constant 0 : i32
      %dma_wait3A_209 = tpu.memref_slice %arg10[%add3A_158, %dma_wait3A_208] : memref<10000x128xf32, #tpu.memory_space<vmem_shared>> -> memref<80x128xf32, #tpu.memory_space<vmem_shared>>
      tpu.wait_dma2 semaphore(%run_scoped3A : memref<!tpu.dma_semaphore, #tpu.memory_space<semaphore_mem>>) src(%dma_wait3A_209 : memref<80x128xf32, #tpu.memory_space<vmem_shared>>) dst(%arg8 : memref<80x128xf32, #tpu.memory_space<vmem>>)
      tpu.yield
    }) : () -> ()
    %add3A_159 = arith.addi %mul3A_0, %add3A_158 : i32
    "tpu.region"() ({
      %run_scoped3A = tpu.sem_alloc : memref<!tpu.dma_semaphore, #tpu.memory_space<semaphore_mem>>
      %dma_start3A_202 = arith.constant 0 : i32
      %dma_start3A_203 = tpu.memref_slice %arg4[%add3A_159, %dma_start3A_202] : memref<20000x128xf32, #tpu.memory_space<hbm>> -> memref<80x128xf32, #tpu.memory_space<hbm>>
      %dma_start3A_204 = arith.constant 0 : i32
      %dma_start3A_205 = tpu.memref_slice %arg4[%add3A_159, %dma_start3A_204] : memref<20000x128xf32, #tpu.memory_space<hbm>> -> memref<80x128xf32, #tpu.memory_space<hbm>>
      tpu.enqueue_dma source(%arg8 : memref<80x128xf32, #tpu.memory_space<vmem>>) target(%dma_start3A_205 : memref<80x128xf32, #tpu.memory_space<hbm>>) target_semaphore(%run_scoped3A : memref<!tpu.dma_semaphore, #tpu.memory_space<semaphore_mem>>)
      %dma_wait3A_206 = arith.constant 0 : i32
      %dma_wait3A_207 = tpu.memref_slice %arg4[%add3A_159, %dma_wait3A_206] : memref<20000x128xf32, #tpu.memory_space<hbm>> -> memref<80x128xf32, #tpu.memory_space<hbm>>
      %dma_wait3A_208 = arith.constant 0 : i32
      %dma_wait3A_209 = tpu.memref_slice %arg4[%add3A_159, %dma_wait3A_208] : memref<20000x128xf32, #tpu.memory_space<hbm>> -> memref<80x128xf32, #tpu.memory_space<hbm>>
      tpu.wait_dma2 semaphore(%run_scoped3A : memref<!tpu.dma_semaphore, #tpu.memory_space<semaphore_mem>>) src(%arg8 : memref<80x128xf32, #tpu.memory_space<vmem>>) dst(%dma_wait3A_209 : memref<80x128xf32, #tpu.memory_space<hbm>>)
      tpu.yield
    }) : () -> ()
    %mul3A_160 = arith.constant 640 : i32
    %mul3A_161 = arith.muli %arg1, %mul3A_160 : i32
    %add3A_162 = arith.constant 160 : i32
    %add3A_163 = arith.addi %mul3A_161, %add3A_162 : i32
    "tpu.region"() ({
      %run_scoped3A = tpu.sem_alloc : memref<!tpu.dma_semaphore, #tpu.memory_space<semaphore_mem>>
      %dma_start3A_202 = arith.constant 0 : i32
      %dma_start3A_203 = tpu.memref_slice %arg10[%add3A_163, %dma_start3A_202] : memref<10000x128xf32, #tpu.memory_space<vmem_shared>> -> memref<80x128xf32, #tpu.memory_space<vmem_shared>>
      %dma_start3A_204 = arith.constant 0 : i32
      %dma_start3A_205 = tpu.memref_slice %arg10[%add3A_163, %dma_start3A_204] : memref<10000x128xf32, #tpu.memory_space<vmem_shared>> -> memref<80x128xf32, #tpu.memory_space<vmem_shared>>
      tpu.enqueue_dma source(%dma_start3A_205 : memref<80x128xf32, #tpu.memory_space<vmem_shared>>) target(%arg8 : memref<80x128xf32, #tpu.memory_space<vmem>>) target_semaphore(%run_scoped3A : memref<!tpu.dma_semaphore, #tpu.memory_space<semaphore_mem>>)
      %dma_wait3A_206 = arith.constant 0 : i32
      %dma_wait3A_207 = tpu.memref_slice %arg10[%add3A_163, %dma_wait3A_206] : memref<10000x128xf32, #tpu.memory_space<vmem_shared>> -> memref<80x128xf32, #tpu.memory_space<vmem_shared>>
      %dma_wait3A_208 = arith.constant 0 : i32
      %dma_wait3A_209 = tpu.memref_slice %arg10[%add3A_163, %dma_wait3A_208] : memref<10000x128xf32, #tpu.memory_space<vmem_shared>> -> memref<80x128xf32, #tpu.memory_space<vmem_shared>>
      tpu.wait_dma2 semaphore(%run_scoped3A : memref<!tpu.dma_semaphore, #tpu.memory_space<semaphore_mem>>) src(%dma_wait3A_209 : memref<80x128xf32, #tpu.memory_space<vmem_shared>>) dst(%arg8 : memref<80x128xf32, #tpu.memory_space<vmem>>)
      tpu.yield
    }) : () -> ()
    %add3A_164 = arith.addi %mul3A_0, %add3A_163 : i32
    "tpu.region"() ({
      %run_scoped3A = tpu.sem_alloc : memref<!tpu.dma_semaphore, #tpu.memory_space<semaphore_mem>>
      %dma_start3A_202 = arith.constant 0 : i32
      %dma_start3A_203 = tpu.memref_slice %arg4[%add3A_164, %dma_start3A_202] : memref<20000x128xf32, #tpu.memory_space<hbm>> -> memref<80x128xf32, #tpu.memory_space<hbm>>
      %dma_start3A_204 = arith.constant 0 : i32
      %dma_start3A_205 = tpu.memref_slice %arg4[%add3A_164, %dma_start3A_204] : memref<20000x128xf32, #tpu.memory_space<hbm>> -> memref<80x128xf32, #tpu.memory_space<hbm>>
      tpu.enqueue_dma source(%arg8 : memref<80x128xf32, #tpu.memory_space<vmem>>) target(%dma_start3A_205 : memref<80x128xf32, #tpu.memory_space<hbm>>) target_semaphore(%run_scoped3A : memref<!tpu.dma_semaphore, #tpu.memory_space<semaphore_mem>>)
      %dma_wait3A_206 = arith.constant 0 : i32
      %dma_wait3A_207 = tpu.memref_slice %arg4[%add3A_164, %dma_wait3A_206] : memref<20000x128xf32, #tpu.memory_space<hbm>> -> memref<80x128xf32, #tpu.memory_space<hbm>>
      %dma_wait3A_208 = arith.constant 0 : i32
      %dma_wait3A_209 = tpu.memref_slice %arg4[%add3A_164, %dma_wait3A_208] : memref<20000x128xf32, #tpu.memory_space<hbm>> -> memref<80x128xf32, #tpu.memory_space<hbm>>
      tpu.wait_dma2 semaphore(%run_scoped3A : memref<!tpu.dma_semaphore, #tpu.memory_space<semaphore_mem>>) src(%arg8 : memref<80x128xf32, #tpu.memory_space<vmem>>) dst(%dma_wait3A_209 : memref<80x128xf32, #tpu.memory_space<hbm>>)
      tpu.yield
    }) : () -> ()
    %mul3A_165 = arith.constant 640 : i32
    %mul3A_166 = arith.muli %arg1, %mul3A_165 : i32
    %add3A_167 = arith.constant 240 : i32
    %add3A_168 = arith.addi %mul3A_166, %add3A_167 : i32
    "tpu.region"() ({
      %run_scoped3A = tpu.sem_alloc : memref<!tpu.dma_semaphore, #tpu.memory_space<semaphore_mem>>
      %dma_start3A_202 = arith.constant 0 : i32
      %dma_start3A_203 = tpu.memref_slice %arg10[%add3A_168, %dma_start3A_202] : memref<10000x128xf32, #tpu.memory_space<vmem_shared>> -> memref<80x128xf32, #tpu.memory_space<vmem_shared>>
      %dma_start3A_204 = arith.constant 0 : i32
      %dma_start3A_205 = tpu.memref_slice %arg10[%add3A_168, %dma_start3A_204] : memref<10000x128xf32, #tpu.memory_space<vmem_shared>> -> memref<80x128xf32, #tpu.memory_space<vmem_shared>>
      tpu.enqueue_dma source(%dma_start3A_205 : memref<80x128xf32, #tpu.memory_space<vmem_shared>>) target(%arg8 : memref<80x128xf32, #tpu.memory_space<vmem>>) target_semaphore(%run_scoped3A : memref<!tpu.dma_semaphore, #tpu.memory_space<semaphore_mem>>)
      %dma_wait3A_206 = arith.constant 0 : i32
      %dma_wait3A_207 = tpu.memref_slice %arg10[%add3A_168, %dma_wait3A_206] : memref<10000x128xf32, #tpu.memory_space<vmem_shared>> -> memref<80x128xf32, #tpu.memory_space<vmem_shared>>
      %dma_wait3A_208 = arith.constant 0 : i32
      %dma_wait3A_209 = tpu.memref_slice %arg10[%add3A_168, %dma_wait3A_208] : memref<10000x128xf32, #tpu.memory_space<vmem_shared>> -> memref<80x128xf32, #tpu.memory_space<vmem_shared>>
      tpu.wait_dma2 semaphore(%run_scoped3A : memref<!tpu.dma_semaphore, #tpu.memory_space<semaphore_mem>>) src(%dma_wait3A_209 : memref<80x128xf32, #tpu.memory_space<vmem_shared>>) dst(%arg8 : memref<80x128xf32, #tpu.memory_space<vmem>>)
      tpu.yield
    }) : () -> ()
    %add3A_169 = arith.addi %mul3A_0, %add3A_168 : i32
    "tpu.region"() ({
      %run_scoped3A = tpu.sem_alloc : memref<!tpu.dma_semaphore, #tpu.memory_space<semaphore_mem>>
      %dma_start3A_202 = arith.constant 0 : i32
      %dma_start3A_203 = tpu.memref_slice %arg4[%add3A_169, %dma_start3A_202] : memref<20000x128xf32, #tpu.memory_space<hbm>> -> memref<80x128xf32, #tpu.memory_space<hbm>>
      %dma_start3A_204 = arith.constant 0 : i32
      %dma_start3A_205 = tpu.memref_slice %arg4[%add3A_169, %dma_start3A_204] : memref<20000x128xf32, #tpu.memory_space<hbm>> -> memref<80x128xf32, #tpu.memory_space<hbm>>
      tpu.enqueue_dma source(%arg8 : memref<80x128xf32, #tpu.memory_space<vmem>>) target(%dma_start3A_205 : memref<80x128xf32, #tpu.memory_space<hbm>>) target_semaphore(%run_scoped3A : memref<!tpu.dma_semaphore, #tpu.memory_space<semaphore_mem>>)
      %dma_wait3A_206 = arith.constant 0 : i32
      %dma_wait3A_207 = tpu.memref_slice %arg4[%add3A_169, %dma_wait3A_206] : memref<20000x128xf32, #tpu.memory_space<hbm>> -> memref<80x128xf32, #tpu.memory_space<hbm>>
      %dma_wait3A_208 = arith.constant 0 : i32
      %dma_wait3A_209 = tpu.memref_slice %arg4[%add3A_169, %dma_wait3A_208] : memref<20000x128xf32, #tpu.memory_space<hbm>> -> memref<80x128xf32, #tpu.memory_space<hbm>>
      tpu.wait_dma2 semaphore(%run_scoped3A : memref<!tpu.dma_semaphore, #tpu.memory_space<semaphore_mem>>) src(%arg8 : memref<80x128xf32, #tpu.memory_space<vmem>>) dst(%dma_wait3A_209 : memref<80x128xf32, #tpu.memory_space<hbm>>)
      tpu.yield
    }) : () -> ()
    %mul3A_170 = arith.constant 640 : i32
    %mul3A_171 = arith.muli %arg1, %mul3A_170 : i32
    %add3A_172 = arith.constant 320 : i32
    %add3A_173 = arith.addi %mul3A_171, %add3A_172 : i32
    "tpu.region"() ({
      %run_scoped3A = tpu.sem_alloc : memref<!tpu.dma_semaphore, #tpu.memory_space<semaphore_mem>>
      %dma_start3A_202 = arith.constant 0 : i32
      %dma_start3A_203 = tpu.memref_slice %arg10[%add3A_173, %dma_start3A_202] : memref<10000x128xf32, #tpu.memory_space<vmem_shared>> -> memref<80x128xf32, #tpu.memory_space<vmem_shared>>
      %dma_start3A_204 = arith.constant 0 : i32
      %dma_start3A_205 = tpu.memref_slice %arg10[%add3A_173, %dma_start3A_204] : memref<10000x128xf32, #tpu.memory_space<vmem_shared>> -> memref<80x128xf32, #tpu.memory_space<vmem_shared>>
      tpu.enqueue_dma source(%dma_start3A_205 : memref<80x128xf32, #tpu.memory_space<vmem_shared>>) target(%arg8 : memref<80x128xf32, #tpu.memory_space<vmem>>) target_semaphore(%run_scoped3A : memref<!tpu.dma_semaphore, #tpu.memory_space<semaphore_mem>>)
      %dma_wait3A_206 = arith.constant 0 : i32
      %dma_wait3A_207 = tpu.memref_slice %arg10[%add3A_173, %dma_wait3A_206] : memref<10000x128xf32, #tpu.memory_space<vmem_shared>> -> memref<80x128xf32, #tpu.memory_space<vmem_shared>>
      %dma_wait3A_208 = arith.constant 0 : i32
      %dma_wait3A_209 = tpu.memref_slice %arg10[%add3A_173, %dma_wait3A_208] : memref<10000x128xf32, #tpu.memory_space<vmem_shared>> -> memref<80x128xf32, #tpu.memory_space<vmem_shared>>
      tpu.wait_dma2 semaphore(%run_scoped3A : memref<!tpu.dma_semaphore, #tpu.memory_space<semaphore_mem>>) src(%dma_wait3A_209 : memref<80x128xf32, #tpu.memory_space<vmem_shared>>) dst(%arg8 : memref<80x128xf32, #tpu.memory_space<vmem>>)
      tpu.yield
    }) : () -> ()
    %add3A_174 = arith.addi %mul3A_0, %add3A_173 : i32
    "tpu.region"() ({
      %run_scoped3A = tpu.sem_alloc : memref<!tpu.dma_semaphore, #tpu.memory_space<semaphore_mem>>
      %dma_start3A_202 = arith.constant 0 : i32
      %dma_start3A_203 = tpu.memref_slice %arg4[%add3A_174, %dma_start3A_202] : memref<20000x128xf32, #tpu.memory_space<hbm>> -> memref<80x128xf32, #tpu.memory_space<hbm>>
      %dma_start3A_204 = arith.constant 0 : i32
      %dma_start3A_205 = tpu.memref_slice %arg4[%add3A_174, %dma_start3A_204] : memref<20000x128xf32, #tpu.memory_space<hbm>> -> memref<80x128xf32, #tpu.memory_space<hbm>>
      tpu.enqueue_dma source(%arg8 : memref<80x128xf32, #tpu.memory_space<vmem>>) target(%dma_start3A_205 : memref<80x128xf32, #tpu.memory_space<hbm>>) target_semaphore(%run_scoped3A : memref<!tpu.dma_semaphore, #tpu.memory_space<semaphore_mem>>)
      %dma_wait3A_206 = arith.constant 0 : i32
      %dma_wait3A_207 = tpu.memref_slice %arg4[%add3A_174, %dma_wait3A_206] : memref<20000x128xf32, #tpu.memory_space<hbm>> -> memref<80x128xf32, #tpu.memory_space<hbm>>
      %dma_wait3A_208 = arith.constant 0 : i32
      %dma_wait3A_209 = tpu.memref_slice %arg4[%add3A_174, %dma_wait3A_208] : memref<20000x128xf32, #tpu.memory_space<hbm>> -> memref<80x128xf32, #tpu.memory_space<hbm>>
      tpu.wait_dma2 semaphore(%run_scoped3A : memref<!tpu.dma_semaphore, #tpu.memory_space<semaphore_mem>>) src(%arg8 : memref<80x128xf32, #tpu.memory_space<vmem>>) dst(%dma_wait3A_209 : memref<80x128xf32, #tpu.memory_space<hbm>>)
      tpu.yield
    }) : () -> ()
    %mul3A_175 = arith.constant 640 : i32
    %mul3A_176 = arith.muli %arg1, %mul3A_175 : i32
    %add3A_177 = arith.constant 400 : i32
    %add3A_178 = arith.addi %mul3A_176, %add3A_177 : i32
    %lt3A_179 = arith.constant 15 : i32
    %lt3A_180 = arith.cmpi slt, %arg1, %lt3A_179 : i32
    %convert_element_type3A_181 = arith.extui %lt3A_180 : i1 to i32
    %cond3A_182 = arith.constant 0 : i32
    %cond3A_183 = arith.cmpi ne, %convert_element_type3A_181, %cond3A_182 : i32
    scf.if %cond3A_183 {
      "tpu.region"() ({
        %run_scoped3A = tpu.sem_alloc : memref<!tpu.dma_semaphore, #tpu.memory_space<semaphore_mem>>
        %dma_start3A_203 = arith.constant 0 : i32
        %dma_start3A_204 = tpu.memref_slice %arg10[%add3A_178, %dma_start3A_203] : memref<10000x128xf32, #tpu.memory_space<vmem_shared>> -> memref<80x128xf32, #tpu.memory_space<vmem_shared>>
        %dma_start3A_205 = arith.constant 0 : i32
        %dma_start3A_206 = tpu.memref_slice %arg10[%add3A_178, %dma_start3A_205] : memref<10000x128xf32, #tpu.memory_space<vmem_shared>> -> memref<80x128xf32, #tpu.memory_space<vmem_shared>>
        tpu.enqueue_dma source(%dma_start3A_206 : memref<80x128xf32, #tpu.memory_space<vmem_shared>>) target(%arg8 : memref<80x128xf32, #tpu.memory_space<vmem>>) target_semaphore(%run_scoped3A : memref<!tpu.dma_semaphore, #tpu.memory_space<semaphore_mem>>)
        %dma_wait3A_207 = arith.constant 0 : i32
        %dma_wait3A_208 = tpu.memref_slice %arg10[%add3A_178, %dma_wait3A_207] : memref<10000x128xf32, #tpu.memory_space<vmem_shared>> -> memref<80x128xf32, #tpu.memory_space<vmem_shared>>
        %dma_wait3A_209 = arith.constant 0 : i32
        %dma_wait3A_210 = tpu.memref_slice %arg10[%add3A_178, %dma_wait3A_209] : memref<10000x128xf32, #tpu.memory_space<vmem_shared>> -> memref<80x128xf32, #tpu.memory_space<vmem_shared>>
        tpu.wait_dma2 semaphore(%run_scoped3A : memref<!tpu.dma_semaphore, #tpu.memory_space<semaphore_mem>>) src(%dma_wait3A_210 : memref<80x128xf32, #tpu.memory_space<vmem_shared>>) dst(%arg8 : memref<80x128xf32, #tpu.memory_space<vmem>>)
        tpu.yield
      }) : () -> ()
      %add3A_202 = arith.addi %mul3A_0, %add3A_178 : i32
      "tpu.region"() ({
        %run_scoped3A = tpu.sem_alloc : memref<!tpu.dma_semaphore, #tpu.memory_space<semaphore_mem>>
        %dma_start3A_203 = arith.constant 0 : i32
        %dma_start3A_204 = tpu.memref_slice %arg4[%add3A_202, %dma_start3A_203] : memref<20000x128xf32, #tpu.memory_space<hbm>> -> memref<80x128xf32, #tpu.memory_space<hbm>>
        %dma_start3A_205 = arith.constant 0 : i32
        %dma_start3A_206 = tpu.memref_slice %arg4[%add3A_202, %dma_start3A_205] : memref<20000x128xf32, #tpu.memory_space<hbm>> -> memref<80x128xf32, #tpu.memory_space<hbm>>
        tpu.enqueue_dma source(%arg8 : memref<80x128xf32, #tpu.memory_space<vmem>>) target(%dma_start3A_206 : memref<80x128xf32, #tpu.memory_space<hbm>>) target_semaphore(%run_scoped3A : memref<!tpu.dma_semaphore, #tpu.memory_space<semaphore_mem>>)
        %dma_wait3A_207 = arith.constant 0 : i32
        %dma_wait3A_208 = tpu.memref_slice %arg4[%add3A_202, %dma_wait3A_207] : memref<20000x128xf32, #tpu.memory_space<hbm>> -> memref<80x128xf32, #tpu.memory_space<hbm>>
        %dma_wait3A_209 = arith.constant 0 : i32
        %dma_wait3A_210 = tpu.memref_slice %arg4[%add3A_202, %dma_wait3A_209] : memref<20000x128xf32, #tpu.memory_space<hbm>> -> memref<80x128xf32, #tpu.memory_space<hbm>>
        tpu.wait_dma2 semaphore(%run_scoped3A : memref<!tpu.dma_semaphore, #tpu.memory_space<semaphore_mem>>) src(%arg8 : memref<80x128xf32, #tpu.memory_space<vmem>>) dst(%dma_wait3A_210 : memref<80x128xf32, #tpu.memory_space<hbm>>)
        tpu.yield
      }) : () -> ()
    } else {
    }
    %mul3A_184 = arith.constant 640 : i32
    %mul3A_185 = arith.muli %arg1, %mul3A_184 : i32
    %add3A_186 = arith.constant 480 : i32
    %add3A_187 = arith.addi %mul3A_185, %add3A_186 : i32
    %lt3A_188 = arith.constant 15 : i32
    %lt3A_189 = arith.cmpi slt, %arg1, %lt3A_188 : i32
    %convert_element_type3A_190 = arith.extui %lt3A_189 : i1 to i32
    %cond3A_191 = arith.constant 0 : i32
    %cond3A_192 = arith.cmpi ne, %convert_element_type3A_190, %cond3A_191 : i32
    scf.if %cond3A_192 {
      "tpu.region"() ({
        %run_scoped3A = tpu.sem_alloc : memref<!tpu.dma_semaphore, #tpu.memory_space<semaphore_mem>>
        %dma_start3A_203 = arith.constant 0 : i32
        %dma_start3A_204 = tpu.memref_slice %arg10[%add3A_187, %dma_start3A_203] : memref<10000x128xf32, #tpu.memory_space<vmem_shared>> -> memref<80x128xf32, #tpu.memory_space<vmem_shared>>
        %dma_start3A_205 = arith.constant 0 : i32
        %dma_start3A_206 = tpu.memref_slice %arg10[%add3A_187, %dma_start3A_205] : memref<10000x128xf32, #tpu.memory_space<vmem_shared>> -> memref<80x128xf32, #tpu.memory_space<vmem_shared>>
        tpu.enqueue_dma source(%dma_start3A_206 : memref<80x128xf32, #tpu.memory_space<vmem_shared>>) target(%arg8 : memref<80x128xf32, #tpu.memory_space<vmem>>) target_semaphore(%run_scoped3A : memref<!tpu.dma_semaphore, #tpu.memory_space<semaphore_mem>>)
        %dma_wait3A_207 = arith.constant 0 : i32
        %dma_wait3A_208 = tpu.memref_slice %arg10[%add3A_187, %dma_wait3A_207] : memref<10000x128xf32, #tpu.memory_space<vmem_shared>> -> memref<80x128xf32, #tpu.memory_space<vmem_shared>>
        %dma_wait3A_209 = arith.constant 0 : i32
        %dma_wait3A_210 = tpu.memref_slice %arg10[%add3A_187, %dma_wait3A_209] : memref<10000x128xf32, #tpu.memory_space<vmem_shared>> -> memref<80x128xf32, #tpu.memory_space<vmem_shared>>
        tpu.wait_dma2 semaphore(%run_scoped3A : memref<!tpu.dma_semaphore, #tpu.memory_space<semaphore_mem>>) src(%dma_wait3A_210 : memref<80x128xf32, #tpu.memory_space<vmem_shared>>) dst(%arg8 : memref<80x128xf32, #tpu.memory_space<vmem>>)
        tpu.yield
      }) : () -> ()
      %add3A_202 = arith.addi %mul3A_0, %add3A_187 : i32
      "tpu.region"() ({
        %run_scoped3A = tpu.sem_alloc : memref<!tpu.dma_semaphore, #tpu.memory_space<semaphore_mem>>
        %dma_start3A_203 = arith.constant 0 : i32
        %dma_start3A_204 = tpu.memref_slice %arg4[%add3A_202, %dma_start3A_203] : memref<20000x128xf32, #tpu.memory_space<hbm>> -> memref<80x128xf32, #tpu.memory_space<hbm>>
        %dma_start3A_205 = arith.constant 0 : i32
        %dma_start3A_206 = tpu.memref_slice %arg4[%add3A_202, %dma_start3A_205] : memref<20000x128xf32, #tpu.memory_space<hbm>> -> memref<80x128xf32, #tpu.memory_space<hbm>>
        tpu.enqueue_dma source(%arg8 : memref<80x128xf32, #tpu.memory_space<vmem>>) target(%dma_start3A_206 : memref<80x128xf32, #tpu.memory_space<hbm>>) target_semaphore(%run_scoped3A : memref<!tpu.dma_semaphore, #tpu.memory_space<semaphore_mem>>)
        %dma_wait3A_207 = arith.constant 0 : i32
        %dma_wait3A_208 = tpu.memref_slice %arg4[%add3A_202, %dma_wait3A_207] : memref<20000x128xf32, #tpu.memory_space<hbm>> -> memref<80x128xf32, #tpu.memory_space<hbm>>
        %dma_wait3A_209 = arith.constant 0 : i32
        %dma_wait3A_210 = tpu.memref_slice %arg4[%add3A_202, %dma_wait3A_209] : memref<20000x128xf32, #tpu.memory_space<hbm>> -> memref<80x128xf32, #tpu.memory_space<hbm>>
        tpu.wait_dma2 semaphore(%run_scoped3A : memref<!tpu.dma_semaphore, #tpu.memory_space<semaphore_mem>>) src(%arg8 : memref<80x128xf32, #tpu.memory_space<vmem>>) dst(%dma_wait3A_210 : memref<80x128xf32, #tpu.memory_space<hbm>>)
        tpu.yield
      }) : () -> ()
    } else {
    }
    %mul3A_193 = arith.constant 640 : i32
    %mul3A_194 = arith.muli %arg1, %mul3A_193 : i32
    %add3A_195 = arith.constant 560 : i32
    %add3A_196 = arith.addi %mul3A_194, %add3A_195 : i32
    %lt3A_197 = arith.constant 15 : i32
    %lt3A_198 = arith.cmpi slt, %arg1, %lt3A_197 : i32
    %convert_element_type3A_199 = arith.extui %lt3A_198 : i1 to i32
    %cond3A_200 = arith.constant 0 : i32
    %cond3A_201 = arith.cmpi ne, %convert_element_type3A_199, %cond3A_200 : i32
    scf.if %cond3A_201 {
      "tpu.region"() ({
        %run_scoped3A = tpu.sem_alloc : memref<!tpu.dma_semaphore, #tpu.memory_space<semaphore_mem>>
        %dma_start3A_203 = arith.constant 0 : i32
        %dma_start3A_204 = tpu.memref_slice %arg10[%add3A_196, %dma_start3A_203] : memref<10000x128xf32, #tpu.memory_space<vmem_shared>> -> memref<80x128xf32, #tpu.memory_space<vmem_shared>>
        %dma_start3A_205 = arith.constant 0 : i32
        %dma_start3A_206 = tpu.memref_slice %arg10[%add3A_196, %dma_start3A_205] : memref<10000x128xf32, #tpu.memory_space<vmem_shared>> -> memref<80x128xf32, #tpu.memory_space<vmem_shared>>
        tpu.enqueue_dma source(%dma_start3A_206 : memref<80x128xf32, #tpu.memory_space<vmem_shared>>) target(%arg8 : memref<80x128xf32, #tpu.memory_space<vmem>>) target_semaphore(%run_scoped3A : memref<!tpu.dma_semaphore, #tpu.memory_space<semaphore_mem>>)
        %dma_wait3A_207 = arith.constant 0 : i32
        %dma_wait3A_208 = tpu.memref_slice %arg10[%add3A_196, %dma_wait3A_207] : memref<10000x128xf32, #tpu.memory_space<vmem_shared>> -> memref<80x128xf32, #tpu.memory_space<vmem_shared>>
        %dma_wait3A_209 = arith.constant 0 : i32
        %dma_wait3A_210 = tpu.memref_slice %arg10[%add3A_196, %dma_wait3A_209] : memref<10000x128xf32, #tpu.memory_space<vmem_shared>> -> memref<80x128xf32, #tpu.memory_space<vmem_shared>>
        tpu.wait_dma2 semaphore(%run_scoped3A : memref<!tpu.dma_semaphore, #tpu.memory_space<semaphore_mem>>) src(%dma_wait3A_210 : memref<80x128xf32, #tpu.memory_space<vmem_shared>>) dst(%arg8 : memref<80x128xf32, #tpu.memory_space<vmem>>)
        tpu.yield
      }) : () -> ()
      %add3A_202 = arith.addi %mul3A_0, %add3A_196 : i32
      "tpu.region"() ({
        %run_scoped3A = tpu.sem_alloc : memref<!tpu.dma_semaphore, #tpu.memory_space<semaphore_mem>>
        %dma_start3A_203 = arith.constant 0 : i32
        %dma_start3A_204 = tpu.memref_slice %arg4[%add3A_202, %dma_start3A_203] : memref<20000x128xf32, #tpu.memory_space<hbm>> -> memref<80x128xf32, #tpu.memory_space<hbm>>
        %dma_start3A_205 = arith.constant 0 : i32
        %dma_start3A_206 = tpu.memref_slice %arg4[%add3A_202, %dma_start3A_205] : memref<20000x128xf32, #tpu.memory_space<hbm>> -> memref<80x128xf32, #tpu.memory_space<hbm>>
        tpu.enqueue_dma source(%arg8 : memref<80x128xf32, #tpu.memory_space<vmem>>) target(%dma_start3A_206 : memref<80x128xf32, #tpu.memory_space<hbm>>) target_semaphore(%run_scoped3A : memref<!tpu.dma_semaphore, #tpu.memory_space<semaphore_mem>>)
        %dma_wait3A_207 = arith.constant 0 : i32
        %dma_wait3A_208 = tpu.memref_slice %arg4[%add3A_202, %dma_wait3A_207] : memref<20000x128xf32, #tpu.memory_space<hbm>> -> memref<80x128xf32, #tpu.memory_space<hbm>>
        %dma_wait3A_209 = arith.constant 0 : i32
        %dma_wait3A_210 = tpu.memref_slice %arg4[%add3A_202, %dma_wait3A_209] : memref<20000x128xf32, #tpu.memory_space<hbm>> -> memref<80x128xf32, #tpu.memory_space<hbm>>
        tpu.wait_dma2 semaphore(%run_scoped3A : memref<!tpu.dma_semaphore, #tpu.memory_space<semaphore_mem>>) src(%arg8 : memref<80x128xf32, #tpu.memory_space<vmem>>) dst(%dma_wait3A_210 : memref<80x128xf32, #tpu.memory_space<hbm>>)
        tpu.yield
      }) : () -> ()
    } else {
    }
    return
  }
}

#map = affine_map<(d0, d1) -> (0)>
#map1 = affine_map<(d0, d1) -> (0, 0)>
module attributes {stable_mosaic.version = 14 : i64} {
  func.func @_agg(%arg0: i32, %arg1: i32, %arg2: memref<640000xi32, #tpu.memory_space<hbm>>, %arg3: memref<20000x128xf32, #tpu.memory_space<hbm>>, %arg4: memref<20000x128xf32, #tpu.memory_space<hbm>>, %arg5: memref<10000xi32, #tpu.memory_space<vmem>>, %arg6: memref<80xi32, #tpu.memory_space<vmem>>, %arg7: memref<80xi32, #tpu.memory_space<vmem>>, %arg8: memref<80x128xf32, #tpu.memory_space<vmem>>, %arg9: memref<80x128xf32, #tpu.memory_space<vmem>>, %arg10: memref<10000x128xf32, #tpu.memory_space<vmem_shared>>, %arg11: memref<!tpu.dma_semaphore, #tpu.memory_space<semaphore_mem>>, %arg12: memref<!tpu.dma_semaphore, #tpu.memory_space<semaphore_mem>>, %arg13: memref<!tpu.dma_semaphore, #tpu.memory_space<semaphore_mem>>, %arg14: memref<!tpu.dma_semaphore, #tpu.memory_space<semaphore_mem>>) attributes {dimension_semantics = [#tpu.dimension_semantics<core_parallel>, #tpu.dimension_semantics<subcore_parallel>], iteration_bounds = array<i64: 2, 16>, scalar_prefetch = 0 : i64, scratch_operands = 10 : i64, tpu.core_type = #tpu.core_type<sc_vector_subcore>, window_params = [{transform_indices = #map}, {transform_indices = #map1}, {transform_indices = #map1}]} {
    %mul3A = arith.constant 10000 : i32
    %mul3A_0 = arith.muli %arg0, %mul3A : i32
    %scan3A = arith.constant 0 : i32
    %scan3A_1 = arith.constant 0 : i32
    %scan3A_2 = arith.constant 80 : i32
    %scan3A_3 = arith.addi %scan3A_1, %scan3A_2 : i32
    %scan3A_4 = arith.constant 1 : i32
    scf.for %scan3A_200 = %scan3A_1 to %scan3A_3 step %scan3A_4  : i32 {
      %broadcast_in_dim3A = arith.constant 0.000000e+00 : f32
      %broadcast_in_dim3A_201 = vector.broadcast %broadcast_in_dim3A : f32 to vector<16xf32>
      %swap3A = arith.index_cast %scan3A_200 : i32 to index
      %swap3A_202 = arith.constant 0 : index
      %swap3A_203 = tpu.vector_load %arg8[%swap3A, %swap3A_202] {strides = array<i32>} : memref<80x128xf32, #tpu.memory_space<vmem>>, vector<1x16xf32>,
      %swap3A_204 = vector.shape_cast %swap3A_203 : vector<1x16xf32> to vector<16xf32>
      %swap3A_205 = vector.shape_cast %broadcast_in_dim3A_201 : vector<16xf32> to vector<1x16xf32>
      tpu.vector_store %arg8[%swap3A, %swap3A_202], %swap3A_205 {strides = array<i32>} : memref<80x128xf32, #tpu.memory_space<vmem>>, vector<1x16xf32>,
      %broadcast_in_dim3A_206 = arith.constant 0.000000e+00 : f32
      %broadcast_in_dim3A_207 = vector.broadcast %broadcast_in_dim3A_206 : f32 to vector<16xf32>
      %swap3A_208 = arith.index_cast %scan3A_200 : i32 to index
      %swap3A_209 = arith.constant 16 : index
      %swap3A_210 = tpu.vector_load %arg8[%swap3A_208, %swap3A_209] {strides = array<i32>} : memref<80x128xf32, #tpu.memory_space<vmem>>, vector<1x16xf32>,
      %swap3A_211 = vector.shape_cast %swap3A_210 : vector<1x16xf32> to vector<16xf32>
      %swap3A_212 = vector.shape_cast %broadcast_in_dim3A_207 : vector<16xf32> to vector<1x16xf32>
      tpu.vector_store %arg8[%swap3A_208, %swap3A_209], %swap3A_212 {strides = array<i32>} : memref<80x128xf32, #tpu.memory_space<vmem>>, vector<1x16xf32>,
      %broadcast_in_dim3A_213 = arith.constant 0.000000e+00 : f32
      %broadcast_in_dim3A_214 = vector.broadcast %broadcast_in_dim3A_213 : f32 to vector<16xf32>
      %swap3A_215 = arith.index_cast %scan3A_200 : i32 to index
      %swap3A_216 = arith.constant 32 : index
      %swap3A_217 = tpu.vector_load %arg8[%swap3A_215, %swap3A_216] {strides = array<i32>} : memref<80x128xf32, #tpu.memory_space<vmem>>, vector<1x16xf32>,
      %swap3A_218 = vector.shape_cast %swap3A_217 : vector<1x16xf32> to vector<16xf32>
      %swap3A_219 = vector.shape_cast %broadcast_in_dim3A_214 : vector<16xf32> to vector<1x16xf32>
      tpu.vector_store %arg8[%swap3A_215, %swap3A_216], %swap3A_219 {strides = array<i32>} : memref<80x128xf32, #tpu.memory_space<vmem>>, vector<1x16xf32>,
      %broadcast_in_dim3A_220 = arith.constant 0.000000e+00 : f32
      %broadcast_in_dim3A_221 = vector.broadcast %broadcast_in_dim3A_220 : f32 to vector<16xf32>
      %swap3A_222 = arith.index_cast %scan3A_200 : i32 to index
      %swap3A_223 = arith.constant 48 : index
      %swap3A_224 = tpu.vector_load %arg8[%swap3A_222, %swap3A_223] {strides = array<i32>} : memref<80x128xf32, #tpu.memory_space<vmem>>, vector<1x16xf32>,
      %swap3A_225 = vector.shape_cast %swap3A_224 : vector<1x16xf32> to vector<16xf32>
      %swap3A_226 = vector.shape_cast %broadcast_in_dim3A_221 : vector<16xf32> to vector<1x16xf32>
      tpu.vector_store %arg8[%swap3A_222, %swap3A_223], %swap3A_226 {strides = array<i32>} : memref<80x128xf32, #tpu.memory_space<vmem>>, vector<1x16xf32>,
      %broadcast_in_dim3A_227 = arith.constant 0.000000e+00 : f32
      %broadcast_in_dim3A_228 = vector.broadcast %broadcast_in_dim3A_227 : f32 to vector<16xf32>
      %swap3A_229 = arith.index_cast %scan3A_200 : i32 to index
      %swap3A_230 = arith.constant 64 : index
      %swap3A_231 = tpu.vector_load %arg8[%swap3A_229, %swap3A_230] {strides = array<i32>} : memref<80x128xf32, #tpu.memory_space<vmem>>, vector<1x16xf32>,
      %swap3A_232 = vector.shape_cast %swap3A_231 : vector<1x16xf32> to vector<16xf32>
      %swap3A_233 = vector.shape_cast %broadcast_in_dim3A_228 : vector<16xf32> to vector<1x16xf32>
      tpu.vector_store %arg8[%swap3A_229, %swap3A_230], %swap3A_233 {strides = array<i32>} : memref<80x128xf32, #tpu.memory_space<vmem>>, vector<1x16xf32>,
      %broadcast_in_dim3A_234 = arith.constant 0.000000e+00 : f32
      %broadcast_in_dim3A_235 = vector.broadcast %broadcast_in_dim3A_234 : f32 to vector<16xf32>
      %swap3A_236 = arith.index_cast %scan3A_200 : i32 to index
      %swap3A_237 = arith.constant 80 : index
      %swap3A_238 = tpu.vector_load %arg8[%swap3A_236, %swap3A_237] {strides = array<i32>} : memref<80x128xf32, #tpu.memory_space<vmem>>, vector<1x16xf32>,
      %swap3A_239 = vector.shape_cast %swap3A_238 : vector<1x16xf32> to vector<16xf32>
      %swap3A_240 = vector.shape_cast %broadcast_in_dim3A_235 : vector<16xf32> to vector<1x16xf32>
      tpu.vector_store %arg8[%swap3A_236, %swap3A_237], %swap3A_240 {strides = array<i32>} : memref<80x128xf32, #tpu.memory_space<vmem>>, vector<1x16xf32>,
      %broadcast_in_dim3A_241 = arith.constant 0.000000e+00 : f32
      %broadcast_in_dim3A_242 = vector.broadcast %broadcast_in_dim3A_241 : f32 to vector<16xf32>
      %swap3A_243 = arith.index_cast %scan3A_200 : i32 to index
      %swap3A_244 = arith.constant 96 : index
      %swap3A_245 = tpu.vector_load %arg8[%swap3A_243, %swap3A_244] {strides = array<i32>} : memref<80x128xf32, #tpu.memory_space<vmem>>, vector<1x16xf32>,
      %swap3A_246 = vector.shape_cast %swap3A_245 : vector<1x16xf32> to vector<16xf32>
      %swap3A_247 = vector.shape_cast %broadcast_in_dim3A_242 : vector<16xf32> to vector<1x16xf32>
      tpu.vector_store %arg8[%swap3A_243, %swap3A_244], %swap3A_247 {strides = array<i32>} : memref<80x128xf32, #tpu.memory_space<vmem>>, vector<1x16xf32>,
      %broadcast_in_dim3A_248 = arith.constant 0.000000e+00 : f32
      %broadcast_in_dim3A_249 = vector.broadcast %broadcast_in_dim3A_248 : f32 to vector<16xf32>
      %swap3A_250 = arith.index_cast %scan3A_200 : i32 to index
      %swap3A_251 = arith.constant 112 : index
      %swap3A_252 = tpu.vector_load %arg8[%swap3A_250, %swap3A_251] {strides = array<i32>} : memref<80x128xf32, #tpu.memory_space<vmem>>, vector<1x16xf32>,
      %swap3A_253 = vector.shape_cast %swap3A_252 : vector<1x16xf32> to vector<16xf32>
      %swap3A_254 = vector.shape_cast %broadcast_in_dim3A_249 : vector<16xf32> to vector<1x16xf32>
      tpu.vector_store %arg8[%swap3A_250, %swap3A_251], %swap3A_254 {strides = array<i32>} : memref<80x128xf32, #tpu.memory_space<vmem>>, vector<1x16xf32>,
    }
    %scan3A_5 = arith.constant 80 : i32
    %mul3A_6 = arith.constant 640 : i32
    %mul3A_7 = arith.muli %arg1, %mul3A_6 : i32
    %add3A = arith.constant 0 : i32
    %add3A_8 = arith.addi %mul3A_7, %add3A : i32
    "tpu.region"() ({
      %run_scoped3A = tpu.sem_alloc : memref<!tpu.dma_semaphore, #tpu.memory_space<semaphore_mem>>
      %dma_start3A_200 = arith.constant 0 : i32
      %dma_start3A_201 = tpu.memref_slice %arg10[%add3A_8, %dma_start3A_200] : memref<10000x128xf32, #tpu.memory_space<vmem_shared>> -> memref<80x128xf32, #tpu.memory_space<vmem_shared>>
      %dma_start3A_202 = arith.constant 0 : i32
      %dma_start3A_203 = tpu.memref_slice %arg10[%add3A_8, %dma_start3A_202] : memref<10000x128xf32, #tpu.memory_space<vmem_shared>> -> memref<80x128xf32, #tpu.memory_space<vmem_shared>>
      tpu.enqueue_dma source(%arg8 : memref<80x128xf32, #tpu.memory_space<vmem>>) target(%dma_start3A_203 : memref<80x128xf32, #tpu.memory_space<vmem_shared>>) target_semaphore(%run_scoped3A : memref<!tpu.dma_semaphore, #tpu.memory_space<semaphore_mem>>)
      %dma_wait3A_204 = arith.constant 0 : i32
      %dma_wait3A_205 = tpu.memref_slice %arg10[%add3A_8, %dma_wait3A_204] : memref<10000x128xf32, #tpu.memory_space<vmem_shared>> -> memref<80x128xf32, #tpu.memory_space<vmem_shared>>
      %dma_wait3A_206 = arith.constant 0 : i32
      %dma_wait3A_207 = tpu.memref_slice %arg10[%add3A_8, %dma_wait3A_206] : memref<10000x128xf32, #tpu.memory_space<vmem_shared>> -> memref<80x128xf32, #tpu.memory_space<vmem_shared>>
      tpu.wait_dma2 semaphore(%run_scoped3A : memref<!tpu.dma_semaphore, #tpu.memory_space<semaphore_mem>>) src(%arg8 : memref<80x128xf32, #tpu.memory_space<vmem>>) dst(%dma_wait3A_207 : memref<80x128xf32, #tpu.memory_space<vmem_shared>>)
      tpu.yield
    }) : () -> ()
    %mul3A_9 = arith.constant 640 : i32
    %mul3A_10 = arith.muli %arg1, %mul3A_9 : i32
    %add3A_11 = arith.constant 80 : i32
    %add3A_12 = arith.addi %mul3A_10, %add3A_11 : i32
    "tpu.region"() ({
      %run_scoped3A = tpu.sem_alloc : memref<!tpu.dma_semaphore, #tpu.memory_space<semaphore_mem>>
      %dma_start3A_200 = arith.constant 0 : i32
      %dma_start3A_201 = tpu.memref_slice %arg10[%add3A_12, %dma_start3A_200] : memref<10000x128xf32, #tpu.memory_space<vmem_shared>> -> memref<80x128xf32, #tpu.memory_space<vmem_shared>>
      %dma_start3A_202 = arith.constant 0 : i32
      %dma_start3A_203 = tpu.memref_slice %arg10[%add3A_12, %dma_start3A_202] : memref<10000x128xf32, #tpu.memory_space<vmem_shared>> -> memref<80x128xf32, #tpu.memory_space<vmem_shared>>
      tpu.enqueue_dma source(%arg8 : memref<80x128xf32, #tpu.memory_space<vmem>>) target(%dma_start3A_203 : memref<80x128xf32, #tpu.memory_space<vmem_shared>>) target_semaphore(%run_scoped3A : memref<!tpu.dma_semaphore, #tpu.memory_space<semaphore_mem>>)
      %dma_wait3A_204 = arith.constant 0 : i32
      %dma_wait3A_205 = tpu.memref_slice %arg10[%add3A_12, %dma_wait3A_204] : memref<10000x128xf32, #tpu.memory_space<vmem_shared>> -> memref<80x128xf32, #tpu.memory_space<vmem_shared>>
      %dma_wait3A_206 = arith.constant 0 : i32
      %dma_wait3A_207 = tpu.memref_slice %arg10[%add3A_12, %dma_wait3A_206] : memref<10000x128xf32, #tpu.memory_space<vmem_shared>> -> memref<80x128xf32, #tpu.memory_space<vmem_shared>>
      tpu.wait_dma2 semaphore(%run_scoped3A : memref<!tpu.dma_semaphore, #tpu.memory_space<semaphore_mem>>) src(%arg8 : memref<80x128xf32, #tpu.memory_space<vmem>>) dst(%dma_wait3A_207 : memref<80x128xf32, #tpu.memory_space<vmem_shared>>)
      tpu.yield
    }) : () -> ()
    %mul3A_13 = arith.constant 640 : i32
    %mul3A_14 = arith.muli %arg1, %mul3A_13 : i32
    %add3A_15 = arith.constant 160 : i32
    %add3A_16 = arith.addi %mul3A_14, %add3A_15 : i32
    "tpu.region"() ({
      %run_scoped3A = tpu.sem_alloc : memref<!tpu.dma_semaphore, #tpu.memory_space<semaphore_mem>>
      %dma_start3A_200 = arith.constant 0 : i32
      %dma_start3A_201 = tpu.memref_slice %arg10[%add3A_16, %dma_start3A_200] : memref<10000x128xf32, #tpu.memory_space<vmem_shared>> -> memref<80x128xf32, #tpu.memory_space<vmem_shared>>
      %dma_start3A_202 = arith.constant 0 : i32
      %dma_start3A_203 = tpu.memref_slice %arg10[%add3A_16, %dma_start3A_202] : memref<10000x128xf32, #tpu.memory_space<vmem_shared>> -> memref<80x128xf32, #tpu.memory_space<vmem_shared>>
      tpu.enqueue_dma source(%arg8 : memref<80x128xf32, #tpu.memory_space<vmem>>) target(%dma_start3A_203 : memref<80x128xf32, #tpu.memory_space<vmem_shared>>) target_semaphore(%run_scoped3A : memref<!tpu.dma_semaphore, #tpu.memory_space<semaphore_mem>>)
      %dma_wait3A_204 = arith.constant 0 : i32
      %dma_wait3A_205 = tpu.memref_slice %arg10[%add3A_16, %dma_wait3A_204] : memref<10000x128xf32, #tpu.memory_space<vmem_shared>> -> memref<80x128xf32, #tpu.memory_space<vmem_shared>>
      %dma_wait3A_206 = arith.constant 0 : i32
      %dma_wait3A_207 = tpu.memref_slice %arg10[%add3A_16, %dma_wait3A_206] : memref<10000x128xf32, #tpu.memory_space<vmem_shared>> -> memref<80x128xf32, #tpu.memory_space<vmem_shared>>
      tpu.wait_dma2 semaphore(%run_scoped3A : memref<!tpu.dma_semaphore, #tpu.memory_space<semaphore_mem>>) src(%arg8 : memref<80x128xf32, #tpu.memory_space<vmem>>) dst(%dma_wait3A_207 : memref<80x128xf32, #tpu.memory_space<vmem_shared>>)
      tpu.yield
    }) : () -> ()
    %mul3A_17 = arith.constant 640 : i32
    %mul3A_18 = arith.muli %arg1, %mul3A_17 : i32
    %add3A_19 = arith.constant 240 : i32
    %add3A_20 = arith.addi %mul3A_18, %add3A_19 : i32
    "tpu.region"() ({
      %run_scoped3A = tpu.sem_alloc : memref<!tpu.dma_semaphore, #tpu.memory_space<semaphore_mem>>
      %dma_start3A_200 = arith.constant 0 : i32
      %dma_start3A_201 = tpu.memref_slice %arg10[%add3A_20, %dma_start3A_200] : memref<10000x128xf32, #tpu.memory_space<vmem_shared>> -> memref<80x128xf32, #tpu.memory_space<vmem_shared>>
      %dma_start3A_202 = arith.constant 0 : i32
      %dma_start3A_203 = tpu.memref_slice %arg10[%add3A_20, %dma_start3A_202] : memref<10000x128xf32, #tpu.memory_space<vmem_shared>> -> memref<80x128xf32, #tpu.memory_space<vmem_shared>>
      tpu.enqueue_dma source(%arg8 : memref<80x128xf32, #tpu.memory_space<vmem>>) target(%dma_start3A_203 : memref<80x128xf32, #tpu.memory_space<vmem_shared>>) target_semaphore(%run_scoped3A : memref<!tpu.dma_semaphore, #tpu.memory_space<semaphore_mem>>)
      %dma_wait3A_204 = arith.constant 0 : i32
      %dma_wait3A_205 = tpu.memref_slice %arg10[%add3A_20, %dma_wait3A_204] : memref<10000x128xf32, #tpu.memory_space<vmem_shared>> -> memref<80x128xf32, #tpu.memory_space<vmem_shared>>
      %dma_wait3A_206 = arith.constant 0 : i32
      %dma_wait3A_207 = tpu.memref_slice %arg10[%add3A_20, %dma_wait3A_206] : memref<10000x128xf32, #tpu.memory_space<vmem_shared>> -> memref<80x128xf32, #tpu.memory_space<vmem_shared>>
      tpu.wait_dma2 semaphore(%run_scoped3A : memref<!tpu.dma_semaphore, #tpu.memory_space<semaphore_mem>>) src(%arg8 : memref<80x128xf32, #tpu.memory_space<vmem>>) dst(%dma_wait3A_207 : memref<80x128xf32, #tpu.memory_space<vmem_shared>>)
      tpu.yield
    }) : () -> ()
    %mul3A_21 = arith.constant 640 : i32
    %mul3A_22 = arith.muli %arg1, %mul3A_21 : i32
    %add3A_23 = arith.constant 320 : i32
    %add3A_24 = arith.addi %mul3A_22, %add3A_23 : i32
    "tpu.region"() ({
      %run_scoped3A = tpu.sem_alloc : memref<!tpu.dma_semaphore, #tpu.memory_space<semaphore_mem>>
      %dma_start3A_200 = arith.constant 0 : i32
      %dma_start3A_201 = tpu.memref_slice %arg10[%add3A_24, %dma_start3A_200] : memref<10000x128xf32, #tpu.memory_space<vmem_shared>> -> memref<80x128xf32, #tpu.memory_space<vmem_shared>>
      %dma_start3A_202 = arith.constant 0 : i32
      %dma_start3A_203 = tpu.memref_slice %arg10[%add3A_24, %dma_start3A_202] : memref<10000x128xf32, #tpu.memory_space<vmem_shared>> -> memref<80x128xf32, #tpu.memory_space<vmem_shared>>
      tpu.enqueue_dma source(%arg8 : memref<80x128xf32, #tpu.memory_space<vmem>>) target(%dma_start3A_203 : memref<80x128xf32, #tpu.memory_space<vmem_shared>>) target_semaphore(%run_scoped3A : memref<!tpu.dma_semaphore, #tpu.memory_space<semaphore_mem>>)
      %dma_wait3A_204 = arith.constant 0 : i32
      %dma_wait3A_205 = tpu.memref_slice %arg10[%add3A_24, %dma_wait3A_204] : memref<10000x128xf32, #tpu.memory_space<vmem_shared>> -> memref<80x128xf32, #tpu.memory_space<vmem_shared>>
      %dma_wait3A_206 = arith.constant 0 : i32
      %dma_wait3A_207 = tpu.memref_slice %arg10[%add3A_24, %dma_wait3A_206] : memref<10000x128xf32, #tpu.memory_space<vmem_shared>> -> memref<80x128xf32, #tpu.memory_space<vmem_shared>>
      tpu.wait_dma2 semaphore(%run_scoped3A : memref<!tpu.dma_semaphore, #tpu.memory_space<semaphore_mem>>) src(%arg8 : memref<80x128xf32, #tpu.memory_space<vmem>>) dst(%dma_wait3A_207 : memref<80x128xf32, #tpu.memory_space<vmem_shared>>)
      tpu.yield
    }) : () -> ()
    %mul3A_25 = arith.constant 640 : i32
    %mul3A_26 = arith.muli %arg1, %mul3A_25 : i32
    %add3A_27 = arith.constant 400 : i32
    %add3A_28 = arith.addi %mul3A_26, %add3A_27 : i32
    %lt3A = arith.constant 15 : i32
    %lt3A_29 = arith.cmpi slt, %arg1, %lt3A : i32
    %convert_element_type3A = arith.extui %lt3A_29 : i1 to i32
    %cond3A = arith.constant 0 : i32
    %cond3A_30 = arith.cmpi ne, %convert_element_type3A, %cond3A : i32
    scf.if %cond3A_30 {
      "tpu.region"() ({
        %run_scoped3A = tpu.sem_alloc : memref<!tpu.dma_semaphore, #tpu.memory_space<semaphore_mem>>
        %dma_start3A_200 = arith.constant 0 : i32
        %dma_start3A_201 = tpu.memref_slice %arg10[%add3A_28, %dma_start3A_200] : memref<10000x128xf32, #tpu.memory_space<vmem_shared>> -> memref<80x128xf32, #tpu.memory_space<vmem_shared>>
        %dma_start3A_202 = arith.constant 0 : i32
        %dma_start3A_203 = tpu.memref_slice %arg10[%add3A_28, %dma_start3A_202] : memref<10000x128xf32, #tpu.memory_space<vmem_shared>> -> memref<80x128xf32, #tpu.memory_space<vmem_shared>>
        tpu.enqueue_dma source(%arg8 : memref<80x128xf32, #tpu.memory_space<vmem>>) target(%dma_start3A_203 : memref<80x128xf32, #tpu.memory_space<vmem_shared>>) target_semaphore(%run_scoped3A : memref<!tpu.dma_semaphore, #tpu.memory_space<semaphore_mem>>)
        %dma_wait3A_204 = arith.constant 0 : i32
        %dma_wait3A_205 = tpu.memref_slice %arg10[%add3A_28, %dma_wait3A_204] : memref<10000x128xf32, #tpu.memory_space<vmem_shared>> -> memref<80x128xf32, #tpu.memory_space<vmem_shared>>
        %dma_wait3A_206 = arith.constant 0 : i32
        %dma_wait3A_207 = tpu.memref_slice %arg10[%add3A_28, %dma_wait3A_206] : memref<10000x128xf32, #tpu.memory_space<vmem_shared>> -> memref<80x128xf32, #tpu.memory_space<vmem_shared>>
        tpu.wait_dma2 semaphore(%run_scoped3A : memref<!tpu.dma_semaphore, #tpu.memory_space<semaphore_mem>>) src(%arg8 : memref<80x128xf32, #tpu.memory_space<vmem>>) dst(%dma_wait3A_207 : memref<80x128xf32, #tpu.memory_space<vmem_shared>>)
        tpu.yield
      }) : () -> ()
    } else {
    }
    %mul3A_31 = arith.constant 640 : i32
    %mul3A_32 = arith.muli %arg1, %mul3A_31 : i32
    %add3A_33 = arith.constant 480 : i32
    %add3A_34 = arith.addi %mul3A_32, %add3A_33 : i32
    %lt3A_35 = arith.constant 15 : i32
    %lt3A_36 = arith.cmpi slt, %arg1, %lt3A_35 : i32
    %convert_element_type3A_37 = arith.extui %lt3A_36 : i1 to i32
    %cond3A_38 = arith.constant 0 : i32
    %cond3A_39 = arith.cmpi ne, %convert_element_type3A_37, %cond3A_38 : i32
    scf.if %cond3A_39 {
      "tpu.region"() ({
        %run_scoped3A = tpu.sem_alloc : memref<!tpu.dma_semaphore, #tpu.memory_space<semaphore_mem>>
        %dma_start3A_200 = arith.constant 0 : i32
        %dma_start3A_201 = tpu.memref_slice %arg10[%add3A_34, %dma_start3A_200] : memref<10000x128xf32, #tpu.memory_space<vmem_shared>> -> memref<80x128xf32, #tpu.memory_space<vmem_shared>>
        %dma_start3A_202 = arith.constant 0 : i32
        %dma_start3A_203 = tpu.memref_slice %arg10[%add3A_34, %dma_start3A_202] : memref<10000x128xf32, #tpu.memory_space<vmem_shared>> -> memref<80x128xf32, #tpu.memory_space<vmem_shared>>
        tpu.enqueue_dma source(%arg8 : memref<80x128xf32, #tpu.memory_space<vmem>>) target(%dma_start3A_203 : memref<80x128xf32, #tpu.memory_space<vmem_shared>>) target_semaphore(%run_scoped3A : memref<!tpu.dma_semaphore, #tpu.memory_space<semaphore_mem>>)
        %dma_wait3A_204 = arith.constant 0 : i32
        %dma_wait3A_205 = tpu.memref_slice %arg10[%add3A_34, %dma_wait3A_204] : memref<10000x128xf32, #tpu.memory_space<vmem_shared>> -> memref<80x128xf32, #tpu.memory_space<vmem_shared>>
        %dma_wait3A_206 = arith.constant 0 : i32
        %dma_wait3A_207 = tpu.memref_slice %arg10[%add3A_34, %dma_wait3A_206] : memref<10000x128xf32, #tpu.memory_space<vmem_shared>> -> memref<80x128xf32, #tpu.memory_space<vmem_shared>>
        tpu.wait_dma2 semaphore(%run_scoped3A : memref<!tpu.dma_semaphore, #tpu.memory_space<semaphore_mem>>) src(%arg8 : memref<80x128xf32, #tpu.memory_space<vmem>>) dst(%dma_wait3A_207 : memref<80x128xf32, #tpu.memory_space<vmem_shared>>)
        tpu.yield
      }) : () -> ()
    } else {
    }
    %mul3A_40 = arith.constant 640 : i32
    %mul3A_41 = arith.muli %arg1, %mul3A_40 : i32
    %add3A_42 = arith.constant 560 : i32
    %add3A_43 = arith.addi %mul3A_41, %add3A_42 : i32
    %lt3A_44 = arith.constant 15 : i32
    %lt3A_45 = arith.cmpi slt, %arg1, %lt3A_44 : i32
    %convert_element_type3A_46 = arith.extui %lt3A_45 : i1 to i32
    %cond3A_47 = arith.constant 0 : i32
    %cond3A_48 = arith.cmpi ne, %convert_element_type3A_46, %cond3A_47 : i32
    scf.if %cond3A_48 {
      "tpu.region"() ({
        %run_scoped3A = tpu.sem_alloc : memref<!tpu.dma_semaphore, #tpu.memory_space<semaphore_mem>>
        %dma_start3A_200 = arith.constant 0 : i32
        %dma_start3A_201 = tpu.memref_slice %arg10[%add3A_43, %dma_start3A_200] : memref<10000x128xf32, #tpu.memory_space<vmem_shared>> -> memref<80x128xf32, #tpu.memory_space<vmem_shared>>
        %dma_start3A_202 = arith.constant 0 : i32
        %dma_start3A_203 = tpu.memref_slice %arg10[%add3A_43, %dma_start3A_202] : memref<10000x128xf32, #tpu.memory_space<vmem_shared>> -> memref<80x128xf32, #tpu.memory_space<vmem_shared>>
        tpu.enqueue_dma source(%arg8 : memref<80x128xf32, #tpu.memory_space<vmem>>) target(%dma_start3A_203 : memref<80x128xf32, #tpu.memory_space<vmem_shared>>) target_semaphore(%run_scoped3A : memref<!tpu.dma_semaphore, #tpu.memory_space<semaphore_mem>>)
        %dma_wait3A_204 = arith.constant 0 : i32
        %dma_wait3A_205 = tpu.memref_slice %arg10[%add3A_43, %dma_wait3A_204] : memref<10000x128xf32, #tpu.memory_space<vmem_shared>> -> memref<80x128xf32, #tpu.memory_space<vmem_shared>>
        %dma_wait3A_206 = arith.constant 0 : i32
        %dma_wait3A_207 = tpu.memref_slice %arg10[%add3A_43, %dma_wait3A_206] : memref<10000x128xf32, #tpu.memory_space<vmem_shared>> -> memref<80x128xf32, #tpu.memory_space<vmem_shared>>
        tpu.wait_dma2 semaphore(%run_scoped3A : memref<!tpu.dma_semaphore, #tpu.memory_space<semaphore_mem>>) src(%arg8 : memref<80x128xf32, #tpu.memory_space<vmem>>) dst(%dma_wait3A_207 : memref<80x128xf32, #tpu.memory_space<vmem_shared>>)
        tpu.yield
      }) : () -> ()
    } else {
    }
    %barrier3A = arith.constant 0 : index
    tpu.barrier barrier_id(%barrier3A)
    %sub3A = arith.constant 1 : i32
    %sub3A_49 = arith.subi %sub3A, %arg0 : i32
    %mul3A_50 = arith.constant 320000 : i32
    %mul3A_51 = arith.muli %sub3A_49, %mul3A_50 : i32
    %mul3A_52 = arith.constant 20000 : i32
    %mul3A_53 = arith.muli %arg1, %mul3A_52 : i32
    %add3A_54 = arith.addi %mul3A_51, %mul3A_53 : i32
    %mul3A_55 = arith.constant 320000 : i32
    %mul3A_56 = arith.muli %arg0, %mul3A_55 : i32
    %mul3A_57 = arith.constant 20000 : i32
    %mul3A_58 = arith.muli %arg1, %mul3A_57 : i32
    %add3A_59 = arith.addi %mul3A_56, %mul3A_58 : i32
    %add3A_60 = arith.constant 0 : i32
    %add3A_61 = arith.addi %add3A_59, %add3A_60 : i32
    "tpu.region"() ({
      %run_scoped3A = tpu.sem_alloc : memref<!tpu.dma_semaphore, #tpu.memory_space<semaphore_mem>>
      %dma_start3A_200 = tpu.memref_slice %arg2[%add3A_61] : memref<640000xi32, #tpu.memory_space<hbm>> -> memref<10000xi32, #tpu.memory_space<hbm>>
      %dma_start3A_201 = tpu.memref_slice %arg2[%add3A_61] : memref<640000xi32, #tpu.memory_space<hbm>> -> memref<10000xi32, #tpu.memory_space<hbm>>
      tpu.enqueue_dma source(%dma_start3A_201 : memref<10000xi32, #tpu.memory_space<hbm>>) target(%arg5 : memref<10000xi32, #tpu.memory_space<vmem>>) target_semaphore(%run_scoped3A : memref<!tpu.dma_semaphore, #tpu.memory_space<semaphore_mem>>)
      %dma_wait3A_202 = tpu.memref_slice %arg2[%add3A_61] : memref<640000xi32, #tpu.memory_space<hbm>> -> memref<10000xi32, #tpu.memory_space<hbm>>
      %dma_wait3A_203 = tpu.memref_slice %arg2[%add3A_61] : memref<640000xi32, #tpu.memory_space<hbm>> -> memref<10000xi32, #tpu.memory_space<hbm>>
      tpu.wait_dma2 semaphore(%run_scoped3A : memref<!tpu.dma_semaphore, #tpu.memory_space<semaphore_mem>>) src(%dma_wait3A_203 : memref<10000xi32, #tpu.memory_space<hbm>>) dst(%arg5 : memref<10000xi32, #tpu.memory_space<vmem>>)
      tpu.yield
    }) : () -> ()
    %scan3A_62 = arith.constant 0 : i32
    %scan3A_63 = arith.constant 0 : i32
    %scan3A_64 = arith.constant 625 : i32
    %scan3A_65 = arith.addi %scan3A_63, %scan3A_64 : i32
    %scan3A_66 = arith.constant 1 : i32
    scf.for %scan3A_200 = %scan3A_63 to %scan3A_65 step %scan3A_66  : i32 {
      %mul3A_201 = arith.constant 16 : i32
      %mul3A_202 = arith.muli %scan3A_200, %mul3A_201 : i32
      %get3A = arith.index_cast %mul3A_202 : i32 to index
      %get3A_203 = tpu.vector_load %arg5[%get3A] {strides = array<i32>} : memref<10000xi32, #tpu.memory_space<vmem>>, vector<16xi32>,
      %get3A_204 = vector.shape_cast %get3A_203 : vector<16xi32> to vector<16xi32>
      %add3A_205 = vector.broadcast %mul3A_0 : i32 to vector<16xi32>
      %add3A_206 = arith.addi %get3A_204, %add3A_205 : vector<16xi32>
      %mul3A_207 = arith.constant 16 : i32
      %mul3A_208 = arith.muli %scan3A_200, %mul3A_207 : i32
      %swap3A = arith.index_cast %mul3A_208 : i32 to index
      %swap3A_209 = tpu.vector_load %arg5[%swap3A] {strides = array<i32>} : memref<10000xi32, #tpu.memory_space<vmem>>, vector<16xi32>,
      %swap3A_210 = vector.shape_cast %swap3A_209 : vector<16xi32> to vector<16xi32>
      %swap3A_211 = vector.shape_cast %add3A_206 : vector<16xi32> to vector<16xi32>
      tpu.vector_store %arg5[%swap3A], %swap3A_211 {strides = array<i32>} : memref<10000xi32, #tpu.memory_space<vmem>>, vector<16xi32>,
    }
    %scan3A_67 = arith.constant 625 : i32
    %add3A_68 = arith.constant 0 : i32
    %add3A_69 = arith.addi %add3A_54, %add3A_68 : i32
    %dma_start3A = tpu.memref_slice %arg2[%add3A_69] : memref<640000xi32, #tpu.memory_space<hbm>> -> memref<80xi32, #tpu.memory_space<hbm>>
    %dma_start3A_70 = tpu.memref_slice %arg2[%add3A_69] : memref<640000xi32, #tpu.memory_space<hbm>> -> memref<80xi32, #tpu.memory_space<hbm>>
    tpu.enqueue_dma source(%dma_start3A_70 : memref<80xi32, #tpu.memory_space<hbm>>) target(%arg6 : memref<80xi32, #tpu.memory_space<vmem>>) target_semaphore(%arg13 : memref<!tpu.dma_semaphore, #tpu.memory_space<semaphore_mem>>)
    %dma_start3A_71 = arith.constant 0 : i32
    %dma_start3A_72 = tpu.memref_slice %arg5[%dma_start3A_71] : memref<10000xi32, #tpu.memory_space<vmem>> -> memref<80xi32, #tpu.memory_space<vmem>>
    %dma_start3A_73 = arith.constant 0 : i32
    %dma_start3A_74 = arith.constant 0 : i32
    %dma_start3A_75 = tpu.memref_slice %arg3[%dma_start3A_73, %dma_start3A_74] : memref<20000x128xf32, #tpu.memory_space<hbm>> -> memref<20000x128xf32, #tpu.memory_space<hbm>>
    tpu.enqueue_indirect_dma source(%dma_start3A_75 : memref<20000x128xf32, #tpu.memory_space<hbm>>) target(%arg8 : memref<80x128xf32, #tpu.memory_space<vmem>>) offsets(%dma_start3A_72 : memref<80xi32, #tpu.memory_space<vmem>>) semaphore(%arg11 : memref<!tpu.dma_semaphore, #tpu.memory_space<semaphore_mem>>)
    %add3A_76 = arith.constant 80 : i32
    %add3A_77 = arith.addi %add3A_54, %add3A_76 : i32
    %dma_start3A_78 = tpu.memref_slice %arg2[%add3A_77] : memref<640000xi32, #tpu.memory_space<hbm>> -> memref<80xi32, #tpu.memory_space<hbm>>
    %dma_start3A_79 = tpu.memref_slice %arg2[%add3A_77] : memref<640000xi32, #tpu.memory_space<hbm>> -> memref<80xi32, #tpu.memory_space<hbm>>
    tpu.enqueue_dma source(%dma_start3A_79 : memref<80xi32, #tpu.memory_space<hbm>>) target(%arg7 : memref<80xi32, #tpu.memory_space<vmem>>) target_semaphore(%arg14 : memref<!tpu.dma_semaphore, #tpu.memory_space<semaphore_mem>>)
    %dma_start3A_80 = arith.constant 80 : i32
    %dma_start3A_81 = tpu.memref_slice %arg5[%dma_start3A_80] : memref<10000xi32, #tpu.memory_space<vmem>> -> memref<80xi32, #tpu.memory_space<vmem>>
    %dma_start3A_82 = arith.constant 0 : i32
    %dma_start3A_83 = arith.constant 0 : i32
    %dma_start3A_84 = tpu.memref_slice %arg3[%dma_start3A_82, %dma_start3A_83] : memref<20000x128xf32, #tpu.memory_space<hbm>> -> memref<20000x128xf32, #tpu.memory_space<hbm>>
    tpu.enqueue_indirect_dma source(%dma_start3A_84 : memref<20000x128xf32, #tpu.memory_space<hbm>>) target(%arg9 : memref<80x128xf32, #tpu.memory_space<vmem>>) offsets(%dma_start3A_81 : memref<80xi32, #tpu.memory_space<vmem>>) semaphore(%arg12 : memref<!tpu.dma_semaphore, #tpu.memory_space<semaphore_mem>>)
    %scan3A_85 = arith.constant 0 : i32
    %scan3A_86 = arith.constant 0 : i32
    %scan3A_87 = arith.constant 62 : i32
    %scan3A_88 = arith.addi %scan3A_86, %scan3A_87 : i32
    %scan3A_89 = arith.constant 1 : i32
    scf.for %scan3A_200 = %scan3A_86 to %scan3A_88 step %scan3A_89  : i32 {
      %mul3A_201 = arith.constant 2 : i32
      %mul3A_202 = arith.muli %scan3A_200, %mul3A_201 : i32
      %add3A_203 = arith.constant 0 : i32
      %add3A_204 = arith.addi %mul3A_202, %add3A_203 : i32
      %dma_wait3A_205 = arith.constant 0 : i32
      %dma_wait3A_206 = arith.constant 0 : i32
      %dma_wait3A_207 = tpu.memref_slice %arg3[%dma_wait3A_205, %dma_wait3A_206] : memref<20000x128xf32, #tpu.memory_space<hbm>> -> memref<80x128xf32, #tpu.memory_space<hbm>>
      %dma_wait3A_208 = arith.constant 0 : i32
      %dma_wait3A_209 = arith.constant 0 : i32
      %dma_wait3A_210 = tpu.memref_slice %arg3[%dma_wait3A_208, %dma_wait3A_209] : memref<20000x128xf32, #tpu.memory_space<hbm>> -> memref<80x128xf32, #tpu.memory_space<hbm>>
      tpu.wait_dma2 semaphore(%arg11 : memref<!tpu.dma_semaphore, #tpu.memory_space<semaphore_mem>>) src(%dma_wait3A_210 : memref<80x128xf32, #tpu.memory_space<hbm>>) dst(%arg8 : memref<80x128xf32, #tpu.memory_space<vmem>>)
      %dma_wait3A_211 = arith.constant 0 : i32
      %dma_wait3A_212 = tpu.memref_slice %arg2[%dma_wait3A_211] : memref<640000xi32, #tpu.memory_space<hbm>> -> memref<80xi32, #tpu.memory_space<hbm>>
      %dma_wait3A_213 = arith.constant 0 : i32
      %dma_wait3A_214 = tpu.memref_slice %arg2[%dma_wait3A_213] : memref<640000xi32, #tpu.memory_space<hbm>> -> memref<80xi32, #tpu.memory_space<hbm>>
      tpu.wait_dma2 semaphore(%arg13 : memref<!tpu.dma_semaphore, #tpu.memory_space<semaphore_mem>>) src(%dma_wait3A_214 : memref<80xi32, #tpu.memory_space<hbm>>) dst(%arg6 : memref<80xi32, #tpu.memory_space<vmem>>)
      "tpu.region"() ({
        %run_scoped3A = tpu.sem_alloc : memref<!tpu.dma_semaphore, #tpu.memory_space<semaphore_mem>>
        %dma_start3A_243 = arith.constant 0 : i32
        %dma_start3A_244 = arith.constant 0 : i32
        %dma_start3A_245 = tpu.memref_slice %arg10[%dma_start3A_243, %dma_start3A_244] : memref<10000x128xf32, #tpu.memory_space<vmem_shared>> -> memref<10000x128xf32, #tpu.memory_space<vmem_shared>>
        tpu.enqueue_indirect_dma source(%arg8 : memref<80x128xf32, #tpu.memory_space<vmem>>) target(%dma_start3A_245 : memref<10000x128xf32, #tpu.memory_space<vmem_shared>>) offsets(%arg6 : memref<80xi32, #tpu.memory_space<vmem>>) semaphore(%run_scoped3A : memref<!tpu.dma_semaphore, #tpu.memory_space<semaphore_mem>>) {add = true}
        %dma_wait3A_246 = arith.constant 0 : i32
        %dma_wait3A_247 = arith.constant 0 : i32
        %dma_wait3A_248 = tpu.memref_slice %arg10[%dma_wait3A_246, %dma_wait3A_247] : memref<10000x128xf32, #tpu.memory_space<vmem_shared>> -> memref<10000x128xf32, #tpu.memory_space<vmem_shared>>
        tpu.wait_indirect_dma semaphore(%run_scoped3A : memref<!tpu.dma_semaphore, #tpu.memory_space<semaphore_mem>>) src(%arg8 : memref<80x128xf32, #tpu.memory_space<vmem>>) dst(%dma_wait3A_248 : memref<10000x128xf32, #tpu.memory_space<vmem_shared>>)
        tpu.yield
      }) : () -> ()
      %add3A_215 = arith.constant 2 : i32
      %add3A_216 = arith.addi %add3A_204, %add3A_215 : i32
      %lt3A_217 = arith.constant 125 : i32
      %lt3A_218 = arith.cmpi slt, %add3A_216, %lt3A_217 : i32
      %convert_element_type3A_219 = arith.extui %lt3A_218 : i1 to i32
      %cond3A_220 = arith.constant 0 : i32
      %cond3A_221 = arith.cmpi ne, %convert_element_type3A_219, %cond3A_220 : i32
      scf.if %cond3A_221 {
        %add3A_243 = arith.constant 0 : i32
        %add3A_244 = arith.addi %add3A_243, %add3A_204 : i32
        %add3A_245 = arith.constant 2 : i32
        %add3A_246 = arith.addi %add3A_244, %add3A_245 : i32
        %mul3A_247 = arith.constant 80 : i32
        %mul3A_248 = arith.muli %add3A_246, %mul3A_247 : i32
        %add3A_249 = arith.addi %add3A_54, %mul3A_248 : i32
        %dma_start3A_250 = tpu.memref_slice %arg2[%add3A_249] : memref<640000xi32, #tpu.memory_space<hbm>> -> memref<80xi32, #tpu.memory_space<hbm>>
        %dma_start3A_251 = tpu.memref_slice %arg2[%add3A_249] : memref<640000xi32, #tpu.memory_space<hbm>> -> memref<80xi32, #tpu.memory_space<hbm>>
        tpu.enqueue_dma source(%dma_start3A_251 : memref<80xi32, #tpu.memory_space<hbm>>) target(%arg6 : memref<80xi32, #tpu.memory_space<vmem>>) target_semaphore(%arg13 : memref<!tpu.dma_semaphore, #tpu.memory_space<semaphore_mem>>)
        %add3A_252 = arith.constant 2 : i32
        %add3A_253 = arith.addi %add3A_204, %add3A_252 : i32
        %mul3A_254 = arith.constant 80 : i32
        %mul3A_255 = arith.muli %add3A_253, %mul3A_254 : i32
        %dma_start3A_256 = tpu.memref_slice %arg5[%mul3A_255] : memref<10000xi32, #tpu.memory_space<vmem>> -> memref<80xi32, #tpu.memory_space<vmem>>
        %dma_start3A_257 = arith.constant 0 : i32
        %dma_start3A_258 = arith.constant 0 : i32
        %dma_start3A_259 = tpu.memref_slice %arg3[%dma_start3A_257, %dma_start3A_258] : memref<20000x128xf32, #tpu.memory_space<hbm>> -> memref<20000x128xf32, #tpu.memory_space<hbm>>
        tpu.enqueue_indirect_dma source(%dma_start3A_259 : memref<20000x128xf32, #tpu.memory_space<hbm>>) target(%arg8 : memref<80x128xf32, #tpu.memory_space<vmem>>) offsets(%dma_start3A_256 : memref<80xi32, #tpu.memory_space<vmem>>) semaphore(%arg11 : memref<!tpu.dma_semaphore, #tpu.memory_space<semaphore_mem>>)
      } else {
      }
      %mul3A_222 = arith.constant 2 : i32
      %mul3A_223 = arith.muli %scan3A_200, %mul3A_222 : i32
      %add3A_224 = arith.constant 1 : i32
      %add3A_225 = arith.addi %mul3A_223, %add3A_224 : i32
      %dma_wait3A_226 = arith.constant 0 : i32
      %dma_wait3A_227 = arith.constant 0 : i32
      %dma_wait3A_228 = tpu.memref_slice %arg3[%dma_wait3A_226, %dma_wait3A_227] : memref<20000x128xf32, #tpu.memory_space<hbm>> -> memref<80x128xf32, #tpu.memory_space<hbm>>
      %dma_wait3A_229 = arith.constant 0 : i32
      %dma_wait3A_230 = arith.constant 0 : i32
      %dma_wait3A_231 = tpu.memref_slice %arg3[%dma_wait3A_229, %dma_wait3A_230] : memref<20000x128xf32, #tpu.memory_space<hbm>> -> memref<80x128xf32, #tpu.memory_space<hbm>>
      tpu.wait_dma2 semaphore(%arg12 : memref<!tpu.dma_semaphore, #tpu.memory_space<semaphore_mem>>) src(%dma_wait3A_231 : memref<80x128xf32, #tpu.memory_space<hbm>>) dst(%arg9 : memref<80x128xf32, #tpu.memory_space<vmem>>)
      %dma_wait3A_232 = arith.constant 0 : i32
      %dma_wait3A_233 = tpu.memref_slice %arg2[%dma_wait3A_232] : memref<640000xi32, #tpu.memory_space<hbm>> -> memref<80xi32, #tpu.memory_space<hbm>>
      %dma_wait3A_234 = arith.constant 0 : i32
      %dma_wait3A_235 = tpu.memref_slice %arg2[%dma_wait3A_234] : memref<640000xi32, #tpu.memory_space<hbm>> -> memref<80xi32, #tpu.memory_space<hbm>>
      tpu.wait_dma2 semaphore(%arg14 : memref<!tpu.dma_semaphore, #tpu.memory_space<semaphore_mem>>) src(%dma_wait3A_235 : memref<80xi32, #tpu.memory_space<hbm>>) dst(%arg7 : memref<80xi32, #tpu.memory_space<vmem>>)
      "tpu.region"() ({
        %run_scoped3A = tpu.sem_alloc : memref<!tpu.dma_semaphore, #tpu.memory_space<semaphore_mem>>
        %dma_start3A_243 = arith.constant 0 : i32
        %dma_start3A_244 = arith.constant 0 : i32
        %dma_start3A_245 = tpu.memref_slice %arg10[%dma_start3A_243, %dma_start3A_244] : memref<10000x128xf32, #tpu.memory_space<vmem_shared>> -> memref<10000x128xf32, #tpu.memory_space<vmem_shared>>
        tpu.enqueue_indirect_dma source(%arg9 : memref<80x128xf32, #tpu.memory_space<vmem>>) target(%dma_start3A_245 : memref<10000x128xf32, #tpu.memory_space<vmem_shared>>) offsets(%arg7 : memref<80xi32, #tpu.memory_space<vmem>>) semaphore(%run_scoped3A : memref<!tpu.dma_semaphore, #tpu.memory_space<semaphore_mem>>) {add = true}
        %dma_wait3A_246 = arith.constant 0 : i32
        %dma_wait3A_247 = arith.constant 0 : i32
        %dma_wait3A_248 = tpu.memref_slice %arg10[%dma_wait3A_246, %dma_wait3A_247] : memref<10000x128xf32, #tpu.memory_space<vmem_shared>> -> memref<10000x128xf32, #tpu.memory_space<vmem_shared>>
        tpu.wait_indirect_dma semaphore(%run_scoped3A : memref<!tpu.dma_semaphore, #tpu.memory_space<semaphore_mem>>) src(%arg9 : memref<80x128xf32, #tpu.memory_space<vmem>>) dst(%dma_wait3A_248 : memref<10000x128xf32, #tpu.memory_space<vmem_shared>>)
        tpu.yield
      }) : () -> ()
      %add3A_236 = arith.constant 2 : i32
      %add3A_237 = arith.addi %add3A_225, %add3A_236 : i32
      %lt3A_238 = arith.constant 125 : i32
      %lt3A_239 = arith.cmpi slt, %add3A_237, %lt3A_238 : i32
      %convert_element_type3A_240 = arith.extui %lt3A_239 : i1 to i32
      %cond3A_241 = arith.constant 0 : i32
      %cond3A_242 = arith.cmpi ne, %convert_element_type3A_240, %cond3A_241 : i32
      scf.if %cond3A_242 {
        %add3A_243 = arith.constant 0 : i32
        %add3A_244 = arith.addi %add3A_243, %add3A_225 : i32
        %add3A_245 = arith.constant 2 : i32
        %add3A_246 = arith.addi %add3A_244, %add3A_245 : i32
        %mul3A_247 = arith.constant 80 : i32
        %mul3A_248 = arith.muli %add3A_246, %mul3A_247 : i32
        %add3A_249 = arith.addi %add3A_54, %mul3A_248 : i32
        %dma_start3A_250 = tpu.memref_slice %arg2[%add3A_249] : memref<640000xi32, #tpu.memory_space<hbm>> -> memref<80xi32, #tpu.memory_space<hbm>>
        %dma_start3A_251 = tpu.memref_slice %arg2[%add3A_249] : memref<640000xi32, #tpu.memory_space<hbm>> -> memref<80xi32, #tpu.memory_space<hbm>>
        tpu.enqueue_dma source(%dma_start3A_251 : memref<80xi32, #tpu.memory_space<hbm>>) target(%arg7 : memref<80xi32, #tpu.memory_space<vmem>>) target_semaphore(%arg14 : memref<!tpu.dma_semaphore, #tpu.memory_space<semaphore_mem>>)
        %add3A_252 = arith.constant 2 : i32
        %add3A_253 = arith.addi %add3A_225, %add3A_252 : i32
        %mul3A_254 = arith.constant 80 : i32
        %mul3A_255 = arith.muli %add3A_253, %mul3A_254 : i32
        %dma_start3A_256 = tpu.memref_slice %arg5[%mul3A_255] : memref<10000xi32, #tpu.memory_space<vmem>> -> memref<80xi32, #tpu.memory_space<vmem>>
        %dma_start3A_257 = arith.constant 0 : i32
        %dma_start3A_258 = arith.constant 0 : i32
        %dma_start3A_259 = tpu.memref_slice %arg3[%dma_start3A_257, %dma_start3A_258] : memref<20000x128xf32, #tpu.memory_space<hbm>> -> memref<20000x128xf32, #tpu.memory_space<hbm>>
        tpu.enqueue_indirect_dma source(%dma_start3A_259 : memref<20000x128xf32, #tpu.memory_space<hbm>>) target(%arg9 : memref<80x128xf32, #tpu.memory_space<vmem>>) offsets(%dma_start3A_256 : memref<80xi32, #tpu.memory_space<vmem>>) semaphore(%arg12 : memref<!tpu.dma_semaphore, #tpu.memory_space<semaphore_mem>>)
      } else {
      }
    }
    %scan3A_90 = arith.constant 62 : i32
    %dma_wait3A = arith.constant 0 : i32
    %dma_wait3A_91 = arith.constant 0 : i32
    %dma_wait3A_92 = tpu.memref_slice %arg3[%dma_wait3A, %dma_wait3A_91] : memref<20000x128xf32, #tpu.memory_space<hbm>> -> memref<80x128xf32, #tpu.memory_space<hbm>>
    %dma_wait3A_93 = arith.constant 0 : i32
    %dma_wait3A_94 = arith.constant 0 : i32
    %dma_wait3A_95 = tpu.memref_slice %arg3[%dma_wait3A_93, %dma_wait3A_94] : memref<20000x128xf32, #tpu.memory_space<hbm>> -> memref<80x128xf32, #tpu.memory_space<hbm>>
    tpu.wait_dma2 semaphore(%arg11 : memref<!tpu.dma_semaphore, #tpu.memory_space<semaphore_mem>>) src(%dma_wait3A_95 : memref<80x128xf32, #tpu.memory_space<hbm>>) dst(%arg8 : memref<80x128xf32, #tpu.memory_space<vmem>>)
    %dma_wait3A_96 = arith.constant 0 : i32
    %dma_wait3A_97 = tpu.memref_slice %arg2[%dma_wait3A_96] : memref<640000xi32, #tpu.memory_space<hbm>> -> memref<80xi32, #tpu.memory_space<hbm>>
    %dma_wait3A_98 = arith.constant 0 : i32
    %dma_wait3A_99 = tpu.memref_slice %arg2[%dma_wait3A_98] : memref<640000xi32, #tpu.memory_space<hbm>> -> memref<80xi32, #tpu.memory_space<hbm>>
    tpu.wait_dma2 semaphore(%arg13 : memref<!tpu.dma_semaphore, #tpu.memory_space<semaphore_mem>>) src(%dma_wait3A_99 : memref<80xi32, #tpu.memory_space<hbm>>) dst(%arg6 : memref<80xi32, #tpu.memory_space<vmem>>)
    "tpu.region"() ({
      %run_scoped3A = tpu.sem_alloc : memref<!tpu.dma_semaphore, #tpu.memory_space<semaphore_mem>>
      %dma_start3A_200 = arith.constant 0 : i32
      %dma_start3A_201 = arith.constant 0 : i32
      %dma_start3A_202 = tpu.memref_slice %arg10[%dma_start3A_200, %dma_start3A_201] : memref<10000x128xf32, #tpu.memory_space<vmem_shared>> -> memref<10000x128xf32, #tpu.memory_space<vmem_shared>>
      tpu.enqueue_indirect_dma source(%arg8 : memref<80x128xf32, #tpu.memory_space<vmem>>) target(%dma_start3A_202 : memref<10000x128xf32, #tpu.memory_space<vmem_shared>>) offsets(%arg6 : memref<80xi32, #tpu.memory_space<vmem>>) semaphore(%run_scoped3A : memref<!tpu.dma_semaphore, #tpu.memory_space<semaphore_mem>>) {add = true}
      %dma_wait3A_203 = arith.constant 0 : i32
      %dma_wait3A_204 = arith.constant 0 : i32
      %dma_wait3A_205 = tpu.memref_slice %arg10[%dma_wait3A_203, %dma_wait3A_204] : memref<10000x128xf32, #tpu.memory_space<vmem_shared>> -> memref<10000x128xf32, #tpu.memory_space<vmem_shared>>
      tpu.wait_indirect_dma semaphore(%run_scoped3A : memref<!tpu.dma_semaphore, #tpu.memory_space<semaphore_mem>>) src(%arg8 : memref<80x128xf32, #tpu.memory_space<vmem>>) dst(%dma_wait3A_205 : memref<10000x128xf32, #tpu.memory_space<vmem_shared>>)
      tpu.yield
    }) : () -> ()
    %mul3A_100 = arith.constant 320000 : i32
    %mul3A_101 = arith.muli %arg0, %mul3A_100 : i32
    %mul3A_102 = arith.constant 20000 : i32
    %mul3A_103 = arith.muli %arg1, %mul3A_102 : i32
    %add3A_104 = arith.addi %mul3A_101, %mul3A_103 : i32
    %add3A_105 = arith.constant 10000 : i32
    %add3A_106 = arith.addi %add3A_104, %add3A_105 : i32
    "tpu.region"() ({
      %run_scoped3A = tpu.sem_alloc : memref<!tpu.dma_semaphore, #tpu.memory_space<semaphore_mem>>
      %dma_start3A_200 = tpu.memref_slice %arg2[%add3A_106] : memref<640000xi32, #tpu.memory_space<hbm>> -> memref<10000xi32, #tpu.memory_space<hbm>>
      %dma_start3A_201 = tpu.memref_slice %arg2[%add3A_106] : memref<640000xi32, #tpu.memory_space<hbm>> -> memref<10000xi32, #tpu.memory_space<hbm>>
      tpu.enqueue_dma source(%dma_start3A_201 : memref<10000xi32, #tpu.memory_space<hbm>>) target(%arg5 : memref<10000xi32, #tpu.memory_space<vmem>>) target_semaphore(%run_scoped3A : memref<!tpu.dma_semaphore, #tpu.memory_space<semaphore_mem>>)
      %dma_wait3A_202 = tpu.memref_slice %arg2[%add3A_106] : memref<640000xi32, #tpu.memory_space<hbm>> -> memref<10000xi32, #tpu.memory_space<hbm>>
      %dma_wait3A_203 = tpu.memref_slice %arg2[%add3A_106] : memref<640000xi32, #tpu.memory_space<hbm>> -> memref<10000xi32, #tpu.memory_space<hbm>>
      tpu.wait_dma2 semaphore(%run_scoped3A : memref<!tpu.dma_semaphore, #tpu.memory_space<semaphore_mem>>) src(%dma_wait3A_203 : memref<10000xi32, #tpu.memory_space<hbm>>) dst(%arg5 : memref<10000xi32, #tpu.memory_space<vmem>>)
      tpu.yield
    }) : () -> ()
    %scan3A_107 = arith.constant 0 : i32
    %scan3A_108 = arith.constant 0 : i32
    %scan3A_109 = arith.constant 625 : i32
    %scan3A_110 = arith.addi %scan3A_108, %scan3A_109 : i32
    %scan3A_111 = arith.constant 1 : i32
    scf.for %scan3A_200 = %scan3A_108 to %scan3A_110 step %scan3A_111  : i32 {
      %mul3A_201 = arith.constant 16 : i32
      %mul3A_202 = arith.muli %scan3A_200, %mul3A_201 : i32
      %get3A = arith.index_cast %mul3A_202 : i32 to index
      %get3A_203 = tpu.vector_load %arg5[%get3A] {strides = array<i32>} : memref<10000xi32, #tpu.memory_space<vmem>>, vector<16xi32>,
      %get3A_204 = vector.shape_cast %get3A_203 : vector<16xi32> to vector<16xi32>
      %add3A_205 = vector.broadcast %mul3A_0 : i32 to vector<16xi32>
      %add3A_206 = arith.addi %get3A_204, %add3A_205 : vector<16xi32>
      %mul3A_207 = arith.constant 16 : i32
      %mul3A_208 = arith.muli %scan3A_200, %mul3A_207 : i32
      %swap3A = arith.index_cast %mul3A_208 : i32 to index
      %swap3A_209 = tpu.vector_load %arg5[%swap3A] {strides = array<i32>} : memref<10000xi32, #tpu.memory_space<vmem>>, vector<16xi32>,
      %swap3A_210 = vector.shape_cast %swap3A_209 : vector<16xi32> to vector<16xi32>
      %swap3A_211 = vector.shape_cast %add3A_206 : vector<16xi32> to vector<16xi32>
      tpu.vector_store %arg5[%swap3A], %swap3A_211 {strides = array<i32>} : memref<10000xi32, #tpu.memory_space<vmem>>, vector<16xi32>,
    }
    %scan3A_112 = arith.constant 625 : i32
    %add3A_113 = arith.constant 10000 : i32
    %add3A_114 = arith.addi %add3A_54, %add3A_113 : i32
    %dma_start3A_115 = tpu.memref_slice %arg2[%add3A_114] : memref<640000xi32, #tpu.memory_space<hbm>> -> memref<80xi32, #tpu.memory_space<hbm>>
    %dma_start3A_116 = tpu.memref_slice %arg2[%add3A_114] : memref<640000xi32, #tpu.memory_space<hbm>> -> memref<80xi32, #tpu.memory_space<hbm>>
    tpu.enqueue_dma source(%dma_start3A_116 : memref<80xi32, #tpu.memory_space<hbm>>) target(%arg6 : memref<80xi32, #tpu.memory_space<vmem>>) target_semaphore(%arg13 : memref<!tpu.dma_semaphore, #tpu.memory_space<semaphore_mem>>)
    %dma_start3A_117 = arith.constant 0 : i32
    %dma_start3A_118 = tpu.memref_slice %arg5[%dma_start3A_117] : memref<10000xi32, #tpu.memory_space<vmem>> -> memref<80xi32, #tpu.memory_space<vmem>>
    %dma_start3A_119 = arith.constant 0 : i32
    %dma_start3A_120 = arith.constant 0 : i32
    %dma_start3A_121 = tpu.memref_slice %arg3[%dma_start3A_119, %dma_start3A_120] : memref<20000x128xf32, #tpu.memory_space<hbm>> -> memref<20000x128xf32, #tpu.memory_space<hbm>>
    tpu.enqueue_indirect_dma source(%dma_start3A_121 : memref<20000x128xf32, #tpu.memory_space<hbm>>) target(%arg8 : memref<80x128xf32, #tpu.memory_space<vmem>>) offsets(%dma_start3A_118 : memref<80xi32, #tpu.memory_space<vmem>>) semaphore(%arg11 : memref<!tpu.dma_semaphore, #tpu.memory_space<semaphore_mem>>)
    %add3A_122 = arith.constant 10080 : i32
    %add3A_123 = arith.addi %add3A_54, %add3A_122 : i32
    %dma_start3A_124 = tpu.memref_slice %arg2[%add3A_123] : memref<640000xi32, #tpu.memory_space<hbm>> -> memref<80xi32, #tpu.memory_space<hbm>>
    %dma_start3A_125 = tpu.memref_slice %arg2[%add3A_123] : memref<640000xi32, #tpu.memory_space<hbm>> -> memref<80xi32, #tpu.memory_space<hbm>>
    tpu.enqueue_dma source(%dma_start3A_125 : memref<80xi32, #tpu.memory_space<hbm>>) target(%arg7 : memref<80xi32, #tpu.memory_space<vmem>>) target_semaphore(%arg14 : memref<!tpu.dma_semaphore, #tpu.memory_space<semaphore_mem>>)
    %dma_start3A_126 = arith.constant 80 : i32
    %dma_start3A_127 = tpu.memref_slice %arg5[%dma_start3A_126] : memref<10000xi32, #tpu.memory_space<vmem>> -> memref<80xi32, #tpu.memory_space<vmem>>
    %dma_start3A_128 = arith.constant 0 : i32
    %dma_start3A_129 = arith.constant 0 : i32
    %dma_start3A_130 = tpu.memref_slice %arg3[%dma_start3A_128, %dma_start3A_129] : memref<20000x128xf32, #tpu.memory_space<hbm>> -> memref<20000x128xf32, #tpu.memory_space<hbm>>
    tpu.enqueue_indirect_dma source(%dma_start3A_130 : memref<20000x128xf32, #tpu.memory_space<hbm>>) target(%arg9 : memref<80x128xf32, #tpu.memory_space<vmem>>) offsets(%dma_start3A_127 : memref<80xi32, #tpu.memory_space<vmem>>) semaphore(%arg12 : memref<!tpu.dma_semaphore, #tpu.memory_space<semaphore_mem>>)
    %scan3A_131 = arith.constant 0 : i32
    %scan3A_132 = arith.constant 0 : i32
    %scan3A_133 = arith.constant 62 : i32
    %scan3A_134 = arith.addi %scan3A_132, %scan3A_133 : i32
    %scan3A_135 = arith.constant 1 : i32
    scf.for %scan3A_200 = %scan3A_132 to %scan3A_134 step %scan3A_135  : i32 {
      %mul3A_201 = arith.constant 2 : i32
      %mul3A_202 = arith.muli %scan3A_200, %mul3A_201 : i32
      %add3A_203 = arith.constant 0 : i32
      %add3A_204 = arith.addi %mul3A_202, %add3A_203 : i32
      %dma_wait3A_205 = arith.constant 0 : i32
      %dma_wait3A_206 = arith.constant 0 : i32
      %dma_wait3A_207 = tpu.memref_slice %arg3[%dma_wait3A_205, %dma_wait3A_206] : memref<20000x128xf32, #tpu.memory_space<hbm>> -> memref<80x128xf32, #tpu.memory_space<hbm>>
      %dma_wait3A_208 = arith.constant 0 : i32
      %dma_wait3A_209 = arith.constant 0 : i32
      %dma_wait3A_210 = tpu.memref_slice %arg3[%dma_wait3A_208, %dma_wait3A_209] : memref<20000x128xf32, #tpu.memory_space<hbm>> -> memref<80x128xf32, #tpu.memory_space<hbm>>
      tpu.wait_dma2 semaphore(%arg11 : memref<!tpu.dma_semaphore, #tpu.memory_space<semaphore_mem>>) src(%dma_wait3A_210 : memref<80x128xf32, #tpu.memory_space<hbm>>) dst(%arg8 : memref<80x128xf32, #tpu.memory_space<vmem>>)
      %dma_wait3A_211 = arith.constant 0 : i32
      %dma_wait3A_212 = tpu.memref_slice %arg2[%dma_wait3A_211] : memref<640000xi32, #tpu.memory_space<hbm>> -> memref<80xi32, #tpu.memory_space<hbm>>
      %dma_wait3A_213 = arith.constant 0 : i32
      %dma_wait3A_214 = tpu.memref_slice %arg2[%dma_wait3A_213] : memref<640000xi32, #tpu.memory_space<hbm>> -> memref<80xi32, #tpu.memory_space<hbm>>
      tpu.wait_dma2 semaphore(%arg13 : memref<!tpu.dma_semaphore, #tpu.memory_space<semaphore_mem>>) src(%dma_wait3A_214 : memref<80xi32, #tpu.memory_space<hbm>>) dst(%arg6 : memref<80xi32, #tpu.memory_space<vmem>>)
      "tpu.region"() ({
        %run_scoped3A = tpu.sem_alloc : memref<!tpu.dma_semaphore, #tpu.memory_space<semaphore_mem>>
        %dma_start3A_243 = arith.constant 0 : i32
        %dma_start3A_244 = arith.constant 0 : i32
        %dma_start3A_245 = tpu.memref_slice %arg10[%dma_start3A_243, %dma_start3A_244] : memref<10000x128xf32, #tpu.memory_space<vmem_shared>> -> memref<10000x128xf32, #tpu.memory_space<vmem_shared>>
        tpu.enqueue_indirect_dma source(%arg8 : memref<80x128xf32, #tpu.memory_space<vmem>>) target(%dma_start3A_245 : memref<10000x128xf32, #tpu.memory_space<vmem_shared>>) offsets(%arg6 : memref<80xi32, #tpu.memory_space<vmem>>) semaphore(%run_scoped3A : memref<!tpu.dma_semaphore, #tpu.memory_space<semaphore_mem>>) {add = true}
        %dma_wait3A_246 = arith.constant 0 : i32
        %dma_wait3A_247 = arith.constant 0 : i32
        %dma_wait3A_248 = tpu.memref_slice %arg10[%dma_wait3A_246, %dma_wait3A_247] : memref<10000x128xf32, #tpu.memory_space<vmem_shared>> -> memref<10000x128xf32, #tpu.memory_space<vmem_shared>>
        tpu.wait_indirect_dma semaphore(%run_scoped3A : memref<!tpu.dma_semaphore, #tpu.memory_space<semaphore_mem>>) src(%arg8 : memref<80x128xf32, #tpu.memory_space<vmem>>) dst(%dma_wait3A_248 : memref<10000x128xf32, #tpu.memory_space<vmem_shared>>)
        tpu.yield
      }) : () -> ()
      %add3A_215 = arith.constant 2 : i32
      %add3A_216 = arith.addi %add3A_204, %add3A_215 : i32
      %lt3A_217 = arith.constant 125 : i32
      %lt3A_218 = arith.cmpi slt, %add3A_216, %lt3A_217 : i32
      %convert_element_type3A_219 = arith.extui %lt3A_218 : i1 to i32
      %cond3A_220 = arith.constant 0 : i32
      %cond3A_221 = arith.cmpi ne, %convert_element_type3A_219, %cond3A_220 : i32
      scf.if %cond3A_221 {
        %add3A_243 = arith.constant 125 : i32
        %add3A_244 = arith.addi %add3A_243, %add3A_204 : i32
        %add3A_245 = arith.constant 2 : i32
        %add3A_246 = arith.addi %add3A_244, %add3A_245 : i32
        %mul3A_247 = arith.constant 80 : i32
        %mul3A_248 = arith.muli %add3A_246, %mul3A_247 : i32
        %add3A_249 = arith.addi %add3A_54, %mul3A_248 : i32
        %dma_start3A_250 = tpu.memref_slice %arg2[%add3A_249] : memref<640000xi32, #tpu.memory_space<hbm>> -> memref<80xi32, #tpu.memory_space<hbm>>
        %dma_start3A_251 = tpu.memref_slice %arg2[%add3A_249] : memref<640000xi32, #tpu.memory_space<hbm>> -> memref<80xi32, #tpu.memory_space<hbm>>
        tpu.enqueue_dma source(%dma_start3A_251 : memref<80xi32, #tpu.memory_space<hbm>>) target(%arg6 : memref<80xi32, #tpu.memory_space<vmem>>) target_semaphore(%arg13 : memref<!tpu.dma_semaphore, #tpu.memory_space<semaphore_mem>>)
        %add3A_252 = arith.constant 2 : i32
        %add3A_253 = arith.addi %add3A_204, %add3A_252 : i32
        %mul3A_254 = arith.constant 80 : i32
        %mul3A_255 = arith.muli %add3A_253, %mul3A_254 : i32
        %dma_start3A_256 = tpu.memref_slice %arg5[%mul3A_255] : memref<10000xi32, #tpu.memory_space<vmem>> -> memref<80xi32, #tpu.memory_space<vmem>>
        %dma_start3A_257 = arith.constant 0 : i32
        %dma_start3A_258 = arith.constant 0 : i32
        %dma_start3A_259 = tpu.memref_slice %arg3[%dma_start3A_257, %dma_start3A_258] : memref<20000x128xf32, #tpu.memory_space<hbm>> -> memref<20000x128xf32, #tpu.memory_space<hbm>>
        tpu.enqueue_indirect_dma source(%dma_start3A_259 : memref<20000x128xf32, #tpu.memory_space<hbm>>) target(%arg8 : memref<80x128xf32, #tpu.memory_space<vmem>>) offsets(%dma_start3A_256 : memref<80xi32, #tpu.memory_space<vmem>>) semaphore(%arg11 : memref<!tpu.dma_semaphore, #tpu.memory_space<semaphore_mem>>)
      } else {
      }
      %mul3A_222 = arith.constant 2 : i32
      %mul3A_223 = arith.muli %scan3A_200, %mul3A_222 : i32
      %add3A_224 = arith.constant 1 : i32
      %add3A_225 = arith.addi %mul3A_223, %add3A_224 : i32
      %dma_wait3A_226 = arith.constant 0 : i32
      %dma_wait3A_227 = arith.constant 0 : i32
      %dma_wait3A_228 = tpu.memref_slice %arg3[%dma_wait3A_226, %dma_wait3A_227] : memref<20000x128xf32, #tpu.memory_space<hbm>> -> memref<80x128xf32, #tpu.memory_space<hbm>>
      %dma_wait3A_229 = arith.constant 0 : i32
      %dma_wait3A_230 = arith.constant 0 : i32
      %dma_wait3A_231 = tpu.memref_slice %arg3[%dma_wait3A_229, %dma_wait3A_230] : memref<20000x128xf32, #tpu.memory_space<hbm>> -> memref<80x128xf32, #tpu.memory_space<hbm>>
      tpu.wait_dma2 semaphore(%arg12 : memref<!tpu.dma_semaphore, #tpu.memory_space<semaphore_mem>>) src(%dma_wait3A_231 : memref<80x128xf32, #tpu.memory_space<hbm>>) dst(%arg9 : memref<80x128xf32, #tpu.memory_space<vmem>>)
      %dma_wait3A_232 = arith.constant 0 : i32
      %dma_wait3A_233 = tpu.memref_slice %arg2[%dma_wait3A_232] : memref<640000xi32, #tpu.memory_space<hbm>> -> memref<80xi32, #tpu.memory_space<hbm>>
      %dma_wait3A_234 = arith.constant 0 : i32
      %dma_wait3A_235 = tpu.memref_slice %arg2[%dma_wait3A_234] : memref<640000xi32, #tpu.memory_space<hbm>> -> memref<80xi32, #tpu.memory_space<hbm>>
      tpu.wait_dma2 semaphore(%arg14 : memref<!tpu.dma_semaphore, #tpu.memory_space<semaphore_mem>>) src(%dma_wait3A_235 : memref<80xi32, #tpu.memory_space<hbm>>) dst(%arg7 : memref<80xi32, #tpu.memory_space<vmem>>)
      "tpu.region"() ({
        %run_scoped3A = tpu.sem_alloc : memref<!tpu.dma_semaphore, #tpu.memory_space<semaphore_mem>>
        %dma_start3A_243 = arith.constant 0 : i32
        %dma_start3A_244 = arith.constant 0 : i32
        %dma_start3A_245 = tpu.memref_slice %arg10[%dma_start3A_243, %dma_start3A_244] : memref<10000x128xf32, #tpu.memory_space<vmem_shared>> -> memref<10000x128xf32, #tpu.memory_space<vmem_shared>>
        tpu.enqueue_indirect_dma source(%arg9 : memref<80x128xf32, #tpu.memory_space<vmem>>) target(%dma_start3A_245 : memref<10000x128xf32, #tpu.memory_space<vmem_shared>>) offsets(%arg7 : memref<80xi32, #tpu.memory_space<vmem>>) semaphore(%run_scoped3A : memref<!tpu.dma_semaphore, #tpu.memory_space<semaphore_mem>>) {add = true}
        %dma_wait3A_246 = arith.constant 0 : i32
        %dma_wait3A_247 = arith.constant 0 : i32
        %dma_wait3A_248 = tpu.memref_slice %arg10[%dma_wait3A_246, %dma_wait3A_247] : memref<10000x128xf32, #tpu.memory_space<vmem_shared>> -> memref<10000x128xf32, #tpu.memory_space<vmem_shared>>
        tpu.wait_indirect_dma semaphore(%run_scoped3A : memref<!tpu.dma_semaphore, #tpu.memory_space<semaphore_mem>>) src(%arg9 : memref<80x128xf32, #tpu.memory_space<vmem>>) dst(%dma_wait3A_248 : memref<10000x128xf32, #tpu.memory_space<vmem_shared>>)
        tpu.yield
      }) : () -> ()
      %add3A_236 = arith.constant 2 : i32
      %add3A_237 = arith.addi %add3A_225, %add3A_236 : i32
      %lt3A_238 = arith.constant 125 : i32
      %lt3A_239 = arith.cmpi slt, %add3A_237, %lt3A_238 : i32
      %convert_element_type3A_240 = arith.extui %lt3A_239 : i1 to i32
      %cond3A_241 = arith.constant 0 : i32
      %cond3A_242 = arith.cmpi ne, %convert_element_type3A_240, %cond3A_241 : i32
      scf.if %cond3A_242 {
        %add3A_243 = arith.constant 125 : i32
        %add3A_244 = arith.addi %add3A_243, %add3A_225 : i32
        %add3A_245 = arith.constant 2 : i32
        %add3A_246 = arith.addi %add3A_244, %add3A_245 : i32
        %mul3A_247 = arith.constant 80 : i32
        %mul3A_248 = arith.muli %add3A_246, %mul3A_247 : i32
        %add3A_249 = arith.addi %add3A_54, %mul3A_248 : i32
        %dma_start3A_250 = tpu.memref_slice %arg2[%add3A_249] : memref<640000xi32, #tpu.memory_space<hbm>> -> memref<80xi32, #tpu.memory_space<hbm>>
        %dma_start3A_251 = tpu.memref_slice %arg2[%add3A_249] : memref<640000xi32, #tpu.memory_space<hbm>> -> memref<80xi32, #tpu.memory_space<hbm>>
        tpu.enqueue_dma source(%dma_start3A_251 : memref<80xi32, #tpu.memory_space<hbm>>) target(%arg7 : memref<80xi32, #tpu.memory_space<vmem>>) target_semaphore(%arg14 : memref<!tpu.dma_semaphore, #tpu.memory_space<semaphore_mem>>)
        %add3A_252 = arith.constant 2 : i32
        %add3A_253 = arith.addi %add3A_225, %add3A_252 : i32
        %mul3A_254 = arith.constant 80 : i32
        %mul3A_255 = arith.muli %add3A_253, %mul3A_254 : i32
        %dma_start3A_256 = tpu.memref_slice %arg5[%mul3A_255] : memref<10000xi32, #tpu.memory_space<vmem>> -> memref<80xi32, #tpu.memory_space<vmem>>
        %dma_start3A_257 = arith.constant 0 : i32
        %dma_start3A_258 = arith.constant 0 : i32
        %dma_start3A_259 = tpu.memref_slice %arg3[%dma_start3A_257, %dma_start3A_258] : memref<20000x128xf32, #tpu.memory_space<hbm>> -> memref<20000x128xf32, #tpu.memory_space<hbm>>
        tpu.enqueue_indirect_dma source(%dma_start3A_259 : memref<20000x128xf32, #tpu.memory_space<hbm>>) target(%arg9 : memref<80x128xf32, #tpu.memory_space<vmem>>) offsets(%dma_start3A_256 : memref<80xi32, #tpu.memory_space<vmem>>) semaphore(%arg12 : memref<!tpu.dma_semaphore, #tpu.memory_space<semaphore_mem>>)
      } else {
      }
    }
    %scan3A_136 = arith.constant 62 : i32
    %dma_wait3A_137 = arith.constant 0 : i32
    %dma_wait3A_138 = arith.constant 0 : i32
    %dma_wait3A_139 = tpu.memref_slice %arg3[%dma_wait3A_137, %dma_wait3A_138] : memref<20000x128xf32, #tpu.memory_space<hbm>> -> memref<80x128xf32, #tpu.memory_space<hbm>>
    %dma_wait3A_140 = arith.constant 0 : i32
    %dma_wait3A_141 = arith.constant 0 : i32
    %dma_wait3A_142 = tpu.memref_slice %arg3[%dma_wait3A_140, %dma_wait3A_141] : memref<20000x128xf32, #tpu.memory_space<hbm>> -> memref<80x128xf32, #tpu.memory_space<hbm>>
    tpu.wait_dma2 semaphore(%arg11 : memref<!tpu.dma_semaphore, #tpu.memory_space<semaphore_mem>>) src(%dma_wait3A_142 : memref<80x128xf32, #tpu.memory_space<hbm>>) dst(%arg8 : memref<80x128xf32, #tpu.memory_space<vmem>>)
    %dma_wait3A_143 = arith.constant 0 : i32
    %dma_wait3A_144 = tpu.memref_slice %arg2[%dma_wait3A_143] : memref<640000xi32, #tpu.memory_space<hbm>> -> memref<80xi32, #tpu.memory_space<hbm>>
    %dma_wait3A_145 = arith.constant 0 : i32
    %dma_wait3A_146 = tpu.memref_slice %arg2[%dma_wait3A_145] : memref<640000xi32, #tpu.memory_space<hbm>> -> memref<80xi32, #tpu.memory_space<hbm>>
    tpu.wait_dma2 semaphore(%arg13 : memref<!tpu.dma_semaphore, #tpu.memory_space<semaphore_mem>>) src(%dma_wait3A_146 : memref<80xi32, #tpu.memory_space<hbm>>) dst(%arg6 : memref<80xi32, #tpu.memory_space<vmem>>)
    "tpu.region"() ({
      %run_scoped3A = tpu.sem_alloc : memref<!tpu.dma_semaphore, #tpu.memory_space<semaphore_mem>>
      %dma_start3A_200 = arith.constant 0 : i32
      %dma_start3A_201 = arith.constant 0 : i32
      %dma_start3A_202 = tpu.memref_slice %arg10[%dma_start3A_200, %dma_start3A_201] : memref<10000x128xf32, #tpu.memory_space<vmem_shared>> -> memref<10000x128xf32, #tpu.memory_space<vmem_shared>>
      tpu.enqueue_indirect_dma source(%arg8 : memref<80x128xf32, #tpu.memory_space<vmem>>) target(%dma_start3A_202 : memref<10000x128xf32, #tpu.memory_space<vmem_shared>>) offsets(%arg6 : memref<80xi32, #tpu.memory_space<vmem>>) semaphore(%run_scoped3A : memref<!tpu.dma_semaphore, #tpu.memory_space<semaphore_mem>>) {add = true}
      %dma_wait3A_203 = arith.constant 0 : i32
      %dma_wait3A_204 = arith.constant 0 : i32
      %dma_wait3A_205 = tpu.memref_slice %arg10[%dma_wait3A_203, %dma_wait3A_204] : memref<10000x128xf32, #tpu.memory_space<vmem_shared>> -> memref<10000x128xf32, #tpu.memory_space<vmem_shared>>
      tpu.wait_indirect_dma semaphore(%run_scoped3A : memref<!tpu.dma_semaphore, #tpu.memory_space<semaphore_mem>>) src(%arg8 : memref<80x128xf32, #tpu.memory_space<vmem>>) dst(%dma_wait3A_205 : memref<10000x128xf32, #tpu.memory_space<vmem_shared>>)
      tpu.yield
    }) : () -> ()
    %barrier3A_147 = arith.constant 0 : index
    tpu.barrier barrier_id(%barrier3A_147)
    %mul3A_148 = arith.constant 640 : i32
    %mul3A_149 = arith.muli %arg1, %mul3A_148 : i32
    %add3A_150 = arith.constant 0 : i32
    %add3A_151 = arith.addi %mul3A_149, %add3A_150 : i32
    "tpu.region"() ({
      %run_scoped3A = tpu.sem_alloc : memref<!tpu.dma_semaphore, #tpu.memory_space<semaphore_mem>>
      %dma_start3A_200 = arith.constant 0 : i32
      %dma_start3A_201 = tpu.memref_slice %arg10[%add3A_151, %dma_start3A_200] : memref<10000x128xf32, #tpu.memory_space<vmem_shared>> -> memref<80x128xf32, #tpu.memory_space<vmem_shared>>
      %dma_start3A_202 = arith.constant 0 : i32
      %dma_start3A_203 = tpu.memref_slice %arg10[%add3A_151, %dma_start3A_202] : memref<10000x128xf32, #tpu.memory_space<vmem_shared>> -> memref<80x128xf32, #tpu.memory_space<vmem_shared>>
      tpu.enqueue_dma source(%dma_start3A_203 : memref<80x128xf32, #tpu.memory_space<vmem_shared>>) target(%arg8 : memref<80x128xf32, #tpu.memory_space<vmem>>) target_semaphore(%run_scoped3A : memref<!tpu.dma_semaphore, #tpu.memory_space<semaphore_mem>>)
      %dma_wait3A_204 = arith.constant 0 : i32
      %dma_wait3A_205 = tpu.memref_slice %arg10[%add3A_151, %dma_wait3A_204] : memref<10000x128xf32, #tpu.memory_space<vmem_shared>> -> memref<80x128xf32, #tpu.memory_space<vmem_shared>>
      %dma_wait3A_206 = arith.constant 0 : i32
      %dma_wait3A_207 = tpu.memref_slice %arg10[%add3A_151, %dma_wait3A_206] : memref<10000x128xf32, #tpu.memory_space<vmem_shared>> -> memref<80x128xf32, #tpu.memory_space<vmem_shared>>
      tpu.wait_dma2 semaphore(%run_scoped3A : memref<!tpu.dma_semaphore, #tpu.memory_space<semaphore_mem>>) src(%dma_wait3A_207 : memref<80x128xf32, #tpu.memory_space<vmem_shared>>) dst(%arg8 : memref<80x128xf32, #tpu.memory_space<vmem>>)
      tpu.yield
    }) : () -> ()
    %add3A_152 = arith.addi %mul3A_0, %add3A_151 : i32
    "tpu.region"() ({
      %run_scoped3A = tpu.sem_alloc : memref<!tpu.dma_semaphore, #tpu.memory_space<semaphore_mem>>
      %dma_start3A_200 = arith.constant 0 : i32
      %dma_start3A_201 = tpu.memref_slice %arg4[%add3A_152, %dma_start3A_200] : memref<20000x128xf32, #tpu.memory_space<hbm>> -> memref<80x128xf32, #tpu.memory_space<hbm>>
      %dma_start3A_202 = arith.constant 0 : i32
      %dma_start3A_203 = tpu.memref_slice %arg4[%add3A_152, %dma_start3A_202] : memref<20000x128xf32, #tpu.memory_space<hbm>> -> memref<80x128xf32, #tpu.memory_space<hbm>>
      tpu.enqueue_dma source(%arg8 : memref<80x128xf32, #tpu.memory_space<vmem>>) target(%dma_start3A_203 : memref<80x128xf32, #tpu.memory_space<hbm>>) target_semaphore(%run_scoped3A : memref<!tpu.dma_semaphore, #tpu.memory_space<semaphore_mem>>)
      %dma_wait3A_204 = arith.constant 0 : i32
      %dma_wait3A_205 = tpu.memref_slice %arg4[%add3A_152, %dma_wait3A_204] : memref<20000x128xf32, #tpu.memory_space<hbm>> -> memref<80x128xf32, #tpu.memory_space<hbm>>
      %dma_wait3A_206 = arith.constant 0 : i32
      %dma_wait3A_207 = tpu.memref_slice %arg4[%add3A_152, %dma_wait3A_206] : memref<20000x128xf32, #tpu.memory_space<hbm>> -> memref<80x128xf32, #tpu.memory_space<hbm>>
      tpu.wait_dma2 semaphore(%run_scoped3A : memref<!tpu.dma_semaphore, #tpu.memory_space<semaphore_mem>>) src(%arg8 : memref<80x128xf32, #tpu.memory_space<vmem>>) dst(%dma_wait3A_207 : memref<80x128xf32, #tpu.memory_space<hbm>>)
      tpu.yield
    }) : () -> ()
    %mul3A_153 = arith.constant 640 : i32
    %mul3A_154 = arith.muli %arg1, %mul3A_153 : i32
    %add3A_155 = arith.constant 80 : i32
    %add3A_156 = arith.addi %mul3A_154, %add3A_155 : i32
    "tpu.region"() ({
      %run_scoped3A = tpu.sem_alloc : memref<!tpu.dma_semaphore, #tpu.memory_space<semaphore_mem>>
      %dma_start3A_200 = arith.constant 0 : i32
      %dma_start3A_201 = tpu.memref_slice %arg10[%add3A_156, %dma_start3A_200] : memref<10000x128xf32, #tpu.memory_space<vmem_shared>> -> memref<80x128xf32, #tpu.memory_space<vmem_shared>>
      %dma_start3A_202 = arith.constant 0 : i32
      %dma_start3A_203 = tpu.memref_slice %arg10[%add3A_156, %dma_start3A_202] : memref<10000x128xf32, #tpu.memory_space<vmem_shared>> -> memref<80x128xf32, #tpu.memory_space<vmem_shared>>
      tpu.enqueue_dma source(%dma_start3A_203 : memref<80x128xf32, #tpu.memory_space<vmem_shared>>) target(%arg8 : memref<80x128xf32, #tpu.memory_space<vmem>>) target_semaphore(%run_scoped3A : memref<!tpu.dma_semaphore, #tpu.memory_space<semaphore_mem>>)
      %dma_wait3A_204 = arith.constant 0 : i32
      %dma_wait3A_205 = tpu.memref_slice %arg10[%add3A_156, %dma_wait3A_204] : memref<10000x128xf32, #tpu.memory_space<vmem_shared>> -> memref<80x128xf32, #tpu.memory_space<vmem_shared>>
      %dma_wait3A_206 = arith.constant 0 : i32
      %dma_wait3A_207 = tpu.memref_slice %arg10[%add3A_156, %dma_wait3A_206] : memref<10000x128xf32, #tpu.memory_space<vmem_shared>> -> memref<80x128xf32, #tpu.memory_space<vmem_shared>>
      tpu.wait_dma2 semaphore(%run_scoped3A : memref<!tpu.dma_semaphore, #tpu.memory_space<semaphore_mem>>) src(%dma_wait3A_207 : memref<80x128xf32, #tpu.memory_space<vmem_shared>>) dst(%arg8 : memref<80x128xf32, #tpu.memory_space<vmem>>)
      tpu.yield
    }) : () -> ()
    %add3A_157 = arith.addi %mul3A_0, %add3A_156 : i32
    "tpu.region"() ({
      %run_scoped3A = tpu.sem_alloc : memref<!tpu.dma_semaphore, #tpu.memory_space<semaphore_mem>>
      %dma_start3A_200 = arith.constant 0 : i32
      %dma_start3A_201 = tpu.memref_slice %arg4[%add3A_157, %dma_start3A_200] : memref<20000x128xf32, #tpu.memory_space<hbm>> -> memref<80x128xf32, #tpu.memory_space<hbm>>
      %dma_start3A_202 = arith.constant 0 : i32
      %dma_start3A_203 = tpu.memref_slice %arg4[%add3A_157, %dma_start3A_202] : memref<20000x128xf32, #tpu.memory_space<hbm>> -> memref<80x128xf32, #tpu.memory_space<hbm>>
      tpu.enqueue_dma source(%arg8 : memref<80x128xf32, #tpu.memory_space<vmem>>) target(%dma_start3A_203 : memref<80x128xf32, #tpu.memory_space<hbm>>) target_semaphore(%run_scoped3A : memref<!tpu.dma_semaphore, #tpu.memory_space<semaphore_mem>>)
      %dma_wait3A_204 = arith.constant 0 : i32
      %dma_wait3A_205 = tpu.memref_slice %arg4[%add3A_157, %dma_wait3A_204] : memref<20000x128xf32, #tpu.memory_space<hbm>> -> memref<80x128xf32, #tpu.memory_space<hbm>>
      %dma_wait3A_206 = arith.constant 0 : i32
      %dma_wait3A_207 = tpu.memref_slice %arg4[%add3A_157, %dma_wait3A_206] : memref<20000x128xf32, #tpu.memory_space<hbm>> -> memref<80x128xf32, #tpu.memory_space<hbm>>
      tpu.wait_dma2 semaphore(%run_scoped3A : memref<!tpu.dma_semaphore, #tpu.memory_space<semaphore_mem>>) src(%arg8 : memref<80x128xf32, #tpu.memory_space<vmem>>) dst(%dma_wait3A_207 : memref<80x128xf32, #tpu.memory_space<hbm>>)
      tpu.yield
    }) : () -> ()
    %mul3A_158 = arith.constant 640 : i32
    %mul3A_159 = arith.muli %arg1, %mul3A_158 : i32
    %add3A_160 = arith.constant 160 : i32
    %add3A_161 = arith.addi %mul3A_159, %add3A_160 : i32
    "tpu.region"() ({
      %run_scoped3A = tpu.sem_alloc : memref<!tpu.dma_semaphore, #tpu.memory_space<semaphore_mem>>
      %dma_start3A_200 = arith.constant 0 : i32
      %dma_start3A_201 = tpu.memref_slice %arg10[%add3A_161, %dma_start3A_200] : memref<10000x128xf32, #tpu.memory_space<vmem_shared>> -> memref<80x128xf32, #tpu.memory_space<vmem_shared>>
      %dma_start3A_202 = arith.constant 0 : i32
      %dma_start3A_203 = tpu.memref_slice %arg10[%add3A_161, %dma_start3A_202] : memref<10000x128xf32, #tpu.memory_space<vmem_shared>> -> memref<80x128xf32, #tpu.memory_space<vmem_shared>>
      tpu.enqueue_dma source(%dma_start3A_203 : memref<80x128xf32, #tpu.memory_space<vmem_shared>>) target(%arg8 : memref<80x128xf32, #tpu.memory_space<vmem>>) target_semaphore(%run_scoped3A : memref<!tpu.dma_semaphore, #tpu.memory_space<semaphore_mem>>)
      %dma_wait3A_204 = arith.constant 0 : i32
      %dma_wait3A_205 = tpu.memref_slice %arg10[%add3A_161, %dma_wait3A_204] : memref<10000x128xf32, #tpu.memory_space<vmem_shared>> -> memref<80x128xf32, #tpu.memory_space<vmem_shared>>
      %dma_wait3A_206 = arith.constant 0 : i32
      %dma_wait3A_207 = tpu.memref_slice %arg10[%add3A_161, %dma_wait3A_206] : memref<10000x128xf32, #tpu.memory_space<vmem_shared>> -> memref<80x128xf32, #tpu.memory_space<vmem_shared>>
      tpu.wait_dma2 semaphore(%run_scoped3A : memref<!tpu.dma_semaphore, #tpu.memory_space<semaphore_mem>>) src(%dma_wait3A_207 : memref<80x128xf32, #tpu.memory_space<vmem_shared>>) dst(%arg8 : memref<80x128xf32, #tpu.memory_space<vmem>>)
      tpu.yield
    }) : () -> ()
    %add3A_162 = arith.addi %mul3A_0, %add3A_161 : i32
    "tpu.region"() ({
      %run_scoped3A = tpu.sem_alloc : memref<!tpu.dma_semaphore, #tpu.memory_space<semaphore_mem>>
      %dma_start3A_200 = arith.constant 0 : i32
      %dma_start3A_201 = tpu.memref_slice %arg4[%add3A_162, %dma_start3A_200] : memref<20000x128xf32, #tpu.memory_space<hbm>> -> memref<80x128xf32, #tpu.memory_space<hbm>>
      %dma_start3A_202 = arith.constant 0 : i32
      %dma_start3A_203 = tpu.memref_slice %arg4[%add3A_162, %dma_start3A_202] : memref<20000x128xf32, #tpu.memory_space<hbm>> -> memref<80x128xf32, #tpu.memory_space<hbm>>
      tpu.enqueue_dma source(%arg8 : memref<80x128xf32, #tpu.memory_space<vmem>>) target(%dma_start3A_203 : memref<80x128xf32, #tpu.memory_space<hbm>>) target_semaphore(%run_scoped3A : memref<!tpu.dma_semaphore, #tpu.memory_space<semaphore_mem>>)
      %dma_wait3A_204 = arith.constant 0 : i32
      %dma_wait3A_205 = tpu.memref_slice %arg4[%add3A_162, %dma_wait3A_204] : memref<20000x128xf32, #tpu.memory_space<hbm>> -> memref<80x128xf32, #tpu.memory_space<hbm>>
      %dma_wait3A_206 = arith.constant 0 : i32
      %dma_wait3A_207 = tpu.memref_slice %arg4[%add3A_162, %dma_wait3A_206] : memref<20000x128xf32, #tpu.memory_space<hbm>> -> memref<80x128xf32, #tpu.memory_space<hbm>>
      tpu.wait_dma2 semaphore(%run_scoped3A : memref<!tpu.dma_semaphore, #tpu.memory_space<semaphore_mem>>) src(%arg8 : memref<80x128xf32, #tpu.memory_space<vmem>>) dst(%dma_wait3A_207 : memref<80x128xf32, #tpu.memory_space<hbm>>)
      tpu.yield
    }) : () -> ()
    %mul3A_163 = arith.constant 640 : i32
    %mul3A_164 = arith.muli %arg1, %mul3A_163 : i32
    %add3A_165 = arith.constant 240 : i32
    %add3A_166 = arith.addi %mul3A_164, %add3A_165 : i32
    "tpu.region"() ({
      %run_scoped3A = tpu.sem_alloc : memref<!tpu.dma_semaphore, #tpu.memory_space<semaphore_mem>>
      %dma_start3A_200 = arith.constant 0 : i32
      %dma_start3A_201 = tpu.memref_slice %arg10[%add3A_166, %dma_start3A_200] : memref<10000x128xf32, #tpu.memory_space<vmem_shared>> -> memref<80x128xf32, #tpu.memory_space<vmem_shared>>
      %dma_start3A_202 = arith.constant 0 : i32
      %dma_start3A_203 = tpu.memref_slice %arg10[%add3A_166, %dma_start3A_202] : memref<10000x128xf32, #tpu.memory_space<vmem_shared>> -> memref<80x128xf32, #tpu.memory_space<vmem_shared>>
      tpu.enqueue_dma source(%dma_start3A_203 : memref<80x128xf32, #tpu.memory_space<vmem_shared>>) target(%arg8 : memref<80x128xf32, #tpu.memory_space<vmem>>) target_semaphore(%run_scoped3A : memref<!tpu.dma_semaphore, #tpu.memory_space<semaphore_mem>>)
      %dma_wait3A_204 = arith.constant 0 : i32
      %dma_wait3A_205 = tpu.memref_slice %arg10[%add3A_166, %dma_wait3A_204] : memref<10000x128xf32, #tpu.memory_space<vmem_shared>> -> memref<80x128xf32, #tpu.memory_space<vmem_shared>>
      %dma_wait3A_206 = arith.constant 0 : i32
      %dma_wait3A_207 = tpu.memref_slice %arg10[%add3A_166, %dma_wait3A_206] : memref<10000x128xf32, #tpu.memory_space<vmem_shared>> -> memref<80x128xf32, #tpu.memory_space<vmem_shared>>
      tpu.wait_dma2 semaphore(%run_scoped3A : memref<!tpu.dma_semaphore, #tpu.memory_space<semaphore_mem>>) src(%dma_wait3A_207 : memref<80x128xf32, #tpu.memory_space<vmem_shared>>) dst(%arg8 : memref<80x128xf32, #tpu.memory_space<vmem>>)
      tpu.yield
    }) : () -> ()
    %add3A_167 = arith.addi %mul3A_0, %add3A_166 : i32
    "tpu.region"() ({
      %run_scoped3A = tpu.sem_alloc : memref<!tpu.dma_semaphore, #tpu.memory_space<semaphore_mem>>
      %dma_start3A_200 = arith.constant 0 : i32
      %dma_start3A_201 = tpu.memref_slice %arg4[%add3A_167, %dma_start3A_200] : memref<20000x128xf32, #tpu.memory_space<hbm>> -> memref<80x128xf32, #tpu.memory_space<hbm>>
      %dma_start3A_202 = arith.constant 0 : i32
      %dma_start3A_203 = tpu.memref_slice %arg4[%add3A_167, %dma_start3A_202] : memref<20000x128xf32, #tpu.memory_space<hbm>> -> memref<80x128xf32, #tpu.memory_space<hbm>>
      tpu.enqueue_dma source(%arg8 : memref<80x128xf32, #tpu.memory_space<vmem>>) target(%dma_start3A_203 : memref<80x128xf32, #tpu.memory_space<hbm>>) target_semaphore(%run_scoped3A : memref<!tpu.dma_semaphore, #tpu.memory_space<semaphore_mem>>)
      %dma_wait3A_204 = arith.constant 0 : i32
      %dma_wait3A_205 = tpu.memref_slice %arg4[%add3A_167, %dma_wait3A_204] : memref<20000x128xf32, #tpu.memory_space<hbm>> -> memref<80x128xf32, #tpu.memory_space<hbm>>
      %dma_wait3A_206 = arith.constant 0 : i32
      %dma_wait3A_207 = tpu.memref_slice %arg4[%add3A_167, %dma_wait3A_206] : memref<20000x128xf32, #tpu.memory_space<hbm>> -> memref<80x128xf32, #tpu.memory_space<hbm>>
      tpu.wait_dma2 semaphore(%run_scoped3A : memref<!tpu.dma_semaphore, #tpu.memory_space<semaphore_mem>>) src(%arg8 : memref<80x128xf32, #tpu.memory_space<vmem>>) dst(%dma_wait3A_207 : memref<80x128xf32, #tpu.memory_space<hbm>>)
      tpu.yield
    }) : () -> ()
    %mul3A_168 = arith.constant 640 : i32
    %mul3A_169 = arith.muli %arg1, %mul3A_168 : i32
    %add3A_170 = arith.constant 320 : i32
    %add3A_171 = arith.addi %mul3A_169, %add3A_170 : i32
    "tpu.region"() ({
      %run_scoped3A = tpu.sem_alloc : memref<!tpu.dma_semaphore, #tpu.memory_space<semaphore_mem>>
      %dma_start3A_200 = arith.constant 0 : i32
      %dma_start3A_201 = tpu.memref_slice %arg10[%add3A_171, %dma_start3A_200] : memref<10000x128xf32, #tpu.memory_space<vmem_shared>> -> memref<80x128xf32, #tpu.memory_space<vmem_shared>>
      %dma_start3A_202 = arith.constant 0 : i32
      %dma_start3A_203 = tpu.memref_slice %arg10[%add3A_171, %dma_start3A_202] : memref<10000x128xf32, #tpu.memory_space<vmem_shared>> -> memref<80x128xf32, #tpu.memory_space<vmem_shared>>
      tpu.enqueue_dma source(%dma_start3A_203 : memref<80x128xf32, #tpu.memory_space<vmem_shared>>) target(%arg8 : memref<80x128xf32, #tpu.memory_space<vmem>>) target_semaphore(%run_scoped3A : memref<!tpu.dma_semaphore, #tpu.memory_space<semaphore_mem>>)
      %dma_wait3A_204 = arith.constant 0 : i32
      %dma_wait3A_205 = tpu.memref_slice %arg10[%add3A_171, %dma_wait3A_204] : memref<10000x128xf32, #tpu.memory_space<vmem_shared>> -> memref<80x128xf32, #tpu.memory_space<vmem_shared>>
      %dma_wait3A_206 = arith.constant 0 : i32
      %dma_wait3A_207 = tpu.memref_slice %arg10[%add3A_171, %dma_wait3A_206] : memref<10000x128xf32, #tpu.memory_space<vmem_shared>> -> memref<80x128xf32, #tpu.memory_space<vmem_shared>>
      tpu.wait_dma2 semaphore(%run_scoped3A : memref<!tpu.dma_semaphore, #tpu.memory_space<semaphore_mem>>) src(%dma_wait3A_207 : memref<80x128xf32, #tpu.memory_space<vmem_shared>>) dst(%arg8 : memref<80x128xf32, #tpu.memory_space<vmem>>)
      tpu.yield
    }) : () -> ()
    %add3A_172 = arith.addi %mul3A_0, %add3A_171 : i32
    "tpu.region"() ({
      %run_scoped3A = tpu.sem_alloc : memref<!tpu.dma_semaphore, #tpu.memory_space<semaphore_mem>>
      %dma_start3A_200 = arith.constant 0 : i32
      %dma_start3A_201 = tpu.memref_slice %arg4[%add3A_172, %dma_start3A_200] : memref<20000x128xf32, #tpu.memory_space<hbm>> -> memref<80x128xf32, #tpu.memory_space<hbm>>
      %dma_start3A_202 = arith.constant 0 : i32
      %dma_start3A_203 = tpu.memref_slice %arg4[%add3A_172, %dma_start3A_202] : memref<20000x128xf32, #tpu.memory_space<hbm>> -> memref<80x128xf32, #tpu.memory_space<hbm>>
      tpu.enqueue_dma source(%arg8 : memref<80x128xf32, #tpu.memory_space<vmem>>) target(%dma_start3A_203 : memref<80x128xf32, #tpu.memory_space<hbm>>) target_semaphore(%run_scoped3A : memref<!tpu.dma_semaphore, #tpu.memory_space<semaphore_mem>>)
      %dma_wait3A_204 = arith.constant 0 : i32
      %dma_wait3A_205 = tpu.memref_slice %arg4[%add3A_172, %dma_wait3A_204] : memref<20000x128xf32, #tpu.memory_space<hbm>> -> memref<80x128xf32, #tpu.memory_space<hbm>>
      %dma_wait3A_206 = arith.constant 0 : i32
      %dma_wait3A_207 = tpu.memref_slice %arg4[%add3A_172, %dma_wait3A_206] : memref<20000x128xf32, #tpu.memory_space<hbm>> -> memref<80x128xf32, #tpu.memory_space<hbm>>
      tpu.wait_dma2 semaphore(%run_scoped3A : memref<!tpu.dma_semaphore, #tpu.memory_space<semaphore_mem>>) src(%arg8 : memref<80x128xf32, #tpu.memory_space<vmem>>) dst(%dma_wait3A_207 : memref<80x128xf32, #tpu.memory_space<hbm>>)
      tpu.yield
    }) : () -> ()
    %mul3A_173 = arith.constant 640 : i32
    %mul3A_174 = arith.muli %arg1, %mul3A_173 : i32
    %add3A_175 = arith.constant 400 : i32
    %add3A_176 = arith.addi %mul3A_174, %add3A_175 : i32
    %lt3A_177 = arith.constant 15 : i32
    %lt3A_178 = arith.cmpi slt, %arg1, %lt3A_177 : i32
    %convert_element_type3A_179 = arith.extui %lt3A_178 : i1 to i32
    %cond3A_180 = arith.constant 0 : i32
    %cond3A_181 = arith.cmpi ne, %convert_element_type3A_179, %cond3A_180 : i32
    scf.if %cond3A_181 {
      "tpu.region"() ({
        %run_scoped3A = tpu.sem_alloc : memref<!tpu.dma_semaphore, #tpu.memory_space<semaphore_mem>>
        %dma_start3A_201 = arith.constant 0 : i32
        %dma_start3A_202 = tpu.memref_slice %arg10[%add3A_176, %dma_start3A_201] : memref<10000x128xf32, #tpu.memory_space<vmem_shared>> -> memref<80x128xf32, #tpu.memory_space<vmem_shared>>
        %dma_start3A_203 = arith.constant 0 : i32
        %dma_start3A_204 = tpu.memref_slice %arg10[%add3A_176, %dma_start3A_203] : memref<10000x128xf32, #tpu.memory_space<vmem_shared>> -> memref<80x128xf32, #tpu.memory_space<vmem_shared>>
        tpu.enqueue_dma source(%dma_start3A_204 : memref<80x128xf32, #tpu.memory_space<vmem_shared>>) target(%arg8 : memref<80x128xf32, #tpu.memory_space<vmem>>) target_semaphore(%run_scoped3A : memref<!tpu.dma_semaphore, #tpu.memory_space<semaphore_mem>>)
        %dma_wait3A_205 = arith.constant 0 : i32
        %dma_wait3A_206 = tpu.memref_slice %arg10[%add3A_176, %dma_wait3A_205] : memref<10000x128xf32, #tpu.memory_space<vmem_shared>> -> memref<80x128xf32, #tpu.memory_space<vmem_shared>>
        %dma_wait3A_207 = arith.constant 0 : i32
        %dma_wait3A_208 = tpu.memref_slice %arg10[%add3A_176, %dma_wait3A_207] : memref<10000x128xf32, #tpu.memory_space<vmem_shared>> -> memref<80x128xf32, #tpu.memory_space<vmem_shared>>
        tpu.wait_dma2 semaphore(%run_scoped3A : memref<!tpu.dma_semaphore, #tpu.memory_space<semaphore_mem>>) src(%dma_wait3A_208 : memref<80x128xf32, #tpu.memory_space<vmem_shared>>) dst(%arg8 : memref<80x128xf32, #tpu.memory_space<vmem>>)
        tpu.yield
      }) : () -> ()
      %add3A_200 = arith.addi %mul3A_0, %add3A_176 : i32
      "tpu.region"() ({
        %run_scoped3A = tpu.sem_alloc : memref<!tpu.dma_semaphore, #tpu.memory_space<semaphore_mem>>
        %dma_start3A_201 = arith.constant 0 : i32
        %dma_start3A_202 = tpu.memref_slice %arg4[%add3A_200, %dma_start3A_201] : memref<20000x128xf32, #tpu.memory_space<hbm>> -> memref<80x128xf32, #tpu.memory_space<hbm>>
        %dma_start3A_203 = arith.constant 0 : i32
        %dma_start3A_204 = tpu.memref_slice %arg4[%add3A_200, %dma_start3A_203] : memref<20000x128xf32, #tpu.memory_space<hbm>> -> memref<80x128xf32, #tpu.memory_space<hbm>>
        tpu.enqueue_dma source(%arg8 : memref<80x128xf32, #tpu.memory_space<vmem>>) target(%dma_start3A_204 : memref<80x128xf32, #tpu.memory_space<hbm>>) target_semaphore(%run_scoped3A : memref<!tpu.dma_semaphore, #tpu.memory_space<semaphore_mem>>)
        %dma_wait3A_205 = arith.constant 0 : i32
        %dma_wait3A_206 = tpu.memref_slice %arg4[%add3A_200, %dma_wait3A_205] : memref<20000x128xf32, #tpu.memory_space<hbm>> -> memref<80x128xf32, #tpu.memory_space<hbm>>
        %dma_wait3A_207 = arith.constant 0 : i32
        %dma_wait3A_208 = tpu.memref_slice %arg4[%add3A_200, %dma_wait3A_207] : memref<20000x128xf32, #tpu.memory_space<hbm>> -> memref<80x128xf32, #tpu.memory_space<hbm>>
        tpu.wait_dma2 semaphore(%run_scoped3A : memref<!tpu.dma_semaphore, #tpu.memory_space<semaphore_mem>>) src(%arg8 : memref<80x128xf32, #tpu.memory_space<vmem>>) dst(%dma_wait3A_208 : memref<80x128xf32, #tpu.memory_space<hbm>>)
        tpu.yield
      }) : () -> ()
    } else {
    }
    %mul3A_182 = arith.constant 640 : i32
    %mul3A_183 = arith.muli %arg1, %mul3A_182 : i32
    %add3A_184 = arith.constant 480 : i32
    %add3A_185 = arith.addi %mul3A_183, %add3A_184 : i32
    %lt3A_186 = arith.constant 15 : i32
    %lt3A_187 = arith.cmpi slt, %arg1, %lt3A_186 : i32
    %convert_element_type3A_188 = arith.extui %lt3A_187 : i1 to i32
    %cond3A_189 = arith.constant 0 : i32
    %cond3A_190 = arith.cmpi ne, %convert_element_type3A_188, %cond3A_189 : i32
    scf.if %cond3A_190 {
      "tpu.region"() ({
        %run_scoped3A = tpu.sem_alloc : memref<!tpu.dma_semaphore, #tpu.memory_space<semaphore_mem>>
        %dma_start3A_201 = arith.constant 0 : i32
        %dma_start3A_202 = tpu.memref_slice %arg10[%add3A_185, %dma_start3A_201] : memref<10000x128xf32, #tpu.memory_space<vmem_shared>> -> memref<80x128xf32, #tpu.memory_space<vmem_shared>>
        %dma_start3A_203 = arith.constant 0 : i32
        %dma_start3A_204 = tpu.memref_slice %arg10[%add3A_185, %dma_start3A_203] : memref<10000x128xf32, #tpu.memory_space<vmem_shared>> -> memref<80x128xf32, #tpu.memory_space<vmem_shared>>
        tpu.enqueue_dma source(%dma_start3A_204 : memref<80x128xf32, #tpu.memory_space<vmem_shared>>) target(%arg8 : memref<80x128xf32, #tpu.memory_space<vmem>>) target_semaphore(%run_scoped3A : memref<!tpu.dma_semaphore, #tpu.memory_space<semaphore_mem>>)
        %dma_wait3A_205 = arith.constant 0 : i32
        %dma_wait3A_206 = tpu.memref_slice %arg10[%add3A_185, %dma_wait3A_205] : memref<10000x128xf32, #tpu.memory_space<vmem_shared>> -> memref<80x128xf32, #tpu.memory_space<vmem_shared>>
        %dma_wait3A_207 = arith.constant 0 : i32
        %dma_wait3A_208 = tpu.memref_slice %arg10[%add3A_185, %dma_wait3A_207] : memref<10000x128xf32, #tpu.memory_space<vmem_shared>> -> memref<80x128xf32, #tpu.memory_space<vmem_shared>>
        tpu.wait_dma2 semaphore(%run_scoped3A : memref<!tpu.dma_semaphore, #tpu.memory_space<semaphore_mem>>) src(%dma_wait3A_208 : memref<80x128xf32, #tpu.memory_space<vmem_shared>>) dst(%arg8 : memref<80x128xf32, #tpu.memory_space<vmem>>)
        tpu.yield
      }) : () -> ()
      %add3A_200 = arith.addi %mul3A_0, %add3A_185 : i32
      "tpu.region"() ({
        %run_scoped3A = tpu.sem_alloc : memref<!tpu.dma_semaphore, #tpu.memory_space<semaphore_mem>>
        %dma_start3A_201 = arith.constant 0 : i32
        %dma_start3A_202 = tpu.memref_slice %arg4[%add3A_200, %dma_start3A_201] : memref<20000x128xf32, #tpu.memory_space<hbm>> -> memref<80x128xf32, #tpu.memory_space<hbm>>
        %dma_start3A_203 = arith.constant 0 : i32
        %dma_start3A_204 = tpu.memref_slice %arg4[%add3A_200, %dma_start3A_203] : memref<20000x128xf32, #tpu.memory_space<hbm>> -> memref<80x128xf32, #tpu.memory_space<hbm>>
        tpu.enqueue_dma source(%arg8 : memref<80x128xf32, #tpu.memory_space<vmem>>) target(%dma_start3A_204 : memref<80x128xf32, #tpu.memory_space<hbm>>) target_semaphore(%run_scoped3A : memref<!tpu.dma_semaphore, #tpu.memory_space<semaphore_mem>>)
        %dma_wait3A_205 = arith.constant 0 : i32
        %dma_wait3A_206 = tpu.memref_slice %arg4[%add3A_200, %dma_wait3A_205] : memref<20000x128xf32, #tpu.memory_space<hbm>> -> memref<80x128xf32, #tpu.memory_space<hbm>>
        %dma_wait3A_207 = arith.constant 0 : i32
        %dma_wait3A_208 = tpu.memref_slice %arg4[%add3A_200, %dma_wait3A_207] : memref<20000x128xf32, #tpu.memory_space<hbm>> -> memref<80x128xf32, #tpu.memory_space<hbm>>
        tpu.wait_dma2 semaphore(%run_scoped3A : memref<!tpu.dma_semaphore, #tpu.memory_space<semaphore_mem>>) src(%arg8 : memref<80x128xf32, #tpu.memory_space<vmem>>) dst(%dma_wait3A_208 : memref<80x128xf32, #tpu.memory_space<hbm>>)
        tpu.yield
      }) : () -> ()
    } else {
    }
    %mul3A_191 = arith.constant 640 : i32
    %mul3A_192 = arith.muli %arg1, %mul3A_191 : i32
    %add3A_193 = arith.constant 560 : i32
    %add3A_194 = arith.addi %mul3A_192, %add3A_193 : i32
    %lt3A_195 = arith.constant 15 : i32
    %lt3A_196 = arith.cmpi slt, %arg1, %lt3A_195 : i32
    %convert_element_type3A_197 = arith.extui %lt3A_196 : i1 to i32
    %cond3A_198 = arith.constant 0 : i32
    %cond3A_199 = arith.cmpi ne, %convert_element_type3A_197, %cond3A_198 : i32
    scf.if %cond3A_199 {
      "tpu.region"() ({
        %run_scoped3A = tpu.sem_alloc : memref<!tpu.dma_semaphore, #tpu.memory_space<semaphore_mem>>
        %dma_start3A_201 = arith.constant 0 : i32
        %dma_start3A_202 = tpu.memref_slice %arg10[%add3A_194, %dma_start3A_201] : memref<10000x128xf32, #tpu.memory_space<vmem_shared>> -> memref<80x128xf32, #tpu.memory_space<vmem_shared>>
        %dma_start3A_203 = arith.constant 0 : i32
        %dma_start3A_204 = tpu.memref_slice %arg10[%add3A_194, %dma_start3A_203] : memref<10000x128xf32, #tpu.memory_space<vmem_shared>> -> memref<80x128xf32, #tpu.memory_space<vmem_shared>>
        tpu.enqueue_dma source(%dma_start3A_204 : memref<80x128xf32, #tpu.memory_space<vmem_shared>>) target(%arg8 : memref<80x128xf32, #tpu.memory_space<vmem>>) target_semaphore(%run_scoped3A : memref<!tpu.dma_semaphore, #tpu.memory_space<semaphore_mem>>)
        %dma_wait3A_205 = arith.constant 0 : i32
        %dma_wait3A_206 = tpu.memref_slice %arg10[%add3A_194, %dma_wait3A_205] : memref<10000x128xf32, #tpu.memory_space<vmem_shared>> -> memref<80x128xf32, #tpu.memory_space<vmem_shared>>
        %dma_wait3A_207 = arith.constant 0 : i32
        %dma_wait3A_208 = tpu.memref_slice %arg10[%add3A_194, %dma_wait3A_207] : memref<10000x128xf32, #tpu.memory_space<vmem_shared>> -> memref<80x128xf32, #tpu.memory_space<vmem_shared>>
        tpu.wait_dma2 semaphore(%run_scoped3A : memref<!tpu.dma_semaphore, #tpu.memory_space<semaphore_mem>>) src(%dma_wait3A_208 : memref<80x128xf32, #tpu.memory_space<vmem_shared>>) dst(%arg8 : memref<80x128xf32, #tpu.memory_space<vmem>>)
        tpu.yield
      }) : () -> ()
      %add3A_200 = arith.addi %mul3A_0, %add3A_194 : i32
      "tpu.region"() ({
        %run_scoped3A = tpu.sem_alloc : memref<!tpu.dma_semaphore, #tpu.memory_space<semaphore_mem>>
        %dma_start3A_201 = arith.constant 0 : i32
        %dma_start3A_202 = tpu.memref_slice %arg4[%add3A_200, %dma_start3A_201] : memref<20000x128xf32, #tpu.memory_space<hbm>> -> memref<80x128xf32, #tpu.memory_space<hbm>>
        %dma_start3A_203 = arith.constant 0 : i32
        %dma_start3A_204 = tpu.memref_slice %arg4[%add3A_200, %dma_start3A_203] : memref<20000x128xf32, #tpu.memory_space<hbm>> -> memref<80x128xf32, #tpu.memory_space<hbm>>
        tpu.enqueue_dma source(%arg8 : memref<80x128xf32, #tpu.memory_space<vmem>>) target(%dma_start3A_204 : memref<80x128xf32, #tpu.memory_space<hbm>>) target_semaphore(%run_scoped3A : memref<!tpu.dma_semaphore, #tpu.memory_space<semaphore_mem>>)
        %dma_wait3A_205 = arith.constant 0 : i32
        %dma_wait3A_206 = tpu.memref_slice %arg4[%add3A_200, %dma_wait3A_205] : memref<20000x128xf32, #tpu.memory_space<hbm>> -> memref<80x128xf32, #tpu.memory_space<hbm>>
        %dma_wait3A_207 = arith.constant 0 : i32
        %dma_wait3A_208 = tpu.memref_slice %arg4[%add3A_200, %dma_wait3A_207] : memref<20000x128xf32, #tpu.memory_space<hbm>> -> memref<80x128xf32, #tpu.memory_space<hbm>>
        tpu.wait_dma2 semaphore(%run_scoped3A : memref<!tpu.dma_semaphore, #tpu.memory_space<semaphore_mem>>) src(%arg8 : memref<80x128xf32, #tpu.memory_space<vmem>>) dst(%dma_wait3A_208 : memref<80x128xf32, #tpu.memory_space<hbm>>)
        tpu.yield
      }) : () -> ()
    } else {
    }
    return
  }
}

module attributes {stable_mosaic.version = 14 : i64} {
  func.func @_tc1a_body(%arg0: i32, %arg1: i32, %arg2: memref<1000x128xf32, #tpu.memory_space<vmem>>, %arg3: memref<1x128x128xf32, #tpu.memory_space<vmem>>, %arg4: memref<1x1x128xf32, #tpu.memory_space<vmem>>, %arg5: memref<1000x128xf32, #tpu.memory_space<vmem>>) attributes {dimension_semantics = [#tpu.dimension_semantics<arbitrary>, #tpu.dimension_semantics<arbitrary>], iteration_bounds = array<i64: 2, 10>, scalar_prefetch = 0 : i64, scratch_operands = 0 : i64, tpu.core_type = #tpu.core_type<tc>, window_params = [{transform_indices = @transform_0, window_bounds = array<i64: 1000, 128>}, {transform_indices = @transform_1, window_bounds = array<i64: 1, 128, 128>}, {transform_indices = @transform_2, window_bounds = array<i64: 1, 1, 128>}, {transform_indices = @transform_3, window_bounds = array<i64: 1000, 128>}]} {
    %get3A = arith.constant 0 : index
    %get3A_0 = arith.constant 0 : index
    %get3A_1 = vector.load %arg2[%get3A, %get3A_0] : memref<1000x128xf32, #tpu.memory_space<vmem>>, vector<1000x128xf32>
    %get3A_2 = arith.constant 0 : index
    %get3A_3 = arith.constant 0 : index
    %get3A_4 = arith.constant 0 : index
    %get3A_5 = vector.load %arg3[%get3A_2, %get3A_3, %get3A_4] : memref<1x128x128xf32, #tpu.memory_space<vmem>>, vector<1x128x128xf32>
    %get3A_6 = vector.shape_cast %get3A_5 : vector<1x128x128xf32> to vector<128x128xf32>
    %get3A_7 = arith.constant 0 : index
    %get3A_8 = arith.constant 0 : index
    %get3A_9 = arith.constant 0 : index
    %get3A_10 = vector.load %arg4[%get3A_7, %get3A_8, %get3A_9] : memref<1x1x128xf32, #tpu.memory_space<vmem>>, vector<1x1x128xf32>
    %get3A_11 = vector.shape_cast %get3A_10 : vector<1x1x128xf32> to vector<1x128xf32>
    %dot_general3A = arith.constant dense<0.000000e+00> : vector<1000x128xf32>
    %dot_general3A_12 = tpu.matmul %get3A_1, %get3A_6, %dot_general3A {dimension_numbers = #tpu.dot_dimension_numbers<[1], [1], [0], [0], [0, 0, 1, 0], [], []>, transpose_lhs_hint = false} : vector<1000x128xf32>, vector<128x128xf32>, vector<1000x128xf32> -> vector<1000x128xf32>
    %add3A = vector.broadcast %get3A_11 : vector<1x128xf32> to vector<1000x128xf32>
    %add3A_13 = arith.addf %dot_general3A_12, %add3A : vector<1000x128xf32>
    %swap3A = arith.constant 0 : index
    %swap3A_14 = arith.constant 0 : index
    %swap3A_15 = vector.load %arg5[%swap3A, %swap3A_14] : memref<1000x128xf32, #tpu.memory_space<vmem>>, vector<1000x128xf32>
    tpu.vector_store %arg5[%swap3A, %swap3A_14], %add3A_13 {strides = array<i32>} : memref<1000x128xf32, #tpu.memory_space<vmem>>, vector<1000x128xf32>,
    return
  }
  func.func @transform_0(%arg0: i32, %arg1: i32) -> (i32, i32) {
    %mul3A = arith.constant 10 : i32
    %mul3A_0 = arith.muli %arg0, %mul3A : i32
    %add3A = arith.addi %mul3A_0, %arg1 : i32
    %c0_i32 = arith.constant 0 : i32
    %c0_i32_1 = arith.constant 0 : i32
    return %add3A, %c0_i32 : i32, i32
  }
  func.func @transform_1(%arg0: i32, %arg1: i32) -> (i32, i32, i32) {
    %c0_i32 = arith.constant 0 : i32
    %c0_i32_0 = arith.constant 0 : i32
    %c0_i32_1 = arith.constant 0 : i32
    return %arg0, %c0_i32, %c0_i32_0 : i32, i32, i32
  }
  func.func @transform_2(%arg0: i32, %arg1: i32) -> (i32, i32, i32) {
    %c0_i32 = arith.constant 0 : i32
    %c0_i32_0 = arith.constant 0 : i32
    %c0_i32_1 = arith.constant 0 : i32
    return %arg0, %c0_i32, %c0_i32_0 : i32, i32, i32
  }
  func.func @transform_3(%arg0: i32, %arg1: i32) -> (i32, i32) {
    %mul3A = arith.constant 10 : i32
    %mul3A_0 = arith.muli %arg0, %mul3A : i32
    %add3A = arith.addi %mul3A_0, %arg1 : i32
    %c0_i32 = arith.constant 0 : i32
    %c0_i32_1 = arith.constant 0 : i32
    return %add3A, %c0_i32 : i32, i32
  }
}

module attributes {stable_mosaic.version = 14 : i64} {
  func.func @_tc1b_body(%arg0: i32, %arg1: i32, %arg2: memref<1000x2xf32, #tpu.memory_space<vmem>>, %arg3: memref<1000x128xf32, #tpu.memory_space<vmem>>, %arg4: memref<1000x128xf32, #tpu.memory_space<vmem>>, %arg5: memref<1000x128xf32, #tpu.memory_space<vmem>>) attributes {dimension_semantics = [#tpu.dimension_semantics<arbitrary>, #tpu.dimension_semantics<arbitrary>], iteration_bounds = array<i64: 2, 10>, scalar_prefetch = 0 : i64, scratch_operands = 0 : i64, tpu.core_type = #tpu.core_type<tc>, window_params = [{transform_indices = @transform_0, window_bounds = array<i64: 1000, 2>}, {transform_indices = @transform_1, window_bounds = array<i64: 1000, 128>}, {transform_indices = @transform_2, window_bounds = array<i64: 1000, 128>}, {transform_indices = @transform_3, window_bounds = array<i64: 1000, 128>}]} {
    %get3A = arith.constant 0 : index
    %get3A_0 = arith.constant 0 : index
    %get3A_1 = vector.load %arg2[%get3A, %get3A_0] : memref<1000x2xf32, #tpu.memory_space<vmem>>, vector<1000x2xf32>
    %slice3A = vector.extract_strided_slice %get3A_1 {offsets = [0, 0], sizes = [1000, 1], strides = [1, 1]} : vector<1000x2xf32> to vector<1000x1xf32>
    %add3A = arith.constant 1.000000e+00 : f32
    %add3A_2 = vector.broadcast %add3A : f32 to vector<1000x1xf32>
    %add3A_3 = arith.addf %slice3A, %add3A_2 : vector<1000x1xf32>
    %rsqrt3A = math.rsqrt %add3A_3 : vector<1000x1xf32>
    %slice3A_4 = vector.extract_strided_slice %get3A_1 {offsets = [0, 1], sizes = [1000, 1], strides = [1, 1]} : vector<1000x2xf32> to vector<1000x1xf32>
    %add3A_5 = arith.constant 1.000000e+00 : f32
    %add3A_6 = vector.broadcast %add3A_5 : f32 to vector<1000x1xf32>
    %add3A_7 = arith.addf %slice3A_4, %add3A_6 : vector<1000x1xf32>
    %rsqrt3A_8 = math.rsqrt %add3A_7 : vector<1000x1xf32>
    %get3A_9 = arith.constant 0 : index
    %get3A_10 = arith.constant 0 : index
    %get3A_11 = vector.load %arg3[%get3A_9, %get3A_10] : memref<1000x128xf32, #tpu.memory_space<vmem>>, vector<1000x128xf32>
    %eq3A = arith.constant 0 : i32
    %eq3A_12 = arith.cmpi eq, %arg0, %eq3A : i32
    %select_n3A = arith.select %eq3A_12, %rsqrt3A, %rsqrt3A_8 : vector<1000x1xf32>
    %mul3A = vector.broadcast %select_n3A : vector<1000x1xf32> to vector<1000x128xf32>
    %mul3A_13 = arith.mulf %get3A_11, %mul3A : vector<1000x128xf32>
    %swap3A = arith.constant 0 : index
    %swap3A_14 = arith.constant 0 : index
    %swap3A_15 = vector.load %arg4[%swap3A, %swap3A_14] : memref<1000x128xf32, #tpu.memory_space<vmem>>, vector<1000x128xf32>
    tpu.vector_store %arg4[%swap3A, %swap3A_14], %mul3A_13 {strides = array<i32>} : memref<1000x128xf32, #tpu.memory_space<vmem>>, vector<1000x128xf32>,
    %mul3A_16 = arith.mulf %rsqrt3A_8, %rsqrt3A : vector<1000x1xf32>
    %mul3A_17 = vector.broadcast %mul3A_16 : vector<1000x1xf32> to vector<1000x128xf32>
    %mul3A_18 = arith.mulf %get3A_11, %mul3A_17 : vector<1000x128xf32>
    %swap3A_19 = arith.constant 0 : index
    %swap3A_20 = arith.constant 0 : index
    %swap3A_21 = vector.load %arg5[%swap3A_19, %swap3A_20] : memref<1000x128xf32, #tpu.memory_space<vmem>>, vector<1000x128xf32>
    tpu.vector_store %arg5[%swap3A_19, %swap3A_20], %mul3A_18 {strides = array<i32>} : memref<1000x128xf32, #tpu.memory_space<vmem>>, vector<1000x128xf32>,
    return
  }
  func.func @transform_0(%arg0: i32, %arg1: i32) -> (i32, i32) {
    %c0_i32 = arith.constant 0 : i32
    %c0_i32_0 = arith.constant 0 : i32
    return %arg1, %c0_i32 : i32, i32
  }
  func.func @transform_1(%arg0: i32, %arg1: i32) -> (i32, i32) {
    %mul3A = arith.constant 10 : i32
    %mul3A_0 = arith.muli %arg0, %mul3A : i32
    %add3A = arith.addi %mul3A_0, %arg1 : i32
    %c0_i32 = arith.constant 0 : i32
    %c0_i32_1 = arith.constant 0 : i32
    return %add3A, %c0_i32 : i32, i32
  }
  func.func @transform_2(%arg0: i32, %arg1: i32) -> (i32, i32) {
    %mul3A = arith.constant 10 : i32
    %mul3A_0 = arith.muli %arg0, %mul3A : i32
    %add3A = arith.addi %mul3A_0, %arg1 : i32
    %c0_i32 = arith.constant 0 : i32
    %c0_i32_1 = arith.constant 0 : i32
    return %add3A, %c0_i32 : i32, i32
  }
  func.func @transform_3(%arg0: i32, %arg1: i32) -> (i32, i32) {
    %mul3A = arith.constant 10 : i32
    %mul3A_0 = arith.muli %arg0, %mul3A : i32
    %add3A = arith.addi %mul3A_0, %arg1 : i32
    %c0_i32 = arith.constant 0 : i32
    %c0_i32_1 = arith.constant 0 : i32
    return %add3A, %c0_i32 : i32, i32
  }
}

module attributes {stable_mosaic.version = 14 : i64} {
  func.func @_tc2_body(%arg0: i32, %arg1: i32, %arg2: memref<1000x2xf32, #tpu.memory_space<vmem>>, %arg3: memref<1000x128xf32, #tpu.memory_space<vmem>>, %arg4: memref<1000x128xf32, #tpu.memory_space<vmem>>, %arg5: memref<1x128x128xf32, #tpu.memory_space<vmem>>, %arg6: memref<1x1x128xf32, #tpu.memory_space<vmem>>, %arg7: memref<1000x128xf32, #tpu.memory_space<vmem>>, %arg8: memref<1000x128xf32, #tpu.memory_space<vmem>>) attributes {dimension_semantics = [#tpu.dimension_semantics<arbitrary>, #tpu.dimension_semantics<arbitrary>], iteration_bounds = array<i64: 2, 10>, scalar_prefetch = 0 : i64, scratch_operands = 0 : i64, tpu.core_type = #tpu.core_type<tc>, window_params = [{transform_indices = @transform_0, window_bounds = array<i64: 1000, 2>}, {transform_indices = @transform_1, window_bounds = array<i64: 1000, 128>}, {transform_indices = @transform_2, window_bounds = array<i64: 1000, 128>}, {transform_indices = @transform_3, window_bounds = array<i64: 1, 128, 128>}, {transform_indices = @transform_4, window_bounds = array<i64: 1, 1, 128>}, {transform_indices = @transform_5, window_bounds = array<i64: 1000, 128>}, {transform_indices = @transform_6, window_bounds = array<i64: 1000, 128>}]} {
    %get3A = arith.constant 0 : index
    %get3A_0 = arith.constant 0 : index
    %get3A_1 = vector.load %arg2[%get3A, %get3A_0] : memref<1000x2xf32, #tpu.memory_space<vmem>>, vector<1000x2xf32>
    %slice3A = vector.extract_strided_slice %get3A_1 {offsets = [0, 0], sizes = [1000, 1], strides = [1, 1]} : vector<1000x2xf32> to vector<1000x1xf32>
    %add3A = arith.constant 1.000000e+00 : f32
    %add3A_2 = vector.broadcast %add3A : f32 to vector<1000x1xf32>
    %add3A_3 = arith.addf %slice3A, %add3A_2 : vector<1000x1xf32>
    %rsqrt3A = math.rsqrt %add3A_3 : vector<1000x1xf32>
    %slice3A_4 = vector.extract_strided_slice %get3A_1 {offsets = [0, 1], sizes = [1000, 1], strides = [1, 1]} : vector<1000x2xf32> to vector<1000x1xf32>
    %add3A_5 = arith.constant 1.000000e+00 : f32
    %add3A_6 = vector.broadcast %add3A_5 : f32 to vector<1000x1xf32>
    %add3A_7 = arith.addf %slice3A_4, %add3A_6 : vector<1000x1xf32>
    %rsqrt3A_8 = math.rsqrt %add3A_7 : vector<1000x1xf32>
    %eq3A = arith.constant 0 : i32
    %eq3A_9 = arith.cmpi eq, %arg0, %eq3A : i32
    %select_n3A = arith.select %eq3A_9, %rsqrt3A_8, %rsqrt3A : vector<1000x1xf32>
    %get3A_10 = arith.constant 0 : index
    %get3A_11 = arith.constant 0 : index
    %get3A_12 = vector.load %arg3[%get3A_10, %get3A_11] : memref<1000x128xf32, #tpu.memory_space<vmem>>, vector<1000x128xf32>
    %mul3A = vector.broadcast %select_n3A : vector<1000x1xf32> to vector<1000x128xf32>
    %mul3A_13 = arith.mulf %get3A_12, %mul3A : vector<1000x128xf32>
    %get3A_14 = arith.constant 0 : index
    %get3A_15 = arith.constant 0 : index
    %get3A_16 = vector.load %arg4[%get3A_14, %get3A_15] : memref<1000x128xf32, #tpu.memory_space<vmem>>, vector<1000x128xf32>
    %add3A_17 = arith.addf %mul3A_13, %get3A_16 : vector<1000x128xf32>
    %max3A = arith.constant 0.000000e+00 : f32
    %max3A_18 = vector.broadcast %max3A : f32 to vector<1000x128xf32>
    %max3A_19 = arith.maximumf %add3A_17, %max3A_18 : vector<1000x128xf32>
    %get3A_20 = arith.constant 0 : index
    %get3A_21 = arith.constant 0 : index
    %get3A_22 = arith.constant 0 : index
    %get3A_23 = vector.load %arg5[%get3A_20, %get3A_21, %get3A_22] : memref<1x128x128xf32, #tpu.memory_space<vmem>>, vector<1x128x128xf32>
    %get3A_24 = vector.shape_cast %get3A_23 : vector<1x128x128xf32> to vector<128x128xf32>
    %get3A_25 = arith.constant 0 : index
    %get3A_26 = arith.constant 0 : index
    %get3A_27 = arith.constant 0 : index
    %get3A_28 = vector.load %arg6[%get3A_25, %get3A_26, %get3A_27] : memref<1x1x128xf32, #tpu.memory_space<vmem>>, vector<1x1x128xf32>
    %get3A_29 = vector.shape_cast %get3A_28 : vector<1x1x128xf32> to vector<1x128xf32>
    %dot_general3A = arith.constant dense<0.000000e+00> : vector<1000x128xf32>
    %dot_general3A_30 = tpu.matmul %max3A_19, %get3A_24, %dot_general3A {dimension_numbers = #tpu.dot_dimension_numbers<[1], [1], [0], [0], [0, 0, 1, 0], [], []>, transpose_lhs_hint = false} : vector<1000x128xf32>, vector<128x128xf32>, vector<1000x128xf32> -> vector<1000x128xf32>
    %add3A_31 = vector.broadcast %get3A_29 : vector<1x128xf32> to vector<1000x128xf32>
    %add3A_32 = arith.addf %dot_general3A_30, %add3A_31 : vector<1000x128xf32>
    %mul3A_33 = vector.broadcast %select_n3A : vector<1000x1xf32> to vector<1000x128xf32>
    %mul3A_34 = arith.mulf %add3A_32, %mul3A_33 : vector<1000x128xf32>
    %swap3A = arith.constant 0 : index
    %swap3A_35 = arith.constant 0 : index
    %swap3A_36 = vector.load %arg7[%swap3A, %swap3A_35] : memref<1000x128xf32, #tpu.memory_space<vmem>>, vector<1000x128xf32>
    tpu.vector_store %arg7[%swap3A, %swap3A_35], %mul3A_34 {strides = array<i32>} : memref<1000x128xf32, #tpu.memory_space<vmem>>, vector<1000x128xf32>,
    %mul3A_37 = arith.mulf %rsqrt3A_8, %rsqrt3A : vector<1000x1xf32>
    %mul3A_38 = vector.broadcast %mul3A_37 : vector<1000x1xf32> to vector<1000x128xf32>
    %mul3A_39 = arith.mulf %add3A_32, %mul3A_38 : vector<1000x128xf32>
    %swap3A_40 = arith.constant 0 : index
    %swap3A_41 = arith.constant 0 : index
    %swap3A_42 = vector.load %arg8[%swap3A_40, %swap3A_41] : memref<1000x128xf32, #tpu.memory_space<vmem>>, vector<1000x128xf32>
    tpu.vector_store %arg8[%swap3A_40, %swap3A_41], %mul3A_39 {strides = array<i32>} : memref<1000x128xf32, #tpu.memory_space<vmem>>, vector<1000x128xf32>,
    return
  }
  func.func @transform_0(%arg0: i32, %arg1: i32) -> (i32, i32) {
    %c0_i32 = arith.constant 0 : i32
    %c0_i32_0 = arith.constant 0 : i32
    return %arg1, %c0_i32 : i32, i32
  }
  func.func @transform_1(%arg0: i32, %arg1: i32) -> (i32, i32) {
    %mul3A = arith.constant 10 : i32
    %mul3A_0 = arith.muli %arg0, %mul3A : i32
    %add3A = arith.addi %mul3A_0, %arg1 : i32
    %c0_i32 = arith.constant 0 : i32
    %c0_i32_1 = arith.constant 0 : i32
    return %add3A, %c0_i32 : i32, i32
  }
  func.func @transform_2(%arg0: i32, %arg1: i32) -> (i32, i32) {
    %mul3A = arith.constant 10 : i32
    %mul3A_0 = arith.muli %arg0, %mul3A : i32
    %add3A = arith.addi %mul3A_0, %arg1 : i32
    %c0_i32 = arith.constant 0 : i32
    %c0_i32_1 = arith.constant 0 : i32
    return %add3A, %c0_i32 : i32, i32
  }
  func.func @transform_3(%arg0: i32, %arg1: i32) -> (i32, i32, i32) {
    %c0_i32 = arith.constant 0 : i32
    %c0_i32_0 = arith.constant 0 : i32
    %c0_i32_1 = arith.constant 0 : i32
    return %arg0, %c0_i32, %c0_i32_0 : i32, i32, i32
  }
  func.func @transform_4(%arg0: i32, %arg1: i32) -> (i32, i32, i32) {
    %c0_i32 = arith.constant 0 : i32
    %c0_i32_0 = arith.constant 0 : i32
    %c0_i32_1 = arith.constant 0 : i32
    return %arg0, %c0_i32, %c0_i32_0 : i32, i32, i32
  }
  func.func @transform_5(%arg0: i32, %arg1: i32) -> (i32, i32) {
    %mul3A = arith.constant 10 : i32
    %mul3A_0 = arith.muli %arg0, %mul3A : i32
    %add3A = arith.addi %mul3A_0, %arg1 : i32
    %c0_i32 = arith.constant 0 : i32
    %c0_i32_1 = arith.constant 0 : i32
    return %add3A, %c0_i32 : i32, i32
  }
  func.func @transform_6(%arg0: i32, %arg1: i32) -> (i32, i32) {
    %mul3A = arith.constant 10 : i32
    %mul3A_0 = arith.muli %arg0, %mul3A : i32
    %add3A = arith.addi %mul3A_0, %arg1 : i32
    %c0_i32 = arith.constant 0 : i32
    %c0_i32_1 = arith.constant 0 : i32
    return %add3A, %c0_i32 : i32, i32
  }
}

module attributes {stable_mosaic.version = 14 : i64} {
  func.func @_tc3_body(%arg0: i32, %arg1: i32, %arg2: memref<1000x2xf32, #tpu.memory_space<vmem>>, %arg3: memref<1000x128xf32, #tpu.memory_space<vmem>>, %arg4: memref<1000x128xf32, #tpu.memory_space<vmem>>, %arg5: memref<1000x128xf32, #tpu.memory_space<vmem>>) attributes {dimension_semantics = [#tpu.dimension_semantics<arbitrary>, #tpu.dimension_semantics<arbitrary>], iteration_bounds = array<i64: 2, 10>, scalar_prefetch = 0 : i64, scratch_operands = 0 : i64, tpu.core_type = #tpu.core_type<tc>, window_params = [{transform_indices = @transform_0, window_bounds = array<i64: 1000, 2>}, {transform_indices = @transform_1, window_bounds = array<i64: 1000, 128>}, {transform_indices = @transform_2, window_bounds = array<i64: 1000, 128>}, {transform_indices = @transform_3, window_bounds = array<i64: 1000, 128>}]} {
    %get3A = arith.constant 0 : index
    %get3A_0 = arith.constant 0 : index
    %get3A_1 = vector.load %arg2[%get3A, %get3A_0] : memref<1000x2xf32, #tpu.memory_space<vmem>>, vector<1000x2xf32>
    %slice3A = vector.extract_strided_slice %get3A_1 {offsets = [0, 0], sizes = [1000, 1], strides = [1, 1]} : vector<1000x2xf32> to vector<1000x1xf32>
    %add3A = arith.constant 1.000000e+00 : f32
    %add3A_2 = vector.broadcast %add3A : f32 to vector<1000x1xf32>
    %add3A_3 = arith.addf %slice3A, %add3A_2 : vector<1000x1xf32>
    %rsqrt3A = math.rsqrt %add3A_3 : vector<1000x1xf32>
    %slice3A_4 = vector.extract_strided_slice %get3A_1 {offsets = [0, 1], sizes = [1000, 1], strides = [1, 1]} : vector<1000x2xf32> to vector<1000x1xf32>
    %add3A_5 = arith.constant 1.000000e+00 : f32
    %add3A_6 = vector.broadcast %add3A_5 : f32 to vector<1000x1xf32>
    %add3A_7 = arith.addf %slice3A_4, %add3A_6 : vector<1000x1xf32>
    %rsqrt3A_8 = math.rsqrt %add3A_7 : vector<1000x1xf32>
    %eq3A = arith.constant 0 : i32
    %eq3A_9 = arith.cmpi eq, %arg0, %eq3A : i32
    %select_n3A = arith.select %eq3A_9, %rsqrt3A, %rsqrt3A_8 : vector<1000x1xf32>
    %get3A_10 = arith.constant 0 : index
    %get3A_11 = arith.constant 0 : index
    %get3A_12 = vector.load %arg3[%get3A_10, %get3A_11] : memref<1000x128xf32, #tpu.memory_space<vmem>>, vector<1000x128xf32>
    %mul3A = vector.broadcast %select_n3A : vector<1000x1xf32> to vector<1000x128xf32>
    %mul3A_13 = arith.mulf %get3A_12, %mul3A : vector<1000x128xf32>
    %get3A_14 = arith.constant 0 : index
    %get3A_15 = arith.constant 0 : index
    %get3A_16 = vector.load %arg4[%get3A_14, %get3A_15] : memref<1000x128xf32, #tpu.memory_space<vmem>>, vector<1000x128xf32>
    %add3A_17 = arith.addf %mul3A_13, %get3A_16 : vector<1000x128xf32>
    %swap3A = arith.constant 0 : index
    %swap3A_18 = arith.constant 0 : index
    %swap3A_19 = vector.load %arg5[%swap3A, %swap3A_18] : memref<1000x128xf32, #tpu.memory_space<vmem>>, vector<1000x128xf32>
    tpu.vector_store %arg5[%swap3A, %swap3A_18], %add3A_17 {strides = array<i32>} : memref<1000x128xf32, #tpu.memory_space<vmem>>, vector<1000x128xf32>,
    return
  }
  func.func @transform_0(%arg0: i32, %arg1: i32) -> (i32, i32) {
    %c0_i32 = arith.constant 0 : i32
    %c0_i32_0 = arith.constant 0 : i32
    return %arg1, %c0_i32 : i32, i32
  }
  func.func @transform_1(%arg0: i32, %arg1: i32) -> (i32, i32) {
    %mul3A = arith.constant 10 : i32
    %mul3A_0 = arith.muli %arg0, %mul3A : i32
    %add3A = arith.addi %mul3A_0, %arg1 : i32
    %c0_i32 = arith.constant 0 : i32
    %c0_i32_1 = arith.constant 0 : i32
    return %add3A, %c0_i32 : i32, i32
  }
  func.func @transform_2(%arg0: i32, %arg1: i32) -> (i32, i32) {
    %mul3A = arith.constant 10 : i32
    %mul3A_0 = arith.muli %arg0, %mul3A : i32
    %add3A = arith.addi %mul3A_0, %arg1 : i32
    %c0_i32 = arith.constant 0 : i32
    %c0_i32_1 = arith.constant 0 : i32
    return %add3A, %c0_i32 : i32, i32
  }
  func.func @transform_3(%arg0: i32, %arg1: i32) -> (i32, i32) {
    %mul3A = arith.constant 10 : i32
    %mul3A_0 = arith.muli %arg0, %mul3A : i32
    %add3A = arith.addi %mul3A_0, %arg1 : i32
    %c0_i32 = arith.constant 0 : i32
    %c0_i32_1 = arith.constant 0 : i32
    return %add3A, %c0_i32 : i32, i32
  }
}

</mosaic_0001>

<sc_bundles>
// kernel: kernel.12.cloned.1.call-start
scs
__scs_entry_jumppad:
0x0: {  	(pc) =	sbr.rel $0x88, $3  }
0x1: {  	(tag) =	ssettag $0x0;
	lr =	simm.s32 $0x1  }
0x2: {  	[smem:$0x3F96] =	sst lr;
	_ =	strace $0xD0000000  }
0x3: {  	_ = 	snop  }
0x4: {  	_ = 	snop  }
0x5: {  	_ = 	snop  }
0x6: {  	_ = 	snop  }
0x7: {  	_ = 	snop  }
__scs_overlays_trampoline_lowered:
0x8: {  	[smem:$0x3FA5] =	sst s0  }
0x9: {  	[smem:$0x3FA6] =	sst s1  }
0xa: {  	[smem:$0x3FA7] =	sst s2  }
0xb: {  	[smem:$0x3FA8] =	sst s3  }
0xc: {  	[smem:$0x3FA9] =	sst s4  }
0xd: {  	[smem:$0x3FAA] =	sst s5  }
0xe: {  	[smem:$0x3FAB] =	sst s6  }
0xf: {  	[smem:$0x3FAC] =	sst s7  }
0x10: {  	[smem:$0x3FAD] =	sst s8  }
0x11: {  	[smem:$0x3FAE] =	sst s9;
	s0 =	simm.s32 @!p0 $0x0  }
0x12: {  	s1 =	sld [smem:$0x3F94];
	s0 =	simm.s32 @p0 $0x1  }
0x13: {  	[smem:$0x3FAF] =	sst s0;
	s0 =	simm.s32 @!p1 $0x0  }
0x14: {  	s2 =	sld [smem:$0x3F93];
	s0 =	simm.s32 @p1 $0x1  }
0x15: {  	[smem:$0x3FB0] =	sst s0;
	s0 =	simm.s32 @!p2 $0x0  }
0x16: {  	s3 =	sld [smem:$0x3FDB];
	s0 =	simm.s32 @p2 $0x1  }
0x17: {  	s4 =	simm.s32 $0x1BF5;
	[smem:$0x3FB2] =	sst s0  }
0x18: {  	s0 =	sld [smem:$0x3F95];
	_ =	swait.ge [sflag:s4], $0x0  }
0x19: {  	s7 =	sld [smem:$0x3F96]  }
0x1a: {  	s8 =	sadd.s32 $0xFFFFE003, lr  }
0x1b: {  	s9 =	sadd.s32 $0xFFFFFEF7, lr;
	s5 =	simm.s32 $0xFFFFFFFF;
	p2 =	slt.u32 s8, $0xFFFFF086  }
0x1c: {  	p1 =	slt.u32 s9, $0xF7A;
	s5 =	simm.s32 @!p2 $0x0  }
0x1d: {  	s5 =	simm.s32 @p1 $0x1;
	p0 =	seq.s32 s7, s2  }
0x1e: {  	s7 =	smul.u32 @!p0 $0xF7A, s2;
	p2 =	seq.s32 @!p0 s5, $0x0  }
0x1f: {  	s9 =	smul.u32 $0xF7A, s1;
	s8 =	simm.s32 @!p0 $0x1BF5;
	p2 =	por !p2, p0  }
0x20: {  	[sflag:s8] =	ssyncset.s32 @!p0 $0xFFFFF086;
	s6 =	sadd.s32 @!p0 s3, s7;
	s7 =	simm.s32 @!p0 $0x108  }
0x21: {  	s3 =	sadd.s32 s3, s9;
	s6 =	sadd.s32 @!p0 $0x88, s6;
	s7 =	simm.s32 @p2 $0x1082  }
0x22: {  	[simem:s7], [sflag:s8] =	dma.local @!p0 [hbm:s6], $0xF7A  }
0x23: {  	s9 =	sor.u32 $0xD0000000, s2;
	s6 =	simm.s32 $0x108;
	_ =	swait.ge @!p0 [sflag:s8], $0x0  }
0x24: {  	s3 =	sadd.s32 $0x88, s3;
	s6 =	simm.s32 @!p1 $0x1082;
	[sflag:s4] =	ssyncset.s32 $0xFFFFF086  }
0x25: {  	[simem:s6], [sflag:s4] =	dma.local [hbm:s3], $0xF7A  }
0x26: {  	[smem:$0x3F96] =	sst s1;
	(tag) =	ssettag s2;
	_ =	strace s9  }
0x27: {  	s1 =	sld [smem:$0x3FA6]  }
0x28: {  	s2 =	sld [smem:$0x3FA7]  }
0x29: {  	s4 =	sld [smem:$0x3FA9]  }
0x2a: {  	p0 =	seq.s32 s5, $0x0;
	s5 =	sld [smem:$0x3FAA]  }
0x2b: {  	s6 =	sld [smem:$0x3FAB]  }
0x2c: {  	s7 =	sld [smem:$0x3FAC]  }
0x2d: {  	s3 =	simm.s32 $0x108;
	s8 =	sld [smem:$0x3FAD]  }
0x2e: {  	s3 =	simm.s32 @!p0 $0x1082;
	s9 =	sld [smem:$0x3FAE]  }
0x2f: {  	lr =	sadd.s32 s0, s3;
	s0 =	sld [smem:$0x3FA5]  }
0x30: {  	s3 =	sld [smem:$0x3FA8]  }
0x31: {  	[smem:$0x3FB1] =	sst s10  }
0x32: {  	s10 =	sld [smem:$0x3FAF];
	_ =	sdelay $0x3  }
0x33: {  	p0 =	seq.s32 s10, $0x1;
	s10 =	sld [smem:$0x3FB1];
	_ =	sdelay $0x3  }
0x34: {  	[smem:$0x3FB1] =	sst s10  }
0x35: {  	s10 =	sld [smem:$0x3FB0];
	_ =	sdelay $0x3  }
0x36: {  	p1 =	seq.s32 s10, $0x1;
	s10 =	sld [smem:$0x3FB1];
	_ =	sdelay $0x3  }
0x37: {  	[smem:$0x3FB1] =	sst s10  }
0x38: {  	s10 =	sld [smem:$0x3FB2]  }
0x39: {  	_ = 	snop;
	(pc) =	sbr.ind lr, $3  }
0x3a: {  	_ = 	snop  }
0x3b: {  	_ = 	snop  }
0x3c: {  	p2 =	seq.s32 s10, $0x1;
	s10 =	sld [smem:$0x3FB1]  }
0x3d: {  	_ =	shalt  }
0x3e: {  	_ =	shalt  }
0x3f: {  	_ =	shalt  }
0x40: {  	_ =	shalt  }
0x41: {  	_ =	shalt  }
0x42: {  	_ =	shalt  }
0x43: {  	_ =	shalt  }
0x44: {  	_ =	shalt  }
0x45: {  	_ =	shalt  }
0x46: {  	_ =	shalt  }
0x47: {  	_ =	shalt  }
0x48: {  	_ =	shalt  }
0x49: {  	_ =	shalt  }
0x4a: {  	_ =	shalt  }
0x4b: {  	_ =	shalt  }
0x4c: {  	_ =	shalt  }
0x4d: {  	_ =	shalt  }
0x4e: {  	_ =	shalt  }
0x4f: {  	_ =	shalt  }
0x50: {  	_ =	shalt  }
0x51: {  	_ =	shalt  }
0x52: {  	_ =	shalt  }
0x53: {  	_ =	shalt  }
0x54: {  	_ =	shalt  }
0x55: {  	_ =	shalt  }
0x56: {  	_ =	shalt  }
0x57: {  	_ =	shalt  }
0x58: {  	_ =	shalt  }
0x59: {  	_ =	shalt  }
0x5a: {  	_ =	shalt  }
0x5b: {  	_ =	shalt  }
0x5c: {  	_ =	shalt  }
0x5d: {  	_ =	shalt  }
0x5e: {  	_ =	shalt  }
0x5f: {  	_ =	shalt  }
0x60: {  	_ =	shalt  }
0x61: {  	_ =	shalt  }
0x62: {  	_ =	shalt  }
0x63: {  	_ =	shalt  }
0x64: {  	_ =	shalt  }
0x65: {  	_ =	shalt  }
0x66: {  	_ =	shalt  }
0x67: {  	_ =	shalt  }
0x68: {  	_ =	shalt  }
0x69: {  	_ =	shalt  }
0x6a: {  	_ =	shalt  }
0x6b: {  	_ =	shalt  }
0x6c: {  	_ =	shalt  }
0x6d: {  	_ =	shalt  }
0x6e: {  	_ =	shalt  }
0x6f: {  	_ =	shalt  }
0x70: {  	_ =	shalt  }
0x71: {  	_ =	shalt  }
0x72: {  	_ =	shalt  }
0x73: {  	_ =	shalt  }
0x74: {  	_ =	shalt  }
0x75: {  	_ =	shalt  }
0x76: {  	_ =	shalt  }
0x77: {  	_ =	shalt  }
0x78: {  	_ =	shalt  }
0x79: {  	_ =	shalt  }
0x7a: {  	_ =	shalt  }
0x7b: {  	_ =	shalt  }
0x7c: {  	_ =	shalt  }
0x7d: {  	_ =	shalt  }
0x7e: {  	_ =	shalt  }
0x7f: {  	_ =	shalt  }
0x80: {  	_ =	shalt  }
0x81: {  	_ =	shalt  }
0x82: {  	_ =	shalt  }
0x83: {  	_ =	shalt  }
0x84: {  	_ =	shalt  }
0x85: {  	_ =	shalt  }
0x86: {  	_ =	shalt  }
0x87: {  	_ =	shalt  }
.Lfunc_end0:
.L_simem_size_0:
called_computation.1_lowered:
.L_overlay_start_0:
0x88: {  	s2 =	sld [smem:$0x3FD9]  }
0x89: {  	s3 =	sld [smem:$0x3FFE];
	_ =	sdelay $0x1  }
0x8a: {  	s1 =	srdreg.scid  }
0x8b: {  	s0 =	sand.u32 $0x1, s1  }
0x8c: {  	s14 =	sshll.u32 s0, $0xA;
	s2 =	sadd.s32 s3, s2  }
0x8d: {  	s2 =	sadd.s32 s2, s14  }
0x8e: {  	[smem:$0x3FBD] =	sst s2  }
0x8f: {  	_ = 	snop  }
0x90: {  	s2 =	sld [smem:$0x3FD0];
	_ =	sdelay $0x2  }
0x91: {  	s15 =	simm.s32 $0xA;
	s4 =	simm.s32 $0x10  }
0x92: {  	[smem:s4], [sflag:s15] =	dma.local [hbm:s2], $0x1  }
0x93: {  	_ =	swait.eq [sflag:s15], $0x1  }
0x94: {  	[sflag:s15] =	ssyncset.done $0x0  }
0x95: {  	[sflag:s15] =	ssyncadd.s32 $0xFFFFFFFF  }
0x96: {  	s16 =	sld [smem:$0x10];
	(tm) =	ssettm $0x1  }
0x97: {  	s17 =	sld [smem:$0x3FFB];
	_ =	sdelay $0x3  }
0x98: {  	_ =	strace s17  }
0x99: {  	s3 =	sld [smem:$0x3FFC];
	_ =	sdelay $0x3  }
0x9a: {  	_ =	strace s3  }
0x9b: {  	s3 =	sld [smem:$0x3FFD];
	_ =	sdelay $0x3  }
0x9c: {  	_ =	strace s3  }
0x9d: {  	_ =	strace $0x8FFFFFFF  }
0x9e: {  	s18 =	sld [smem:$0x3FDB];
	_ =	sdelay $0x1  }
0x9f: {  	s19 =	simm.s32 $_scs_section_size  }
0xa0: {  	s5 =	simm.s32 $_size__tile_overlayer_lowered;
	s6 =	simm.s32 $_tile_overlayer_lowered  }
0xa1: {  	s22 =	simm.s32 $0x1BFF;
	s21 =	sshll.u32 s6, $0x1;
	s3 =	sadd.s32 s19, s18  }
0xa2: {  	s7 =	simm.s32 $0x0;
	s20 =	sshll.u32 s5, $0x1;
	s5 =	sadd.s32 s21, s3  }
0xa3: {  	[timem:s7], [sflag:s22] =	dma.local [hbm:s5], s20  }
0xa4: {  	_ =	swait.ge [sflag:s22], s20  }
0xa5: {  	s4 =	ssub.s32 $0x0, s20;
	[sflag:s22] =	ssyncset.done $0x0  }
0xa6: {  	[sflag:s22] =	ssyncadd.s32 s4;
	_ =	sdelay $0x1  }
0xa7: {  	s23 =	simm.s32 $0x1B8B  }
0xa8: {  	_ =	swait.ge [sflag:s23], $0x1  }
0xa9: {  	[sflag:s23] =	ssyncset.done $0x0  }
0xaa: {  	s25 =	simm.s32 $0x1B8E;
	s24 =	sld [smem:$0x3FFE];
	[sflag:s23] =	ssyncadd.s32 $0xFFFFFFFF  }
0xab: {  	s26 =	simm.s32 $execute0_lowered;
	[smem:$0x3FD2] =	sst s25  }
0xac: {  	s5 =	sshll.u32 s26, $0x1;
	_ =	strace $0x80000049;
	[dreg:$0x1] =	wrdreg $0xFFFFFFFF  }
0xad: {  	s28 =	simm.s32 $_size_execute0_lowered;
	s3 =	sadd.s32 s3, s5;
	[dreg:$0x0] =	wrdreg $0x0  }
0xae: {  	s5 =	sshll.u32 s28, $0x1;
	[dreg:$0x2] =	wrdreg s3  }
0xaf: {  	[dreg:$0x3] =	wrdreg s5  }
0xb0: {  	[dreg:$0x4] =	wrdreg $0xC0  }
0xb1: {  	_ =	task [dreg:s7], $0x5FFFF  }
0xb2: {  	[dreg:$0x1] =	wrdreg $0xFFFFFFFF  }
0xb3: {  	[dreg:$0x0] =	wrdreg $0x60  }
0xb4: {  	[dreg:$0x2] =	wrdreg s16  }
0xb5: {  	[dreg:$0x3] =	wrdreg s24  }
0xb6: {  	[dreg:$0x4] =	wrdreg $0x78800  }
0xb7: {  	[dreg:$0x5] =	wrdreg $0x9  }
0xb8: {  	_ =	task.clear_ibuf [dreg:s7], $0x6FFFF;
	_ =	strace $0x90000049  }
0xb9: {  	s29 =	simm.s32 $0x9;
	_ =	strace $0x8000004B  }
0xba: {  	_ =	swait.ge [sflag:s29], $0x1  }
0xbb: {  	[sflag:s29] =	ssyncadd.s32 $0xFFFFFFFF  }
0xbc: {  	_ =	strace $0x9000004B  }
0xbd: {  	_ =	sfence  }
0xbe: {  	s30 =	sld [smem:$0x0];
	_ =	sdelay $0x2  }
0xbf: {  	s31 =	sshll.u32 s1, $0xD;
	s1 =	sshrl.u32 s1, $0x2  }
0xc0: {  	s3 =	sand.u32 $0x4000, s31;
	s1 =	sadd.s32 s1, s30  }
0xc1: {  	s0 =	sor.u32 s3, s0;
	s1 =	sshll.u32 s1, $0x11  }
0xc2: {  	s0 =	sor.u32 s1, s0  }
0xc3: {  	s0 =	sadd.s32 $0x8F2B, s0  }
0xc4: {  	[sflag:s0] =	ssyncadd.remote.s32 $0x1  }
0xc5: {  	_ =	sfence.sel $0xFFFF  }
0xc6: {  	[dreg:$0x0] =	wrdreg $0xFFFFFFFF;
	(pc) =	sbr.abs _section_cstart, $3  }
0xc7: {  	[dreg:$0x1] =	wrdreg $0xFFFFFFFF  }
0xc8: {  	_ =	task.clear_ibuf [dreg:s7], $0x2FFFF;
	_ =	strace $0x9FFFFFFF  }
0xc9: {  	(tm) =	ssettm $0x7FFFFFFF  }
tec
execute0_lowered:
.L_overlay_start_1:
0x0: {  	(tag) =	ssettag $0x1  }
0x1: {  	s1 =	rddreg [dreg:$0x0]  }
0x2: {  	s0 =	rddreg [dreg:$0x1]  }
0x3: {  	s3 =	rddreg [dreg:$0x2]  }
0x4: {  	s2 =	srdreg.scid;
	s4 =	simm.s32 $0x0;
	s11 =	stileid.u32  }
0x5: {  	s2 =	sand.u32 $0x1, s2;
	[smem:$0x7FF] =	sst s4;
	s8 =	smul.u32 $0x280, s11  }
0x6: {  	s10 =	smul.u32 $0x50000, s11;
	s5 =	sadd.s32 $0x3200, s0;
	s6 =	sadd.s32 $0x9F600, s0  }
0x7: {  	s20 =	smul.u32 $0x4E20, s11;
	p0 =	seq.s32 s11, $0xF;
	s7 =	ssub.s32 $0x2, s2  }
0x8: {  	_ =	strace $0x8000004A;
	s12 =	sxor.u32 $0x1, s2;
	s9 =	sshrl.u32 s7, $0x1  }
0x9: {  	s22 =	sshrl.u32 s10, $0x2;
	s16 =	sor.u32 $0x50, s8;
	s17 =	sadd.s32 $0xA0, s8  }
0xa: {  	s18 =	sadd.s32 $0xF0, s8;
	s15 =	smul.u32 $0x4E200, s12;
	s19 =	sadd.s32 $0x190, s8  }
0xb: {  	s13 =	sadd.s32 $0x1E0, s8;
	s14 =	sadd.s32 $0x230, s8;
	s0 =	ssub.s32 s7, s9  }
0xc: {  	s7 =	smul.u32 $0x2710, s2;
	s9 =	sadd.s32 s22, s3;
	s23 =	sshll.u32 s16, $0x7  }
0xd: {  	s24 =	sshll.u32 s17, $0x7;
	s25 =	sshll.u32 s18, $0x7;
	s21 =	sshll.u32 s19, $0x7  }
0xe: {  	s2 =	smul.u32 $0x4E200, s2;
	s10 =	sshll.u32 s13, $0x7;
	s13 =	simm.s32 @p0 $0x2760  }
0xf: {  	[dreg:$0x4] =	wrdreg s9;
	s9 =	sadd.s32 s23, s3;
	s22 =	sadd.s32 s20, s15  }
0x10: {  	s23 =	sshll.u32 s14, $0x7;
	s15 =	sadd.s32 s21, s3;
	s0 =	smax.u32 s0, $0x1  }
0x11: {  	s14 =	simm.s32 @p0 $0x27B0;
	[dreg:$0x5] =	wrdreg s9;
	s9 =	sadd.s32 s24, s3  }
0x12: {  	s2 =	sadd.s32 s20, s2;
	s24 =	sadd.s32 s10, s3;
	s16 =	sadd.s32 s7, s16  }
0x13: {  	s17 =	sadd.s32 s7, s17;
	s18 =	sadd.s32 s7, s18;
	[dreg:$0x12] =	wrdreg s0  }
0x14: {  	s29 =	sadd.s32 $0xA0, s22;
	[dreg:$0x6] =	wrdreg s9;
	s9 =	sadd.s32 s25, s3  }
0x15: {  	[dreg:$0x8] =	wrdreg s24;
	s25 =	sadd.s32 s23, s3;
	s2 =	sshrl.u32 s2, $0x3  }
0x16: {  	s23 =	sshll.u32 s18, $0x4;
	s18 =	sadd.s32 $0x27B0, s22;
	[dreg:$0x7] =	wrdreg s9  }
0x17: {  	s9 =	sadd.s32 $0x140, s8;
	[dreg:$0x9] =	wrdreg s25;
	s8 =	sadd.s32 s8, s7  }
0x18: {  	s10 =	sadd.s32 s1, s2;
	s25 =	sadd.s32 s7, s19;
	s19 =	sshrl.u32 s18, $0x3  }
0x19: {  	s18 =	simm.s32 $0x2780;
	s26 =	sshll.u32 s9, $0x7;
	s8 =	sshll.u32 s8, $0x4  }
0x1a: {  	s24 =	sadd.s32 s7, s9;
	s31 =	sadd.s32 s19, s1;
	[dreg:$0xa] =	wrdreg s10  }
0x1b: {  	s12 =	sadd.s32 s26, s3;
	s26 =	sshrl.u32 s22, $0x3;
	s2 =	sadd.s32 s6, s8  }
0x1c: {  	s8 =	sshll.u32 s17, $0x4;
	s17 =	sadd.s32 $0x2800, s22;
	s20 =	sadd.s32 s1, s26  }
0x1d: {  	[dreg:$0xc] =	wrdreg s2;
	s2 =	sshll.u32 s16, $0x4;
	s21 =	sadd.s32 s6, s8  }
0x1e: {  	s8 =	sshll.u32 s25, $0x4;
	s26 =	sadd.s32 $0xF0, s22;
	s0 =	sshrl.u32 s17, $0x3  }
0x1f: {  	s22 =	sadd.s32 $0x4E2, s10;
	s17 =	simm.s32 $0x4;
	[dreg:$0xe] =	wrdreg s21  }
0x20: {  	s2 =	sadd.s32 s6, s2;
	s8 =	sadd.s32 s6, s8;
	[dreg:$0x14] =	wrdreg s22  }
0x21: {  	s16 =	sshrl.u32 s26, $0x3;
	s30 =	sadd.s32 s0, s1;
	[dreg:$0xb] =	wrdreg s20  }
0x22: {  	s21 =	sadd.s32 $0xA, s20;
	s25 =	sadd.s32 $0x4D8, s20;
	[dreg:$0xd] =	wrdreg s2  }
0x23: {  	s26 =	sadd.s32 $0x9BA, s20;
	s22 =	simm.s32 $0x2880;
	[dreg:$0x11] =	wrdreg s8  }
0x24: {  	s0 =	simm.s32 $0x1;
	s2 =	sadd.s32 s6, s23;
	[dreg:$0x13] =	wrdreg s21  }
0x25: {  	s28 =	sadd.s32 s16, s1;
	s23 =	sadd.s32 $0x4E2, s20;
	[dreg:$0x17] =	wrdreg s25  }
0x26: {  	[dreg:$0x18] =	wrdreg s26;
	s25 =	simm.s32 $0x2800;
	s26 =	simm.s32 $0x5080  }
0x27: {  	s16 =	simm.s32 $0x2;
	s21 =	simm.s32 $0x0;
	[dreg:$0xf] =	wrdreg s2  }
0x28: {  	s2 =	sshll.u32 s24, $0x4;
	[dreg:$0x15] =	wrdreg s23;
	s24 =	sadd.s32 $0x4EC, s20  }
0x29: {  	s23 =	simm.s32 $0x5;
	s2 =	sadd.s32 s6, s2;
	[dreg:$0x16] =	wrdreg s24  }
0x2a: {  	v1 =	vimm.f32 $0.0e+00;
	v0 =	vmov s7;
	s24 =	simm.s32 $0x50;
	[dreg:$0x10] =	wrdreg s2;
	s2 =	simm.s32 $0x3  }
.LBB2_1:
0x2b: {  	s8 =	simm.s32 $0x0;
	s9 =	simm.s32 $0x200  }
.LBB2_2:
0x2c: {  	p1 =	sne.s32 s9, $0x9E00;
	[tilespmem:s8+$0x28F0] =	vst v1  }
0x2d: {  	[tilespmem:s8+$0x2880] =	vst v1  }
0x2e: {  	[tilespmem:s8+$0x2890] =	vst v1  }
.Ltmp0:
0x2f: {  	[tilespmem:s8+$0x28A0] =	vst v1;
	(pc) =	sbr.rel @p1 .LBB2_2-.Ltmp0, $4  }
0x30: {  	[tilespmem:s8+$0x28B0] =	vst v1  }
0x31: {  	[tilespmem:s8+$0x28C0] =	vst v1  }
0x32: {  	[tilespmem:s8+$0x28D0] =	vst v1  }
0x33: {  	[tilespmem:s8+$0x28E0] =	vst v1;
	s8 =	sshra.s32 s9, $0x2;
	s9 =	sadd.s32 $0x200, s9  }
0x34: {  	[tilespmem:s8+$0x28F0] =	vst v1  }
0x35: {  	[tilespmem:s8+$0x2880] =	vst v1  }
0x36: {  	[tilespmem:s8+$0x2890] =	vst v1  }
0x37: {  	[tilespmem:s8+$0x28A0] =	vst v1  }
0x38: {  	[tilespmem:s8+$0x28B0] =	vst v1  }
0x39: {  	[tilespmem:s8+$0x28C0] =	vst v1  }
0x3a: {  	[tilespmem:s8+$0x28D0] =	vst v1  }
0x3b: {  	[tilespmem:s8+$0x28E0] =	vst v1;
	s20 =	rddreg [dreg:$0x4]  }
0x3c: {  	[spmem:s20] =	stream.linear.scatter [tilespmem:s22], [sflag:$0x5], $0x2800, $0x38;
	[tilespmem:$0x1B100] =	vst v63  }
0x3d: {  	_ =	swait.ge [sflag:s23], $0x2800  }
0x3e: {  	[sflag:s23] =	ssyncset.done $0x0  }
0x3f: {  	s9 =	rddreg [dreg:$0x5];
	[sflag:s23] =	ssyncadd.s32 $0xFFFFD800  }
0x40: {  	[spmem:s9] =	stream.linear.scatter [tilespmem:s22], [sflag:$0x5], $0x2800, $0x38;
	[tilespmem:$0x1B100] =	vst v63  }
0x41: {  	_ =	swait.ge [sflag:s23], $0x2800  }
0x42: {  	[sflag:s23] =	ssyncset.done $0x0  }
0x43: {  	s10 =	rddreg [dreg:$0x6];
	[sflag:s23] =	ssyncadd.s32 $0xFFFFD800  }
0x44: {  	[spmem:s10] =	stream.linear.scatter [tilespmem:s22], [sflag:$0x5], $0x2800, $0x38;
	[tilespmem:$0x1B100] =	vst v63  }
0x45: {  	_ =	swait.ge [sflag:s23], $0x2800  }
0x46: {  	[sflag:s23] =	ssyncset.done $0x0  }
0x47: {  	s11 =	rddreg [dreg:$0x7];
	[sflag:s23] =	ssyncadd.s32 $0xFFFFD800  }
0x48: {  	[spmem:s11] =	stream.linear.scatter [tilespmem:s22], [sflag:$0x5], $0x2800, $0x38;
	[tilespmem:$0x1B100] =	vst v63  }
0x49: {  	_ =	swait.ge [sflag:s23], $0x2800  }
0x4a: {  	[sflag:s23] =	ssyncset.done $0x0  }
0x4b: {  	[sflag:s23] =	ssyncadd.s32 $0xFFFFD800  }
0x4c: {  	[spmem:s12] =	stream.linear.scatter [tilespmem:s22], [sflag:$0x5], $0x2800, $0x38;
	[tilespmem:$0x1B100] =	vst v63  }
0x4d: {  	_ =	swait.ge [sflag:s23], $0x2800  }
0x4e: {  	[sflag:s23] =	ssyncset.done $0x0  }
0x4f: {  	s8 =	simm.s32 @!p0 $0x2880;
	s9 =	simm.s32 @!p0 $0x5;
	[sflag:s23] =	ssyncadd.s32 $0xFFFFD800  }
0x50: {  	[spmem:s15] =	stream.linear.scatter @!p0 [tilespmem:s8], [sflag:$0x5], $0x2800, $0x38;
	[tilespmem:$0x1B100] =	vst v63  }
0x51: {  	_ =	swait.ge @!p0 [sflag:s9], $0x2800  }
0x52: {  	[sflag:s9] =	ssyncset.done @!p0 $0x0  }
0x53: {  	s10 =	rddreg [dreg:$0x8];
	[sflag:s9] =	ssyncadd.s32 @!p0 $0xFFFFD800  }
0x54: {  	[spmem:s10] =	stream.linear.scatter @!p0 [tilespmem:s8], [sflag:$0x5], $0x2800, $0x38;
	[tilespmem:$0x1B100] =	vst v63  }
0x55: {  	_ =	swait.ge @!p0 [sflag:s9], $0x2800  }
0x56: {  	[sflag:s9] =	ssyncset.done @!p0 $0x0  }
0x57: {  	s10 =	rddreg [dreg:$0x9];
	[sflag:s9] =	ssyncadd.s32 @!p0 $0xFFFFD800  }
0x58: {  	[spmem:s10] =	stream.linear.scatter @!p0 [tilespmem:s8], [sflag:$0x5], $0x2800, $0x38;
	[tilespmem:$0x1B100] =	vst v63  }
0x59: {  	_ =	swait.ge @!p0 [sflag:s9], $0x2800  }
0x5a: {  	[sflag:s9] =	ssyncset.done @!p0 $0x0  }
0x5b: {  	[sflag:s9] =	ssyncadd.s32 @!p0 $0xFFFFD800  }
0x5c: {  	[bflag:$0x0] =	sbarrier.arrive $0xFFFF  }
0x5d: {  	s19 =	simm.s32 $0x0;
	s20 =	rddreg [dreg:$0xa]  }
0x5e: {  	[tilespmem:s19], [sflag:$0x5] =	stream.linear.gather [hbm4b:s20+s19], $0x2710, $0x38;
	[tilespmem:$0x1B100] =	vst v63  }
0x5f: {  	_ =	swait.ge [sflag:s23], $0x2710  }
0x60: {  	[sflag:s23] =	ssyncset.done $0x0  }
0x61: {  	s8 =	simm.s32 $0x0;
	s9 =	simm.s32 $0x40;
	[sflag:s23] =	ssyncadd.s32 $0xFFFFD8F0  }
.LBB2_4:
0x62: {  	p1 =	sne.s32 s9, $0x9C00;
	v2 =	vld [tilespmem:s8+$0x0];
	_ =	sdelay $0x1  }
.Ltmp1:
0x63: {  	(pc) =	sbr.rel @p1 .LBB2_4-.Ltmp1, $3  }
0x64: {  	_ =	sdelay $0x1  }
0x65: {  	v2 =	vadd.s32 v0, v2  }
0x66: {  	[tilespmem:s8+$0x0] =	vst v2;
	s8 =	sshra.s32 s9, $0x2;
	s9 =	sadd.s32 $0x40, s9  }
0x67: {  	v2 =	vld [tilespmem:s8+$0x0];
	_ =	sdelay $0x4  }
0x68: {  	v2 =	vadd.s32 v0, v2  }
0x69: {  	s20 =	simm.s32 $0x0;
	s9 =	rddreg [dreg:$0xb];
	[tilespmem:s8+$0x0] =	vst v2  }
0x6a: {  	[tilespmem:s18], [sflag:$0x3] =	stream.linear.gather [hbm4b:s9+s20], $0x50, $0x38;
	[tilespmem:$0x1B100] =	vst v63  }
0x6b: {  	_ = 	snop  }
0x6c: {  	[tilespmem:s22], [sflag:$0x1] =	stream.indirect.gather [hbm4b:s5+s24], $0x80, s20, s24, $0xb8;
	[tilespmem:$0x1B100] =	vst v63  }
0x6d: {  	s10 =	rddreg [dreg:$0x13]  }
0x6e: {  	[tilespmem:s25], [sflag:$0x4] =	stream.linear.gather [hbm4b:s10+s20], $0x50, $0x38;
	[tilespmem:$0x1B100] =	vst v63  }
0x6f: {  	_ = 	snop  }
0x70: {  	[tilespmem:s26], [sflag:$0x2] =	stream.indirect.gather [hbm4b:s5+s24], $0x80, s24, s24, $0xb8;
	[tilespmem:$0x1B100] =	vst v63  }
0x71: {  	_ =	swait.ge [sflag:s0], $0x2800  }
0x72: {  	[sflag:s0] =	ssyncset.done $0x0  }
0x73: {  	[sflag:s0] =	ssyncadd.s32 $0xFFFFD800  }
0x74: {  	_ =	swait.ge [sflag:s2], $0x50  }
0x75: {  	[sflag:s2] =	ssyncset.done $0x0  }
0x76: {  	[sflag:s2] =	ssyncadd.s32 $0xFFFFFFB0  }
0x77: {  	[spmem:s3] =	stream.indirect.scatter.add.f32 [tilespmem:s22], [sflag:$0x5], $0x80, s18, s24, $0xb8;
	[tilespmem:$0x1B100] =	vst v63  }
0x78: {  	_ =	swait.ge [sflag:s23], $0x2800  }
0x79: {  	s11 =	sshrl.u32 s29, $0x3;
	[sflag:s23] =	ssyncset.done $0x0  }
0x7a: {  	s8 =	sadd.s32 s1, s11;
	[sflag:s23] =	ssyncadd.s32 $0xFFFFD800  }
0x7b: {  	[tilespmem:s18], [sflag:$0x3] =	stream.linear.gather [hbm4b:s8+s4], $0x50, $0x38;
	[tilespmem:$0x1B100] =	vst v63  }
0x7c: {  	s19 =	simm.s32 $0xA0  }
0x7d: {  	[tilespmem:s22], [sflag:$0x1] =	stream.indirect.gather [hbm4b:s5+s24], $0x80, s19, s24, $0xb8;
	[tilespmem:$0x1B100] =	vst v63  }
0x7e: {  	_ =	swait.ge [sflag:s16], $0x2800  }
0x7f: {  	[sflag:s16] =	ssyncset.done $0x0  }
0x80: {  	[sflag:s16] =	ssyncadd.s32 $0xFFFFD800  }
0x81: {  	_ =	swait.ge [sflag:s17], $0x50  }
0x82: {  	[sflag:s17] =	ssyncset.done $0x0  }
0x83: {  	[sflag:s17] =	ssyncadd.s32 $0xFFFFFFB0  }
0x84: {  	[spmem:s3] =	stream.indirect.scatter.add.f32 [tilespmem:s26], [sflag:$0x5], $0x80, s25, s24, $0xb8;
	[tilespmem:$0x1B100] =	vst v63  }
0x85: {  	_ =	swait.ge [sflag:s23], $0x2800  }
0x86: {  	[sflag:s23] =	ssyncset.done $0x0  }
0x87: {  	s9 =	sadd.s32 $0xA0, s29;
	s20 =	sadd.s32 $0x0, s28;
	[sflag:s23] =	ssyncadd.s32 $0xFFFFD800  }
0x88: {  	[tilespmem:s25], [sflag:$0x4] =	stream.linear.gather [hbm4b:s20+s4], $0x50, $0x38;
	[tilespmem:$0x1B100] =	vst v63  }
0x89: {  	s8 =	simm.s32 $0x190;
	s19 =	simm.s32 $0x14;
	s20 =	simm.s32 $0xF0  }
.LBB2_6:
0x8a: {  	[tilespmem:s26], [sflag:$0x2] =	stream.indirect.gather [hbm4b:s5+s24], $0x80, s20, s24, $0xb8;
	[tilespmem:$0x1B100] =	vst v63  }
0x8b: {  	s10 =	smov.u32 s19;
	s20 =	smov.u32 s8  }
0x8c: {  	p1 =	sne.s32 s19, $0x4B0;
	s19 =	sadd.s32 $0x14, s19;
	_ =	swait.ge [sflag:s0], $0x2800  }
0x8d: {  	[sflag:s0] =	ssyncset.done $0x0  }
0x8e: {  	[sflag:s0] =	ssyncadd.s32 $0xFFFFD800  }
0x8f: {  	_ =	swait.ge [sflag:s2], $0x50  }
0x90: {  	[sflag:s2] =	ssyncset.done $0x0  }
0x91: {  	[sflag:s2] =	ssyncadd.s32 $0xFFFFFFB0  }
0x92: {  	[spmem:s3] =	stream.indirect.scatter.add.f32 [tilespmem:s22], [sflag:$0x5], $0x80, s18, s24, $0xb8;
	[tilespmem:$0x1B100] =	vst v63  }
0x93: {  	_ =	swait.ge [sflag:s23], $0x2800  }
0x94: {  	s11 =	sshrl.u32 s9, $0x3;
	[sflag:s23] =	ssyncset.done $0x0  }
0x95: {  	s11 =	sadd.s32 s1, s11;
	[sflag:s23] =	ssyncadd.s32 $0xFFFFD800  }
0x96: {  	[tilespmem:s18], [sflag:$0x3] =	stream.linear.gather [hbm4b:s11+s4], $0x50, $0x38;
	[tilespmem:$0x1B100] =	vst v63  }
0x97: {  	s11 =	sadd.s32 $0xFFFFFFB0, s8  }
0x98: {  	[tilespmem:s22], [sflag:$0x1] =	stream.indirect.gather [hbm4b:s5+s24], $0x80, s11, s24, $0xb8;
	[tilespmem:$0x1B100] =	vst v63  }
0x99: {  	_ =	swait.ge [sflag:s16], $0x2800  }
0x9a: {  	[sflag:s16] =	ssyncset.done $0x0  }
0x9b: {  	[sflag:s16] =	ssyncadd.s32 $0xFFFFD800  }
0x9c: {  	_ =	swait.ge [sflag:s17], $0x50  }
0x9d: {  	[sflag:s17] =	ssyncset.done $0x0  }
0x9e: {  	[sflag:s17] =	ssyncadd.s32 $0xFFFFFFB0  }
0x9f: {  	[spmem:s3] =	stream.indirect.scatter.add.f32 [tilespmem:s26], [sflag:$0x5], $0x80, s25, s24, $0xb8;
	[tilespmem:$0x1B100] =	vst v63  }
.Ltmp2:
0xa0: {  	_ =	swait.ge [sflag:s23], $0x2800;
	(pc) =	sbr.rel @p1 .LBB2_6-.Ltmp2, $4  }
0xa1: {  	[sflag:s23] =	ssyncset.done $0x0  }
0xa2: {  	s10 =	sadd.s32 s10, s28;
	[sflag:s23] =	ssyncadd.s32 $0xFFFFD800  }
0xa3: {  	[tilespmem:s25], [sflag:$0x4] =	stream.linear.gather [hbm4b:s10+s4], $0x50, $0x38;
	[tilespmem:$0x1B100] =	vst v63  }
0xa4: {  	s9 =	sadd.s32 $0xA0, s9;
	s8 =	sadd.s32 $0xA0, s8  }
0xa5: {  	[tilespmem:s26], [sflag:$0x2] =	stream.indirect.gather [hbm4b:s5+s24], $0x80, s20, s24, $0xb8;
	[tilespmem:$0x1B100] =	vst v63  }
0xa6: {  	_ =	swait.ge [sflag:s0], $0x2800  }
0xa7: {  	[sflag:s0] =	ssyncset.done $0x0  }
0xa8: {  	[sflag:s0] =	ssyncadd.s32 $0xFFFFD800  }
0xa9: {  	_ =	swait.ge [sflag:s2], $0x50  }
0xaa: {  	[sflag:s2] =	ssyncset.done $0x0  }
0xab: {  	[sflag:s2] =	ssyncadd.s32 $0xFFFFFFB0  }
0xac: {  	[spmem:s3] =	stream.indirect.scatter.add.f32 [tilespmem:s22], [sflag:$0x5], $0x80, s18, s24, $0xb8;
	[tilespmem:$0x1B100] =	vst v63  }
0xad: {  	_ =	swait.ge [sflag:s23], $0x2800  }
0xae: {  	[sflag:s23] =	ssyncset.done $0x0  }
0xaf: {  	s8 =	simm.s32 $0x0;
	s9 =	rddreg [dreg:$0x17];
	[sflag:s23] =	ssyncadd.s32 $0xFFFFD800  }
0xb0: {  	[tilespmem:s18], [sflag:$0x3] =	stream.linear.gather [hbm4b:s9+s8], $0x50, $0x38;
	[tilespmem:$0x1B100] =	vst v63  }
0xb1: {  	s20 =	simm.s32 $0x26C0  }
0xb2: {  	[tilespmem:s22], [sflag:$0x1] =	stream.indirect.gather [hbm4b:s5+s24], $0x80, s20, s24, $0xb8;
	[tilespmem:$0x1B100] =	vst v63  }
0xb3: {  	_ =	swait.ge [sflag:s16], $0x2800  }
0xb4: {  	[sflag:s16] =	ssyncset.done $0x0  }
0xb5: {  	[sflag:s16] =	ssyncadd.s32 $0xFFFFD800  }
0xb6: {  	_ =	swait.ge [sflag:s17], $0x50  }
0xb7: {  	[sflag:s17] =	ssyncset.done $0x0  }
0xb8: {  	[sflag:s17] =	ssyncadd.s32 $0xFFFFFFB0  }
0xb9: {  	[spmem:s3] =	stream.indirect.scatter.add.f32 [tilespmem:s26], [sflag:$0x5], $0x80, s25, s24, $0xb8;
	[tilespmem:$0x1B100] =	vst v63  }
0xba: {  	_ =	swait.ge [sflag:s23], $0x2800  }
0xbb: {  	[sflag:s23] =	ssyncset.done $0x0  }
0xbc: {  	[sflag:s23] =	ssyncadd.s32 $0xFFFFD800  }
0xbd: {  	_ =	swait.ge [sflag:s0], $0x2800  }
0xbe: {  	[sflag:s0] =	ssyncset.done $0x0  }
0xbf: {  	[sflag:s0] =	ssyncadd.s32 $0xFFFFD800  }
0xc0: {  	_ =	swait.ge [sflag:s2], $0x50  }
0xc1: {  	[sflag:s2] =	ssyncset.done $0x0  }
0xc2: {  	[sflag:s2] =	ssyncadd.s32 $0xFFFFFFB0  }
0xc3: {  	[spmem:s3] =	stream.indirect.scatter.add.f32 [tilespmem:s22], [sflag:$0x5], $0x80, s18, s24, $0xb8;
	[tilespmem:$0x1B100] =	vst v63  }
0xc4: {  	_ =	swait.ge [sflag:s23], $0x2800  }
0xc5: {  	[sflag:s23] =	ssyncset.done $0x0  }
0xc6: {  	s19 =	rddreg [dreg:$0x14];
	[sflag:s23] =	ssyncadd.s32 $0xFFFFD800  }
0xc7: {  	[tilespmem:s8], [sflag:$0x5] =	stream.linear.gather [hbm4b:s19+s8], $0x2710, $0x38;
	[tilespmem:$0x1B100] =	vst v63  }
0xc8: {  	_ =	swait.ge [sflag:s23], $0x2710  }
0xc9: {  	[sflag:s23] =	ssyncset.done $0x0  }
0xca: {  	s9 =	simm.s32 $0x40;
	s8 =	simm.s32 $0x0;
	[sflag:s23] =	ssyncadd.s32 $0xFFFFD8F0  }
.LBB2_8:
0xcb: {  	p1 =	sne.s32 s9, $0x9C00;
	v2 =	vld [tilespmem:s8+$0x0];
	_ =	sdelay $0x1  }
.Ltmp3:
0xcc: {  	(pc) =	sbr.rel @p1 .LBB2_8-.Ltmp3, $3  }
0xcd: {  	_ =	sdelay $0x1  }
0xce: {  	v2 =	vadd.s32 v0, v2  }
0xcf: {  	[tilespmem:s8+$0x0] =	vst v2;
	s8 =	sshra.s32 s9, $0x2;
	s9 =	sadd.s32 $0x40, s9  }
0xd0: {  	v2 =	vld [tilespmem:s8+$0x0];
	_ =	sdelay $0x4  }
0xd1: {  	v2 =	vadd.s32 v0, v2  }
0xd2: {  	s11 =	simm.s32 $0x0;
	s9 =	rddreg [dreg:$0x15];
	[tilespmem:s8+$0x0] =	vst v2  }
0xd3: {  	[tilespmem:s18], [sflag:$0x3] =	stream.linear.gather [hbm4b:s9+s11], $0x50, $0x38;
	[tilespmem:$0x1B100] =	vst v63  }
0xd4: {  	_ = 	snop  }
0xd5: {  	[tilespmem:s22], [sflag:$0x1] =	stream.indirect.gather [hbm4b:s5+s24], $0x80, s11, s24, $0xb8;
	[tilespmem:$0x1B100] =	vst v63  }
0xd6: {  	s19 =	rddreg [dreg:$0x16]  }
0xd7: {  	[tilespmem:s25], [sflag:$0x4] =	stream.linear.gather [hbm4b:s19+s11], $0x50, $0x38;
	[tilespmem:$0x1B100] =	vst v63  }
0xd8: {  	_ = 	snop  }
0xd9: {  	[tilespmem:s26], [sflag:$0x2] =	stream.indirect.gather [hbm4b:s5+s24], $0x80, s24, s24, $0xb8;
	[tilespmem:$0x1B100] =	vst v63  }
0xda: {  	_ =	swait.ge [sflag:s0], $0x2800  }
0xdb: {  	[sflag:s0] =	ssyncset.done $0x0  }
0xdc: {  	[sflag:s0] =	ssyncadd.s32 $0xFFFFD800  }
0xdd: {  	_ =	swait.ge [sflag:s2], $0x50  }
0xde: {  	[sflag:s2] =	ssyncset.done $0x0  }
0xdf: {  	[sflag:s2] =	ssyncadd.s32 $0xFFFFFFB0  }
0xe0: {  	[spmem:s3] =	stream.indirect.scatter.add.f32 [tilespmem:s22], [sflag:$0x5], $0x80, s18, s24, $0xb8;
	[tilespmem:$0x1B100] =	vst v63  }
0xe1: {  	_ =	swait.ge [sflag:s23], $0x2800  }
0xe2: {  	[sflag:s23] =	ssyncset.done $0x0  }
0xe3: {  	s10 =	sadd.s32 $0x0, s31;
	[sflag:s23] =	ssyncadd.s32 $0xFFFFD800  }
0xe4: {  	[tilespmem:s18], [sflag:$0x3] =	stream.linear.gather [hbm4b:s10+s4], $0x50, $0x38;
	[tilespmem:$0x1B100] =	vst v63  }
0xe5: {  	s11 =	simm.s32 $0xA0  }
0xe6: {  	[tilespmem:s22], [sflag:$0x1] =	stream.indirect.gather [hbm4b:s5+s24], $0x80, s11, s24, $0xb8;
	[tilespmem:$0x1B100] =	vst v63  }
0xe7: {  	_ =	swait.ge [sflag:s16], $0x2800  }
0xe8: {  	[sflag:s16] =	ssyncset.done $0x0  }
0xe9: {  	[sflag:s16] =	ssyncadd.s32 $0xFFFFD800  }
0xea: {  	_ =	swait.ge [sflag:s17], $0x50  }
0xeb: {  	[sflag:s17] =	ssyncset.done $0x0  }
0xec: {  	[sflag:s17] =	ssyncadd.s32 $0xFFFFFFB0  }
0xed: {  	[spmem:s3] =	stream.indirect.scatter.add.f32 [tilespmem:s26], [sflag:$0x5], $0x80, s25, s24, $0xb8;
	[tilespmem:$0x1B100] =	vst v63  }
0xee: {  	_ =	swait.ge [sflag:s23], $0x2800  }
0xef: {  	[sflag:s23] =	ssyncset.done $0x0  }
0xf0: {  	s19 =	sadd.s32 $0x0, s30;
	[sflag:s23] =	ssyncadd.s32 $0xFFFFD800  }
0xf1: {  	[tilespmem:s25], [sflag:$0x4] =	stream.linear.gather [hbm4b:s19+s4], $0x50, $0x38;
	[tilespmem:$0x1B100] =	vst v63  }
0xf2: {  	s8 =	simm.s32 $0xF0;
	s9 =	simm.s32 $0x14;
	s19 =	simm.s32 $0x190  }
.LBB2_10:
0xf3: {  	[tilespmem:s26], [sflag:$0x2] =	stream.indirect.gather [hbm4b:s5+s24], $0x80, s8, s24, $0xb8;
	[tilespmem:$0x1B100] =	vst v63  }
0xf4: {  	s10 =	smov.u32 s9;
	s8 =	smov.u32 s19  }
0xf5: {  	p1 =	sne.s32 s9, $0x4B0;
	s9 =	sadd.s32 $0x14, s9;
	_ =	swait.ge [sflag:s0], $0x2800  }
0xf6: {  	[sflag:s0] =	ssyncset.done $0x0  }
0xf7: {  	[sflag:s0] =	ssyncadd.s32 $0xFFFFD800  }
0xf8: {  	_ =	swait.ge [sflag:s2], $0x50  }
0xf9: {  	[sflag:s2] =	ssyncset.done $0x0  }
0xfa: {  	[sflag:s2] =	ssyncadd.s32 $0xFFFFFFB0  }
0xfb: {  	[spmem:s3] =	stream.indirect.scatter.add.f32 [tilespmem:s22], [sflag:$0x5], $0x80, s18, s24, $0xb8;
	[tilespmem:$0x1B100] =	vst v63  }
0xfc: {  	_ =	swait.ge [sflag:s23], $0x2800  }
0xfd: {  	[sflag:s23] =	ssyncset.done $0x0  }
0xfe: {  	s11 =	sadd.s32 s10, s31;
	[sflag:s23] =	ssyncadd.s32 $0xFFFFD800  }
0xff: {  	[tilespmem:s18], [sflag:$0x3] =	stream.linear.gather [hbm4b:s11+s4], $0x50, $0x38;
	[tilespmem:$0x1B100] =	vst v63  }
0x100: {  	s11 =	sadd.s32 $0xFFFFFFB0, s19  }
0x101: {  	[tilespmem:s22], [sflag:$0x1] =	stream.indirect.gather [hbm4b:s5+s24], $0x80, s11, s24, $0xb8;
	[tilespmem:$0x1B100] =	vst v63  }
0x102: {  	_ =	swait.ge [sflag:s16], $0x2800  }
0x103: {  	[sflag:s16] =	ssyncset.done $0x0  }
0x104: {  	[sflag:s16] =	ssyncadd.s32 $0xFFFFD800  }
0x105: {  	_ =	swait.ge [sflag:s17], $0x50  }
0x106: {  	[sflag:s17] =	ssyncset.done $0x0  }
0x107: {  	[sflag:s17] =	ssyncadd.s32 $0xFFFFFFB0  }
0x108: {  	[spmem:s3] =	stream.indirect.scatter.add.f32 [tilespmem:s26], [sflag:$0x5], $0x80, s25, s24, $0xb8;
	[tilespmem:$0x1B100] =	vst v63  }
.Ltmp4:
0x109: {  	_ =	swait.ge [sflag:s23], $0x2800;
	(pc) =	sbr.rel @p1 .LBB2_10-.Ltmp4, $4  }
0x10a: {  	[sflag:s23] =	ssyncset.done $0x0  }
0x10b: {  	s10 =	sadd.s32 s10, s30;
	[sflag:s23] =	ssyncadd.s32 $0xFFFFD800  }
0x10c: {  	[tilespmem:s25], [sflag:$0x4] =	stream.linear.gather [hbm4b:s10+s4], $0x50, $0x38;
	[tilespmem:$0x1B100] =	vst v63  }
0x10d: {  	s19 =	sadd.s32 $0xA0, s19  }
0x10e: {  	[tilespmem:s26], [sflag:$0x2] =	stream.indirect.gather [hbm4b:s5+s24], $0x80, s8, s24, $0xb8;
	[tilespmem:$0x1B100] =	vst v63  }
0x10f: {  	_ =	swait.ge [sflag:s0], $0x2800  }
0x110: {  	[sflag:s0] =	ssyncset.done $0x0  }
0x111: {  	[sflag:s0] =	ssyncadd.s32 $0xFFFFD800  }
0x112: {  	_ =	swait.ge [sflag:s2], $0x50  }
0x113: {  	[sflag:s2] =	ssyncset.done $0x0  }
0x114: {  	[sflag:s2] =	ssyncadd.s32 $0xFFFFFFB0  }
0x115: {  	[spmem:s3] =	stream.indirect.scatter.add.f32 [tilespmem:s22], [sflag:$0x5], $0x80, s18, s24, $0xb8;
	[tilespmem:$0x1B100] =	vst v63  }
0x116: {  	_ =	swait.ge [sflag:s23], $0x2800  }
0x117: {  	[sflag:s23] =	ssyncset.done $0x0  }
0x118: {  	s19 =	rddreg [dreg:$0x18];
	[sflag:s23] =	ssyncadd.s32 $0xFFFFD800  }
0x119: {  	[tilespmem:s18], [sflag:$0x3] =	stream.linear.gather [hbm4b:s19+s4], $0x50, $0x38;
	[tilespmem:$0x1B100] =	vst v63  }
0x11a: {  	_ = 	snop  }
0x11b: {  	[tilespmem:s22], [sflag:$0x1] =	stream.indirect.gather [hbm4b:s5+s24], $0x80, s20, s24, $0xb8;
	[tilespmem:$0x1B100] =	vst v63  }
0x11c: {  	_ =	swait.ge [sflag:s16], $0x2800  }
0x11d: {  	[sflag:s16] =	ssyncset.done $0x0  }
0x11e: {  	[sflag:s16] =	ssyncadd.s32 $0xFFFFD800  }
0x11f: {  	_ =	swait.ge [sflag:s17], $0x50  }
0x120: {  	[sflag:s17] =	ssyncset.done $0x0  }
0x121: {  	[sflag:s17] =	ssyncadd.s32 $0xFFFFFFB0  }
0x122: {  	[spmem:s3] =	stream.indirect.scatter.add.f32 [tilespmem:s26], [sflag:$0x5], $0x80, s25, s24, $0xb8;
	[tilespmem:$0x1B100] =	vst v63  }
0x123: {  	_ =	swait.ge [sflag:s23], $0x2800  }
0x124: {  	[sflag:s23] =	ssyncset.done $0x0  }
0x125: {  	[sflag:s23] =	ssyncadd.s32 $0xFFFFD800  }
0x126: {  	_ =	swait.ge [sflag:s0], $0x2800  }
0x127: {  	[sflag:s0] =	ssyncset.done $0x0  }
0x128: {  	[sflag:s0] =	ssyncadd.s32 $0xFFFFD800  }
0x129: {  	_ =	swait.ge [sflag:s2], $0x50  }
0x12a: {  	[sflag:s2] =	ssyncset.done $0x0  }
0x12b: {  	[sflag:s2] =	ssyncadd.s32 $0xFFFFFFB0  }
0x12c: {  	[spmem:s3] =	stream.indirect.scatter.add.f32 [tilespmem:s22], [sflag:$0x5], $0x80, s18, s24, $0xb8;
	[tilespmem:$0x1B100] =	vst v63  }
0x12d: {  	_ =	swait.ge [sflag:s23], $0x2800  }
0x12e: {  	[sflag:s23] =	ssyncset.done $0x0  }
0x12f: {  	[sflag:s23] =	ssyncadd.s32 $0xFFFFD800  }
0x130: {  	[bflag:$0x0] =	sbarrier.arrive $0xFFFF  }
0x131: {  	s9 =	rddreg [dreg:$0x4]  }
0x132: {  	[tilespmem:s22], [sflag:$0x5] =	stream.linear.gather [spmem:s9], $0x2800, $0x38;
	[tilespmem:$0x1B100] =	vst v63  }
0x133: {  	_ =	swait.ge [sflag:s23], $0x2800  }
0x134: {  	[sflag:s23] =	ssyncset.done $0x0  }
0x135: {  	s10 =	rddreg [dreg:$0xc];
	[sflag:s23] =	ssyncadd.s32 $0xFFFFD800  }
0x136: {  	[hbm4b:s10+s4] =	stream.linear.scatter [tilespmem:s22], [sflag:$0x5], $0x2800, $0x38;
	[tilespmem:$0x1B100] =	vst v63  }
0x137: {  	_ =	swait.ge [sflag:s23], $0x2800  }
0x138: {  	[sflag:s23] =	ssyncset.done $0x0  }
0x139: {  	s11 =	rddreg [dreg:$0x5];
	[sflag:s23] =	ssyncadd.s32 $0xFFFFD800  }
0x13a: {  	[tilespmem:s22], [sflag:$0x5] =	stream.linear.gather [spmem:s11], $0x2800, $0x38;
	[tilespmem:$0x1B100] =	vst v63  }
0x13b: {  	_ =	swait.ge [sflag:s23], $0x2800  }
0x13c: {  	[sflag:s23] =	ssyncset.done $0x0  }
0x13d: {  	s19 =	rddreg [dreg:$0xd];
	[sflag:s23] =	ssyncadd.s32 $0xFFFFD800  }
0x13e: {  	[hbm4b:s19+s4] =	stream.linear.scatter [tilespmem:s22], [sflag:$0x5], $0x2800, $0x38;
	[tilespmem:$0x1B100] =	vst v63  }
0x13f: {  	_ =	swait.ge [sflag:s23], $0x2800  }
0x140: {  	[sflag:s23] =	ssyncset.done $0x0  }
0x141: {  	s20 =	rddreg [dreg:$0x6];
	[sflag:s23] =	ssyncadd.s32 $0xFFFFD800  }
0x142: {  	[tilespmem:s22], [sflag:$0x5] =	stream.linear.gather [spmem:s20], $0x2800, $0x38;
	[tilespmem:$0x1B100] =	vst v63  }
0x143: {  	_ =	swait.ge [sflag:s23], $0x2800  }
0x144: {  	[sflag:s23] =	ssyncset.done $0x0  }
0x145: {  	s9 =	rddreg [dreg:$0xe];
	[sflag:s23] =	ssyncadd.s32 $0xFFFFD800  }
0x146: {  	[hbm4b:s9+s4] =	stream.linear.scatter [tilespmem:s22], [sflag:$0x5], $0x2800, $0x38;
	[tilespmem:$0x1B100] =	vst v63  }
0x147: {  	_ =	swait.ge [sflag:s23], $0x2800  }
0x148: {  	[sflag:s23] =	ssyncset.done $0x0  }
0x149: {  	s10 =	rddreg [dreg:$0x7];
	[sflag:s23] =	ssyncadd.s32 $0xFFFFD800  }
0x14a: {  	[tilespmem:s22], [sflag:$0x5] =	stream.linear.gather [spmem:s10], $0x2800, $0x38;
	[tilespmem:$0x1B100] =	vst v63  }
0x14b: {  	_ =	swait.ge [sflag:s23], $0x2800  }
0x14c: {  	[sflag:s23] =	ssyncset.done $0x0  }
0x14d: {  	s11 =	rddreg [dreg:$0xf];
	[sflag:s23] =	ssyncadd.s32 $0xFFFFD800  }
0x14e: {  	[hbm4b:s11+s4] =	stream.linear.scatter [tilespmem:s22], [sflag:$0x5], $0x2800, $0x38;
	[tilespmem:$0x1B100] =	vst v63  }
0x14f: {  	_ =	swait.ge [sflag:s23], $0x2800  }
0x150: {  	[sflag:s23] =	ssyncset.done $0x0  }
0x151: {  	[sflag:s23] =	ssyncadd.s32 $0xFFFFD800  }
0x152: {  	[tilespmem:s22], [sflag:$0x5] =	stream.linear.gather [spmem:s12], $0x2800, $0x38;
	[tilespmem:$0x1B100] =	vst v63  }
0x153: {  	_ =	swait.ge [sflag:s23], $0x2800  }
0x154: {  	[sflag:s23] =	ssyncset.done $0x0  }
0x155: {  	s19 =	rddreg [dreg:$0x10];
	[sflag:s23] =	ssyncadd.s32 $0xFFFFD800  }
0x156: {  	[hbm4b:s19+s4] =	stream.linear.scatter [tilespmem:s22], [sflag:$0x5], $0x2800, $0x38;
	[tilespmem:$0x1B100] =	vst v63  }
0x157: {  	_ =	swait.ge [sflag:s23], $0x2800  }
0x158: {  	[sflag:s23] =	ssyncset.done $0x0  }
0x159: {  	s8 =	simm.s32 @!p0 $0x2880;
	s9 =	simm.s32 @!p0 $0x5;
	[sflag:s23] =	ssyncadd.s32 $0xFFFFD800  }
0x15a: {  	[tilespmem:s8], [sflag:$0x5] =	stream.linear.gather @!p0 [spmem:s15], $0x2800, $0x38;
	[tilespmem:$0x1B100] =	vst v63  }
0x15b: {  	_ =	swait.ge @!p0 [sflag:s9], $0x2800  }
0x15c: {  	[sflag:s9] =	ssyncset.done @!p0 $0x0  }
0x15d: {  	s10 =	simm.s32 @!p0 $0x0;
	s11 =	rddreg [dreg:$0x11];
	[sflag:s9] =	ssyncadd.s32 @!p0 $0xFFFFD800  }
0x15e: {  	[hbm4b:s11+s10] =	stream.linear.scatter @!p0 [tilespmem:s8], [sflag:$0x5], $0x2800, $0x38;
	[tilespmem:$0x1B100] =	vst v63  }
0x15f: {  	_ =	swait.ge @!p0 [sflag:s9], $0x2800  }
0x160: {  	s11 =	sshll.u32 @!p0 s13, $0x7;
	[sflag:s9] =	ssyncset.done @!p0 $0x0  }
0x161: {  	s11 =	sadd.s32 @!p0 s11, s3;
	[sflag:s9] =	ssyncadd.s32 @!p0 $0xFFFFD800  }
0x162: {  	[tilespmem:s8], [sflag:$0x5] =	stream.linear.gather @!p0 [spmem:s11], $0x2800, $0x38;
	[tilespmem:$0x1B100] =	vst v63  }
0x163: {  	s11 =	sadd.s32 @!p0 s7, s13;
	_ =	swait.ge @!p0 [sflag:s9], $0x2800  }
0x164: {  	s11 =	sshll.u32 @!p0 s11, $0x4;
	[sflag:s9] =	ssyncset.done @!p0 $0x0  }
0x165: {  	s11 =	sadd.s32 @!p0 s6, s11;
	[sflag:s9] =	ssyncadd.s32 @!p0 $0xFFFFD800  }
0x166: {  	[hbm4b:s11+s10] =	stream.linear.scatter @!p0 [tilespmem:s8], [sflag:$0x5], $0x2800, $0x38;
	[tilespmem:$0x1B100] =	vst v63  }
0x167: {  	_ =	swait.ge @!p0 [sflag:s9], $0x2800  }
0x168: {  	s11 =	sshll.u32 @!p0 s14, $0x7;
	[sflag:s9] =	ssyncset.done @!p0 $0x0  }
0x169: {  	s11 =	sadd.s32 @!p0 s11, s3;
	[sflag:s9] =	ssyncadd.s32 @!p0 $0xFFFFD800  }
0x16a: {  	[tilespmem:s8], [sflag:$0x5] =	stream.linear.gather @!p0 [spmem:s11], $0x2800, $0x38;
	[tilespmem:$0x1B100] =	vst v63  }
0x16b: {  	s11 =	sadd.s32 @!p0 s7, s14;
	_ =	swait.ge @!p0 [sflag:s9], $0x2800  }
0x16c: {  	s11 =	sshll.u32 @!p0 s11, $0x4;
	[sflag:s9] =	ssyncset.done @!p0 $0x0  }
0x16d: {  	s11 =	sadd.s32 @!p0 s6, s11;
	[sflag:s9] =	ssyncadd.s32 @!p0 $0xFFFFD800  }
0x16e: {  	[hbm4b:s11+s10] =	stream.linear.scatter @!p0 [tilespmem:s8], [sflag:$0x5], $0x2800, $0x38;
	[tilespmem:$0x1B100] =	vst v63  }
0x16f: {  	_ =	swait.ge @!p0 [sflag:s9], $0x2800  }
0x170: {  	s21 =	sadd.s32 $0x1, s21;
	s20 =	rddreg [dreg:$0x12]  }
0x171: {  	p1 =	sne.s32 s21, s20  }
.Ltmp5:
0x172: {  	_ = 	snop;
	(pc) =	sbr.rel @p1 .LBB2_1-.Ltmp5, $3  }
0x173: {  	_ =	sdelay $0x1  }
0x174: {  	[sflag:s9] =	ssyncset.done @!p0 $0x0  }
0x175: {  	[sflag:s9] =	ssyncadd.s32 @!p0 $0xFFFFD800  }
0x176: {  	_ =	sfence.sel $0x180000  }
0x177: {  	[bflag:$0x0] =	sbarrier.arrive $0xFFFF  }
0x178: {  	_ =	strace $0x9000004A  }
0x179: {  	s0 =	stileid.u32;
	[bflag:$0x2] =	sbarrier.arrive $0xFFFF  }
0x17a: {  	p0 =	sne.s32 s0, $0x0;
	s0 =	rddreg [dreg:$0x3]  }
0x17b: {  	s0 =	sadd.s32 @!p0 $0x100000, s0  }
0x17c: {  	[sflag:s0] =	ssyncadd.tile.s32 @!p0 $0x1;
	_ =	shalt  }
.Lfunc_end2:
_tile_overlayer_lowered:
.L_overlay_start_2:
0x17d: {  	(tag) =	ssettag $0x2  }
0x17e: {  	s0 =	rddreg [dreg:$0x0];
	s2 =	stileid.u32  }
0x17f: {  	s1 =	rddreg [dreg:$0x1];
	p0 =	sne.s32 s2, $0x0  }
0x180: {  	s3 =	rddreg [dreg:$0x2];
	[bflag:$0x3] =	sbarrier.arrive $0xFFFF;
	s2 =	simm.s32 @!p0 $0x1C05  }
0x181: {  	[timem:s3], [sflag:s2] =	dma.local @!p0 [hbm:s0], s1  }
0x182: {  	s0 =	simm.s32 @!p0 $0x5  }
0x183: {  	_ =	swait.ge @!p0 [sflag:s0], s1  }
0x184: {  	s1 =	ssub.s32 @!p0 $0x0, s1;
	[sflag:s0] =	ssyncset.done @!p0 $0x0  }
0x185: {  	[sflag:s0] =	ssyncadd.s32 @!p0 s1  }
0x186: {  	[bflag:$0x3] =	sbarrier.arrive $0xFFFF  }
0x187: {  	_ =	shalt  }

// kernel: kernel.15.cloned.1.call-start
scs
__scs_entry_jumppad:
0x0: {  	(pc) =	sbr.rel $0x88, $3  }
0x1: {  	(tag) =	ssettag $0x0;
	lr =	simm.s32 $0x1  }
0x2: {  	[smem:$0x3F96] =	sst lr;
	_ =	strace $0xD0000000  }
0x3: {  	_ = 	snop  }
0x4: {  	_ = 	snop  }
0x5: {  	_ = 	snop  }
0x6: {  	_ = 	snop  }
0x7: {  	_ = 	snop  }
__scs_overlays_trampoline_lowered:
0x8: {  	[smem:$0x3FA5] =	sst s0  }
0x9: {  	[smem:$0x3FA6] =	sst s1  }
0xa: {  	[smem:$0x3FA7] =	sst s2  }
0xb: {  	[smem:$0x3FA8] =	sst s3  }
0xc: {  	[smem:$0x3FA9] =	sst s4  }
0xd: {  	[smem:$0x3FAA] =	sst s5  }
0xe: {  	[smem:$0x3FAB] =	sst s6  }
0xf: {  	[smem:$0x3FAC] =	sst s7  }
0x10: {  	[smem:$0x3FAD] =	sst s8  }
0x11: {  	[smem:$0x3FAE] =	sst s9;
	s0 =	simm.s32 @!p0 $0x0  }
0x12: {  	s1 =	sld [smem:$0x3F94];
	s0 =	simm.s32 @p0 $0x1  }
0x13: {  	[smem:$0x3FAF] =	sst s0;
	s0 =	simm.s32 @!p1 $0x0  }
0x14: {  	s2 =	sld [smem:$0x3F93];
	s0 =	simm.s32 @p1 $0x1  }
0x15: {  	[smem:$0x3FB0] =	sst s0;
	s0 =	simm.s32 @!p2 $0x0  }
0x16: {  	s3 =	sld [smem:$0x3FDB];
	s0 =	simm.s32 @p2 $0x1  }
0x17: {  	s4 =	simm.s32 $0x1BF5;
	[smem:$0x3FB2] =	sst s0  }
0x18: {  	s0 =	sld [smem:$0x3F95];
	_ =	swait.ge [sflag:s4], $0x0  }
0x19: {  	s7 =	sld [smem:$0x3F96]  }
0x1a: {  	s8 =	sadd.s32 $0xFFFFE003, lr  }
0x1b: {  	s9 =	sadd.s32 $0xFFFFFEF7, lr;
	s5 =	simm.s32 $0xFFFFFFFF;
	p2 =	slt.u32 s8, $0xFFFFF086  }
0x1c: {  	p1 =	slt.u32 s9, $0xF7A;
	s5 =	simm.s32 @!p2 $0x0  }
0x1d: {  	s5 =	simm.s32 @p1 $0x1;
	p0 =	seq.s32 s7, s2  }
0x1e: {  	s7 =	smul.u32 @!p0 $0xF7A, s2;
	p2 =	seq.s32 @!p0 s5, $0x0  }
0x1f: {  	s9 =	smul.u32 $0xF7A, s1;
	s8 =	simm.s32 @!p0 $0x1BF5;
	p2 =	por !p2, p0  }
0x20: {  	[sflag:s8] =	ssyncset.s32 @!p0 $0xFFFFF086;
	s6 =	sadd.s32 @!p0 s3, s7;
	s7 =	simm.s32 @!p0 $0x108  }
0x21: {  	s3 =	sadd.s32 s3, s9;
	s6 =	sadd.s32 @!p0 $0x88, s6;
	s7 =	simm.s32 @p2 $0x1082  }
0x22: {  	[simem:s7], [sflag:s8] =	dma.local @!p0 [hbm:s6], $0xF7A  }
0x23: {  	s9 =	sor.u32 $0xD0000000, s2;
	s6 =	simm.s32 $0x108;
	_ =	swait.ge @!p0 [sflag:s8], $0x0  }
0x24: {  	s3 =	sadd.s32 $0x88, s3;
	s6 =	simm.s32 @!p1 $0x1082;
	[sflag:s4] =	ssyncset.s32 $0xFFFFF086  }
0x25: {  	[simem:s6], [sflag:s4] =	dma.local [hbm:s3], $0xF7A  }
0x26: {  	[smem:$0x3F96] =	sst s1;
	(tag) =	ssettag s2;
	_ =	strace s9  }
0x27: {  	s1 =	sld [smem:$0x3FA6]  }
0x28: {  	s2 =	sld [smem:$0x3FA7]  }
0x29: {  	s4 =	sld [smem:$0x3FA9]  }
0x2a: {  	p0 =	seq.s32 s5, $0x0;
	s5 =	sld [smem:$0x3FAA]  }
0x2b: {  	s6 =	sld [smem:$0x3FAB]  }
0x2c: {  	s7 =	sld [smem:$0x3FAC]  }
0x2d: {  	s3 =	simm.s32 $0x108;
	s8 =	sld [smem:$0x3FAD]  }
0x2e: {  	s3 =	simm.s32 @!p0 $0x1082;
	s9 =	sld [smem:$0x3FAE]  }
0x2f: {  	lr =	sadd.s32 s0, s3;
	s0 =	sld [smem:$0x3FA5]  }
0x30: {  	s3 =	sld [smem:$0x3FA8]  }
0x31: {  	[smem:$0x3FB1] =	sst s10  }
0x32: {  	s10 =	sld [smem:$0x3FAF];
	_ =	sdelay $0x3  }
0x33: {  	p0 =	seq.s32 s10, $0x1;
	s10 =	sld [smem:$0x3FB1];
	_ =	sdelay $0x3  }
0x34: {  	[smem:$0x3FB1] =	sst s10  }
0x35: {  	s10 =	sld [smem:$0x3FB0];
	_ =	sdelay $0x3  }
0x36: {  	p1 =	seq.s32 s10, $0x1;
	s10 =	sld [smem:$0x3FB1];
	_ =	sdelay $0x3  }
0x37: {  	[smem:$0x3FB1] =	sst s10  }
0x38: {  	s10 =	sld [smem:$0x3FB2]  }
0x39: {  	_ = 	snop;
	(pc) =	sbr.ind lr, $3  }
0x3a: {  	_ = 	snop  }
0x3b: {  	_ = 	snop  }
0x3c: {  	p2 =	seq.s32 s10, $0x1;
	s10 =	sld [smem:$0x3FB1]  }
0x3d: {  	_ =	shalt  }
0x3e: {  	_ =	shalt  }
0x3f: {  	_ =	shalt  }
0x40: {  	_ =	shalt  }
0x41: {  	_ =	shalt  }
0x42: {  	_ =	shalt  }
0x43: {  	_ =	shalt  }
0x44: {  	_ =	shalt  }
0x45: {  	_ =	shalt  }
0x46: {  	_ =	shalt  }
0x47: {  	_ =	shalt  }
0x48: {  	_ =	shalt  }
0x49: {  	_ =	shalt  }
0x4a: {  	_ =	shalt  }
0x4b: {  	_ =	shalt  }
0x4c: {  	_ =	shalt  }
0x4d: {  	_ =	shalt  }
0x4e: {  	_ =	shalt  }
0x4f: {  	_ =	shalt  }
0x50: {  	_ =	shalt  }
0x51: {  	_ =	shalt  }
0x52: {  	_ =	shalt  }
0x53: {  	_ =	shalt  }
0x54: {  	_ =	shalt  }
0x55: {  	_ =	shalt  }
0x56: {  	_ =	shalt  }
0x57: {  	_ =	shalt  }
0x58: {  	_ =	shalt  }
0x59: {  	_ =	shalt  }
0x5a: {  	_ =	shalt  }
0x5b: {  	_ =	shalt  }
0x5c: {  	_ =	shalt  }
0x5d: {  	_ =	shalt  }
0x5e: {  	_ =	shalt  }
0x5f: {  	_ =	shalt  }
0x60: {  	_ =	shalt  }
0x61: {  	_ =	shalt  }
0x62: {  	_ =	shalt  }
0x63: {  	_ =	shalt  }
0x64: {  	_ =	shalt  }
0x65: {  	_ =	shalt  }
0x66: {  	_ =	shalt  }
0x67: {  	_ =	shalt  }
0x68: {  	_ =	shalt  }
0x69: {  	_ =	shalt  }
0x6a: {  	_ =	shalt  }
0x6b: {  	_ =	shalt  }
0x6c: {  	_ =	shalt  }
0x6d: {  	_ =	shalt  }
0x6e: {  	_ =	shalt  }
0x6f: {  	_ =	shalt  }
0x70: {  	_ =	shalt  }
0x71: {  	_ =	shalt  }
0x72: {  	_ =	shalt  }
0x73: {  	_ =	shalt  }
0x74: {  	_ =	shalt  }
0x75: {  	_ =	shalt  }
0x76: {  	_ =	shalt  }
0x77: {  	_ =	shalt  }
0x78: {  	_ =	shalt  }
0x79: {  	_ =	shalt  }
0x7a: {  	_ =	shalt  }
0x7b: {  	_ =	shalt  }
0x7c: {  	_ =	shalt  }
0x7d: {  	_ =	shalt  }
0x7e: {  	_ =	shalt  }
0x7f: {  	_ =	shalt  }
0x80: {  	_ =	shalt  }
0x81: {  	_ =	shalt  }
0x82: {  	_ =	shalt  }
0x83: {  	_ =	shalt  }
0x84: {  	_ =	shalt  }
0x85: {  	_ =	shalt  }
0x86: {  	_ =	shalt  }
0x87: {  	_ =	shalt  }
.Lfunc_end0:
.L_simem_size_0:
called_computation.2_lowered:
.L_overlay_start_0:
0x88: {  	s2 =	sld [smem:$0x3FD9]  }
0x89: {  	s3 =	sld [smem:$0x3FFE];
	_ =	sdelay $0x1  }
0x8a: {  	s1 =	srdreg.scid  }
0x8b: {  	s0 =	sand.u32 $0x1, s1  }
0x8c: {  	s14 =	sshll.u32 s0, $0xA;
	s2 =	sadd.s32 s3, s2  }
0x8d: {  	s2 =	sadd.s32 s2, s14  }
0x8e: {  	[smem:$0x3FBD] =	sst s2  }
0x8f: {  	_ = 	snop  }
0x90: {  	s2 =	sld [smem:$0x3FD0];
	_ =	sdelay $0x2  }
0x91: {  	s15 =	simm.s32 $0xA;
	s4 =	simm.s32 $0x10  }
0x92: {  	[smem:s4], [sflag:s15] =	dma.local [hbm:s2], $0x1  }
0x93: {  	_ =	swait.eq [sflag:s15], $0x1  }
0x94: {  	[sflag:s15] =	ssyncset.done $0x0  }
0x95: {  	[sflag:s15] =	ssyncadd.s32 $0xFFFFFFFF  }
0x96: {  	s16 =	sld [smem:$0x10];
	(tm) =	ssettm $0x1  }
0x97: {  	s17 =	sld [smem:$0x3FFB];
	_ =	sdelay $0x3  }
0x98: {  	_ =	strace s17  }
0x99: {  	s3 =	sld [smem:$0x3FFC];
	_ =	sdelay $0x3  }
0x9a: {  	_ =	strace s3  }
0x9b: {  	s3 =	sld [smem:$0x3FFD];
	_ =	sdelay $0x3  }
0x9c: {  	_ =	strace s3  }
0x9d: {  	_ =	strace $0x8FFFFFFF  }
0x9e: {  	s18 =	sld [smem:$0x3FDB];
	_ =	sdelay $0x1  }
0x9f: {  	s19 =	simm.s32 $_scs_section_size  }
0xa0: {  	s5 =	simm.s32 $_size__tile_overlayer_lowered;
	s6 =	simm.s32 $_tile_overlayer_lowered  }
0xa1: {  	s22 =	simm.s32 $0x1BFF;
	s21 =	sshll.u32 s6, $0x1;
	s3 =	sadd.s32 s19, s18  }
0xa2: {  	s7 =	simm.s32 $0x0;
	s20 =	sshll.u32 s5, $0x1;
	s5 =	sadd.s32 s21, s3  }
0xa3: {  	[timem:s7], [sflag:s22] =	dma.local [hbm:s5], s20  }
0xa4: {  	_ =	swait.ge [sflag:s22], s20  }
0xa5: {  	s4 =	ssub.s32 $0x0, s20;
	[sflag:s22] =	ssyncset.done $0x0  }
0xa6: {  	[sflag:s22] =	ssyncadd.s32 s4;
	_ =	sdelay $0x1  }
0xa7: {  	s23 =	simm.s32 $0x1B8B  }
0xa8: {  	_ =	swait.ge [sflag:s23], $0x1  }
0xa9: {  	[sflag:s23] =	ssyncset.done $0x0  }
0xaa: {  	s25 =	simm.s32 $0x1B8E;
	s24 =	sld [smem:$0x3FFE];
	[sflag:s23] =	ssyncadd.s32 $0xFFFFFFFF  }
0xab: {  	s26 =	simm.s32 $execute0_lowered;
	[smem:$0x3FD2] =	sst s25  }
0xac: {  	s5 =	sshll.u32 s26, $0x1;
	_ =	strace $0x8000004C;
	[dreg:$0x1] =	wrdreg $0xFFFFFFFF  }
0xad: {  	s28 =	simm.s32 $_size_execute0_lowered;
	s3 =	sadd.s32 s3, s5;
	[dreg:$0x0] =	wrdreg $0x0  }
0xae: {  	s5 =	sshll.u32 s28, $0x1;
	[dreg:$0x2] =	wrdreg s3  }
0xaf: {  	[dreg:$0x3] =	wrdreg s5  }
0xb0: {  	[dreg:$0x4] =	wrdreg $0xC0  }
0xb1: {  	_ =	task [dreg:s7], $0x5FFFF  }
0xb2: {  	[dreg:$0x1] =	wrdreg $0xFFFFFFFF  }
0xb3: {  	[dreg:$0x0] =	wrdreg $0x60  }
0xb4: {  	[dreg:$0x2] =	wrdreg s16  }
0xb5: {  	[dreg:$0x3] =	wrdreg s24  }
0xb6: {  	[dreg:$0x4] =	wrdreg $0x78800  }
0xb7: {  	[dreg:$0x5] =	wrdreg $0x9  }
0xb8: {  	_ =	task.clear_ibuf [dreg:s7], $0x6FFFF;
	_ =	strace $0x9000004C  }
0xb9: {  	s29 =	simm.s32 $0x9;
	_ =	strace $0x8000004E  }
0xba: {  	_ =	swait.ge [sflag:s29], $0x1  }
0xbb: {  	[sflag:s29] =	ssyncadd.s32 $0xFFFFFFFF  }
0xbc: {  	_ =	strace $0x9000004E  }
0xbd: {  	_ =	sfence  }
0xbe: {  	s30 =	sld [smem:$0x0];
	_ =	sdelay $0x2  }
0xbf: {  	s31 =	sshll.u32 s1, $0xD;
	s1 =	sshrl.u32 s1, $0x2  }
0xc0: {  	s3 =	sand.u32 $0x4000, s31;
	s1 =	sadd.s32 s1, s30  }
0xc1: {  	s0 =	sor.u32 s3, s0;
	s1 =	sshll.u32 s1, $0x11  }
0xc2: {  	s0 =	sor.u32 s1, s0  }
0xc3: {  	s0 =	sadd.s32 $0x8F2B, s0  }
0xc4: {  	[sflag:s0] =	ssyncadd.remote.s32 $0x1  }
0xc5: {  	_ =	sfence.sel $0xFFFF  }
0xc6: {  	[dreg:$0x0] =	wrdreg $0xFFFFFFFF;
	(pc) =	sbr.abs _section_cstart, $3  }
0xc7: {  	[dreg:$0x1] =	wrdreg $0xFFFFFFFF  }
0xc8: {  	_ =	task.clear_ibuf [dreg:s7], $0x2FFFF;
	_ =	strace $0x9FFFFFFF  }
0xc9: {  	(tm) =	ssettm $0x7FFFFFFF  }
tec
execute0_lowered:
.L_overlay_start_1:
0x0: {  	(tag) =	ssettag $0x1  }
0x1: {  	s1 =	rddreg [dreg:$0x0]  }
0x2: {  	s0 =	rddreg [dreg:$0x1]  }
0x3: {  	s2 =	rddreg [dreg:$0x2]  }
0x4: {  	s3 =	simm.s32 $0x0;
	s4 =	srdreg.scid;
	s24 =	stileid.u32  }
0x5: {  	[smem:$0x7FF] =	sst s3;
	s4 =	sand.u32 $0x1, s4;
	s9 =	smul.u32 $0x50000, s24  }
0x6: {  	s5 =	sadd.s32 $0x51400, s0;
	s6 =	sadd.s32 $0x9F600, s0;
	s26 =	smul.u32 $0x280, s24  }
0x7: {  	s15 =	smul.u32 $0x4E20, s24;
	p0 =	seq.s32 s24, $0xF;
	s7 =	ssub.s32 $0x2, s4  }
0x8: {  	_ =	strace $0x8000004D;
	s13 =	sxor.u32 $0x1, s4;
	s8 =	sshrl.u32 s7, $0x1  }
0x9: {  	s9 =	sshrl.u32 s9, $0x2;
	s16 =	sadd.s32 $0xA0, s26;
	s17 =	sadd.s32 $0xF0, s26  }
0xa: {  	s18 =	sadd.s32 $0x140, s26;
	s14 =	sadd.s32 $0x230, s26;
	s0 =	ssub.s32 s7, s8  }
0xb: {  	s7 =	smul.u32 $0x2710, s4;
	s9 =	sadd.s32 s9, s2;
	s11 =	sshll.u32 s16, $0x7  }
0xc: {  	s20 =	sshll.u32 s17, $0x7;
	s4 =	smul.u32 $0x4E200, s4;
	s12 =	sshll.u32 s18, $0x7  }
0xd: {  	s23 =	sshll.u32 s14, $0x7;
	s14 =	simm.s32 @p0 $0x27B0;
	[dreg:$0x4] =	wrdreg s9  }
0xe: {  	s9 =	sor.u32 $0x50, s26;
	s19 =	sadd.s32 s11, s2;
	s21 =	sadd.s32 s20, s2  }
0xf: {  	s12 =	sadd.s32 s12, s2;
	s23 =	sadd.s32 s23, s2;
	[dreg:$0x6] =	wrdreg s19  }
0x10: {  	s0 =	smax.u32 s0, $0x1;
	s10 =	sshll.u32 s9, $0x7;
	[dreg:$0x7] =	wrdreg s21  }
0x11: {  	s19 =	sadd.s32 $0x190, s26;
	s21 =	smul.u32 $0x4E200, s13;
	s13 =	sadd.s32 $0x1E0, s26  }
0x12: {  	s4 =	sadd.s32 s15, s4;
	[dreg:$0x9] =	wrdreg s23;
	s8 =	sadd.s32 s26, s7  }
0x13: {  	s9 =	sadd.s32 s7, s9;
	s16 =	sadd.s32 s7, s16;
	s23 =	sadd.s32 s7, s18  }
0x14: {  	[dreg:$0x12] =	wrdreg s0;
	s10 =	sadd.s32 s10, s2;
	s20 =	sshll.u32 s19, $0x7  }
0x15: {  	s22 =	sshll.u32 s13, $0x7;
	s26 =	sshrl.u32 s4, $0x3;
	s8 =	sshll.u32 s8, $0x4  }
0x16: {  	s29 =	sadd.s32 $0xA0, s4;
	s13 =	simm.s32 @p0 $0x2760;
	[dreg:$0x5] =	wrdreg s10  }
0x17: {  	s21 =	sadd.s32 s15, s21;
	s15 =	sadd.s32 s20, s2;
	s22 =	sadd.s32 s22, s2  }
0x18: {  	s11 =	sadd.s32 s1, s26;
	s8 =	sadd.s32 s6, s8;
	s20 =	sadd.s32 s7, s17  }
0x19: {  	s26 =	sadd.s32 $0xF0, s4;
	[dreg:$0x8] =	wrdreg s22;
	s25 =	sshrl.u32 s21, $0x3  }
0x1a: {  	[dreg:$0xc] =	wrdreg s8;
	s8 =	sshll.u32 s9, $0x4;
	s9 =	sshll.u32 s16, $0x4  }
0x1b: {  	s22 =	sshll.u32 s20, $0x4;
	s18 =	sshrl.u32 s26, $0x3;
	s24 =	sadd.s32 $0x4EC, s11  }
0x1c: {  	[dreg:$0xb] =	wrdreg s11;
	s26 =	sadd.s32 $0x9BA, s11;
	s16 =	simm.s32 $0x2  }
0x1d: {  	s10 =	sadd.s32 s1, s25;
	s8 =	sadd.s32 s6, s8;
	s21 =	sadd.s32 s6, s9  }
0x1e: {  	s25 =	sadd.s32 s7, s19;
	s28 =	sadd.s32 s18, s1;
	[dreg:$0x16] =	wrdreg s24  }
0x1f: {  	s19 =	sadd.s32 $0x2800, s4;
	s4 =	sadd.s32 $0x27B0, s4;
	[dreg:$0x18] =	wrdreg s26  }
0x20: {  	s18 =	simm.s32 $0x2780;
	s24 =	simm.s32 $0x50;
	[dreg:$0xd] =	wrdreg s8  }
0x21: {  	s26 =	simm.s32 $0x5080;
	[dreg:$0xe] =	wrdreg s21;
	s8 =	sadd.s32 s6, s22  }
0x22: {  	s9 =	sshll.u32 s25, $0x4;
	s0 =	sshrl.u32 s19, $0x3;
	s20 =	sshrl.u32 s4, $0x3  }
0x23: {  	s21 =	sadd.s32 $0xA, s11;
	[dreg:$0xa] =	wrdreg s10;
	s22 =	sadd.s32 $0x4E2, s10  }
0x24: {  	s25 =	sadd.s32 $0x4D8, s11;
	s4 =	simm.s32 $0x3;
	[dreg:$0xf] =	wrdreg s8  }
0x25: {  	s8 =	sshll.u32 s23, $0x4;
	s17 =	sadd.s32 s6, s9;
	[dreg:$0x13] =	wrdreg s21  }
0x26: {  	s30 =	sadd.s32 s0, s1;
	s31 =	sadd.s32 s20, s1;
	[dreg:$0x14] =	wrdreg s22  }
0x27: {  	s23 =	sadd.s32 $0x4E2, s11;
	[dreg:$0x17] =	wrdreg s25;
	s22 =	simm.s32 $0x2880  }
0x28: {  	s25 =	simm.s32 $0x2800;
	s0 =	simm.s32 $0x1;
	[dreg:$0x11] =	wrdreg s17  }
0x29: {  	s21 =	simm.s32 $0x0;
	s8 =	sadd.s32 s6, s8;
	[dreg:$0x15] =	wrdreg s23  }
0x2a: {  	v1 =	vimm.f32 $0.0e+00;
	v0 =	vmov s7;
	s23 =	simm.s32 $0x5;
	s17 =	simm.s32 $0x4;
	[dreg:$0x10] =	wrdreg s8  }
.LBB2_1:
0x2b: {  	s8 =	simm.s32 $0x0;
	s9 =	simm.s32 $0x200  }
.LBB2_2:
0x2c: {  	p1 =	sne.s32 s9, $0x9E00;
	[tilespmem:s8+$0x28F0] =	vst v1  }
0x2d: {  	[tilespmem:s8+$0x2880] =	vst v1  }
0x2e: {  	[tilespmem:s8+$0x2890] =	vst v1  }
.Ltmp0:
0x2f: {  	[tilespmem:s8+$0x28A0] =	vst v1;
	(pc) =	sbr.rel @p1 .LBB2_2-.Ltmp0, $4  }
0x30: {  	[tilespmem:s8+$0x28B0] =	vst v1  }
0x31: {  	[tilespmem:s8+$0x28C0] =	vst v1  }
0x32: {  	[tilespmem:s8+$0x28D0] =	vst v1  }
0x33: {  	[tilespmem:s8+$0x28E0] =	vst v1;
	s8 =	sshra.s32 s9, $0x2;
	s9 =	sadd.s32 $0x200, s9  }
0x34: {  	[tilespmem:s8+$0x28F0] =	vst v1  }
0x35: {  	[tilespmem:s8+$0x2880] =	vst v1  }
0x36: {  	[tilespmem:s8+$0x2890] =	vst v1  }
0x37: {  	[tilespmem:s8+$0x28A0] =	vst v1  }
0x38: {  	[tilespmem:s8+$0x28B0] =	vst v1  }
0x39: {  	[tilespmem:s8+$0x28C0] =	vst v1  }
0x3a: {  	[tilespmem:s8+$0x28D0] =	vst v1  }
0x3b: {  	[tilespmem:s8+$0x28E0] =	vst v1;
	s20 =	rddreg [dreg:$0x4]  }
0x3c: {  	[spmem:s20] =	stream.linear.scatter [tilespmem:s22], [sflag:$0x5], $0x2800, $0x38;
	[tilespmem:$0x1B100] =	vst v63  }
0x3d: {  	_ =	swait.ge [sflag:s23], $0x2800  }
0x3e: {  	[sflag:s23] =	ssyncset.done $0x0  }
0x3f: {  	s9 =	rddreg [dreg:$0x5];
	[sflag:s23] =	ssyncadd.s32 $0xFFFFD800  }
0x40: {  	[spmem:s9] =	stream.linear.scatter [tilespmem:s22], [sflag:$0x5], $0x2800, $0x38;
	[tilespmem:$0x1B100] =	vst v63  }
0x41: {  	_ =	swait.ge [sflag:s23], $0x2800  }
0x42: {  	[sflag:s23] =	ssyncset.done $0x0  }
0x43: {  	s10 =	rddreg [dreg:$0x6];
	[sflag:s23] =	ssyncadd.s32 $0xFFFFD800  }
0x44: {  	[spmem:s10] =	stream.linear.scatter [tilespmem:s22], [sflag:$0x5], $0x2800, $0x38;
	[tilespmem:$0x1B100] =	vst v63  }
0x45: {  	_ =	swait.ge [sflag:s23], $0x2800  }
0x46: {  	[sflag:s23] =	ssyncset.done $0x0  }
0x47: {  	s11 =	rddreg [dreg:$0x7];
	[sflag:s23] =	ssyncadd.s32 $0xFFFFD800  }
0x48: {  	[spmem:s11] =	stream.linear.scatter [tilespmem:s22], [sflag:$0x5], $0x2800, $0x38;
	[tilespmem:$0x1B100] =	vst v63  }
0x49: {  	_ =	swait.ge [sflag:s23], $0x2800  }
0x4a: {  	[sflag:s23] =	ssyncset.done $0x0  }
0x4b: {  	[sflag:s23] =	ssyncadd.s32 $0xFFFFD800  }
0x4c: {  	[spmem:s12] =	stream.linear.scatter [tilespmem:s22], [sflag:$0x5], $0x2800, $0x38;
	[tilespmem:$0x1B100] =	vst v63  }
0x4d: {  	_ =	swait.ge [sflag:s23], $0x2800  }
0x4e: {  	[sflag:s23] =	ssyncset.done $0x0  }
0x4f: {  	s8 =	simm.s32 @!p0 $0x2880;
	s9 =	simm.s32 @!p0 $0x5;
	[sflag:s23] =	ssyncadd.s32 $0xFFFFD800  }
0x50: {  	[spmem:s15] =	stream.linear.scatter @!p0 [tilespmem:s8], [sflag:$0x5], $0x2800, $0x38;
	[tilespmem:$0x1B100] =	vst v63  }
0x51: {  	_ =	swait.ge @!p0 [sflag:s9], $0x2800  }
0x52: {  	[sflag:s9] =	ssyncset.done @!p0 $0x0  }
0x53: {  	s10 =	rddreg [dreg:$0x8];
	[sflag:s9] =	ssyncadd.s32 @!p0 $0xFFFFD800  }
0x54: {  	[spmem:s10] =	stream.linear.scatter @!p0 [tilespmem:s8], [sflag:$0x5], $0x2800, $0x38;
	[tilespmem:$0x1B100] =	vst v63  }
0x55: {  	_ =	swait.ge @!p0 [sflag:s9], $0x2800  }
0x56: {  	[sflag:s9] =	ssyncset.done @!p0 $0x0  }
0x57: {  	s10 =	rddreg [dreg:$0x9];
	[sflag:s9] =	ssyncadd.s32 @!p0 $0xFFFFD800  }
0x58: {  	[spmem:s10] =	stream.linear.scatter @!p0 [tilespmem:s8], [sflag:$0x5], $0x2800, $0x38;
	[tilespmem:$0x1B100] =	vst v63  }
0x59: {  	_ =	swait.ge @!p0 [sflag:s9], $0x2800  }
0x5a: {  	[sflag:s9] =	ssyncset.done @!p0 $0x0  }
0x5b: {  	[sflag:s9] =	ssyncadd.s32 @!p0 $0xFFFFD800  }
0x5c: {  	[bflag:$0x0] =	sbarrier.arrive $0xFFFF  }
0x5d: {  	s19 =	simm.s32 $0x0;
	s20 =	rddreg [dreg:$0xa]  }
0x5e: {  	[tilespmem:s19], [sflag:$0x5] =	stream.linear.gather [hbm4b:s20+s19], $0x2710, $0x38;
	[tilespmem:$0x1B100] =	vst v63  }
0x5f: {  	_ =	swait.ge [sflag:s23], $0x2710  }
0x60: {  	[sflag:s23] =	ssyncset.done $0x0  }
0x61: {  	s8 =	simm.s32 $0x0;
	s9 =	simm.s32 $0x40;
	[sflag:s23] =	ssyncadd.s32 $0xFFFFD8F0  }
.LBB2_4:
0x62: {  	p1 =	sne.s32 s9, $0x9C00;
	v2 =	vld [tilespmem:s8+$0x0];
	_ =	sdelay $0x1  }
.Ltmp1:
0x63: {  	(pc) =	sbr.rel @p1 .LBB2_4-.Ltmp1, $3  }
0x64: {  	_ =	sdelay $0x1  }
0x65: {  	v2 =	vadd.s32 v0, v2  }
0x66: {  	[tilespmem:s8+$0x0] =	vst v2;
	s8 =	sshra.s32 s9, $0x2;
	s9 =	sadd.s32 $0x40, s9  }
0x67: {  	v2 =	vld [tilespmem:s8+$0x0];
	_ =	sdelay $0x4  }
0x68: {  	v2 =	vadd.s32 v0, v2  }
0x69: {  	s20 =	simm.s32 $0x0;
	s9 =	rddreg [dreg:$0xb];
	[tilespmem:s8+$0x0] =	vst v2  }
0x6a: {  	[tilespmem:s18], [sflag:$0x3] =	stream.linear.gather [hbm4b:s9+s20], $0x50, $0x38;
	[tilespmem:$0x1B100] =	vst v63  }
0x6b: {  	_ = 	snop  }
0x6c: {  	[tilespmem:s22], [sflag:$0x1] =	stream.indirect.gather [hbm4b:s5+s24], $0x80, s20, s24, $0xb8;
	[tilespmem:$0x1B100] =	vst v63  }
0x6d: {  	s10 =	rddreg [dreg:$0x13]  }
0x6e: {  	[tilespmem:s25], [sflag:$0x4] =	stream.linear.gather [hbm4b:s10+s20], $0x50, $0x38;
	[tilespmem:$0x1B100] =	vst v63  }
0x6f: {  	_ = 	snop  }
0x70: {  	[tilespmem:s26], [sflag:$0x2] =	stream.indirect.gather [hbm4b:s5+s24], $0x80, s24, s24, $0xb8;
	[tilespmem:$0x1B100] =	vst v63  }
0x71: {  	_ =	swait.ge [sflag:s0], $0x2800  }
0x72: {  	[sflag:s0] =	ssyncset.done $0x0  }
0x73: {  	[sflag:s0] =	ssyncadd.s32 $0xFFFFD800  }
0x74: {  	_ =	swait.ge [sflag:s4], $0x50  }
0x75: {  	[sflag:s4] =	ssyncset.done $0x0  }
0x76: {  	[sflag:s4] =	ssyncadd.s32 $0xFFFFFFB0  }
0x77: {  	[spmem:s2] =	stream.indirect.scatter.add.f32 [tilespmem:s22], [sflag:$0x5], $0x80, s18, s24, $0xb8;
	[tilespmem:$0x1B100] =	vst v63  }
0x78: {  	_ =	swait.ge [sflag:s23], $0x2800  }
0x79: {  	s11 =	sshrl.u32 s29, $0x3;
	[sflag:s23] =	ssyncset.done $0x0  }
0x7a: {  	s8 =	sadd.s32 s1, s11;
	[sflag:s23] =	ssyncadd.s32 $0xFFFFD800  }
0x7b: {  	[tilespmem:s18], [sflag:$0x3] =	stream.linear.gather [hbm4b:s8+s3], $0x50, $0x38;
	[tilespmem:$0x1B100] =	vst v63  }
0x7c: {  	s19 =	simm.s32 $0xA0  }
0x7d: {  	[tilespmem:s22], [sflag:$0x1] =	stream.indirect.gather [hbm4b:s5+s24], $0x80, s19, s24, $0xb8;
	[tilespmem:$0x1B100] =	vst v63  }
0x7e: {  	_ =	swait.ge [sflag:s16], $0x2800  }
0x7f: {  	[sflag:s16] =	ssyncset.done $0x0  }
0x80: {  	[sflag:s16] =	ssyncadd.s32 $0xFFFFD800  }
0x81: {  	_ =	swait.ge [sflag:s17], $0x50  }
0x82: {  	[sflag:s17] =	ssyncset.done $0x0  }
0x83: {  	[sflag:s17] =	ssyncadd.s32 $0xFFFFFFB0  }
0x84: {  	[spmem:s2] =	stream.indirect.scatter.add.f32 [tilespmem:s26], [sflag:$0x5], $0x80, s25, s24, $0xb8;
	[tilespmem:$0x1B100] =	vst v63  }
0x85: {  	_ =	swait.ge [sflag:s23], $0x2800  }
0x86: {  	[sflag:s23] =	ssyncset.done $0x0  }
0x87: {  	s9 =	sadd.s32 $0xA0, s29;
	s20 =	sadd.s32 $0x0, s28;
	[sflag:s23] =	ssyncadd.s32 $0xFFFFD800  }
0x88: {  	[tilespmem:s25], [sflag:$0x4] =	stream.linear.gather [hbm4b:s20+s3], $0x50, $0x38;
	[tilespmem:$0x1B100] =	vst v63  }
0x89: {  	s8 =	simm.s32 $0x190;
	s19 =	simm.s32 $0x14;
	s20 =	simm.s32 $0xF0  }
.LBB2_6:
0x8a: {  	[tilespmem:s26], [sflag:$0x2] =	stream.indirect.gather [hbm4b:s5+s24], $0x80, s20, s24, $0xb8;
	[tilespmem:$0x1B100] =	vst v63  }
0x8b: {  	s10 =	smov.u32 s19;
	s20 =	smov.u32 s8  }
0x8c: {  	p1 =	sne.s32 s19, $0x4B0;
	s19 =	sadd.s32 $0x14, s19;
	_ =	swait.ge [sflag:s0], $0x2800  }
0x8d: {  	[sflag:s0] =	ssyncset.done $0x0  }
0x8e: {  	[sflag:s0] =	ssyncadd.s32 $0xFFFFD800  }
0x8f: {  	_ =	swait.ge [sflag:s4], $0x50  }
0x90: {  	[sflag:s4] =	ssyncset.done $0x0  }
0x91: {  	[sflag:s4] =	ssyncadd.s32 $0xFFFFFFB0  }
0x92: {  	[spmem:s2] =	stream.indirect.scatter.add.f32 [tilespmem:s22], [sflag:$0x5], $0x80, s18, s24, $0xb8;
	[tilespmem:$0x1B100] =	vst v63  }
0x93: {  	_ =	swait.ge [sflag:s23], $0x2800  }
0x94: {  	s11 =	sshrl.u32 s9, $0x3;
	[sflag:s23] =	ssyncset.done $0x0  }
0x95: {  	s11 =	sadd.s32 s1, s11;
	[sflag:s23] =	ssyncadd.s32 $0xFFFFD800  }
0x96: {  	[tilespmem:s18], [sflag:$0x3] =	stream.linear.gather [hbm4b:s11+s3], $0x50, $0x38;
	[tilespmem:$0x1B100] =	vst v63  }
0x97: {  	s11 =	sadd.s32 $0xFFFFFFB0, s8  }
0x98: {  	[tilespmem:s22], [sflag:$0x1] =	stream.indirect.gather [hbm4b:s5+s24], $0x80, s11, s24, $0xb8;
	[tilespmem:$0x1B100] =	vst v63  }
0x99: {  	_ =	swait.ge [sflag:s16], $0x2800  }
0x9a: {  	[sflag:s16] =	ssyncset.done $0x0  }
0x9b: {  	[sflag:s16] =	ssyncadd.s32 $0xFFFFD800  }
0x9c: {  	_ =	swait.ge [sflag:s17], $0x50  }
0x9d: {  	[sflag:s17] =	ssyncset.done $0x0  }
0x9e: {  	[sflag:s17] =	ssyncadd.s32 $0xFFFFFFB0  }
0x9f: {  	[spmem:s2] =	stream.indirect.scatter.add.f32 [tilespmem:s26], [sflag:$0x5], $0x80, s25, s24, $0xb8;
	[tilespmem:$0x1B100] =	vst v63  }
.Ltmp2:
0xa0: {  	_ =	swait.ge [sflag:s23], $0x2800;
	(pc) =	sbr.rel @p1 .LBB2_6-.Ltmp2, $4  }
0xa1: {  	[sflag:s23] =	ssyncset.done $0x0  }
0xa2: {  	s10 =	sadd.s32 s10, s28;
	[sflag:s23] =	ssyncadd.s32 $0xFFFFD800  }
0xa3: {  	[tilespmem:s25], [sflag:$0x4] =	stream.linear.gather [hbm4b:s10+s3], $0x50, $0x38;
	[tilespmem:$0x1B100] =	vst v63  }
0xa4: {  	s9 =	sadd.s32 $0xA0, s9;
	s8 =	sadd.s32 $0xA0, s8  }
0xa5: {  	[tilespmem:s26], [sflag:$0x2] =	stream.indirect.gather [hbm4b:s5+s24], $0x80, s20, s24, $0xb8;
	[tilespmem:$0x1B100] =	vst v63  }
0xa6: {  	_ =	swait.ge [sflag:s0], $0x2800  }
0xa7: {  	[sflag:s0] =	ssyncset.done $0x0  }
0xa8: {  	[sflag:s0] =	ssyncadd.s32 $0xFFFFD800  }
0xa9: {  	_ =	swait.ge [sflag:s4], $0x50  }
0xaa: {  	[sflag:s4] =	ssyncset.done $0x0  }
0xab: {  	[sflag:s4] =	ssyncadd.s32 $0xFFFFFFB0  }
0xac: {  	[spmem:s2] =	stream.indirect.scatter.add.f32 [tilespmem:s22], [sflag:$0x5], $0x80, s18, s24, $0xb8;
	[tilespmem:$0x1B100] =	vst v63  }
0xad: {  	_ =	swait.ge [sflag:s23], $0x2800  }
0xae: {  	[sflag:s23] =	ssyncset.done $0x0  }
0xaf: {  	s8 =	simm.s32 $0x0;
	s9 =	rddreg [dreg:$0x17];
	[sflag:s23] =	ssyncadd.s32 $0xFFFFD800  }
0xb0: {  	[tilespmem:s18], [sflag:$0x3] =	stream.linear.gather [hbm4b:s9+s8], $0x50, $0x38;
	[tilespmem:$0x1B100] =	vst v63  }
0xb1: {  	s20 =	simm.s32 $0x26C0  }
0xb2: {  	[tilespmem:s22], [sflag:$0x1] =	stream.indirect.gather [hbm4b:s5+s24], $0x80, s20, s24, $0xb8;
	[tilespmem:$0x1B100] =	vst v63  }
0xb3: {  	_ =	swait.ge [sflag:s16], $0x2800  }
0xb4: {  	[sflag:s16] =	ssyncset.done $0x0  }
0xb5: {  	[sflag:s16] =	ssyncadd.s32 $0xFFFFD800  }
0xb6: {  	_ =	swait.ge [sflag:s17], $0x50  }
0xb7: {  	[sflag:s17] =	ssyncset.done $0x0  }
0xb8: {  	[sflag:s17] =	ssyncadd.s32 $0xFFFFFFB0  }
0xb9: {  	[spmem:s2] =	stream.indirect.scatter.add.f32 [tilespmem:s26], [sflag:$0x5], $0x80, s25, s24, $0xb8;
	[tilespmem:$0x1B100] =	vst v63  }
0xba: {  	_ =	swait.ge [sflag:s23], $0x2800  }
0xbb: {  	[sflag:s23] =	ssyncset.done $0x0  }
0xbc: {  	[sflag:s23] =	ssyncadd.s32 $0xFFFFD800  }
0xbd: {  	_ =	swait.ge [sflag:s0], $0x2800  }
0xbe: {  	[sflag:s0] =	ssyncset.done $0x0  }
0xbf: {  	[sflag:s0] =	ssyncadd.s32 $0xFFFFD800  }
0xc0: {  	_ =	swait.ge [sflag:s4], $0x50  }
0xc1: {  	[sflag:s4] =	ssyncset.done $0x0  }
0xc2: {  	[sflag:s4] =	ssyncadd.s32 $0xFFFFFFB0  }
0xc3: {  	[spmem:s2] =	stream.indirect.scatter.add.f32 [tilespmem:s22], [sflag:$0x5], $0x80, s18, s24, $0xb8;
	[tilespmem:$0x1B100] =	vst v63  }
0xc4: {  	_ =	swait.ge [sflag:s23], $0x2800  }
0xc5: {  	[sflag:s23] =	ssyncset.done $0x0  }
0xc6: {  	s19 =	rddreg [dreg:$0x14];
	[sflag:s23] =	ssyncadd.s32 $0xFFFFD800  }
0xc7: {  	[tilespmem:s8], [sflag:$0x5] =	stream.linear.gather [hbm4b:s19+s8], $0x2710, $0x38;
	[tilespmem:$0x1B100] =	vst v63  }
0xc8: {  	_ =	swait.ge [sflag:s23], $0x2710  }
0xc9: {  	[sflag:s23] =	ssyncset.done $0x0  }
0xca: {  	s9 =	simm.s32 $0x40;
	s8 =	simm.s32 $0x0;
	[sflag:s23] =	ssyncadd.s32 $0xFFFFD8F0  }
.LBB2_8:
0xcb: {  	p1 =	sne.s32 s9, $0x9C00;
	v2 =	vld [tilespmem:s8+$0x0];
	_ =	sdelay $0x1  }
.Ltmp3:
0xcc: {  	(pc) =	sbr.rel @p1 .LBB2_8-.Ltmp3, $3  }
0xcd: {  	_ =	sdelay $0x1  }
0xce: {  	v2 =	vadd.s32 v0, v2  }
0xcf: {  	[tilespmem:s8+$0x0] =	vst v2;
	s8 =	sshra.s32 s9, $0x2;
	s9 =	sadd.s32 $0x40, s9  }
0xd0: {  	v2 =	vld [tilespmem:s8+$0x0];
	_ =	sdelay $0x4  }
0xd1: {  	v2 =	vadd.s32 v0, v2  }
0xd2: {  	s11 =	simm.s32 $0x0;
	s9 =	rddreg [dreg:$0x15];
	[tilespmem:s8+$0x0] =	vst v2  }
0xd3: {  	[tilespmem:s18], [sflag:$0x3] =	stream.linear.gather [hbm4b:s9+s11], $0x50, $0x38;
	[tilespmem:$0x1B100] =	vst v63  }
0xd4: {  	_ = 	snop  }
0xd5: {  	[tilespmem:s22], [sflag:$0x1] =	stream.indirect.gather [hbm4b:s5+s24], $0x80, s11, s24, $0xb8;
	[tilespmem:$0x1B100] =	vst v63  }
0xd6: {  	s19 =	rddreg [dreg:$0x16]  }
0xd7: {  	[tilespmem:s25], [sflag:$0x4] =	stream.linear.gather [hbm4b:s19+s11], $0x50, $0x38;
	[tilespmem:$0x1B100] =	vst v63  }
0xd8: {  	_ = 	snop  }
0xd9: {  	[tilespmem:s26], [sflag:$0x2] =	stream.indirect.gather [hbm4b:s5+s24], $0x80, s24, s24, $0xb8;
	[tilespmem:$0x1B100] =	vst v63  }
0xda: {  	_ =	swait.ge [sflag:s0], $0x2800  }
0xdb: {  	[sflag:s0] =	ssyncset.done $0x0  }
0xdc: {  	[sflag:s0] =	ssyncadd.s32 $0xFFFFD800  }
0xdd: {  	_ =	swait.ge [sflag:s4], $0x50  }
0xde: {  	[sflag:s4] =	ssyncset.done $0x0  }
0xdf: {  	[sflag:s4] =	ssyncadd.s32 $0xFFFFFFB0  }
0xe0: {  	[spmem:s2] =	stream.indirect.scatter.add.f32 [tilespmem:s22], [sflag:$0x5], $0x80, s18, s24, $0xb8;
	[tilespmem:$0x1B100] =	vst v63  }
0xe1: {  	_ =	swait.ge [sflag:s23], $0x2800  }
0xe2: {  	[sflag:s23] =	ssyncset.done $0x0  }
0xe3: {  	s10 =	sadd.s32 $0x0, s31;
	[sflag:s23] =	ssyncadd.s32 $0xFFFFD800  }
0xe4: {  	[tilespmem:s18], [sflag:$0x3] =	stream.linear.gather [hbm4b:s10+s3], $0x50, $0x38;
	[tilespmem:$0x1B100] =	vst v63  }
0xe5: {  	s11 =	simm.s32 $0xA0  }
0xe6: {  	[tilespmem:s22], [sflag:$0x1] =	stream.indirect.gather [hbm4b:s5+s24], $0x80, s11, s24, $0xb8;
	[tilespmem:$0x1B100] =	vst v63  }
0xe7: {  	_ =	swait.ge [sflag:s16], $0x2800  }
0xe8: {  	[sflag:s16] =	ssyncset.done $0x0  }
0xe9: {  	[sflag:s16] =	ssyncadd.s32 $0xFFFFD800  }
0xea: {  	_ =	swait.ge [sflag:s17], $0x50  }
0xeb: {  	[sflag:s17] =	ssyncset.done $0x0  }
0xec: {  	[sflag:s17] =	ssyncadd.s32 $0xFFFFFFB0  }
0xed: {  	[spmem:s2] =	stream.indirect.scatter.add.f32 [tilespmem:s26], [sflag:$0x5], $0x80, s25, s24, $0xb8;
	[tilespmem:$0x1B100] =	vst v63  }
0xee: {  	_ =	swait.ge [sflag:s23], $0x2800  }
0xef: {  	[sflag:s23] =	ssyncset.done $0x0  }
0xf0: {  	s19 =	sadd.s32 $0x0, s30;
	[sflag:s23] =	ssyncadd.s32 $0xFFFFD800  }
0xf1: {  	[tilespmem:s25], [sflag:$0x4] =	stream.linear.gather [hbm4b:s19+s3], $0x50, $0x38;
	[tilespmem:$0x1B100] =	vst v63  }
0xf2: {  	s8 =	simm.s32 $0xF0;
	s9 =	simm.s32 $0x14;
	s19 =	simm.s32 $0x190  }
.LBB2_10:
0xf3: {  	[tilespmem:s26], [sflag:$0x2] =	stream.indirect.gather [hbm4b:s5+s24], $0x80, s8, s24, $0xb8;
	[tilespmem:$0x1B100] =	vst v63  }
0xf4: {  	s10 =	smov.u32 s9;
	s8 =	smov.u32 s19  }
0xf5: {  	p1 =	sne.s32 s9, $0x4B0;
	s9 =	sadd.s32 $0x14, s9;
	_ =	swait.ge [sflag:s0], $0x2800  }
0xf6: {  	[sflag:s0] =	ssyncset.done $0x0  }
0xf7: {  	[sflag:s0] =	ssyncadd.s32 $0xFFFFD800  }
0xf8: {  	_ =	swait.ge [sflag:s4], $0x50  }
0xf9: {  	[sflag:s4] =	ssyncset.done $0x0  }
0xfa: {  	[sflag:s4] =	ssyncadd.s32 $0xFFFFFFB0  }
0xfb: {  	[spmem:s2] =	stream.indirect.scatter.add.f32 [tilespmem:s22], [sflag:$0x5], $0x80, s18, s24, $0xb8;
	[tilespmem:$0x1B100] =	vst v63  }
0xfc: {  	_ =	swait.ge [sflag:s23], $0x2800  }
0xfd: {  	[sflag:s23] =	ssyncset.done $0x0  }
0xfe: {  	s11 =	sadd.s32 s10, s31;
	[sflag:s23] =	ssyncadd.s32 $0xFFFFD800  }
0xff: {  	[tilespmem:s18], [sflag:$0x3] =	stream.linear.gather [hbm4b:s11+s3], $0x50, $0x38;
	[tilespmem:$0x1B100] =	vst v63  }
0x100: {  	s11 =	sadd.s32 $0xFFFFFFB0, s19  }
0x101: {  	[tilespmem:s22], [sflag:$0x1] =	stream.indirect.gather [hbm4b:s5+s24], $0x80, s11, s24, $0xb8;
	[tilespmem:$0x1B100] =	vst v63  }
0x102: {  	_ =	swait.ge [sflag:s16], $0x2800  }
0x103: {  	[sflag:s16] =	ssyncset.done $0x0  }
0x104: {  	[sflag:s16] =	ssyncadd.s32 $0xFFFFD800  }
0x105: {  	_ =	swait.ge [sflag:s17], $0x50  }
0x106: {  	[sflag:s17] =	ssyncset.done $0x0  }
0x107: {  	[sflag:s17] =	ssyncadd.s32 $0xFFFFFFB0  }
0x108: {  	[spmem:s2] =	stream.indirect.scatter.add.f32 [tilespmem:s26], [sflag:$0x5], $0x80, s25, s24, $0xb8;
	[tilespmem:$0x1B100] =	vst v63  }
.Ltmp4:
0x109: {  	_ =	swait.ge [sflag:s23], $0x2800;
	(pc) =	sbr.rel @p1 .LBB2_10-.Ltmp4, $4  }
0x10a: {  	[sflag:s23] =	ssyncset.done $0x0  }
0x10b: {  	s10 =	sadd.s32 s10, s30;
	[sflag:s23] =	ssyncadd.s32 $0xFFFFD800  }
0x10c: {  	[tilespmem:s25], [sflag:$0x4] =	stream.linear.gather [hbm4b:s10+s3], $0x50, $0x38;
	[tilespmem:$0x1B100] =	vst v63  }
0x10d: {  	s19 =	sadd.s32 $0xA0, s19  }
0x10e: {  	[tilespmem:s26], [sflag:$0x2] =	stream.indirect.gather [hbm4b:s5+s24], $0x80, s8, s24, $0xb8;
	[tilespmem:$0x1B100] =	vst v63  }
0x10f: {  	_ =	swait.ge [sflag:s0], $0x2800  }
0x110: {  	[sflag:s0] =	ssyncset.done $0x0  }
0x111: {  	[sflag:s0] =	ssyncadd.s32 $0xFFFFD800  }
0x112: {  	_ =	swait.ge [sflag:s4], $0x50  }
0x113: {  	[sflag:s4] =	ssyncset.done $0x0  }
0x114: {  	[sflag:s4] =	ssyncadd.s32 $0xFFFFFFB0  }
0x115: {  	[spmem:s2] =	stream.indirect.scatter.add.f32 [tilespmem:s22], [sflag:$0x5], $0x80, s18, s24, $0xb8;
	[tilespmem:$0x1B100] =	vst v63  }
0x116: {  	_ =	swait.ge [sflag:s23], $0x2800  }
0x117: {  	[sflag:s23] =	ssyncset.done $0x0  }
0x118: {  	s19 =	rddreg [dreg:$0x18];
	[sflag:s23] =	ssyncadd.s32 $0xFFFFD800  }
0x119: {  	[tilespmem:s18], [sflag:$0x3] =	stream.linear.gather [hbm4b:s19+s3], $0x50, $0x38;
	[tilespmem:$0x1B100] =	vst v63  }
0x11a: {  	_ = 	snop  }
0x11b: {  	[tilespmem:s22], [sflag:$0x1] =	stream.indirect.gather [hbm4b:s5+s24], $0x80, s20, s24, $0xb8;
	[tilespmem:$0x1B100] =	vst v63  }
0x11c: {  	_ =	swait.ge [sflag:s16], $0x2800  }
0x11d: {  	[sflag:s16] =	ssyncset.done $0x0  }
0x11e: {  	[sflag:s16] =	ssyncadd.s32 $0xFFFFD800  }
0x11f: {  	_ =	swait.ge [sflag:s17], $0x50  }
0x120: {  	[sflag:s17] =	ssyncset.done $0x0  }
0x121: {  	[sflag:s17] =	ssyncadd.s32 $0xFFFFFFB0  }
0x122: {  	[spmem:s2] =	stream.indirect.scatter.add.f32 [tilespmem:s26], [sflag:$0x5], $0x80, s25, s24, $0xb8;
	[tilespmem:$0x1B100] =	vst v63  }
0x123: {  	_ =	swait.ge [sflag:s23], $0x2800  }
0x124: {  	[sflag:s23] =	ssyncset.done $0x0  }
0x125: {  	[sflag:s23] =	ssyncadd.s32 $0xFFFFD800  }
0x126: {  	_ =	swait.ge [sflag:s0], $0x2800  }
0x127: {  	[sflag:s0] =	ssyncset.done $0x0  }
0x128: {  	[sflag:s0] =	ssyncadd.s32 $0xFFFFD800  }
0x129: {  	_ =	swait.ge [sflag:s4], $0x50  }
0x12a: {  	[sflag:s4] =	ssyncset.done $0x0  }
0x12b: {  	[sflag:s4] =	ssyncadd.s32 $0xFFFFFFB0  }
0x12c: {  	[spmem:s2] =	stream.indirect.scatter.add.f32 [tilespmem:s22], [sflag:$0x5], $0x80, s18, s24, $0xb8;
	[tilespmem:$0x1B100] =	vst v63  }
0x12d: {  	_ =	swait.ge [sflag:s23], $0x2800  }
0x12e: {  	[sflag:s23] =	ssyncset.done $0x0  }
0x12f: {  	[sflag:s23] =	ssyncadd.s32 $0xFFFFD800  }
0x130: {  	[bflag:$0x0] =	sbarrier.arrive $0xFFFF  }
0x131: {  	s9 =	rddreg [dreg:$0x4]  }
0x132: {  	[tilespmem:s22], [sflag:$0x5] =	stream.linear.gather [spmem:s9], $0x2800, $0x38;
	[tilespmem:$0x1B100] =	vst v63  }
0x133: {  	_ =	swait.ge [sflag:s23], $0x2800  }
0x134: {  	[sflag:s23] =	ssyncset.done $0x0  }
0x135: {  	s10 =	rddreg [dreg:$0xc];
	[sflag:s23] =	ssyncadd.s32 $0xFFFFD800  }
0x136: {  	[hbm4b:s10+s3] =	stream.linear.scatter [tilespmem:s22], [sflag:$0x5], $0x2800, $0x38;
	[tilespmem:$0x1B100] =	vst v63  }
0x137: {  	_ =	swait.ge [sflag:s23], $0x2800  }
0x138: {  	[sflag:s23] =	ssyncset.done $0x0  }
0x139: {  	s11 =	rddreg [dreg:$0x5];
	[sflag:s23] =	ssyncadd.s32 $0xFFFFD800  }
0x13a: {  	[tilespmem:s22], [sflag:$0x5] =	stream.linear.gather [spmem:s11], $0x2800, $0x38;
	[tilespmem:$0x1B100] =	vst v63  }
0x13b: {  	_ =	swait.ge [sflag:s23], $0x2800  }
0x13c: {  	[sflag:s23] =	ssyncset.done $0x0  }
0x13d: {  	s19 =	rddreg [dreg:$0xd];
	[sflag:s23] =	ssyncadd.s32 $0xFFFFD800  }
0x13e: {  	[hbm4b:s19+s3] =	stream.linear.scatter [tilespmem:s22], [sflag:$0x5], $0x2800, $0x38;
	[tilespmem:$0x1B100] =	vst v63  }
0x13f: {  	_ =	swait.ge [sflag:s23], $0x2800  }
0x140: {  	[sflag:s23] =	ssyncset.done $0x0  }
0x141: {  	s20 =	rddreg [dreg:$0x6];
	[sflag:s23] =	ssyncadd.s32 $0xFFFFD800  }
0x142: {  	[tilespmem:s22], [sflag:$0x5] =	stream.linear.gather [spmem:s20], $0x2800, $0x38;
	[tilespmem:$0x1B100] =	vst v63  }
0x143: {  	_ =	swait.ge [sflag:s23], $0x2800  }
0x144: {  	[sflag:s23] =	ssyncset.done $0x0  }
0x145: {  	s9 =	rddreg [dreg:$0xe];
	[sflag:s23] =	ssyncadd.s32 $0xFFFFD800  }
0x146: {  	[hbm4b:s9+s3] =	stream.linear.scatter [tilespmem:s22], [sflag:$0x5], $0x2800, $0x38;
	[tilespmem:$0x1B100] =	vst v63  }
0x147: {  	_ =	swait.ge [sflag:s23], $0x2800  }
0x148: {  	[sflag:s23] =	ssyncset.done $0x0  }
0x149: {  	s10 =	rddreg [dreg:$0x7];
	[sflag:s23] =	ssyncadd.s32 $0xFFFFD800  }
0x14a: {  	[tilespmem:s22], [sflag:$0x5] =	stream.linear.gather [spmem:s10], $0x2800, $0x38;
	[tilespmem:$0x1B100] =	vst v63  }
0x14b: {  	_ =	swait.ge [sflag:s23], $0x2800  }
0x14c: {  	[sflag:s23] =	ssyncset.done $0x0  }
0x14d: {  	s11 =	rddreg [dreg:$0xf];
	[sflag:s23] =	ssyncadd.s32 $0xFFFFD800  }
0x14e: {  	[hbm4b:s11+s3] =	stream.linear.scatter [tilespmem:s22], [sflag:$0x5], $0x2800, $0x38;
	[tilespmem:$0x1B100] =	vst v63  }
0x14f: {  	_ =	swait.ge [sflag:s23], $0x2800  }
0x150: {  	[sflag:s23] =	ssyncset.done $0x0  }
0x151: {  	[sflag:s23] =	ssyncadd.s32 $0xFFFFD800  }
0x152: {  	[tilespmem:s22], [sflag:$0x5] =	stream.linear.gather [spmem:s12], $0x2800, $0x38;
	[tilespmem:$0x1B100] =	vst v63  }
0x153: {  	_ =	swait.ge [sflag:s23], $0x2800  }
0x154: {  	[sflag:s23] =	ssyncset.done $0x0  }
0x155: {  	s19 =	rddreg [dreg:$0x10];
	[sflag:s23] =	ssyncadd.s32 $0xFFFFD800  }
0x156: {  	[hbm4b:s19+s3] =	stream.linear.scatter [tilespmem:s22], [sflag:$0x5], $0x2800, $0x38;
	[tilespmem:$0x1B100] =	vst v63  }
0x157: {  	_ =	swait.ge [sflag:s23], $0x2800  }
0x158: {  	[sflag:s23] =	ssyncset.done $0x0  }
0x159: {  	s8 =	simm.s32 @!p0 $0x2880;
	s9 =	simm.s32 @!p0 $0x5;
	[sflag:s23] =	ssyncadd.s32 $0xFFFFD800  }
0x15a: {  	[tilespmem:s8], [sflag:$0x5] =	stream.linear.gather @!p0 [spmem:s15], $0x2800, $0x38;
	[tilespmem:$0x1B100] =	vst v63  }
0x15b: {  	_ =	swait.ge @!p0 [sflag:s9], $0x2800  }
0x15c: {  	[sflag:s9] =	ssyncset.done @!p0 $0x0  }
0x15d: {  	s10 =	simm.s32 @!p0 $0x0;
	s11 =	rddreg [dreg:$0x11];
	[sflag:s9] =	ssyncadd.s32 @!p0 $0xFFFFD800  }
0x15e: {  	[hbm4b:s11+s10] =	stream.linear.scatter @!p0 [tilespmem:s8], [sflag:$0x5], $0x2800, $0x38;
	[tilespmem:$0x1B100] =	vst v63  }
0x15f: {  	_ =	swait.ge @!p0 [sflag:s9], $0x2800  }
0x160: {  	s11 =	sshll.u32 @!p0 s13, $0x7;
	[sflag:s9] =	ssyncset.done @!p0 $0x0  }
0x161: {  	s11 =	sadd.s32 @!p0 s11, s2;
	[sflag:s9] =	ssyncadd.s32 @!p0 $0xFFFFD800  }
0x162: {  	[tilespmem:s8], [sflag:$0x5] =	stream.linear.gather @!p0 [spmem:s11], $0x2800, $0x38;
	[tilespmem:$0x1B100] =	vst v63  }
0x163: {  	s11 =	sadd.s32 @!p0 s7, s13;
	_ =	swait.ge @!p0 [sflag:s9], $0x2800  }
0x164: {  	s11 =	sshll.u32 @!p0 s11, $0x4;
	[sflag:s9] =	ssyncset.done @!p0 $0x0  }
0x165: {  	s11 =	sadd.s32 @!p0 s6, s11;
	[sflag:s9] =	ssyncadd.s32 @!p0 $0xFFFFD800  }
0x166: {  	[hbm4b:s11+s10] =	stream.linear.scatter @!p0 [tilespmem:s8], [sflag:$0x5], $0x2800, $0x38;
	[tilespmem:$0x1B100] =	vst v63  }
0x167: {  	_ =	swait.ge @!p0 [sflag:s9], $0x2800  }
0x168: {  	s11 =	sshll.u32 @!p0 s14, $0x7;
	[sflag:s9] =	ssyncset.done @!p0 $0x0  }
0x169: {  	s11 =	sadd.s32 @!p0 s11, s2;
	[sflag:s9] =	ssyncadd.s32 @!p0 $0xFFFFD800  }
0x16a: {  	[tilespmem:s8], [sflag:$0x5] =	stream.linear.gather @!p0 [spmem:s11], $0x2800, $0x38;
	[tilespmem:$0x1B100] =	vst v63  }
0x16b: {  	s11 =	sadd.s32 @!p0 s7, s14;
	_ =	swait.ge @!p0 [sflag:s9], $0x2800  }
0x16c: {  	s11 =	sshll.u32 @!p0 s11, $0x4;
	[sflag:s9] =	ssyncset.done @!p0 $0x0  }
0x16d: {  	s11 =	sadd.s32 @!p0 s6, s11;
	[sflag:s9] =	ssyncadd.s32 @!p0 $0xFFFFD800  }
0x16e: {  	[hbm4b:s11+s10] =	stream.linear.scatter @!p0 [tilespmem:s8], [sflag:$0x5], $0x2800, $0x38;
	[tilespmem:$0x1B100] =	vst v63  }
0x16f: {  	_ =	swait.ge @!p0 [sflag:s9], $0x2800  }
0x170: {  	s21 =	sadd.s32 $0x1, s21;
	s20 =	rddreg [dreg:$0x12]  }
0x171: {  	p1 =	sne.s32 s21, s20  }
.Ltmp5:
0x172: {  	_ = 	snop;
	(pc) =	sbr.rel @p1 .LBB2_1-.Ltmp5, $3  }
0x173: {  	_ =	sdelay $0x1  }
0x174: {  	[sflag:s9] =	ssyncset.done @!p0 $0x0  }
0x175: {  	[sflag:s9] =	ssyncadd.s32 @!p0 $0xFFFFD800  }
0x176: {  	_ =	sfence.sel $0x180000  }
0x177: {  	[bflag:$0x0] =	sbarrier.arrive $0xFFFF  }
0x178: {  	_ =	strace $0x9000004D  }
0x179: {  	s0 =	stileid.u32;
	[bflag:$0x2] =	sbarrier.arrive $0xFFFF  }
0x17a: {  	p0 =	sne.s32 s0, $0x0;
	s0 =	rddreg [dreg:$0x3]  }
0x17b: {  	s0 =	sadd.s32 @!p0 $0x100000, s0  }
0x17c: {  	[sflag:s0] =	ssyncadd.tile.s32 @!p0 $0x1;
	_ =	shalt  }
.Lfunc_end2:
_tile_overlayer_lowered:
.L_overlay_start_2:
0x17d: {  	(tag) =	ssettag $0x2  }
0x17e: {  	s0 =	rddreg [dreg:$0x0];
	s2 =	stileid.u32  }
0x17f: {  	s1 =	rddreg [dreg:$0x1];
	p0 =	sne.s32 s2, $0x0  }
0x180: {  	s3 =	rddreg [dreg:$0x2];
	[bflag:$0x3] =	sbarrier.arrive $0xFFFF;
	s2 =	simm.s32 @!p0 $0x1C05  }
0x181: {  	[timem:s3], [sflag:s2] =	dma.local @!p0 [hbm:s0], s1  }
0x182: {  	s0 =	simm.s32 @!p0 $0x5  }
0x183: {  	_ =	swait.ge @!p0 [sflag:s0], s1  }
0x184: {  	s1 =	ssub.s32 @!p0 $0x0, s1;
	[sflag:s0] =	ssyncset.done @!p0 $0x0  }
0x185: {  	[sflag:s0] =	ssyncadd.s32 @!p0 s1  }
0x186: {  	[bflag:$0x3] =	sbarrier.arrive $0xFFFF  }
0x187: {  	_ =	shalt  }

// kernel: kernel.9.cloned.1.call-start
scs
__scs_entry_jumppad:
0x0: {  	(pc) =	sbr.rel $0x88, $3  }
0x1: {  	(tag) =	ssettag $0x0;
	lr =	simm.s32 $0x1  }
0x2: {  	[smem:$0x3F96] =	sst lr;
	_ =	strace $0xD0000000  }
0x3: {  	_ = 	snop  }
0x4: {  	_ = 	snop  }
0x5: {  	_ = 	snop  }
0x6: {  	_ = 	snop  }
0x7: {  	_ = 	snop  }
__scs_overlays_trampoline_lowered:
0x8: {  	[smem:$0x3FA5] =	sst s0  }
0x9: {  	[smem:$0x3FA6] =	sst s1  }
0xa: {  	[smem:$0x3FA7] =	sst s2  }
0xb: {  	[smem:$0x3FA8] =	sst s3  }
0xc: {  	[smem:$0x3FA9] =	sst s4  }
0xd: {  	[smem:$0x3FAA] =	sst s5  }
0xe: {  	[smem:$0x3FAB] =	sst s6  }
0xf: {  	[smem:$0x3FAC] =	sst s7  }
0x10: {  	[smem:$0x3FAD] =	sst s8  }
0x11: {  	[smem:$0x3FAE] =	sst s9;
	s0 =	simm.s32 @!p0 $0x0  }
0x12: {  	s1 =	sld [smem:$0x3F94];
	s0 =	simm.s32 @p0 $0x1  }
0x13: {  	[smem:$0x3FAF] =	sst s0;
	s0 =	simm.s32 @!p1 $0x0  }
0x14: {  	s2 =	sld [smem:$0x3F93];
	s0 =	simm.s32 @p1 $0x1  }
0x15: {  	[smem:$0x3FB0] =	sst s0;
	s0 =	simm.s32 @!p2 $0x0  }
0x16: {  	s3 =	sld [smem:$0x3FDB];
	s0 =	simm.s32 @p2 $0x1  }
0x17: {  	s4 =	simm.s32 $0x1BF5;
	[smem:$0x3FB2] =	sst s0  }
0x18: {  	s0 =	sld [smem:$0x3F95];
	_ =	swait.ge [sflag:s4], $0x0  }
0x19: {  	s7 =	sld [smem:$0x3F96]  }
0x1a: {  	s8 =	sadd.s32 $0xFFFFE003, lr  }
0x1b: {  	s9 =	sadd.s32 $0xFFFFFEF7, lr;
	s5 =	simm.s32 $0xFFFFFFFF;
	p2 =	slt.u32 s8, $0xFFFFF086  }
0x1c: {  	p1 =	slt.u32 s9, $0xF7A;
	s5 =	simm.s32 @!p2 $0x0  }
0x1d: {  	s5 =	simm.s32 @p1 $0x1;
	p0 =	seq.s32 s7, s2  }
0x1e: {  	s7 =	smul.u32 @!p0 $0xF7A, s2;
	p2 =	seq.s32 @!p0 s5, $0x0  }
0x1f: {  	s9 =	smul.u32 $0xF7A, s1;
	s8 =	simm.s32 @!p0 $0x1BF5;
	p2 =	por !p2, p0  }
0x20: {  	[sflag:s8] =	ssyncset.s32 @!p0 $0xFFFFF086;
	s6 =	sadd.s32 @!p0 s3, s7;
	s7 =	simm.s32 @!p0 $0x108  }
0x21: {  	s3 =	sadd.s32 s3, s9;
	s6 =	sadd.s32 @!p0 $0x88, s6;
	s7 =	simm.s32 @p2 $0x1082  }
0x22: {  	[simem:s7], [sflag:s8] =	dma.local @!p0 [hbm:s6], $0xF7A  }
0x23: {  	s9 =	sor.u32 $0xD0000000, s2;
	s6 =	simm.s32 $0x108;
	_ =	swait.ge @!p0 [sflag:s8], $0x0  }
0x24: {  	s3 =	sadd.s32 $0x88, s3;
	s6 =	simm.s32 @!p1 $0x1082;
	[sflag:s4] =	ssyncset.s32 $0xFFFFF086  }
0x25: {  	[simem:s6], [sflag:s4] =	dma.local [hbm:s3], $0xF7A  }
0x26: {  	[smem:$0x3F96] =	sst s1;
	(tag) =	ssettag s2;
	_ =	strace s9  }
0x27: {  	s1 =	sld [smem:$0x3FA6]  }
0x28: {  	s2 =	sld [smem:$0x3FA7]  }
0x29: {  	s4 =	sld [smem:$0x3FA9]  }
0x2a: {  	p0 =	seq.s32 s5, $0x0;
	s5 =	sld [smem:$0x3FAA]  }
0x2b: {  	s6 =	sld [smem:$0x3FAB]  }
0x2c: {  	s7 =	sld [smem:$0x3FAC]  }
0x2d: {  	s3 =	simm.s32 $0x108;
	s8 =	sld [smem:$0x3FAD]  }
0x2e: {  	s3 =	simm.s32 @!p0 $0x1082;
	s9 =	sld [smem:$0x3FAE]  }
0x2f: {  	lr =	sadd.s32 s0, s3;
	s0 =	sld [smem:$0x3FA5]  }
0x30: {  	s3 =	sld [smem:$0x3FA8]  }
0x31: {  	[smem:$0x3FB1] =	sst s10  }
0x32: {  	s10 =	sld [smem:$0x3FAF];
	_ =	sdelay $0x3  }
0x33: {  	p0 =	seq.s32 s10, $0x1;
	s10 =	sld [smem:$0x3FB1];
	_ =	sdelay $0x3  }
0x34: {  	[smem:$0x3FB1] =	sst s10  }
0x35: {  	s10 =	sld [smem:$0x3FB0];
	_ =	sdelay $0x3  }
0x36: {  	p1 =	seq.s32 s10, $0x1;
	s10 =	sld [smem:$0x3FB1];
	_ =	sdelay $0x3  }
0x37: {  	[smem:$0x3FB1] =	sst s10  }
0x38: {  	s10 =	sld [smem:$0x3FB2]  }
0x39: {  	_ = 	snop;
	(pc) =	sbr.ind lr, $3  }
0x3a: {  	_ = 	snop  }
0x3b: {  	_ = 	snop  }
0x3c: {  	p2 =	seq.s32 s10, $0x1;
	s10 =	sld [smem:$0x3FB1]  }
0x3d: {  	_ =	shalt  }
0x3e: {  	_ =	shalt  }
0x3f: {  	_ =	shalt  }
0x40: {  	_ =	shalt  }
0x41: {  	_ =	shalt  }
0x42: {  	_ =	shalt  }
0x43: {  	_ =	shalt  }
0x44: {  	_ =	shalt  }
0x45: {  	_ =	shalt  }
0x46: {  	_ =	shalt  }
0x47: {  	_ =	shalt  }
0x48: {  	_ =	shalt  }
0x49: {  	_ =	shalt  }
0x4a: {  	_ =	shalt  }
0x4b: {  	_ =	shalt  }
0x4c: {  	_ =	shalt  }
0x4d: {  	_ =	shalt  }
0x4e: {  	_ =	shalt  }
0x4f: {  	_ =	shalt  }
0x50: {  	_ =	shalt  }
0x51: {  	_ =	shalt  }
0x52: {  	_ =	shalt  }
0x53: {  	_ =	shalt  }
0x54: {  	_ =	shalt  }
0x55: {  	_ =	shalt  }
0x56: {  	_ =	shalt  }
0x57: {  	_ =	shalt  }
0x58: {  	_ =	shalt  }
0x59: {  	_ =	shalt  }
0x5a: {  	_ =	shalt  }
0x5b: {  	_ =	shalt  }
0x5c: {  	_ =	shalt  }
0x5d: {  	_ =	shalt  }
0x5e: {  	_ =	shalt  }
0x5f: {  	_ =	shalt  }
0x60: {  	_ =	shalt  }
0x61: {  	_ =	shalt  }
0x62: {  	_ =	shalt  }
0x63: {  	_ =	shalt  }
0x64: {  	_ =	shalt  }
0x65: {  	_ =	shalt  }
0x66: {  	_ =	shalt  }
0x67: {  	_ =	shalt  }
0x68: {  	_ =	shalt  }
0x69: {  	_ =	shalt  }
0x6a: {  	_ =	shalt  }
0x6b: {  	_ =	shalt  }
0x6c: {  	_ =	shalt  }
0x6d: {  	_ =	shalt  }
0x6e: {  	_ =	shalt  }
0x6f: {  	_ =	shalt  }
0x70: {  	_ =	shalt  }
0x71: {  	_ =	shalt  }
0x72: {  	_ =	shalt  }
0x73: {  	_ =	shalt  }
0x74: {  	_ =	shalt  }
0x75: {  	_ =	shalt  }
0x76: {  	_ =	shalt  }
0x77: {  	_ =	shalt  }
0x78: {  	_ =	shalt  }
0x79: {  	_ =	shalt  }
0x7a: {  	_ =	shalt  }
0x7b: {  	_ =	shalt  }
0x7c: {  	_ =	shalt  }
0x7d: {  	_ =	shalt  }
0x7e: {  	_ =	shalt  }
0x7f: {  	_ =	shalt  }
0x80: {  	_ =	shalt  }
0x81: {  	_ =	shalt  }
0x82: {  	_ =	shalt  }
0x83: {  	_ =	shalt  }
0x84: {  	_ =	shalt  }
0x85: {  	_ =	shalt  }
0x86: {  	_ =	shalt  }
0x87: {  	_ =	shalt  }
.Lfunc_end0:
.L_simem_size_0:
called_computation_lowered:
.L_overlay_start_0:
0x88: {  	s2 =	sld [smem:$0x3FD9]  }
0x89: {  	s3 =	sld [smem:$0x3FFE];
	_ =	sdelay $0x1  }
0x8a: {  	s1 =	srdreg.scid  }
0x8b: {  	s0 =	sand.u32 $0x1, s1  }
0x8c: {  	s15 =	sshll.u32 s0, $0xA;
	s2 =	sadd.s32 s3, s2  }
0x8d: {  	s2 =	sadd.s32 s2, s15  }
0x8e: {  	[smem:$0x3FBD] =	sst s2  }
0x8f: {  	_ = 	snop  }
0x90: {  	s2 =	sld [smem:$0x3FD0];
	_ =	sdelay $0x2  }
0x91: {  	s16 =	simm.s32 $0xA;
	s4 =	simm.s32 $0x10  }
0x92: {  	[smem:s4], [sflag:s16] =	dma.local [hbm:s2], $0x1  }
0x93: {  	_ =	swait.eq [sflag:s16], $0x1  }
0x94: {  	[sflag:s16] =	ssyncset.done $0x0  }
0x95: {  	s17 =	sld [smem:$0x10];
	[sflag:s16] =	ssyncadd.s32 $0xFFFFFFFF  }
0x96: {  	s18 =	sld [smem:$0x11];
	(tm) =	ssettm $0x1  }
0x97: {  	s19 =	sld [smem:$0x3FFB];
	_ =	sdelay $0x3  }
0x98: {  	_ =	strace s19  }
0x99: {  	s4 =	sld [smem:$0x3FFC];
	_ =	sdelay $0x3  }
0x9a: {  	_ =	strace s4  }
0x9b: {  	s4 =	sld [smem:$0x3FFD];
	_ =	sdelay $0x3  }
0x9c: {  	_ =	strace s4  }
0x9d: {  	_ =	strace $0x8FFFFFFF  }
0x9e: {  	s20 =	sld [smem:$0x3FDB];
	_ =	sdelay $0x1  }
0x9f: {  	s5 =	simm.s32 $_scs_section_size  }
0xa0: {  	s6 =	simm.s32 $_size__tile_overlayer_lowered;
	s7 =	simm.s32 $_tile_overlayer_lowered  }
0xa1: {  	s23 =	simm.s32 $0x1BFF;
	s22 =	sshll.u32 s7, $0x1;
	s4 =	sadd.s32 s5, s20  }
0xa2: {  	s8 =	simm.s32 $0x0;
	s21 =	sshll.u32 s6, $0x1;
	s6 =	sadd.s32 s22, s4  }
0xa3: {  	[timem:s8], [sflag:s23] =	dma.local [hbm:s6], s21  }
0xa4: {  	_ =	swait.ge [sflag:s23], s21  }
0xa5: {  	s5 =	ssub.s32 $0x0, s21;
	[sflag:s23] =	ssyncset.done $0x0  }
0xa6: {  	[sflag:s23] =	ssyncadd.s32 s5;
	_ =	sdelay $0x1  }
0xa7: {  	s24 =	simm.s32 $0x1B8B  }
0xa8: {  	_ =	swait.ge [sflag:s24], $0x1  }
0xa9: {  	[sflag:s24] =	ssyncset.done $0x0  }
0xaa: {  	s25 =	simm.s32 $0x1B8E;
	[sflag:s24] =	ssyncadd.s32 $0xFFFFFFFF  }
0xab: {  	s26 =	simm.s32 $execute0_lowered;
	[smem:$0x3FD2] =	sst s25  }
0xac: {  	s5 =	sshll.u32 s26, $0x1;
	_ =	strace $0x80000046;
	[dreg:$0x1] =	wrdreg $0xFFFFFFFF  }
0xad: {  	s28 =	simm.s32 $_size_execute0_lowered;
	s4 =	sadd.s32 s4, s5;
	[dreg:$0x0] =	wrdreg $0x0  }
0xae: {  	s5 =	sshll.u32 s28, $0x1;
	[dreg:$0x2] =	wrdreg s4  }
0xaf: {  	[dreg:$0x3] =	wrdreg s5  }
0xb0: {  	[dreg:$0x4] =	wrdreg $0xC0  }
0xb1: {  	_ =	task [dreg:s8], $0x5FFFF  }
0xb2: {  	[dreg:$0x1] =	wrdreg $0xFFFFFFFF  }
0xb3: {  	[dreg:$0x0] =	wrdreg $0x60  }
0xb4: {  	[dreg:$0x2] =	wrdreg s17  }
0xb5: {  	[dreg:$0x3] =	wrdreg s18  }
0xb6: {  	[dreg:$0x4] =	wrdreg $0x4000  }
0xb7: {  	[dreg:$0x5] =	wrdreg $0x9  }
0xb8: {  	_ =	task.clear_ibuf [dreg:s8], $0x6FFFF;
	_ =	strace $0x90000046  }
0xb9: {  	s29 =	simm.s32 $0x9;
	_ =	strace $0x80000048  }
0xba: {  	_ =	swait.ge [sflag:s29], $0x1  }
0xbb: {  	[sflag:s29] =	ssyncadd.s32 $0xFFFFFFFF  }
0xbc: {  	_ =	strace $0x90000048  }
0xbd: {  	_ =	sfence  }
0xbe: {  	s30 =	sld [smem:$0x0];
	_ =	sdelay $0x2  }
0xbf: {  	s31 =	sshll.u32 s1, $0xD;
	s1 =	sshrl.u32 s1, $0x2  }
0xc0: {  	s3 =	sand.u32 $0x4000, s31;
	s1 =	sadd.s32 s1, s30  }
0xc1: {  	s0 =	sor.u32 s3, s0;
	s1 =	sshll.u32 s1, $0x11  }
0xc2: {  	s0 =	sor.u32 s1, s0  }
0xc3: {  	s0 =	sadd.s32 $0x8F2B, s0  }
0xc4: {  	[sflag:s0] =	ssyncadd.remote.s32 $0x1  }
0xc5: {  	_ =	sfence.sel $0xFFFF  }
0xc6: {  	[dreg:$0x0] =	wrdreg $0xFFFFFFFF;
	(pc) =	sbr.abs _section_cstart, $3  }
0xc7: {  	[dreg:$0x1] =	wrdreg $0xFFFFFFFF  }
0xc8: {  	_ =	task.clear_ibuf [dreg:s8], $0x2FFFF;
	_ =	strace $0x9FFFFFFF  }
0xc9: {  	(tm) =	ssettm $0x7FFFFFFF  }
tec
execute0_lowered:
.L_overlay_start_1:
0x0: {  	(tag) =	ssettag $0x1  }
0x1: {  	s1 =	rddreg [dreg:$0x0]  }
0x2: {  	s11 =	rddreg [dreg:$0x1]  }
0x3: {  	s2 =	rddreg [dreg:$0x2]  }
0x4: {  	s3 =	srdreg.scid;
	s0 =	rddreg [dreg:$0x3];
	s4 =	simm.s32 $0x0  }
0x5: {  	s17 =	simm.s32 $0x50;
	s18 =	simm.s32 $0x100;
	s5 =	sand.u32 $0x1, s3  }
0x6: {  	s19 =	simm.s32 $0x3;
	s3 =	stileid.u32;
	s6 =	smul.u32 $0x4E200, s5  }
0x7: {  	s20 =	simm.s32 $0x2;
	s21 =	simm.s32 $0x0;
	s8 =	smul.u32 $0x4E20, s3  }
0x8: {  	[smem:$0x7FF] =	sst s4;
	s7 =	ssub.s32 $0x2, s5;
	s10 =	smul.u32 $0xA00, s3  }
0x9: {  	_ =	strace $0x80000047;
	s13 =	smul.u32 $0x280, s3;
	s9 =	sshrl.u32 s7, $0x1  }
0xa: {  	s30 =	smul.u32 $0x2710, s5;
	p0 =	seq.s32 s3, $0xF;
	s12 =	ssub.s32 s7, s9  }
0xb: {  	s14 =	sadd.s32 s8, s6;
	s28 =	sshrl.u32 s10, $0x2;
	s6 =	sadd.s32 $0x2580, s2  }
0xc: {  	s9 =	sadd.s32 s13, s2;
	s13 =	sadd.s32 s13, s30;
	s15 =	sshrl.u32 s30, $0x3  }
0xd: {  	s29 =	sshrl.u32 s14, $0x3;
	s5 =	sadd.s32 s28, s2;
	s13 =	sshrl.u32 s13, $0x3  }
0xe: {  	s16 =	sadd.s32 $0xF0, s14;
	s12 =	smax.u32 s12, $0x1;
	s14 =	sadd.s32 $0xA0, s14  }
0xf: {  	s7 =	sadd.s32 s1, s29;
	s10 =	sadd.s32 s11, s13;
	s11 =	sadd.s32 s11, s15  }
0x10: {  	s31 =	sshrl.u32 s16, $0x3;
	s15 =	simm.s32 $0x80;
	s16 =	simm.s32 $0x1  }
0x11: {  	v0 =	vimm.f32 $1.000000000e+00;
	v1 =	vimm.f32 $0.0e+00;
	s8 =	sadd.s32 $0xA, s7;
	s11 =	sadd.s32 $0x4B0, s11;
	s13 =	sadd.s32 s31, s1  }
.LBB2_1:
0x12: {  	[tilespmem:$0x100] =	vst v0  }
0x13: {  	[tilespmem:$0x110] =	vst v0  }
0x14: {  	[tilespmem:$0x120] =	vst v0  }
0x15: {  	[tilespmem:$0x130] =	vst v0  }
0x16: {  	[tilespmem:$0x140] =	vst v0  }
0x17: {  	[tilespmem:$0x180] =	vst v1  }
0x18: {  	[tilespmem:$0x190] =	vst v1  }
0x19: {  	[tilespmem:$0x1A0] =	vst v1  }
0x1a: {  	[tilespmem:$0x1B0] =	vst v1  }
0x1b: {  	[tilespmem:$0x1C0] =	vst v1  }
0x1c: {  	[tilespmem:$0x1D0] =	vst v1  }
0x1d: {  	[tilespmem:$0x1E0] =	vst v1  }
0x1e: {  	[tilespmem:$0x1F0] =	vst v1  }
0x1f: {  	[tilespmem:$0x200] =	vst v1  }
0x20: {  	[tilespmem:$0x210] =	vst v1  }
0x21: {  	[tilespmem:$0x220] =	vst v1  }
0x22: {  	[tilespmem:$0x230] =	vst v1  }
0x23: {  	[tilespmem:$0x240] =	vst v1  }
0x24: {  	[tilespmem:$0x250] =	vst v1  }
0x25: {  	[tilespmem:$0x260] =	vst v1  }
0x26: {  	[tilespmem:$0x270] =	vst v1  }
0x27: {  	[tilespmem:$0x280] =	vst v1  }
0x28: {  	[tilespmem:$0x290] =	vst v1  }
0x29: {  	[tilespmem:$0x2A0] =	vst v1  }
0x2a: {  	[tilespmem:$0x2B0] =	vst v1  }
0x2b: {  	[tilespmem:$0x2C0] =	vst v1  }
0x2c: {  	[tilespmem:$0x2D0] =	vst v1  }
0x2d: {  	[tilespmem:$0x2E0] =	vst v1  }
0x2e: {  	[tilespmem:$0x2F0] =	vst v1  }
0x2f: {  	[tilespmem:$0x300] =	vst v1  }
0x30: {  	[tilespmem:$0x310] =	vst v1  }
0x31: {  	[tilespmem:$0x320] =	vst v1  }
0x32: {  	[tilespmem:$0x330] =	vst v1  }
0x33: {  	[tilespmem:$0x340] =	vst v1  }
0x34: {  	[tilespmem:$0x350] =	vst v1  }
0x35: {  	[tilespmem:$0x360] =	vst v1  }
0x36: {  	[tilespmem:$0x370] =	vst v1  }
0x37: {  	[tilespmem:$0x380] =	vst v1  }
0x38: {  	[tilespmem:$0x390] =	vst v1  }
0x39: {  	[tilespmem:$0x3A0] =	vst v1  }
0x3a: {  	[tilespmem:$0x3B0] =	vst v1  }
0x3b: {  	[tilespmem:$0x3C0] =	vst v1  }
0x3c: {  	[tilespmem:$0x3D0] =	vst v1  }
0x3d: {  	[tilespmem:$0x3E0] =	vst v1  }
0x3e: {  	[tilespmem:$0x3F0] =	vst v1;
	s22 =	simm.s32 @p0 $0x180  }
0x3f: {  	[spmem:s6] =	stream.linear.scatter @p0 [tilespmem:s22], [sflag:$0x3], $0x190, $0x38;
	[tilespmem:$0x678] =	vst v63  }
0x40: {  	s22 =	simm.s32 @p0 $0x3  }
0x41: {  	_ =	swait.ge @p0 [sflag:s22], $0x190  }
0x42: {  	[sflag:s22] =	ssyncset.done @p0 $0x0  }
0x43: {  	[sflag:s22] =	ssyncadd.s32 @p0 $0xFFFFFE70;
	s22 =	simm.s32 @!p0 $0x180  }
0x44: {  	[spmem:s5] =	stream.linear.scatter @!p0 [tilespmem:s22], [sflag:$0x3], $0x280, $0x38;
	[tilespmem:$0x678] =	vst v63  }
0x45: {  	s22 =	simm.s32 @!p0 $0x3  }
0x46: {  	_ =	swait.ge @!p0 [sflag:s22], $0x280  }
0x47: {  	[sflag:s22] =	ssyncset.done @!p0 $0x0  }
0x48: {  	[sflag:s22] =	ssyncadd.s32 @!p0 $0xFFFFFD80  }
0x49: {  	[bflag:$0x0] =	sbarrier.arrive $0xFFFF  }
0x4a: {  	[tilespmem:s4], [sflag:$0x1] =	stream.linear.gather [hbm4b:s7+s4], $0x50, $0x38;
	[tilespmem:$0x678] =	vst v63  }
0x4b: {  	_ = 	snop  }
0x4c: {  	[tilespmem:s15], [sflag:$0x2] =	stream.linear.gather [hbm4b:s8+s4], $0x50, $0x38;
	[tilespmem:$0x678] =	vst v63  }
0x4d: {  	_ =	swait.ge [sflag:s16], $0x50  }
0x4e: {  	[sflag:s16] =	ssyncset.done $0x0  }
0x4f: {  	[sflag:s16] =	ssyncadd.s32 $0xFFFFFFB0  }
0x50: {  	[spmem:s2] =	stream.indirect.scatter.add.f32 [tilespmem:s18], [sflag:$0x3], $0x1, s4, s17, $0xb8;
	[tilespmem:$0x678] =	vst v63  }
0x51: {  	_ =	swait.ge [sflag:s19], $0x50  }
0x52: {  	s31 =	sshrl.u32 s14, $0x3;
	[sflag:s19] =	ssyncset.done $0x0  }
0x53: {  	s22 =	sadd.s32 s1, s31;
	[sflag:s19] =	ssyncadd.s32 $0xFFFFFFB0  }
0x54: {  	[tilespmem:s4], [sflag:$0x1] =	stream.linear.gather [hbm4b:s22+s4], $0x50, $0x38;
	[tilespmem:$0x678] =	vst v63  }
0x55: {  	_ =	swait.ge [sflag:s20], $0x50  }
0x56: {  	[sflag:s20] =	ssyncset.done $0x0  }
0x57: {  	[sflag:s20] =	ssyncadd.s32 $0xFFFFFFB0  }
0x58: {  	[spmem:s2] =	stream.indirect.scatter.add.f32 [tilespmem:s18], [sflag:$0x3], $0x1, s15, s17, $0xb8;
	[tilespmem:$0x678] =	vst v63  }
0x59: {  	_ =	swait.ge [sflag:s19], $0x50  }
0x5a: {  	s24 =	sadd.s32 $0x0, s13;
	[sflag:s19] =	ssyncset.done $0x0  }
0x5b: {  	s23 =	sadd.s32 $0xA0, s14;
	s22 =	simm.s32 $0x14;
	[sflag:s19] =	ssyncadd.s32 $0xFFFFFFB0  }
.LBB2_2:
0x5c: {  	[tilespmem:s15], [sflag:$0x2] =	stream.linear.gather [hbm4b:s24+s4], $0x50, $0x38;
	[tilespmem:$0x678] =	vst v63  }
0x5d: {  	s24 =	smov.u32 s22  }
0x5e: {  	p1 =	sne.s32 s22, $0x99C;
	s22 =	sadd.s32 $0x14, s22;
	_ =	swait.ge [sflag:s16], $0x50  }
0x5f: {  	[sflag:s16] =	ssyncset.done $0x0  }
0x60: {  	[sflag:s16] =	ssyncadd.s32 $0xFFFFFFB0  }
0x61: {  	[spmem:s2] =	stream.indirect.scatter.add.f32 [tilespmem:s18], [sflag:$0x3], $0x1, s4, s17, $0xb8;
	[tilespmem:$0x678] =	vst v63  }
0x62: {  	_ =	swait.ge [sflag:s19], $0x50  }
0x63: {  	s25 =	sshrl.u32 s23, $0x3;
	[sflag:s19] =	ssyncset.done $0x0  }
0x64: {  	s25 =	sadd.s32 s1, s25;
	[sflag:s19] =	ssyncadd.s32 $0xFFFFFFB0  }
0x65: {  	[tilespmem:s4], [sflag:$0x1] =	stream.linear.gather [hbm4b:s25+s4], $0x50, $0x38;
	[tilespmem:$0x678] =	vst v63  }
0x66: {  	_ =	swait.ge [sflag:s20], $0x50  }
0x67: {  	[sflag:s20] =	ssyncset.done $0x0  }
.Ltmp0:
0x68: {  	[sflag:s20] =	ssyncadd.s32 $0xFFFFFFB0;
	(pc) =	sbr.rel @p1 .LBB2_2-.Ltmp0, $4  }
0x69: {  	[spmem:s2] =	stream.indirect.scatter.add.f32 [tilespmem:s18], [sflag:$0x3], $0x1, s15, s17, $0xb8;
	[tilespmem:$0x678] =	vst v63  }
0x6a: {  	_ =	swait.ge [sflag:s19], $0x50  }
0x6b: {  	[sflag:s19] =	ssyncset.done $0x0  }
0x6c: {  	s23 =	sadd.s32 $0xA0, s23;
	s24 =	sadd.s32 s24, s13;
	[sflag:s19] =	ssyncadd.s32 $0xFFFFFFB0  }
0x6d: {  	[tilespmem:s15], [sflag:$0x2] =	stream.linear.gather [hbm4b:s24+s4], $0x50, $0x38;
	[tilespmem:$0x678] =	vst v63  }
0x6e: {  	_ =	swait.ge [sflag:s16], $0x50  }
0x6f: {  	[sflag:s16] =	ssyncset.done $0x0  }
0x70: {  	[sflag:s16] =	ssyncadd.s32 $0xFFFFFFB0  }
0x71: {  	[spmem:s2] =	stream.indirect.scatter.add.f32 [tilespmem:s18], [sflag:$0x3], $0x1, s4, s17, $0xb8;
	[tilespmem:$0x678] =	vst v63  }
0x72: {  	_ =	swait.ge [sflag:s19], $0x50  }
0x73: {  	[sflag:s19] =	ssyncset.done $0x0  }
0x74: {  	[sflag:s19] =	ssyncadd.s32 $0xFFFFFFB0  }
0x75: {  	_ =	swait.ge [sflag:s20], $0x50  }
0x76: {  	[sflag:s20] =	ssyncset.done $0x0  }
0x77: {  	[sflag:s20] =	ssyncadd.s32 $0xFFFFFFB0  }
0x78: {  	[spmem:s2] =	stream.indirect.scatter.add.f32 [tilespmem:s18], [sflag:$0x3], $0x1, s15, s17, $0xb8;
	[tilespmem:$0x678] =	vst v63  }
0x79: {  	_ =	swait.ge [sflag:s19], $0x50  }
0x7a: {  	[sflag:s19] =	ssyncset.done $0x0  }
0x7b: {  	[sflag:s19] =	ssyncadd.s32 $0xFFFFFFB0  }
0x7c: {  	s22 =	simm.s32 @p0 $0x180;
	s23 =	simm.s32 @p0 $0x3;
	[bflag:$0x0] =	sbarrier.arrive $0xFFFF  }
0x7d: {  	[tilespmem:s22], [sflag:$0x3] =	stream.linear.gather @p0 [spmem:s6], $0x190, $0x38;
	[tilespmem:$0x678] =	vst v63  }
0x7e: {  	_ =	swait.ge @p0 [sflag:s23], $0x190  }
0x7f: {  	[sflag:s23] =	ssyncset.done @p0 $0x0  }
0x80: {  	s24 =	simm.s32 @p0 $0x0;
	[sflag:s23] =	ssyncadd.s32 @p0 $0xFFFFFE70  }
0x81: {  	[hbm4b:s11+s24] =	stream.linear.scatter @p0 [tilespmem:s22], [sflag:$0x3], $0x190, $0x38;
	[tilespmem:$0x678] =	vst v63  }
0x82: {  	_ =	swait.ge @p0 [sflag:s23], $0x190  }
0x83: {  	[sflag:s23] =	ssyncset.done @p0 $0x0  }
0x84: {  	s22 =	simm.s32 @!p0 $0x180;
	[sflag:s23] =	ssyncadd.s32 @p0 $0xFFFFFE70;
	s23 =	simm.s32 @!p0 $0x3  }
0x85: {  	[tilespmem:s22], [sflag:$0x3] =	stream.linear.gather @!p0 [spmem:s9], $0x280, $0x38;
	[tilespmem:$0x678] =	vst v63  }
0x86: {  	s21 =	sadd.s32 $0x1, s21;
	_ =	swait.ge @!p0 [sflag:s23], $0x280  }
0x87: {  	p1 =	sne.s32 s21, s12;
	[sflag:s23] =	ssyncset.done @!p0 $0x0  }
.Ltmp1:
0x88: {  	s24 =	simm.s32 @!p0 $0x0;
	[sflag:s23] =	ssyncadd.s32 @!p0 $0xFFFFFD80;
	(pc) =	sbr.rel @p1 .LBB2_1-.Ltmp1, $4  }
0x89: {  	[hbm4b:s10+s24] =	stream.linear.scatter @!p0 [tilespmem:s22], [sflag:$0x3], $0x280, $0x38;
	[tilespmem:$0x678] =	vst v63  }
0x8a: {  	_ =	swait.ge @!p0 [sflag:s23], $0x280  }
0x8b: {  	[sflag:s23] =	ssyncset.done @!p0 $0x0  }
0x8c: {  	[sflag:s23] =	ssyncadd.s32 @!p0 $0xFFFFFD80  }
0x8d: {  	_ =	sfence.sel $0x180000  }
0x8e: {  	[bflag:$0x0] =	sbarrier.arrive $0xFFFF  }
0x8f: {  	p0 =	sne.s32 s3, $0x0;
	_ =	strace $0x90000047  }
0x90: {  	s0 =	sadd.s32 @!p0 $0x100000, s0;
	[bflag:$0x2] =	sbarrier.arrive $0xFFFF  }
0x91: {  	[sflag:s0] =	ssyncadd.tile.s32 @!p0 $0x1;
	_ =	shalt  }
.Lfunc_end2:
_tile_overlayer_lowered:
.L_overlay_start_2:
0x92: {  	(tag) =	ssettag $0x2  }
0x93: {  	s0 =	rddreg [dreg:$0x0];
	s2 =	stileid.u32  }
0x94: {  	s1 =	rddreg [dreg:$0x1];
	p0 =	sne.s32 s2, $0x0  }
0x95: {  	s3 =	rddreg [dreg:$0x2];
	[bflag:$0x3] =	sbarrier.arrive $0xFFFF;
	s2 =	simm.s32 @!p0 $0x1C03  }
0x96: {  	[timem:s3], [sflag:s2] =	dma.local @!p0 [hbm:s0], s1  }
0x97: {  	s0 =	simm.s32 @!p0 $0x3  }
0x98: {  	_ =	swait.ge @!p0 [sflag:s0], s1  }
0x99: {  	s1 =	ssub.s32 @!p0 $0x0, s1;
	[sflag:s0] =	ssyncset.done @!p0 $0x0  }
0x9a: {  	[sflag:s0] =	ssyncadd.s32 @!p0 s1  }
0x9b: {  	[bflag:$0x3] =	sbarrier.arrive $0xFFFF  }
0x9c: {  	_ =	shalt  }

</sc_bundles>
